<compile_context>
chip_gen: v7x
topology: tpu7x:2x2x1
jax: 0.10.2.dev20260603
libtpu: 0.0.44.dev20260713+nightly
codegen_flags: <defaults>
</compile_context>

<pallas_src>
import functools

import jax
import jax.numpy as jnp
from jax import lax
from jax.experimental import pallas as pl
from jax.experimental.pallas import tpu as pltpu
from jax.experimental.pallas import tpu_sc as plsc

N = 10000
B = 64
E = 320000
EPS = 1e-5
NC = 2
NS = 16
ROWS_PER_TILE = 624
TAIL0 = ROWS_PER_TILE * NS
TAIL = N - TAIL0
EPT = E // NS
CFG128 = (125, 16, 10, 2)
CFG64 = (125, 32, 5, 4)
BLK = 2000
NBLK = 2 * N // BLK
HIGHEST = None


def _make_edge_agg(D, cfg, tc_tiling=True):
  chunk, idxg, ngroup, nbuf = cfg
  assert chunk * idxg * ngroup == EPT
  mesh = plsc.VectorSubcoreMesh(core_axis_name="c", subcore_axis_name="s")
  params = pltpu.CompilerParams(use_tc_tiling_on_sc=tc_tiling)

  @functools.partial(
      pl.kernel,
      mesh=mesh,
      compiler_params=params,
      out_type=jax.ShapeDtypeStruct((2 * N, D), jnp.float32),
      scratch_types=(
          [pltpu.VMEM((2, idxg, chunk), jnp.int32),
           pltpu.VMEM((2, idxg, chunk), jnp.int32)]
          + [pltpu.VMEM((chunk, D), jnp.float32) for _ in range(nbuf)]
          + [pltpu.VMEM_SHARED((N, D), jnp.float32)]
          + [pltpu.SemaphoreType.DMA for _ in range(2 * nbuf + 1)]
      ),
  )
  def edge_agg(x_hbm, src_hbm, dst_hbm, zeros_hbm, out_hbm, src_v, dst_v,
               *rest):
    bufs = rest[:nbuf]
    acc = rest[nbuf]
    gsems = rest[nbuf + 1:2 * nbuf + 1]
    ssems = rest[2 * nbuf + 1:3 * nbuf + 1]
    isem = rest[3 * nbuf + 1]
    c = lax.axis_index("c")
    s = lax.axis_index("s")
    r0 = s * ROWS_PER_TILE
    pltpu.sync_copy(zeros_hbm, acc.at[pl.ds(r0, ROWS_PER_TILE)])

    @pl.when(s == NS - 1)
    def _():
      pltpu.sync_copy(zeros_hbm.at[pl.ds(0, TAIL)], acc.at[pl.ds(TAIL0, TAIL)])

    plsc.subcore_barrier()

    pltpu.async_copy(src_hbm.at[c, s, 0], src_v.at[0], isem)
    pltpu.async_copy(dst_hbm.at[c, s, 0], dst_v.at[0], isem)

    def group(g, carry):
      p = g % 2
      pltpu.make_async_copy(src_hbm.at[c, s, g], src_v.at[p], isem).wait()
      pltpu.make_async_copy(dst_hbm.at[c, s, g], dst_v.at[p], isem).wait()

      @pl.when(g + 1 < ngroup)
      def _():
        pltpu.async_copy(src_hbm.at[c, s, g + 1], src_v.at[1 - p], isem)
        pltpu.async_copy(dst_hbm.at[c, s, g + 1], dst_v.at[1 - p], isem)

      gd = [None] * idxg
      sd = [None] * idxg
      gd[0] = pltpu.async_copy(x_hbm.at[src_v.at[p, 0]], bufs[0], gsems[0])
      for j in range(idxg):
        b = j % nbuf
        gd[j].wait()
        if j + 1 < idxg:
          if j + 1 - nbuf >= 0:
            sd[j + 1 - nbuf].wait()
          gd[j + 1] = pltpu.async_copy(x_hbm.at[src_v.at[p, j + 1]],
                                       bufs[(j + 1) % nbuf],
                                       gsems[(j + 1) % nbuf])
        sd[j] = pltpu.async_copy(bufs[b], acc.at[dst_v.at[p, j]], ssems[b],
                                 add=True)
      for t in range(max(idxg - nbuf, 0), idxg):
        sd[t].wait()
      return carry

    lax.fori_loop(0, ngroup, group, 0)
    plsc.subcore_barrier()
    pltpu.sync_copy(acc.at[pl.ds(r0, ROWS_PER_TILE)],
                    out_hbm.at[pl.ds(c * N + r0, ROWS_PER_TILE)])

    @pl.when(s == NS - 1)
    def _():
      pltpu.sync_copy(acc.at[pl.ds(TAIL0, TAIL)],
                      out_hbm.at[pl.ds(c * N + TAIL0, TAIL)])

  return edge_agg


_edge_agg_128 = _make_edge_agg(128, CFG128)
_edge_agg_64 = _make_edge_agg(64, CFG64, tc_tiling=False)


def _onehot(bat_ref):
  iot = lax.broadcasted_iota(jnp.int32, (1, 2 * B), 1)
  return (bat_ref[:] == iot).astype(jnp.float32)


def _segdot(pm, x):
  x1 = x.astype(jnp.bfloat16).astype(jnp.float32)
  r1 = x - x1
  x2 = r1.astype(jnp.bfloat16).astype(jnp.float32)
  x3 = r1 - x2

  def d(t):
    return lax.dot_general(pm, t, (((0,), (0,)), ((), ())),
                           preferred_element_type=jnp.float32)

  return d(x1) + d(x2) + d(x3)


def _bcast(pm, v):
  m = jnp.broadcast_to(v[:, None], (2 * B, 64))
  m1 = m.astype(jnp.bfloat16).astype(jnp.float32)
  r1 = m - m1
  m2 = r1.astype(jnp.bfloat16).astype(jnp.float32)
  m3 = r1 - m2

  def d(t):
    return jnp.dot(pm, t, preferred_element_type=jnp.float32)

  return d(m1) + d(m2) + d(m3)


def _mlp_stats(h_in, bat_ref, w1, b1, w2, b2, h_ref, s1_ref, s2_ref,
               deg_ref, with_deg):
  t = jnp.maximum(
      jnp.dot(h_in, w1, preferred_element_type=jnp.float32,
              precision=HIGHEST) + b1, 0.0)
  hv = jnp.dot(t, w2, preferred_element_type=jnp.float32,
               precision=HIGHEST) + b2
  h_ref[:] = hv
  pm = _onehot(bat_ref)

  @pl.when(pl.program_id(0) == 0)
  def _():
    s1_ref[:] = jnp.zeros_like(s1_ref)
    s2_ref[:] = jnp.zeros_like(s2_ref)
    if with_deg:
      deg_ref[:] = jnp.zeros_like(deg_ref)

  s1_ref[:] += _segdot(pm, hv)
  s2_ref[:] += _segdot(pm, hv * hv)
  if with_deg:
    deg_ref[:] += jnp.sum(pm, axis=0, keepdims=True)


def _mlp1_stats(xs_ref, agg_ref, bat_ref, w1_ref, b1_ref, w2_ref, b2_ref,
                h_ref, s1_ref, s2_ref, deg_ref):
  h_in = xs_ref[:] + agg_ref[:]
  _mlp_stats(h_in, bat_ref, w1_ref[:], b1_ref[:], w2_ref[:], b2_ref[:],
             h_ref, s1_ref, s2_ref, deg_ref, True)


def _mlp2_stats(h_ref, agg_ref, bat_ref, w1_ref, b1_ref, w2_ref, b2_ref,
                h2_ref, s1_ref, s2_ref):
  h_in = h_ref[:] + agg_ref[:]
  _mlp_stats(h_in, bat_ref, w1_ref[:], b1_ref[:], w2_ref[:], b2_ref[:],
             h2_ref, s1_ref, s2_ref, None, False)


def _ln_fields(h, bat_ref, s1, s2, deg):
  norm = jnp.maximum(deg, 1.0) * 64.0
  mean = jnp.sum(s1, axis=1) / norm
  var = jnp.sum(s2, axis=1) / norm - mean * mean
  scale = lax.rsqrt(var + EPS)
  pm = _onehot(bat_ref)
  xc = h - _bcast(pm, mean)
  return pm, xc * _bcast(pm, scale)


def _ln1_apply(h_ref, bat_ref, s1_ref, segv_ref, deg_ref, lnw_ref, lnb_ref,
               out_ref):
  _, xn = _ln_fields(h_ref[:], bat_ref, s1_ref[:], segv_ref[:], deg_ref[0, :])
  out_ref[:] = jnp.maximum(xn * lnw_ref[:] + lnb_ref[:], 0.0)


def _ln2_pool(h_ref, bat_ref, s1_ref, segv_ref, deg_ref, lnw_ref, lnb_ref,
              pool_ref):
  pm, xn = _ln_fields(h_ref[:], bat_ref, s1_ref[:], segv_ref[:],
                      deg_ref[0, :])
  res = jnp.maximum(xn * lnw_ref[:] + lnb_ref[:], 0.0)

  @pl.when(pl.program_id(0) == 0)
  def _():
    pool_ref[:] = jnp.zeros_like(pool_ref)

  pool_ref[:] += _segdot(pm, res)


def _head(s_ref, deg_ref, d1_ref, d2_ref, fwa_ref, fwb_ref, fwc_ref,
          fwd_ref, f1b_ref, f2w_ref, f2b_ref, ow_ref, ob_ref, out_ref):
  cnt = jnp.maximum(deg_ref[0, :], 1.0)
  s = s_ref[:]
  emb = s + s / cnt[:, None]
  e1 = emb[0:B]
  e2 = emb[B:2 * B]
  hh = (jnp.dot(e1, fwa_ref[:], preferred_element_type=jnp.float32,
                precision=HIGHEST)
        + jnp.dot(e2, fwb_ref[:], preferred_element_type=jnp.float32,
                  precision=HIGHEST)
        + jnp.dot(d1_ref[:], fwc_ref[:], preferred_element_type=jnp.float32,
                  precision=HIGHEST)
        + jnp.dot(d2_ref[:], fwd_ref[:], preferred_element_type=jnp.float32,
                  precision=HIGHEST)
        + f1b_ref[:])
  hh = jnp.maximum(hh, 0.0)
  hh = jnp.maximum(
      jnp.dot(hh, f2w_ref[:], preferred_element_type=jnp.float32,
              precision=HIGHEST) + f2b_ref[:], 0.0)
  out_ref[:] = (jnp.dot(hh, ow_ref[:], preferred_element_type=jnp.float32,
                        precision=HIGHEST) + ob_ref[:])


def _row_spec(width):
  return pl.BlockSpec((BLK, width), lambda i: (i, 0))


def _fix_spec(shape):
  return pl.BlockSpec(shape, lambda i: (0, 0))


def kernel(g1_x, g1_edge_index, g1_batch, g2_x, g2_edge_index, g2_batch,
           d1, d2,
           nn1_w1, nn1_b1, nn1_w2, nn1_b2, ln1_w, ln1_b,
           nn2_w1, nn2_b1, nn2_w2, nn2_b2, ln2_w, ln2_b,
           fc1_w, fc1_b, fc2_w, fc2_b, out_w, out_b):
  f32 = jnp.float32
  xs = jnp.concatenate([g1_x, g2_x], axis=0)
  srcf = jnp.stack([g1_edge_index[0], g2_edge_index[0] + N]).astype(jnp.int32)
  dstf = jnp.stack([g1_edge_index[1], g2_edge_index[1]]).astype(jnp.int32)

  def shaped(cfg):
    chunk, idxg, ngroup, _ = cfg
    shape = (NC, NS, ngroup, idxg, chunk)
    return srcf.reshape(shape), dstf.reshape(shape)

  src, dst = shaped(CFG128)
  src64, dst64 = shaped(CFG64)
  z128 = jnp.zeros((ROWS_PER_TILE, 128), f32)
  z64 = jnp.zeros((ROWS_PER_TILE, 64), f32)
  bat = jnp.concatenate([g1_batch, g2_batch + B]).astype(jnp.int32)
  bat = bat.reshape(2 * N, 1)

  agg1 = _edge_agg_128(xs, src, dst, z128)

  hm, s1a, segva, deg = pl.pallas_call(
      _mlp1_stats,
      grid=(NBLK,),
      in_specs=[
          _row_spec(128), _row_spec(128), _row_spec(1),
          _fix_spec((128, 64)), _fix_spec((1, 64)),
          _fix_spec((64, 64)), _fix_spec((1, 64)),
      ],
      out_specs=[
          _row_spec(64),
          _fix_spec((2 * B, 64)), _fix_spec((2 * B, 64)),
          _fix_spec((1, 2 * B)),
      ],
      out_shape=[
          jax.ShapeDtypeStruct((2 * N, 64), f32),
          jax.ShapeDtypeStruct((2 * B, 64), f32),
          jax.ShapeDtypeStruct((2 * B, 64), f32),
          jax.ShapeDtypeStruct((1, 2 * B), f32),
      ],
  )(xs, agg1, bat, nn1_w1, nn1_b1.reshape(1, -1), nn1_w2,
    nn1_b2.reshape(1, -1))

  h = pl.pallas_call(
      _ln1_apply,
      grid=(NBLK,),
      in_specs=[
          _row_spec(64), _row_spec(1),
          _fix_spec((2 * B, 64)), _fix_spec((2 * B, 64)),
          _fix_spec((1, 2 * B)), _fix_spec((1, 64)), _fix_spec((1, 64)),
      ],
      out_specs=_row_spec(64),
      out_shape=jax.ShapeDtypeStruct((2 * N, 64), f32),
  )(hm, bat, s1a, segva, deg, ln1_w.reshape(1, -1), ln1_b.reshape(1, -1))

  agg2 = _edge_agg_64(h, src64, dst64, z64)

  h2m, s1b, segvb = pl.pallas_call(
      _mlp2_stats,
      grid=(NBLK,),
      in_specs=[
          _row_spec(64), _row_spec(64), _row_spec(1),
          _fix_spec((64, 64)), _fix_spec((1, 64)),
          _fix_spec((64, 64)), _fix_spec((1, 64)),
      ],
      out_specs=[
          _row_spec(64),
          _fix_spec((2 * B, 64)), _fix_spec((2 * B, 64)),
      ],
      out_shape=[
          jax.ShapeDtypeStruct((2 * N, 64), f32),
          jax.ShapeDtypeStruct((2 * B, 64), f32),
          jax.ShapeDtypeStruct((2 * B, 64), f32),
      ],
  )(h, agg2, bat, nn2_w1, nn2_b1.reshape(1, -1), nn2_w2,
    nn2_b2.reshape(1, -1))

  pool = pl.pallas_call(
      _ln2_pool,
      grid=(NBLK,),
      in_specs=[
          _row_spec(64), _row_spec(1),
          _fix_spec((2 * B, 64)), _fix_spec((2 * B, 64)),
          _fix_spec((1, 2 * B)), _fix_spec((1, 64)), _fix_spec((1, 64)),
      ],
      out_specs=_fix_spec((2 * B, 64)),
      out_shape=jax.ShapeDtypeStruct((2 * B, 64), f32),
  )(h2m, bat, s1b, segvb, deg, ln2_w.reshape(1, -1), ln2_b.reshape(1, -1))

  out = pl.pallas_call(
      _head,
      out_shape=jax.ShapeDtypeStruct((B, 1), f32),
  )(pool, deg, d1, d2, fc1_w[0:B], fc1_w[B:2 * B], fc1_w[2 * B:2 * B + 5],
    fc1_w[2 * B + 5:2 * B + 10], fc1_b.reshape(1, -1), fc2_w,
    fc2_b.reshape(1, -1), out_w, out_b.reshape(1, -1))
  return out

# --- scband reference (transcript-rebuilt; emitter-appended) ---
"""Pipeline reference for scband-gnnmodel-18270790877246 (READ-ONLY COPY).

The authoritative reference and input builder live on the scoring server;
editing this copy changes nothing except your own understanding.
"""

import jax, jax.numpy as jnp
import numpy as np

N = 10000
B = 64
EPS = 1e-5


def _ln_graph(x, batch, w, b):
    # PyG LayerNorm mode='graph': normalize over all nodes AND channels per graph
    deg = jax.ops.segment_sum(jnp.ones((x.shape[0],), x.dtype), batch, num_segments=B)
    norm = jnp.maximum(deg, 1.0) * x.shape[-1]
    mean = jax.ops.segment_sum(x, batch, num_segments=B).sum(-1) / norm
    xc = x - mean[batch][:, None]
    var = jax.ops.segment_sum(xc * xc, batch, num_segments=B).sum(-1) / norm
    return (xc / jnp.sqrt(var + EPS)[batch][:, None]) * w + b


def _backbone(x, edge_index, batch, p):
    src = edge_index[0]
    dst = edge_index[1]
    # GINConv (eps=0): h_i = nn((1+eps)*x_i + sum_{j->i} x_j)
    agg = jax.ops.segment_sum(x[src], dst, num_segments=N)
    h = x + agg
    h = jnp.maximum(h @ p['nn1_w1'] + p['nn1_b1'], 0.0) @ p['nn1_w2'] + p['nn1_b2']
    h = jnp.maximum(_ln_graph(h, batch, p['ln1_w'], p['ln1_b']), 0.0)
    agg2 = jax.ops.segment_sum(h[src], dst, num_segments=N)
    h2 = h + agg2
    h2 = jnp.maximum(h2 @ p['nn2_w1'] + p['nn2_b1'], 0.0) @ p['nn2_w2'] + p['nn2_b2']
    h2 = jnp.maximum(_ln_graph(h2, batch, p['ln2_w'], p['ln2_b']), 0.0)
    s = jax.ops.segment_sum(h2, batch, num_segments=B)
    cnt = jnp.maximum(jax.ops.segment_sum(jnp.ones((h2.shape[0],), h2.dtype), batch, num_segments=B), 1.0)
    return s + s / cnt[:, None]  # global_add_pool + global_mean_pool


def setup_inputs(seed: int = 0):
    key = jax.random.key(seed)
    ks = jax.random.split(key, 20)

    def lin(k, i, o):
        return jax.random.normal(k, (i, o), jnp.float32) / np.sqrt(i), jnp.zeros((o,), jnp.float32)

    inp = {}
    inp['g1_x'] = jax.random.normal(ks[0], (N, 128), jnp.float32)
    inp['g1_edge_index'] = jax.random.randint(ks[1], (2, 320000), 0, N, jnp.int32)
    inp['g1_batch'] = jnp.sort(jax.random.randint(ks[2], (N,), 0, B, jnp.int32))
    inp['g2_x'] = jax.random.normal(ks[3], (N, 128), jnp.float32)
    inp['g2_edge_index'] = jax.random.randint(ks[4], (2, 320000), 0, N, jnp.int32)
    inp['g2_batch'] = jnp.sort(jax.random.randint(ks[5], (N,), 0, B, jnp.int32))
    inp['d1'] = jax.random.normal(ks[6], (B, 5), jnp.float32)
    inp['d2'] = jax.random.normal(ks[7], (B, 5), jnp.float32)
    inp['nn1_w1'], inp['nn1_b1'] = lin(ks[8], 128, 64)
    inp['nn1_w2'], inp['nn1_b2'] = lin(ks[9], 64, 64)
    inp['ln1_w'] = jnp.ones((64,), jnp.float32)
    inp['ln1_b'] = jnp.zeros((64,), jnp.float32)
    inp['nn2_w1'], inp['nn2_b1'] = lin(ks[10], 64, 64)
    inp['nn2_w2'], inp['nn2_b2'] = lin(ks[11], 64, 64)
    inp['ln2_w'] = jnp.ones((64,), jnp.float32)
    inp['ln2_b'] = jnp.zeros((64,), jnp.float32)
    inp['fc1_w'], inp['fc1_b'] = lin(ks[12], 138, 128)
    inp['fc2_w'], inp['fc2_b'] = lin(ks[13], 128, 64)
    inp['out_w'], inp['out_b'] = lin(ks[14], 64, 1)
    return inp


def reference(g1_x, g1_edge_index, g1_batch, g2_x, g2_edge_index, g2_batch, d1, d2,
              nn1_w1, nn1_b1, nn1_w2, nn1_b2, ln1_w, ln1_b,
              nn2_w1, nn2_b1, nn2_w2, nn2_b2, ln2_w, ln2_b,
              fc1_w, fc1_b, fc2_w, fc2_b, out_w, out_b):
    p = dict(nn1_w1=nn1_w1, nn1_b1=nn1_b1, nn1_w2=nn1_w2, nn1_b2=nn1_b2,
             ln1_w=ln1_w, ln1_b=ln1_b,
             nn2_w1=nn2_w1, nn2_b1=nn2_b1, nn2_w2=nn2_w2, nn2_b2=nn2_b2,
             ln2_w=ln2_w, ln2_b=ln2_b)
    emb1 = _backbone(g1_x, g1_edge_index, g1_batch, p)
    emb2 = _backbone(g2_x, g2_edge_index, g2_batch, p)
    combined = jnp.concatenate([emb1, emb2, d1, d2], axis=1)
    h = jnp.maximum(combined @ fc1_w + fc1_b, 0.0)
    # dropout p=0.5 is identity in eval mode
    h = jnp.maximum(h @ fc2_w + fc2_b, 0.0)
    return h @ out_w + out_b

if __name__ == "__main__":
    import jax
    _d = setup_inputs()
    print(jax.jit(kernel)(*tuple(_d.values())))

</pallas_src>

<mosaic_0001>
#map = affine_map<(d0, d1) -> (0, 0)>
#map1 = affine_map<(d0, d1) -> (0, 0, 0, 0, 0)>
module attributes {stable_mosaic.version = 14 : i64} {
  func.func @edge_agg(%arg0: i32, %arg1: i32, %arg2: memref<20000x128xf32, #tpu.memory_space<hbm>>, %arg3: memref<2x16x10x16x125xi32, #tpu.memory_space<hbm>>, %arg4: memref<2x16x10x16x125xi32, #tpu.memory_space<hbm>>, %arg5: memref<624x128xf32, #tpu.memory_space<hbm>>, %arg6: memref<20000x128xf32, #tpu.memory_space<hbm>>, %arg7: memref<2x16x125xi32, #tpu.memory_space<vmem>>, %arg8: memref<2x16x125xi32, #tpu.memory_space<vmem>>, %arg9: memref<125x128xf32, #tpu.memory_space<vmem>>, %arg10: memref<125x128xf32, #tpu.memory_space<vmem>>, %arg11: memref<10000x128xf32, #tpu.memory_space<vmem_shared>>, %arg12: memref<!tpu.dma_semaphore, #tpu.memory_space<semaphore_mem>>, %arg13: memref<!tpu.dma_semaphore, #tpu.memory_space<semaphore_mem>>, %arg14: memref<!tpu.dma_semaphore, #tpu.memory_space<semaphore_mem>>, %arg15: memref<!tpu.dma_semaphore, #tpu.memory_space<semaphore_mem>>, %arg16: memref<!tpu.dma_semaphore, #tpu.memory_space<semaphore_mem>>) attributes {dimension_semantics = [#tpu.dimension_semantics<core_parallel>, #tpu.dimension_semantics<subcore_parallel>], iteration_bounds = array<i64: 2, 16>, scalar_prefetch = 0 : i64, scratch_operands = 10 : i64, tpu.core_type = #tpu.core_type<sc_vector_subcore>, window_params = [{transform_indices = #map}, {transform_indices = #map1}, {transform_indices = #map1}, {transform_indices = #map}, {transform_indices = #map}]} {
    %mul3A = arith.constant 624 : i32
    %mul3A_0 = arith.muli %arg1, %mul3A : i32
    "tpu.region"() ({
      %run_scoped3A = tpu.sem_alloc : memref<!tpu.dma_semaphore, #tpu.memory_space<semaphore_mem>>
      %dma_start3A_51 = arith.constant 0 : i32
      %dma_start3A_52 = tpu.memref_slice %arg11[%mul3A_0, %dma_start3A_51] : memref<10000x128xf32, #tpu.memory_space<vmem_shared>> -> memref<624x128xf32, #tpu.memory_space<vmem_shared>>
      tpu.enqueue_dma source(%arg5 : memref<624x128xf32, #tpu.memory_space<hbm>>) target(%dma_start3A_52 : memref<624x128xf32, #tpu.memory_space<vmem_shared>>) target_semaphore(%run_scoped3A : memref<!tpu.dma_semaphore, #tpu.memory_space<semaphore_mem>>)
      %dma_wait3A = arith.constant 0 : i32
      %dma_wait3A_53 = tpu.memref_slice %arg11[%mul3A_0, %dma_wait3A] : memref<10000x128xf32, #tpu.memory_space<vmem_shared>> -> memref<624x128xf32, #tpu.memory_space<vmem_shared>>
      tpu.wait_dma2 semaphore(%run_scoped3A : memref<!tpu.dma_semaphore, #tpu.memory_space<semaphore_mem>>) src(%arg5 : memref<624x128xf32, #tpu.memory_space<hbm>>) dst(%dma_wait3A_53 : memref<624x128xf32, #tpu.memory_space<vmem_shared>>)
      tpu.yield
    }) : () -> ()
    %eq3A = arith.constant 15 : i32
    %eq3A_1 = arith.cmpi eq, %arg1, %eq3A : i32
    %convert_element_type3A = arith.extui %eq3A_1 : i1 to i32
    %cond3A = arith.constant 0 : i32
    %cond3A_2 = arith.cmpi ne, %convert_element_type3A, %cond3A : i32
    scf.if %cond3A_2 {
      "tpu.region"() ({
        %run_scoped3A = tpu.sem_alloc : memref<!tpu.dma_semaphore, #tpu.memory_space<semaphore_mem>>
        %dma_start3A_51 = arith.constant 9984 : i32
        %dma_start3A_52 = arith.constant 0 : i32
        %dma_start3A_53 = tpu.memref_slice %arg11[%dma_start3A_51, %dma_start3A_52] : memref<10000x128xf32, #tpu.memory_space<vmem_shared>> -> memref<16x128xf32, #tpu.memory_space<vmem_shared>>
        %dma_start3A_54 = arith.constant 0 : i32
        %dma_start3A_55 = arith.constant 0 : i32
        %dma_start3A_56 = tpu.memref_slice %arg5[%dma_start3A_54, %dma_start3A_55] : memref<624x128xf32, #tpu.memory_space<hbm>> -> memref<16x128xf32, #tpu.memory_space<hbm>>
        tpu.enqueue_dma source(%dma_start3A_56 : memref<16x128xf32, #tpu.memory_space<hbm>>) target(%dma_start3A_53 : memref<16x128xf32, #tpu.memory_space<vmem_shared>>) target_semaphore(%run_scoped3A : memref<!tpu.dma_semaphore, #tpu.memory_space<semaphore_mem>>)
        %dma_wait3A = arith.constant 9984 : i32
        %dma_wait3A_57 = arith.constant 0 : i32
        %dma_wait3A_58 = tpu.memref_slice %arg11[%dma_wait3A, %dma_wait3A_57] : memref<10000x128xf32, #tpu.memory_space<vmem_shared>> -> memref<16x128xf32, #tpu.memory_space<vmem_shared>>
        %dma_wait3A_59 = arith.constant 0 : i32
        %dma_wait3A_60 = arith.constant 0 : i32
        %dma_wait3A_61 = tpu.memref_slice %arg5[%dma_wait3A_59, %dma_wait3A_60] : memref<624x128xf32, #tpu.memory_space<hbm>> -> memref<16x128xf32, #tpu.memory_space<hbm>>
        tpu.wait_dma2 semaphore(%run_scoped3A : memref<!tpu.dma_semaphore, #tpu.memory_space<semaphore_mem>>) src(%dma_wait3A_61 : memref<16x128xf32, #tpu.memory_space<hbm>>) dst(%dma_wait3A_58 : memref<16x128xf32, #tpu.memory_space<vmem_shared>>)
        tpu.yield
      }) : () -> ()
    } else {
    }
    %barrier3A = arith.constant 0 : index
    tpu.barrier barrier_id(%barrier3A)
    %dma_start3A = arith.constant 0 : i32
    %dma_start3A_3 = arith.constant 0 : i32
    %dma_start3A_4 = arith.constant 0 : i32
    %dma_start3A_5 = arith.constant 0 : i32
    %dma_start3A_6 = tpu.memref_slice %arg7[%dma_start3A_3, %dma_start3A_4, %dma_start3A_5] : memref<2x16x125xi32, #tpu.memory_space<vmem>> -> memref<1x16x125xi32, #tpu.memory_space<vmem>>
    %dma_start3A_7 = tpu.memref_squeeze %dma_start3A_6 : memref<1x16x125xi32, #tpu.memory_space<vmem>> -> memref<16x125xi32, #tpu.memory_space<vmem>>
    %dma_start3A_8 = arith.constant 0 : i32
    %dma_start3A_9 = arith.constant 0 : i32
    %dma_start3A_10 = tpu.memref_slice %arg3[%arg0, %arg1, %dma_start3A, %dma_start3A_8, %dma_start3A_9] : memref<2x16x10x16x125xi32, #tpu.memory_space<hbm>> -> memref<1x1x1x16x125xi32, #tpu.memory_space<hbm>>
    %dma_start3A_11 = tpu.memref_squeeze %dma_start3A_10 : memref<1x1x1x16x125xi32, #tpu.memory_space<hbm>> -> memref<16x125xi32, #tpu.memory_space<hbm>>
    %dma_start3A_12 = arith.constant 0 : i32
    %dma_start3A_13 = arith.constant 0 : i32
    %dma_start3A_14 = tpu.memref_slice %arg7[%dma_start3A_3, %dma_start3A_12, %dma_start3A_13] : memref<2x16x125xi32, #tpu.memory_space<vmem>> -> memref<1x16x125xi32, #tpu.memory_space<vmem>>
    %dma_start3A_15 = tpu.memref_squeeze %dma_start3A_14 : memref<1x16x125xi32, #tpu.memory_space<vmem>> -> memref<16x125xi32, #tpu.memory_space<vmem>>
    %dma_start3A_16 = arith.constant 0 : i32
    %dma_start3A_17 = arith.constant 0 : i32
    %dma_start3A_18 = tpu.memref_slice %arg3[%arg0, %arg1, %dma_start3A, %dma_start3A_16, %dma_start3A_17] : memref<2x16x10x16x125xi32, #tpu.memory_space<hbm>> -> memref<1x1x1x16x125xi32, #tpu.memory_space<hbm>>
    %dma_start3A_19 = tpu.memref_squeeze %dma_start3A_18 : memref<1x1x1x16x125xi32, #tpu.memory_space<hbm>> -> memref<16x125xi32, #tpu.memory_space<hbm>>
    tpu.enqueue_dma source(%dma_start3A_19 : memref<16x125xi32, #tpu.memory_space<hbm>>) target(%dma_start3A_15 : memref<16x125xi32, #tpu.memory_space<vmem>>) target_semaphore(%arg16 : memref<!tpu.dma_semaphore, #tpu.memory_space<semaphore_mem>>)
    %dma_start3A_20 = arith.constant 0 : i32
    %dma_start3A_21 = arith.constant 0 : i32
    %dma_start3A_22 = arith.constant 0 : i32
    %dma_start3A_23 = arith.constant 0 : i32
    %dma_start3A_24 = tpu.memref_slice %arg8[%dma_start3A_21, %dma_start3A_22, %dma_start3A_23] : memref<2x16x125xi32, #tpu.memory_space<vmem>> -> memref<1x16x125xi32, #tpu.memory_space<vmem>>
    %dma_start3A_25 = tpu.memref_squeeze %dma_start3A_24 : memref<1x16x125xi32, #tpu.memory_space<vmem>> -> memref<16x125xi32, #tpu.memory_space<vmem>>
    %dma_start3A_26 = arith.constant 0 : i32
    %dma_start3A_27 = arith.constant 0 : i32
    %dma_start3A_28 = tpu.memref_slice %arg4[%arg0, %arg1, %dma_start3A_20, %dma_start3A_26, %dma_start3A_27] : memref<2x16x10x16x125xi32, #tpu.memory_space<hbm>> -> memref<1x1x1x16x125xi32, #tpu.memory_space<hbm>>
    %dma_start3A_29 = tpu.memref_squeeze %dma_start3A_28 : memref<1x1x1x16x125xi32, #tpu.memory_space<hbm>> -> memref<16x125xi32, #tpu.memory_space<hbm>>
    %dma_start3A_30 = arith.constant 0 : i32
    %dma_start3A_31 = arith.constant 0 : i32
    %dma_start3A_32 = tpu.memref_slice %arg8[%dma_start3A_21, %dma_start3A_30, %dma_start3A_31] : memref<2x16x125xi32, #tpu.memory_space<vmem>> -> memref<1x16x125xi32, #tpu.memory_space<vmem>>
    %dma_start3A_33 = tpu.memref_squeeze %dma_start3A_32 : memref<1x16x125xi32, #tpu.memory_space<vmem>> -> memref<16x125xi32, #tpu.memory_space<vmem>>
    %dma_start3A_34 = arith.constant 0 : i32
    %dma_start3A_35 = arith.constant 0 : i32
    %dma_start3A_36 = tpu.memref_slice %arg4[%arg0, %arg1, %dma_start3A_20, %dma_start3A_34, %dma_start3A_35] : memref<2x16x10x16x125xi32, #tpu.memory_space<hbm>> -> memref<1x1x1x16x125xi32, #tpu.memory_space<hbm>>
    %dma_start3A_37 = tpu.memref_squeeze %dma_start3A_36 : memref<1x1x1x16x125xi32, #tpu.memory_space<hbm>> -> memref<16x125xi32, #tpu.memory_space<hbm>>
    tpu.enqueue_dma source(%dma_start3A_37 : memref<16x125xi32, #tpu.memory_space<hbm>>) target(%dma_start3A_33 : memref<16x125xi32, #tpu.memory_space<vmem>>) target_semaphore(%arg16 : memref<!tpu.dma_semaphore, #tpu.memory_space<semaphore_mem>>)
    %scan3A = arith.constant 0 : i32
    %scan3A_38 = arith.constant 0 : i32
    %scan3A_39 = arith.constant 10 : i32
    %scan3A_40 = arith.addi %scan3A_38, %scan3A_39 : i32
    %scan3A_41 = arith.constant 1 : i32
    scf.for %scan3A_51 = %scan3A_38 to %scan3A_40 step %scan3A_41  : i32 {
      %jit3A = arith.constant 2 : i32
      %eq3A_52 = arith.constant 0 : i32
      %eq3A_53 = arith.cmpi eq, %jit3A, %eq3A_52 : i32
      %jit3A_54 = arith.constant 1 : i32
      %select_n3A = arith.select %eq3A_53, %jit3A_54, %jit3A : i32
      %rem3A = arith.remsi %scan3A_51, %select_n3A : i32
      %ne3A = arith.constant 0 : i32
      %ne3A_55 = arith.cmpi ne, %rem3A, %ne3A : i32
      %lt3A = arith.constant 0 : i32
      %lt3A_56 = arith.cmpi slt, %rem3A, %lt3A : i32
      %lt3A_57 = arith.constant 0 : i32
      %lt3A_58 = arith.cmpi slt, %select_n3A, %lt3A_57 : i32
      %ne3A_59 = arith.xori %lt3A_56, %lt3A_58 : i1
      %and3A = arith.andi %ne3A_59, %ne3A_55 : i1
      %add3A_60 = arith.addi %rem3A, %select_n3A : i32
      %select_n3A_61 = arith.select %and3A, %add3A_60, %rem3A : i32
      %dma_wait3A = arith.constant 0 : i32
      %dma_wait3A_62 = arith.constant 0 : i32
      %dma_wait3A_63 = tpu.memref_slice %arg7[%select_n3A_61, %dma_wait3A, %dma_wait3A_62] : memref<2x16x125xi32, #tpu.memory_space<vmem>> -> memref<1x16x125xi32, #tpu.memory_space<vmem>>
      %dma_wait3A_64 = tpu.memref_squeeze %dma_wait3A_63 : memref<1x16x125xi32, #tpu.memory_space<vmem>> -> memref<16x125xi32, #tpu.memory_space<vmem>>
      %dma_wait3A_65 = arith.constant 0 : i32
      %dma_wait3A_66 = arith.constant 0 : i32
      %dma_wait3A_67 = tpu.memref_slice %arg3[%arg0, %arg1, %scan3A_51, %dma_wait3A_65, %dma_wait3A_66] : memref<2x16x10x16x125xi32, #tpu.memory_space<hbm>> -> memref<1x1x1x16x125xi32, #tpu.memory_space<hbm>>
      %dma_wait3A_68 = tpu.memref_squeeze %dma_wait3A_67 : memref<1x1x1x16x125xi32, #tpu.memory_space<hbm>> -> memref<16x125xi32, #tpu.memory_space<hbm>>
      %dma_wait3A_69 = arith.constant 0 : i32
      %dma_wait3A_70 = arith.constant 0 : i32
      %dma_wait3A_71 = tpu.memref_slice %arg7[%select_n3A_61, %dma_wait3A_69, %dma_wait3A_70] : memref<2x16x125xi32, #tpu.memory_space<vmem>> -> memref<1x16x125xi32, #tpu.memory_space<vmem>>
      %dma_wait3A_72 = tpu.memref_squeeze %dma_wait3A_71 : memref<1x16x125xi32, #tpu.memory_space<vmem>> -> memref<16x125xi32, #tpu.memory_space<vmem>>
      %dma_wait3A_73 = arith.constant 0 : i32
      %dma_wait3A_74 = arith.constant 0 : i32
      %dma_wait3A_75 = tpu.memref_slice %arg3[%arg0, %arg1, %scan3A_51, %dma_wait3A_73, %dma_wait3A_74] : memref<2x16x10x16x125xi32, #tpu.memory_space<hbm>> -> memref<1x1x1x16x125xi32, #tpu.memory_space<hbm>>
      %dma_wait3A_76 = tpu.memref_squeeze %dma_wait3A_75 : memref<1x1x1x16x125xi32, #tpu.memory_space<hbm>> -> memref<16x125xi32, #tpu.memory_space<hbm>>
      tpu.wait_dma2 semaphore(%arg16 : memref<!tpu.dma_semaphore, #tpu.memory_space<semaphore_mem>>) src(%dma_wait3A_76 : memref<16x125xi32, #tpu.memory_space<hbm>>) dst(%dma_wait3A_72 : memref<16x125xi32, #tpu.memory_space<vmem>>)
      %dma_wait3A_77 = arith.constant 0 : i32
      %dma_wait3A_78 = arith.constant 0 : i32
      %dma_wait3A_79 = tpu.memref_slice %arg8[%select_n3A_61, %dma_wait3A_77, %dma_wait3A_78] : memref<2x16x125xi32, #tpu.memory_space<vmem>> -> memref<1x16x125xi32, #tpu.memory_space<vmem>>
      %dma_wait3A_80 = tpu.memref_squeeze %dma_wait3A_79 : memref<1x16x125xi32, #tpu.memory_space<vmem>> -> memref<16x125xi32, #tpu.memory_space<vmem>>
      %dma_wait3A_81 = arith.constant 0 : i32
      %dma_wait3A_82 = arith.constant 0 : i32
      %dma_wait3A_83 = tpu.memref_slice %arg4[%arg0, %arg1, %scan3A_51, %dma_wait3A_81, %dma_wait3A_82] : memref<2x16x10x16x125xi32, #tpu.memory_space<hbm>> -> memref<1x1x1x16x125xi32, #tpu.memory_space<hbm>>
      %dma_wait3A_84 = tpu.memref_squeeze %dma_wait3A_83 : memref<1x1x1x16x125xi32, #tpu.memory_space<hbm>> -> memref<16x125xi32, #tpu.memory_space<hbm>>
      %dma_wait3A_85 = arith.constant 0 : i32
      %dma_wait3A_86 = arith.constant 0 : i32
      %dma_wait3A_87 = tpu.memref_slice %arg8[%select_n3A_61, %dma_wait3A_85, %dma_wait3A_86] : memref<2x16x125xi32, #tpu.memory_space<vmem>> -> memref<1x16x125xi32, #tpu.memory_space<vmem>>
      %dma_wait3A_88 = tpu.memref_squeeze %dma_wait3A_87 : memref<1x16x125xi32, #tpu.memory_space<vmem>> -> memref<16x125xi32, #tpu.memory_space<vmem>>
      %dma_wait3A_89 = arith.constant 0 : i32
      %dma_wait3A_90 = arith.constant 0 : i32
      %dma_wait3A_91 = tpu.memref_slice %arg4[%arg0, %arg1, %scan3A_51, %dma_wait3A_89, %dma_wait3A_90] : memref<2x16x10x16x125xi32, #tpu.memory_space<hbm>> -> memref<1x1x1x16x125xi32, #tpu.memory_space<hbm>>
      %dma_wait3A_92 = tpu.memref_squeeze %dma_wait3A_91 : memref<1x1x1x16x125xi32, #tpu.memory_space<hbm>> -> memref<16x125xi32, #tpu.memory_space<hbm>>
      tpu.wait_dma2 semaphore(%arg16 : memref<!tpu.dma_semaphore, #tpu.memory_space<semaphore_mem>>) src(%dma_wait3A_92 : memref<16x125xi32, #tpu.memory_space<hbm>>) dst(%dma_wait3A_88 : memref<16x125xi32, #tpu.memory_space<vmem>>)
      %add3A_93 = arith.constant 1 : i32
      %add3A_94 = arith.addi %scan3A_51, %add3A_93 : i32
      %lt3A_95 = arith.constant 10 : i32
      %lt3A_96 = arith.cmpi slt, %add3A_94, %lt3A_95 : i32
      %convert_element_type3A_97 = arith.extui %lt3A_96 : i1 to i32
      %cond3A_98 = arith.constant 0 : i32
      %cond3A_99 = arith.cmpi ne, %convert_element_type3A_97, %cond3A_98 : i32
      scf.if %cond3A_99 {
        %add3A_548 = arith.constant 1 : i32
        %add3A_549 = arith.addi %scan3A_51, %add3A_548 : i32
        %sub3A = arith.constant 1 : i32
        %sub3A_550 = arith.subi %sub3A, %select_n3A_61 : i32
        %dma_start3A_551 = arith.constant 0 : i32
        %dma_start3A_552 = arith.constant 0 : i32
        %dma_start3A_553 = tpu.memref_slice %arg7[%sub3A_550, %dma_start3A_551, %dma_start3A_552] : memref<2x16x125xi32, #tpu.memory_space<vmem>> -> memref<1x16x125xi32, #tpu.memory_space<vmem>>
        %dma_start3A_554 = tpu.memref_squeeze %dma_start3A_553 : memref<1x16x125xi32, #tpu.memory_space<vmem>> -> memref<16x125xi32, #tpu.memory_space<vmem>>
        %dma_start3A_555 = arith.constant 0 : i32
        %dma_start3A_556 = arith.constant 0 : i32
        %dma_start3A_557 = tpu.memref_slice %arg3[%arg0, %arg1, %add3A_549, %dma_start3A_555, %dma_start3A_556] : memref<2x16x10x16x125xi32, #tpu.memory_space<hbm>> -> memref<1x1x1x16x125xi32, #tpu.memory_space<hbm>>
        %dma_start3A_558 = tpu.memref_squeeze %dma_start3A_557 : memref<1x1x1x16x125xi32, #tpu.memory_space<hbm>> -> memref<16x125xi32, #tpu.memory_space<hbm>>
        %dma_start3A_559 = arith.constant 0 : i32
        %dma_start3A_560 = arith.constant 0 : i32
        %dma_start3A_561 = tpu.memref_slice %arg7[%sub3A_550, %dma_start3A_559, %dma_start3A_560] : memref<2x16x125xi32, #tpu.memory_space<vmem>> -> memref<1x16x125xi32, #tpu.memory_space<vmem>>
        %dma_start3A_562 = tpu.memref_squeeze %dma_start3A_561 : memref<1x16x125xi32, #tpu.memory_space<vmem>> -> memref<16x125xi32, #tpu.memory_space<vmem>>
        %dma_start3A_563 = arith.constant 0 : i32
        %dma_start3A_564 = arith.constant 0 : i32
        %dma_start3A_565 = tpu.memref_slice %arg3[%arg0, %arg1, %add3A_549, %dma_start3A_563, %dma_start3A_564] : memref<2x16x10x16x125xi32, #tpu.memory_space<hbm>> -> memref<1x1x1x16x125xi32, #tpu.memory_space<hbm>>
        %dma_start3A_566 = tpu.memref_squeeze %dma_start3A_565 : memref<1x1x1x16x125xi32, #tpu.memory_space<hbm>> -> memref<16x125xi32, #tpu.memory_space<hbm>>
        tpu.enqueue_dma source(%dma_start3A_566 : memref<16x125xi32, #tpu.memory_space<hbm>>) target(%dma_start3A_562 : memref<16x125xi32, #tpu.memory_space<vmem>>) target_semaphore(%arg16 : memref<!tpu.dma_semaphore, #tpu.memory_space<semaphore_mem>>)
        %add3A_567 = arith.constant 1 : i32
        %add3A_568 = arith.addi %scan3A_51, %add3A_567 : i32
        %sub3A_569 = arith.constant 1 : i32
        %sub3A_570 = arith.subi %sub3A_569, %select_n3A_61 : i32
        %dma_start3A_571 = arith.constant 0 : i32
        %dma_start3A_572 = arith.constant 0 : i32
        %dma_start3A_573 = tpu.memref_slice %arg8[%sub3A_570, %dma_start3A_571, %dma_start3A_572] : memref<2x16x125xi32, #tpu.memory_space<vmem>> -> memref<1x16x125xi32, #tpu.memory_space<vmem>>
        %dma_start3A_574 = tpu.memref_squeeze %dma_start3A_573 : memref<1x16x125xi32, #tpu.memory_space<vmem>> -> memref<16x125xi32, #tpu.memory_space<vmem>>
        %dma_start3A_575 = arith.constant 0 : i32
        %dma_start3A_576 = arith.constant 0 : i32
        %dma_start3A_577 = tpu.memref_slice %arg4[%arg0, %arg1, %add3A_568, %dma_start3A_575, %dma_start3A_576] : memref<2x16x10x16x125xi32, #tpu.memory_space<hbm>> -> memref<1x1x1x16x125xi32, #tpu.memory_space<hbm>>
        %dma_start3A_578 = tpu.memref_squeeze %dma_start3A_577 : memref<1x1x1x16x125xi32, #tpu.memory_space<hbm>> -> memref<16x125xi32, #tpu.memory_space<hbm>>
        %dma_start3A_579 = arith.constant 0 : i32
        %dma_start3A_580 = arith.constant 0 : i32
        %dma_start3A_581 = tpu.memref_slice %arg8[%sub3A_570, %dma_start3A_579, %dma_start3A_580] : memref<2x16x125xi32, #tpu.memory_space<vmem>> -> memref<1x16x125xi32, #tpu.memory_space<vmem>>
        %dma_start3A_582 = tpu.memref_squeeze %dma_start3A_581 : memref<1x16x125xi32, #tpu.memory_space<vmem>> -> memref<16x125xi32, #tpu.memory_space<vmem>>
        %dma_start3A_583 = arith.constant 0 : i32
        %dma_start3A_584 = arith.constant 0 : i32
        %dma_start3A_585 = tpu.memref_slice %arg4[%arg0, %arg1, %add3A_568, %dma_start3A_583, %dma_start3A_584] : memref<2x16x10x16x125xi32, #tpu.memory_space<hbm>> -> memref<1x1x1x16x125xi32, #tpu.memory_space<hbm>>
        %dma_start3A_586 = tpu.memref_squeeze %dma_start3A_585 : memref<1x1x1x16x125xi32, #tpu.memory_space<hbm>> -> memref<16x125xi32, #tpu.memory_space<hbm>>
        tpu.enqueue_dma source(%dma_start3A_586 : memref<16x125xi32, #tpu.memory_space<hbm>>) target(%dma_start3A_582 : memref<16x125xi32, #tpu.memory_space<vmem>>) target_semaphore(%arg16 : memref<!tpu.dma_semaphore, #tpu.memory_space<semaphore_mem>>)
      } else {
      }
      %dma_start3A_100 = arith.constant 0 : i32
      %dma_start3A_101 = arith.constant 0 : i32
      %dma_start3A_102 = tpu.memref_slice %arg7[%select_n3A_61, %dma_start3A_100, %dma_start3A_101] : memref<2x16x125xi32, #tpu.memory_space<vmem>> -> memref<1x1x125xi32, #tpu.memory_space<vmem>>
      %dma_start3A_103 = tpu.memref_squeeze %dma_start3A_102 : memref<1x1x125xi32, #tpu.memory_space<vmem>> -> memref<125xi32, #tpu.memory_space<vmem>>
      %dma_start3A_104 = arith.constant 0 : i32
      %dma_start3A_105 = arith.constant 0 : i32
      %dma_start3A_106 = tpu.memref_slice %arg2[%dma_start3A_104, %dma_start3A_105] : memref<20000x128xf32, #tpu.memory_space<hbm>> -> memref<20000x128xf32, #tpu.memory_space<hbm>>
      tpu.enqueue_indirect_dma source(%dma_start3A_106 : memref<20000x128xf32, #tpu.memory_space<hbm>>) target(%arg9 : memref<125x128xf32, #tpu.memory_space<vmem>>) offsets(%dma_start3A_103 : memref<125xi32, #tpu.memory_space<vmem>>) semaphore(%arg12 : memref<!tpu.dma_semaphore, #tpu.memory_space<semaphore_mem>>)
      %dma_wait3A_107 = arith.constant 0 : i32
      %dma_wait3A_108 = arith.constant 0 : i32
      %dma_wait3A_109 = tpu.memref_slice %arg7[%select_n3A_61, %dma_wait3A_107, %dma_wait3A_108] : memref<2x16x125xi32, #tpu.memory_space<vmem>> -> memref<1x1x125xi32, #tpu.memory_space<vmem>>
      %dma_wait3A_110 = tpu.memref_squeeze %dma_wait3A_109 : memref<1x1x125xi32, #tpu.memory_space<vmem>> -> memref<125xi32, #tpu.memory_space<vmem>>
      %dma_wait3A_111 = arith.constant 0 : i32
      %dma_wait3A_112 = arith.constant 0 : i32
      %dma_wait3A_113 = tpu.memref_slice %arg2[%dma_wait3A_111, %dma_wait3A_112] : memref<20000x128xf32, #tpu.memory_space<hbm>> -> memref<20000x128xf32, #tpu.memory_space<hbm>>
      tpu.wait_indirect_dma semaphore(%arg12 : memref<!tpu.dma_semaphore, #tpu.memory_space<semaphore_mem>>) src(%dma_wait3A_113 : memref<20000x128xf32, #tpu.memory_space<hbm>>) dst(%arg9 : memref<125x128xf32, #tpu.memory_space<vmem>>)
      %dma_start3A_114 = arith.constant 1 : i32
      %dma_start3A_115 = arith.constant 0 : i32
      %dma_start3A_116 = tpu.memref_slice %arg7[%select_n3A_61, %dma_start3A_114, %dma_start3A_115] : memref<2x16x125xi32, #tpu.memory_space<vmem>> -> memref<1x1x125xi32, #tpu.memory_space<vmem>>
      %dma_start3A_117 = tpu.memref_squeeze %dma_start3A_116 : memref<1x1x125xi32, #tpu.memory_space<vmem>> -> memref<125xi32, #tpu.memory_space<vmem>>
      %dma_start3A_118 = arith.constant 0 : i32
      %dma_start3A_119 = arith.constant 0 : i32
      %dma_start3A_120 = tpu.memref_slice %arg2[%dma_start3A_118, %dma_start3A_119] : memref<20000x128xf32, #tpu.memory_space<hbm>> -> memref<20000x128xf32, #tpu.memory_space<hbm>>
      tpu.enqueue_indirect_dma source(%dma_start3A_120 : memref<20000x128xf32, #tpu.memory_space<hbm>>) target(%arg10 : memref<125x128xf32, #tpu.memory_space<vmem>>) offsets(%dma_start3A_117 : memref<125xi32, #tpu.memory_space<vmem>>) semaphore(%arg13 : memref<!tpu.dma_semaphore, #tpu.memory_space<semaphore_mem>>)
      %dma_start3A_121 = arith.constant 0 : i32
      %dma_start3A_122 = arith.constant 0 : i32
      %dma_start3A_123 = tpu.memref_slice %arg8[%select_n3A_61, %dma_start3A_121, %dma_start3A_122] : memref<2x16x125xi32, #tpu.memory_space<vmem>> -> memref<1x1x125xi32, #tpu.memory_space<vmem>>
      %dma_start3A_124 = tpu.memref_squeeze %dma_start3A_123 : memref<1x1x125xi32, #tpu.memory_space<vmem>> -> memref<125xi32, #tpu.memory_space<vmem>>
      %dma_start3A_125 = arith.constant 0 : i32
      %dma_start3A_126 = arith.constant 0 : i32
      %dma_start3A_127 = tpu.memref_slice %arg11[%dma_start3A_125, %dma_start3A_126] : memref<10000x128xf32, #tpu.memory_space<vmem_shared>> -> memref<10000x128xf32, #tpu.memory_space<vmem_shared>>
      tpu.enqueue_indirect_dma source(%arg9 : memref<125x128xf32, #tpu.memory_space<vmem>>) target(%dma_start3A_127 : memref<10000x128xf32, #tpu.memory_space<vmem_shared>>) offsets(%dma_start3A_124 : memref<125xi32, #tpu.memory_space<vmem>>) semaphore(%arg14 : memref<!tpu.dma_semaphore, #tpu.memory_space<semaphore_mem>>) {add = true}
      %dma_wait3A_128 = arith.constant 1 : i32
      %dma_wait3A_129 = arith.constant 0 : i32
      %dma_wait3A_130 = tpu.memref_slice %arg7[%select_n3A_61, %dma_wait3A_128, %dma_wait3A_129] : memref<2x16x125xi32, #tpu.memory_space<vmem>> -> memref<1x1x125xi32, #tpu.memory_space<vmem>>
      %dma_wait3A_131 = tpu.memref_squeeze %dma_wait3A_130 : memref<1x1x125xi32, #tpu.memory_space<vmem>> -> memref<125xi32, #tpu.memory_space<vmem>>
      %dma_wait3A_132 = arith.constant 0 : i32
      %dma_wait3A_133 = arith.constant 0 : i32
      %dma_wait3A_134 = tpu.memref_slice %arg2[%dma_wait3A_132, %dma_wait3A_133] : memref<20000x128xf32, #tpu.memory_space<hbm>> -> memref<20000x128xf32, #tpu.memory_space<hbm>>
      tpu.wait_indirect_dma semaphore(%arg13 : memref<!tpu.dma_semaphore, #tpu.memory_space<semaphore_mem>>) src(%dma_wait3A_134 : memref<20000x128xf32, #tpu.memory_space<hbm>>) dst(%arg10 : memref<125x128xf32, #tpu.memory_space<vmem>>)
      %dma_wait3A_135 = arith.constant 0 : i32
      %dma_wait3A_136 = arith.constant 0 : i32
      %dma_wait3A_137 = tpu.memref_slice %arg8[%select_n3A_61, %dma_wait3A_135, %dma_wait3A_136] : memref<2x16x125xi32, #tpu.memory_space<vmem>> -> memref<1x1x125xi32, #tpu.memory_space<vmem>>
      %dma_wait3A_138 = tpu.memref_squeeze %dma_wait3A_137 : memref<1x1x125xi32, #tpu.memory_space<vmem>> -> memref<125xi32, #tpu.memory_space<vmem>>
      %dma_wait3A_139 = arith.constant 0 : i32
      %dma_wait3A_140 = arith.constant 0 : i32
      %dma_wait3A_141 = tpu.memref_slice %arg11[%dma_wait3A_139, %dma_wait3A_140] : memref<10000x128xf32, #tpu.memory_space<vmem_shared>> -> memref<10000x128xf32, #tpu.memory_space<vmem_shared>>
      tpu.wait_indirect_dma semaphore(%arg14 : memref<!tpu.dma_semaphore, #tpu.memory_space<semaphore_mem>>) src(%arg9 : memref<125x128xf32, #tpu.memory_space<vmem>>) dst(%dma_wait3A_141 : memref<10000x128xf32, #tpu.memory_space<vmem_shared>>)
      %dma_start3A_142 = arith.constant 2 : i32
      %dma_start3A_143 = arith.constant 0 : i32
      %dma_start3A_144 = tpu.memref_slice %arg7[%select_n3A_61, %dma_start3A_142, %dma_start3A_143] : memref<2x16x125xi32, #tpu.memory_space<vmem>> -> memref<1x1x125xi32, #tpu.memory_space<vmem>>
      %dma_start3A_145 = tpu.memref_squeeze %dma_start3A_144 : memref<1x1x125xi32, #tpu.memory_space<vmem>> -> memref<125xi32, #tpu.memory_space<vmem>>
      %dma_start3A_146 = arith.constant 0 : i32
      %dma_start3A_147 = arith.constant 0 : i32
      %dma_start3A_148 = tpu.memref_slice %arg2[%dma_start3A_146, %dma_start3A_147] : memref<20000x128xf32, #tpu.memory_space<hbm>> -> memref<20000x128xf32, #tpu.memory_space<hbm>>
      tpu.enqueue_indirect_dma source(%dma_start3A_148 : memref<20000x128xf32, #tpu.memory_space<hbm>>) target(%arg9 : memref<125x128xf32, #tpu.memory_space<vmem>>) offsets(%dma_start3A_145 : memref<125xi32, #tpu.memory_space<vmem>>) semaphore(%arg12 : memref<!tpu.dma_semaphore, #tpu.memory_space<semaphore_mem>>)
      %dma_start3A_149 = arith.constant 1 : i32
      %dma_start3A_150 = arith.constant 0 : i32
      %dma_start3A_151 = tpu.memref_slice %arg8[%select_n3A_61, %dma_start3A_149, %dma_start3A_150] : memref<2x16x125xi32, #tpu.memory_space<vmem>> -> memref<1x1x125xi32, #tpu.memory_space<vmem>>
      %dma_start3A_152 = tpu.memref_squeeze %dma_start3A_151 : memref<1x1x125xi32, #tpu.memory_space<vmem>> -> memref<125xi32, #tpu.memory_space<vmem>>
      %dma_start3A_153 = arith.constant 0 : i32
      %dma_start3A_154 = arith.constant 0 : i32
      %dma_start3A_155 = tpu.memref_slice %arg11[%dma_start3A_153, %dma_start3A_154] : memref<10000x128xf32, #tpu.memory_space<vmem_shared>> -> memref<10000x128xf32, #tpu.memory_space<vmem_shared>>
      tpu.enqueue_indirect_dma source(%arg10 : memref<125x128xf32, #tpu.memory_space<vmem>>) target(%dma_start3A_155 : memref<10000x128xf32, #tpu.memory_space<vmem_shared>>) offsets(%dma_start3A_152 : memref<125xi32, #tpu.memory_space<vmem>>) semaphore(%arg15 : memref<!tpu.dma_semaphore, #tpu.memory_space<semaphore_mem>>) {add = true}
      %dma_wait3A_156 = arith.constant 2 : i32
      %dma_wait3A_157 = arith.constant 0 : i32
      %dma_wait3A_158 = tpu.memref_slice %arg7[%select_n3A_61, %dma_wait3A_156, %dma_wait3A_157] : memref<2x16x125xi32, #tpu.memory_space<vmem>> -> memref<1x1x125xi32, #tpu.memory_space<vmem>>
      %dma_wait3A_159 = tpu.memref_squeeze %dma_wait3A_158 : memref<1x1x125xi32, #tpu.memory_space<vmem>> -> memref<125xi32, #tpu.memory_space<vmem>>
      %dma_wait3A_160 = arith.constant 0 : i32
      %dma_wait3A_161 = arith.constant 0 : i32
      %dma_wait3A_162 = tpu.memref_slice %arg2[%dma_wait3A_160, %dma_wait3A_161] : memref<20000x128xf32, #tpu.memory_space<hbm>> -> memref<20000x128xf32, #tpu.memory_space<hbm>>
      tpu.wait_indirect_dma semaphore(%arg12 : memref<!tpu.dma_semaphore, #tpu.memory_space<semaphore_mem>>) src(%dma_wait3A_162 : memref<20000x128xf32, #tpu.memory_space<hbm>>) dst(%arg9 : memref<125x128xf32, #tpu.memory_space<vmem>>)
      %dma_wait3A_163 = arith.constant 1 : i32
      %dma_wait3A_164 = arith.constant 0 : i32
      %dma_wait3A_165 = tpu.memref_slice %arg8[%select_n3A_61, %dma_wait3A_163, %dma_wait3A_164] : memref<2x16x125xi32, #tpu.memory_space<vmem>> -> memref<1x1x125xi32, #tpu.memory_space<vmem>>
      %dma_wait3A_166 = tpu.memref_squeeze %dma_wait3A_165 : memref<1x1x125xi32, #tpu.memory_space<vmem>> -> memref<125xi32, #tpu.memory_space<vmem>>
      %dma_wait3A_167 = arith.constant 0 : i32
      %dma_wait3A_168 = arith.constant 0 : i32
      %dma_wait3A_169 = tpu.memref_slice %arg11[%dma_wait3A_167, %dma_wait3A_168] : memref<10000x128xf32, #tpu.memory_space<vmem_shared>> -> memref<10000x128xf32, #tpu.memory_space<vmem_shared>>
      tpu.wait_indirect_dma semaphore(%arg15 : memref<!tpu.dma_semaphore, #tpu.memory_space<semaphore_mem>>) src(%arg10 : memref<125x128xf32, #tpu.memory_space<vmem>>) dst(%dma_wait3A_169 : memref<10000x128xf32, #tpu.memory_space<vmem_shared>>)
      %dma_start3A_170 = arith.constant 3 : i32
      %dma_start3A_171 = arith.constant 0 : i32
      %dma_start3A_172 = tpu.memref_slice %arg7[%select_n3A_61, %dma_start3A_170, %dma_start3A_171] : memref<2x16x125xi32, #tpu.memory_space<vmem>> -> memref<1x1x125xi32, #tpu.memory_space<vmem>>
      %dma_start3A_173 = tpu.memref_squeeze %dma_start3A_172 : memref<1x1x125xi32, #tpu.memory_space<vmem>> -> memref<125xi32, #tpu.memory_space<vmem>>
      %dma_start3A_174 = arith.constant 0 : i32
      %dma_start3A_175 = arith.constant 0 : i32
      %dma_start3A_176 = tpu.memref_slice %arg2[%dma_start3A_174, %dma_start3A_175] : memref<20000x128xf32, #tpu.memory_space<hbm>> -> memref<20000x128xf32, #tpu.memory_space<hbm>>
      tpu.enqueue_indirect_dma source(%dma_start3A_176 : memref<20000x128xf32, #tpu.memory_space<hbm>>) target(%arg10 : memref<125x128xf32, #tpu.memory_space<vmem>>) offsets(%dma_start3A_173 : memref<125xi32, #tpu.memory_space<vmem>>) semaphore(%arg13 : memref<!tpu.dma_semaphore, #tpu.memory_space<semaphore_mem>>)
      %dma_start3A_177 = arith.constant 2 : i32
      %dma_start3A_178 = arith.constant 0 : i32
      %dma_start3A_179 = tpu.memref_slice %arg8[%select_n3A_61, %dma_start3A_177, %dma_start3A_178] : memref<2x16x125xi32, #tpu.memory_space<vmem>> -> memref<1x1x125xi32, #tpu.memory_space<vmem>>
      %dma_start3A_180 = tpu.memref_squeeze %dma_start3A_179 : memref<1x1x125xi32, #tpu.memory_space<vmem>> -> memref<125xi32, #tpu.memory_space<vmem>>
      %dma_start3A_181 = arith.constant 0 : i32
      %dma_start3A_182 = arith.constant 0 : i32
      %dma_start3A_183 = tpu.memref_slice %arg11[%dma_start3A_181, %dma_start3A_182] : memref<10000x128xf32, #tpu.memory_space<vmem_shared>> -> memref<10000x128xf32, #tpu.memory_space<vmem_shared>>
      tpu.enqueue_indirect_dma source(%arg9 : memref<125x128xf32, #tpu.memory_space<vmem>>) target(%dma_start3A_183 : memref<10000x128xf32, #tpu.memory_space<vmem_shared>>) offsets(%dma_start3A_180 : memref<125xi32, #tpu.memory_space<vmem>>) semaphore(%arg14 : memref<!tpu.dma_semaphore, #tpu.memory_space<semaphore_mem>>) {add = true}
      %dma_wait3A_184 = arith.constant 3 : i32
      %dma_wait3A_185 = arith.constant 0 : i32
      %dma_wait3A_186 = tpu.memref_slice %arg7[%select_n3A_61, %dma_wait3A_184, %dma_wait3A_185] : memref<2x16x125xi32, #tpu.memory_space<vmem>> -> memref<1x1x125xi32, #tpu.memory_space<vmem>>
      %dma_wait3A_187 = tpu.memref_squeeze %dma_wait3A_186 : memref<1x1x125xi32, #tpu.memory_space<vmem>> -> memref<125xi32, #tpu.memory_space<vmem>>
      %dma_wait3A_188 = arith.constant 0 : i32
      %dma_wait3A_189 = arith.constant 0 : i32
      %dma_wait3A_190 = tpu.memref_slice %arg2[%dma_wait3A_188, %dma_wait3A_189] : memref<20000x128xf32, #tpu.memory_space<hbm>> -> memref<20000x128xf32, #tpu.memory_space<hbm>>
      tpu.wait_indirect_dma semaphore(%arg13 : memref<!tpu.dma_semaphore, #tpu.memory_space<semaphore_mem>>) src(%dma_wait3A_190 : memref<20000x128xf32, #tpu.memory_space<hbm>>) dst(%arg10 : memref<125x128xf32, #tpu.memory_space<vmem>>)
      %dma_wait3A_191 = arith.constant 2 : i32
      %dma_wait3A_192 = arith.constant 0 : i32
      %dma_wait3A_193 = tpu.memref_slice %arg8[%select_n3A_61, %dma_wait3A_191, %dma_wait3A_192] : memref<2x16x125xi32, #tpu.memory_space<vmem>> -> memref<1x1x125xi32, #tpu.memory_space<vmem>>
      %dma_wait3A_194 = tpu.memref_squeeze %dma_wait3A_193 : memref<1x1x125xi32, #tpu.memory_space<vmem>> -> memref<125xi32, #tpu.memory_space<vmem>>
      %dma_wait3A_195 = arith.constant 0 : i32
      %dma_wait3A_196 = arith.constant 0 : i32
      %dma_wait3A_197 = tpu.memref_slice %arg11[%dma_wait3A_195, %dma_wait3A_196] : memref<10000x128xf32, #tpu.memory_space<vmem_shared>> -> memref<10000x128xf32, #tpu.memory_space<vmem_shared>>
      tpu.wait_indirect_dma semaphore(%arg14 : memref<!tpu.dma_semaphore, #tpu.memory_space<semaphore_mem>>) src(%arg9 : memref<125x128xf32, #tpu.memory_space<vmem>>) dst(%dma_wait3A_197 : memref<10000x128xf32, #tpu.memory_space<vmem_shared>>)
      %dma_start3A_198 = arith.constant 4 : i32
      %dma_start3A_199 = arith.constant 0 : i32
      %dma_start3A_200 = tpu.memref_slice %arg7[%select_n3A_61, %dma_start3A_198, %dma_start3A_199] : memref<2x16x125xi32, #tpu.memory_space<vmem>> -> memref<1x1x125xi32, #tpu.memory_space<vmem>>
      %dma_start3A_201 = tpu.memref_squeeze %dma_start3A_200 : memref<1x1x125xi32, #tpu.memory_space<vmem>> -> memref<125xi32, #tpu.memory_space<vmem>>
      %dma_start3A_202 = arith.constant 0 : i32
      %dma_start3A_203 = arith.constant 0 : i32
      %dma_start3A_204 = tpu.memref_slice %arg2[%dma_start3A_202, %dma_start3A_203] : memref<20000x128xf32, #tpu.memory_space<hbm>> -> memref<20000x128xf32, #tpu.memory_space<hbm>>
      tpu.enqueue_indirect_dma source(%dma_start3A_204 : memref<20000x128xf32, #tpu.memory_space<hbm>>) target(%arg9 : memref<125x128xf32, #tpu.memory_space<vmem>>) offsets(%dma_start3A_201 : memref<125xi32, #tpu.memory_space<vmem>>) semaphore(%arg12 : memref<!tpu.dma_semaphore, #tpu.memory_space<semaphore_mem>>)
      %dma_start3A_205 = arith.constant 3 : i32
      %dma_start3A_206 = arith.constant 0 : i32
      %dma_start3A_207 = tpu.memref_slice %arg8[%select_n3A_61, %dma_start3A_205, %dma_start3A_206] : memref<2x16x125xi32, #tpu.memory_space<vmem>> -> memref<1x1x125xi32, #tpu.memory_space<vmem>>
      %dma_start3A_208 = tpu.memref_squeeze %dma_start3A_207 : memref<1x1x125xi32, #tpu.memory_space<vmem>> -> memref<125xi32, #tpu.memory_space<vmem>>
      %dma_start3A_209 = arith.constant 0 : i32
      %dma_start3A_210 = arith.constant 0 : i32
      %dma_start3A_211 = tpu.memref_slice %arg11[%dma_start3A_209, %dma_start3A_210] : memref<10000x128xf32, #tpu.memory_space<vmem_shared>> -> memref<10000x128xf32, #tpu.memory_space<vmem_shared>>
      tpu.enqueue_indirect_dma source(%arg10 : memref<125x128xf32, #tpu.memory_space<vmem>>) target(%dma_start3A_211 : memref<10000x128xf32, #tpu.memory_space<vmem_shared>>) offsets(%dma_start3A_208 : memref<125xi32, #tpu.memory_space<vmem>>) semaphore(%arg15 : memref<!tpu.dma_semaphore, #tpu.memory_space<semaphore_mem>>) {add = true}
      %dma_wait3A_212 = arith.constant 4 : i32
      %dma_wait3A_213 = arith.constant 0 : i32
      %dma_wait3A_214 = tpu.memref_slice %arg7[%select_n3A_61, %dma_wait3A_212, %dma_wait3A_213] : memref<2x16x125xi32, #tpu.memory_space<vmem>> -> memref<1x1x125xi32, #tpu.memory_space<vmem>>
      %dma_wait3A_215 = tpu.memref_squeeze %dma_wait3A_214 : memref<1x1x125xi32, #tpu.memory_space<vmem>> -> memref<125xi32, #tpu.memory_space<vmem>>
      %dma_wait3A_216 = arith.constant 0 : i32
      %dma_wait3A_217 = arith.constant 0 : i32
      %dma_wait3A_218 = tpu.memref_slice %arg2[%dma_wait3A_216, %dma_wait3A_217] : memref<20000x128xf32, #tpu.memory_space<hbm>> -> memref<20000x128xf32, #tpu.memory_space<hbm>>
      tpu.wait_indirect_dma semaphore(%arg12 : memref<!tpu.dma_semaphore, #tpu.memory_space<semaphore_mem>>) src(%dma_wait3A_218 : memref<20000x128xf32, #tpu.memory_space<hbm>>) dst(%arg9 : memref<125x128xf32, #tpu.memory_space<vmem>>)
      %dma_wait3A_219 = arith.constant 3 : i32
      %dma_wait3A_220 = arith.constant 0 : i32
      %dma_wait3A_221 = tpu.memref_slice %arg8[%select_n3A_61, %dma_wait3A_219, %dma_wait3A_220] : memref<2x16x125xi32, #tpu.memory_space<vmem>> -> memref<1x1x125xi32, #tpu.memory_space<vmem>>
      %dma_wait3A_222 = tpu.memref_squeeze %dma_wait3A_221 : memref<1x1x125xi32, #tpu.memory_space<vmem>> -> memref<125xi32, #tpu.memory_space<vmem>>
      %dma_wait3A_223 = arith.constant 0 : i32
      %dma_wait3A_224 = arith.constant 0 : i32
      %dma_wait3A_225 = tpu.memref_slice %arg11[%dma_wait3A_223, %dma_wait3A_224] : memref<10000x128xf32, #tpu.memory_space<vmem_shared>> -> memref<10000x128xf32, #tpu.memory_space<vmem_shared>>
      tpu.wait_indirect_dma semaphore(%arg15 : memref<!tpu.dma_semaphore, #tpu.memory_space<semaphore_mem>>) src(%arg10 : memref<125x128xf32, #tpu.memory_space<vmem>>) dst(%dma_wait3A_225 : memref<10000x128xf32, #tpu.memory_space<vmem_shared>>)
      %dma_start3A_226 = arith.constant 5 : i32
      %dma_start3A_227 = arith.constant 0 : i32
      %dma_start3A_228 = tpu.memref_slice %arg7[%select_n3A_61, %dma_start3A_226, %dma_start3A_227] : memref<2x16x125xi32, #tpu.memory_space<vmem>> -> memref<1x1x125xi32, #tpu.memory_space<vmem>>
      %dma_start3A_229 = tpu.memref_squeeze %dma_start3A_228 : memref<1x1x125xi32, #tpu.memory_space<vmem>> -> memref<125xi32, #tpu.memory_space<vmem>>
      %dma_start3A_230 = arith.constant 0 : i32
      %dma_start3A_231 = arith.constant 0 : i32
      %dma_start3A_232 = tpu.memref_slice %arg2[%dma_start3A_230, %dma_start3A_231] : memref<20000x128xf32, #tpu.memory_space<hbm>> -> memref<20000x128xf32, #tpu.memory_space<hbm>>
      tpu.enqueue_indirect_dma source(%dma_start3A_232 : memref<20000x128xf32, #tpu.memory_space<hbm>>) target(%arg10 : memref<125x128xf32, #tpu.memory_space<vmem>>) offsets(%dma_start3A_229 : memref<125xi32, #tpu.memory_space<vmem>>) semaphore(%arg13 : memref<!tpu.dma_semaphore, #tpu.memory_space<semaphore_mem>>)
      %dma_start3A_233 = arith.constant 4 : i32
      %dma_start3A_234 = arith.constant 0 : i32
      %dma_start3A_235 = tpu.memref_slice %arg8[%select_n3A_61, %dma_start3A_233, %dma_start3A_234] : memref<2x16x125xi32, #tpu.memory_space<vmem>> -> memref<1x1x125xi32, #tpu.memory_space<vmem>>
      %dma_start3A_236 = tpu.memref_squeeze %dma_start3A_235 : memref<1x1x125xi32, #tpu.memory_space<vmem>> -> memref<125xi32, #tpu.memory_space<vmem>>
      %dma_start3A_237 = arith.constant 0 : i32
      %dma_start3A_238 = arith.constant 0 : i32
      %dma_start3A_239 = tpu.memref_slice %arg11[%dma_start3A_237, %dma_start3A_238] : memref<10000x128xf32, #tpu.memory_space<vmem_shared>> -> memref<10000x128xf32, #tpu.memory_space<vmem_shared>>
      tpu.enqueue_indirect_dma source(%arg9 : memref<125x128xf32, #tpu.memory_space<vmem>>) target(%dma_start3A_239 : memref<10000x128xf32, #tpu.memory_space<vmem_shared>>) offsets(%dma_start3A_236 : memref<125xi32, #tpu.memory_space<vmem>>) semaphore(%arg14 : memref<!tpu.dma_semaphore, #tpu.memory_space<semaphore_mem>>) {add = true}
      %dma_wait3A_240 = arith.constant 5 : i32
      %dma_wait3A_241 = arith.constant 0 : i32
      %dma_wait3A_242 = tpu.memref_slice %arg7[%select_n3A_61, %dma_wait3A_240, %dma_wait3A_241] : memref<2x16x125xi32, #tpu.memory_space<vmem>> -> memref<1x1x125xi32, #tpu.memory_space<vmem>>
      %dma_wait3A_243 = tpu.memref_squeeze %dma_wait3A_242 : memref<1x1x125xi32, #tpu.memory_space<vmem>> -> memref<125xi32, #tpu.memory_space<vmem>>
      %dma_wait3A_244 = arith.constant 0 : i32
      %dma_wait3A_245 = arith.constant 0 : i32
      %dma_wait3A_246 = tpu.memref_slice %arg2[%dma_wait3A_244, %dma_wait3A_245] : memref<20000x128xf32, #tpu.memory_space<hbm>> -> memref<20000x128xf32, #tpu.memory_space<hbm>>
      tpu.wait_indirect_dma semaphore(%arg13 : memref<!tpu.dma_semaphore, #tpu.memory_space<semaphore_mem>>) src(%dma_wait3A_246 : memref<20000x128xf32, #tpu.memory_space<hbm>>) dst(%arg10 : memref<125x128xf32, #tpu.memory_space<vmem>>)
      %dma_wait3A_247 = arith.constant 4 : i32
      %dma_wait3A_248 = arith.constant 0 : i32
      %dma_wait3A_249 = tpu.memref_slice %arg8[%select_n3A_61, %dma_wait3A_247, %dma_wait3A_248] : memref<2x16x125xi32, #tpu.memory_space<vmem>> -> memref<1x1x125xi32, #tpu.memory_space<vmem>>
      %dma_wait3A_250 = tpu.memref_squeeze %dma_wait3A_249 : memref<1x1x125xi32, #tpu.memory_space<vmem>> -> memref<125xi32, #tpu.memory_space<vmem>>
      %dma_wait3A_251 = arith.constant 0 : i32
      %dma_wait3A_252 = arith.constant 0 : i32
      %dma_wait3A_253 = tpu.memref_slice %arg11[%dma_wait3A_251, %dma_wait3A_252] : memref<10000x128xf32, #tpu.memory_space<vmem_shared>> -> memref<10000x128xf32, #tpu.memory_space<vmem_shared>>
      tpu.wait_indirect_dma semaphore(%arg14 : memref<!tpu.dma_semaphore, #tpu.memory_space<semaphore_mem>>) src(%arg9 : memref<125x128xf32, #tpu.memory_space<vmem>>) dst(%dma_wait3A_253 : memref<10000x128xf32, #tpu.memory_space<vmem_shared>>)
      %dma_start3A_254 = arith.constant 6 : i32
      %dma_start3A_255 = arith.constant 0 : i32
      %dma_start3A_256 = tpu.memref_slice %arg7[%select_n3A_61, %dma_start3A_254, %dma_start3A_255] : memref<2x16x125xi32, #tpu.memory_space<vmem>> -> memref<1x1x125xi32, #tpu.memory_space<vmem>>
      %dma_start3A_257 = tpu.memref_squeeze %dma_start3A_256 : memref<1x1x125xi32, #tpu.memory_space<vmem>> -> memref<125xi32, #tpu.memory_space<vmem>>
      %dma_start3A_258 = arith.constant 0 : i32
      %dma_start3A_259 = arith.constant 0 : i32
      %dma_start3A_260 = tpu.memref_slice %arg2[%dma_start3A_258, %dma_start3A_259] : memref<20000x128xf32, #tpu.memory_space<hbm>> -> memref<20000x128xf32, #tpu.memory_space<hbm>>
      tpu.enqueue_indirect_dma source(%dma_start3A_260 : memref<20000x128xf32, #tpu.memory_space<hbm>>) target(%arg9 : memref<125x128xf32, #tpu.memory_space<vmem>>) offsets(%dma_start3A_257 : memref<125xi32, #tpu.memory_space<vmem>>) semaphore(%arg12 : memref<!tpu.dma_semaphore, #tpu.memory_space<semaphore_mem>>)
      %dma_start3A_261 = arith.constant 5 : i32
      %dma_start3A_262 = arith.constant 0 : i32
      %dma_start3A_263 = tpu.memref_slice %arg8[%select_n3A_61, %dma_start3A_261, %dma_start3A_262] : memref<2x16x125xi32, #tpu.memory_space<vmem>> -> memref<1x1x125xi32, #tpu.memory_space<vmem>>
      %dma_start3A_264 = tpu.memref_squeeze %dma_start3A_263 : memref<1x1x125xi32, #tpu.memory_space<vmem>> -> memref<125xi32, #tpu.memory_space<vmem>>
      %dma_start3A_265 = arith.constant 0 : i32
      %dma_start3A_266 = arith.constant 0 : i32
      %dma_start3A_267 = tpu.memref_slice %arg11[%dma_start3A_265, %dma_start3A_266] : memref<10000x128xf32, #tpu.memory_space<vmem_shared>> -> memref<10000x128xf32, #tpu.memory_space<vmem_shared>>
      tpu.enqueue_indirect_dma source(%arg10 : memref<125x128xf32, #tpu.memory_space<vmem>>) target(%dma_start3A_267 : memref<10000x128xf32, #tpu.memory_space<vmem_shared>>) offsets(%dma_start3A_264 : memref<125xi32, #tpu.memory_space<vmem>>) semaphore(%arg15 : memref<!tpu.dma_semaphore, #tpu.memory_space<semaphore_mem>>) {add = true}
      %dma_wait3A_268 = arith.constant 6 : i32
      %dma_wait3A_269 = arith.constant 0 : i32
      %dma_wait3A_270 = tpu.memref_slice %arg7[%select_n3A_61, %dma_wait3A_268, %dma_wait3A_269] : memref<2x16x125xi32, #tpu.memory_space<vmem>> -> memref<1x1x125xi32, #tpu.memory_space<vmem>>
      %dma_wait3A_271 = tpu.memref_squeeze %dma_wait3A_270 : memref<1x1x125xi32, #tpu.memory_space<vmem>> -> memref<125xi32, #tpu.memory_space<vmem>>
      %dma_wait3A_272 = arith.constant 0 : i32
      %dma_wait3A_273 = arith.constant 0 : i32
      %dma_wait3A_274 = tpu.memref_slice %arg2[%dma_wait3A_272, %dma_wait3A_273] : memref<20000x128xf32, #tpu.memory_space<hbm>> -> memref<20000x128xf32, #tpu.memory_space<hbm>>
      tpu.wait_indirect_dma semaphore(%arg12 : memref<!tpu.dma_semaphore, #tpu.memory_space<semaphore_mem>>) src(%dma_wait3A_274 : memref<20000x128xf32, #tpu.memory_space<hbm>>) dst(%arg9 : memref<125x128xf32, #tpu.memory_space<vmem>>)
      %dma_wait3A_275 = arith.constant 5 : i32
      %dma_wait3A_276 = arith.constant 0 : i32
      %dma_wait3A_277 = tpu.memref_slice %arg8[%select_n3A_61, %dma_wait3A_275, %dma_wait3A_276] : memref<2x16x125xi32, #tpu.memory_space<vmem>> -> memref<1x1x125xi32, #tpu.memory_space<vmem>>
      %dma_wait3A_278 = tpu.memref_squeeze %dma_wait3A_277 : memref<1x1x125xi32, #tpu.memory_space<vmem>> -> memref<125xi32, #tpu.memory_space<vmem>>
      %dma_wait3A_279 = arith.constant 0 : i32
      %dma_wait3A_280 = arith.constant 0 : i32
      %dma_wait3A_281 = tpu.memref_slice %arg11[%dma_wait3A_279, %dma_wait3A_280] : memref<10000x128xf32, #tpu.memory_space<vmem_shared>> -> memref<10000x128xf32, #tpu.memory_space<vmem_shared>>
      tpu.wait_indirect_dma semaphore(%arg15 : memref<!tpu.dma_semaphore, #tpu.memory_space<semaphore_mem>>) src(%arg10 : memref<125x128xf32, #tpu.memory_space<vmem>>) dst(%dma_wait3A_281 : memref<10000x128xf32, #tpu.memory_space<vmem_shared>>)
      %dma_start3A_282 = arith.constant 7 : i32
      %dma_start3A_283 = arith.constant 0 : i32
      %dma_start3A_284 = tpu.memref_slice %arg7[%select_n3A_61, %dma_start3A_282, %dma_start3A_283] : memref<2x16x125xi32, #tpu.memory_space<vmem>> -> memref<1x1x125xi32, #tpu.memory_space<vmem>>
      %dma_start3A_285 = tpu.memref_squeeze %dma_start3A_284 : memref<1x1x125xi32, #tpu.memory_space<vmem>> -> memref<125xi32, #tpu.memory_space<vmem>>
      %dma_start3A_286 = arith.constant 0 : i32
      %dma_start3A_287 = arith.constant 0 : i32
      %dma_start3A_288 = tpu.memref_slice %arg2[%dma_start3A_286, %dma_start3A_287] : memref<20000x128xf32, #tpu.memory_space<hbm>> -> memref<20000x128xf32, #tpu.memory_space<hbm>>
      tpu.enqueue_indirect_dma source(%dma_start3A_288 : memref<20000x128xf32, #tpu.memory_space<hbm>>) target(%arg10 : memref<125x128xf32, #tpu.memory_space<vmem>>) offsets(%dma_start3A_285 : memref<125xi32, #tpu.memory_space<vmem>>) semaphore(%arg13 : memref<!tpu.dma_semaphore, #tpu.memory_space<semaphore_mem>>)
      %dma_start3A_289 = arith.constant 6 : i32
      %dma_start3A_290 = arith.constant 0 : i32
      %dma_start3A_291 = tpu.memref_slice %arg8[%select_n3A_61, %dma_start3A_289, %dma_start3A_290] : memref<2x16x125xi32, #tpu.memory_space<vmem>> -> memref<1x1x125xi32, #tpu.memory_space<vmem>>
      %dma_start3A_292 = tpu.memref_squeeze %dma_start3A_291 : memref<1x1x125xi32, #tpu.memory_space<vmem>> -> memref<125xi32, #tpu.memory_space<vmem>>
      %dma_start3A_293 = arith.constant 0 : i32
      %dma_start3A_294 = arith.constant 0 : i32
      %dma_start3A_295 = tpu.memref_slice %arg11[%dma_start3A_293, %dma_start3A_294] : memref<10000x128xf32, #tpu.memory_space<vmem_shared>> -> memref<10000x128xf32, #tpu.memory_space<vmem_shared>>
      tpu.enqueue_indirect_dma source(%arg9 : memref<125x128xf32, #tpu.memory_space<vmem>>) target(%dma_start3A_295 : memref<10000x128xf32, #tpu.memory_space<vmem_shared>>) offsets(%dma_start3A_292 : memref<125xi32, #tpu.memory_space<vmem>>) semaphore(%arg14 : memref<!tpu.dma_semaphore, #tpu.memory_space<semaphore_mem>>) {add = true}
      %dma_wait3A_296 = arith.constant 7 : i32
      %dma_wait3A_297 = arith.constant 0 : i32
      %dma_wait3A_298 = tpu.memref_slice %arg7[%select_n3A_61, %dma_wait3A_296, %dma_wait3A_297] : memref<2x16x125xi32, #tpu.memory_space<vmem>> -> memref<1x1x125xi32, #tpu.memory_space<vmem>>
      %dma_wait3A_299 = tpu.memref_squeeze %dma_wait3A_298 : memref<1x1x125xi32, #tpu.memory_space<vmem>> -> memref<125xi32, #tpu.memory_space<vmem>>
      %dma_wait3A_300 = arith.constant 0 : i32
      %dma_wait3A_301 = arith.constant 0 : i32
      %dma_wait3A_302 = tpu.memref_slice %arg2[%dma_wait3A_300, %dma_wait3A_301] : memref<20000x128xf32, #tpu.memory_space<hbm>> -> memref<20000x128xf32, #tpu.memory_space<hbm>>
      tpu.wait_indirect_dma semaphore(%arg13 : memref<!tpu.dma_semaphore, #tpu.memory_space<semaphore_mem>>) src(%dma_wait3A_302 : memref<20000x128xf32, #tpu.memory_space<hbm>>) dst(%arg10 : memref<125x128xf32, #tpu.memory_space<vmem>>)
      %dma_wait3A_303 = arith.constant 6 : i32
      %dma_wait3A_304 = arith.constant 0 : i32
      %dma_wait3A_305 = tpu.memref_slice %arg8[%select_n3A_61, %dma_wait3A_303, %dma_wait3A_304] : memref<2x16x125xi32, #tpu.memory_space<vmem>> -> memref<1x1x125xi32, #tpu.memory_space<vmem>>
      %dma_wait3A_306 = tpu.memref_squeeze %dma_wait3A_305 : memref<1x1x125xi32, #tpu.memory_space<vmem>> -> memref<125xi32, #tpu.memory_space<vmem>>
      %dma_wait3A_307 = arith.constant 0 : i32
      %dma_wait3A_308 = arith.constant 0 : i32
      %dma_wait3A_309 = tpu.memref_slice %arg11[%dma_wait3A_307, %dma_wait3A_308] : memref<10000x128xf32, #tpu.memory_space<vmem_shared>> -> memref<10000x128xf32, #tpu.memory_space<vmem_shared>>
      tpu.wait_indirect_dma semaphore(%arg14 : memref<!tpu.dma_semaphore, #tpu.memory_space<semaphore_mem>>) src(%arg9 : memref<125x128xf32, #tpu.memory_space<vmem>>) dst(%dma_wait3A_309 : memref<10000x128xf32, #tpu.memory_space<vmem_shared>>)
      %dma_start3A_310 = arith.constant 8 : i32
      %dma_start3A_311 = arith.constant 0 : i32
      %dma_start3A_312 = tpu.memref_slice %arg7[%select_n3A_61, %dma_start3A_310, %dma_start3A_311] : memref<2x16x125xi32, #tpu.memory_space<vmem>> -> memref<1x1x125xi32, #tpu.memory_space<vmem>>
      %dma_start3A_313 = tpu.memref_squeeze %dma_start3A_312 : memref<1x1x125xi32, #tpu.memory_space<vmem>> -> memref<125xi32, #tpu.memory_space<vmem>>
      %dma_start3A_314 = arith.constant 0 : i32
      %dma_start3A_315 = arith.constant 0 : i32
      %dma_start3A_316 = tpu.memref_slice %arg2[%dma_start3A_314, %dma_start3A_315] : memref<20000x128xf32, #tpu.memory_space<hbm>> -> memref<20000x128xf32, #tpu.memory_space<hbm>>
      tpu.enqueue_indirect_dma source(%dma_start3A_316 : memref<20000x128xf32, #tpu.memory_space<hbm>>) target(%arg9 : memref<125x128xf32, #tpu.memory_space<vmem>>) offsets(%dma_start3A_313 : memref<125xi32, #tpu.memory_space<vmem>>) semaphore(%arg12 : memref<!tpu.dma_semaphore, #tpu.memory_space<semaphore_mem>>)
      %dma_start3A_317 = arith.constant 7 : i32
      %dma_start3A_318 = arith.constant 0 : i32
      %dma_start3A_319 = tpu.memref_slice %arg8[%select_n3A_61, %dma_start3A_317, %dma_start3A_318] : memref<2x16x125xi32, #tpu.memory_space<vmem>> -> memref<1x1x125xi32, #tpu.memory_space<vmem>>
      %dma_start3A_320 = tpu.memref_squeeze %dma_start3A_319 : memref<1x1x125xi32, #tpu.memory_space<vmem>> -> memref<125xi32, #tpu.memory_space<vmem>>
      %dma_start3A_321 = arith.constant 0 : i32
      %dma_start3A_322 = arith.constant 0 : i32
      %dma_start3A_323 = tpu.memref_slice %arg11[%dma_start3A_321, %dma_start3A_322] : memref<10000x128xf32, #tpu.memory_space<vmem_shared>> -> memref<10000x128xf32, #tpu.memory_space<vmem_shared>>
      tpu.enqueue_indirect_dma source(%arg10 : memref<125x128xf32, #tpu.memory_space<vmem>>) target(%dma_start3A_323 : memref<10000x128xf32, #tpu.memory_space<vmem_shared>>) offsets(%dma_start3A_320 : memref<125xi32, #tpu.memory_space<vmem>>) semaphore(%arg15 : memref<!tpu.dma_semaphore, #tpu.memory_space<semaphore_mem>>) {add = true}
      %dma_wait3A_324 = arith.constant 8 : i32
      %dma_wait3A_325 = arith.constant 0 : i32
      %dma_wait3A_326 = tpu.memref_slice %arg7[%select_n3A_61, %dma_wait3A_324, %dma_wait3A_325] : memref<2x16x125xi32, #tpu.memory_space<vmem>> -> memref<1x1x125xi32, #tpu.memory_space<vmem>>
      %dma_wait3A_327 = tpu.memref_squeeze %dma_wait3A_326 : memref<1x1x125xi32, #tpu.memory_space<vmem>> -> memref<125xi32, #tpu.memory_space<vmem>>
      %dma_wait3A_328 = arith.constant 0 : i32
      %dma_wait3A_329 = arith.constant 0 : i32
      %dma_wait3A_330 = tpu.memref_slice %arg2[%dma_wait3A_328, %dma_wait3A_329] : memref<20000x128xf32, #tpu.memory_space<hbm>> -> memref<20000x128xf32, #tpu.memory_space<hbm>>
      tpu.wait_indirect_dma semaphore(%arg12 : memref<!tpu.dma_semaphore, #tpu.memory_space<semaphore_mem>>) src(%dma_wait3A_330 : memref<20000x128xf32, #tpu.memory_space<hbm>>) dst(%arg9 : memref<125x128xf32, #tpu.memory_space<vmem>>)
      %dma_wait3A_331 = arith.constant 7 : i32
      %dma_wait3A_332 = arith.constant 0 : i32
      %dma_wait3A_333 = tpu.memref_slice %arg8[%select_n3A_61, %dma_wait3A_331, %dma_wait3A_332] : memref<2x16x125xi32, #tpu.memory_space<vmem>> -> memref<1x1x125xi32, #tpu.memory_space<vmem>>
      %dma_wait3A_334 = tpu.memref_squeeze %dma_wait3A_333 : memref<1x1x125xi32, #tpu.memory_space<vmem>> -> memref<125xi32, #tpu.memory_space<vmem>>
      %dma_wait3A_335 = arith.constant 0 : i32
      %dma_wait3A_336 = arith.constant 0 : i32
      %dma_wait3A_337 = tpu.memref_slice %arg11[%dma_wait3A_335, %dma_wait3A_336] : memref<10000x128xf32, #tpu.memory_space<vmem_shared>> -> memref<10000x128xf32, #tpu.memory_space<vmem_shared>>
      tpu.wait_indirect_dma semaphore(%arg15 : memref<!tpu.dma_semaphore, #tpu.memory_space<semaphore_mem>>) src(%arg10 : memref<125x128xf32, #tpu.memory_space<vmem>>) dst(%dma_wait3A_337 : memref<10000x128xf32, #tpu.memory_space<vmem_shared>>)
      %dma_start3A_338 = arith.constant 9 : i32
      %dma_start3A_339 = arith.constant 0 : i32
      %dma_start3A_340 = tpu.memref_slice %arg7[%select_n3A_61, %dma_start3A_338, %dma_start3A_339] : memref<2x16x125xi32, #tpu.memory_space<vmem>> -> memref<1x1x125xi32, #tpu.memory_space<vmem>>
      %dma_start3A_341 = tpu.memref_squeeze %dma_start3A_340 : memref<1x1x125xi32, #tpu.memory_space<vmem>> -> memref<125xi32, #tpu.memory_space<vmem>>
      %dma_start3A_342 = arith.constant 0 : i32
      %dma_start3A_343 = arith.constant 0 : i32
      %dma_start3A_344 = tpu.memref_slice %arg2[%dma_start3A_342, %dma_start3A_343] : memref<20000x128xf32, #tpu.memory_space<hbm>> -> memref<20000x128xf32, #tpu.memory_space<hbm>>
      tpu.enqueue_indirect_dma source(%dma_start3A_344 : memref<20000x128xf32, #tpu.memory_space<hbm>>) target(%arg10 : memref<125x128xf32, #tpu.memory_space<vmem>>) offsets(%dma_start3A_341 : memref<125xi32, #tpu.memory_space<vmem>>) semaphore(%arg13 : memref<!tpu.dma_semaphore, #tpu.memory_space<semaphore_mem>>)
      %dma_start3A_345 = arith.constant 8 : i32
      %dma_start3A_346 = arith.constant 0 : i32
      %dma_start3A_347 = tpu.memref_slice %arg8[%select_n3A_61, %dma_start3A_345, %dma_start3A_346] : memref<2x16x125xi32, #tpu.memory_space<vmem>> -> memref<1x1x125xi32, #tpu.memory_space<vmem>>
      %dma_start3A_348 = tpu.memref_squeeze %dma_start3A_347 : memref<1x1x125xi32, #tpu.memory_space<vmem>> -> memref<125xi32, #tpu.memory_space<vmem>>
      %dma_start3A_349 = arith.constant 0 : i32
      %dma_start3A_350 = arith.constant 0 : i32
      %dma_start3A_351 = tpu.memref_slice %arg11[%dma_start3A_349, %dma_start3A_350] : memref<10000x128xf32, #tpu.memory_space<vmem_shared>> -> memref<10000x128xf32, #tpu.memory_space<vmem_shared>>
      tpu.enqueue_indirect_dma source(%arg9 : memref<125x128xf32, #tpu.memory_space<vmem>>) target(%dma_start3A_351 : memref<10000x128xf32, #tpu.memory_space<vmem_shared>>) offsets(%dma_start3A_348 : memref<125xi32, #tpu.memory_space<vmem>>) semaphore(%arg14 : memref<!tpu.dma_semaphore, #tpu.memory_space<semaphore_mem>>) {add = true}
      %dma_wait3A_352 = arith.constant 9 : i32
      %dma_wait3A_353 = arith.constant 0 : i32
      %dma_wait3A_354 = tpu.memref_slice %arg7[%select_n3A_61, %dma_wait3A_352, %dma_wait3A_353] : memref<2x16x125xi32, #tpu.memory_space<vmem>> -> memref<1x1x125xi32, #tpu.memory_space<vmem>>
      %dma_wait3A_355 = tpu.memref_squeeze %dma_wait3A_354 : memref<1x1x125xi32, #tpu.memory_space<vmem>> -> memref<125xi32, #tpu.memory_space<vmem>>
      %dma_wait3A_356 = arith.constant 0 : i32
      %dma_wait3A_357 = arith.constant 0 : i32
      %dma_wait3A_358 = tpu.memref_slice %arg2[%dma_wait3A_356, %dma_wait3A_357] : memref<20000x128xf32, #tpu.memory_space<hbm>> -> memref<20000x128xf32, #tpu.memory_space<hbm>>
      tpu.wait_indirect_dma semaphore(%arg13 : memref<!tpu.dma_semaphore, #tpu.memory_space<semaphore_mem>>) src(%dma_wait3A_358 : memref<20000x128xf32, #tpu.memory_space<hbm>>) dst(%arg10 : memref<125x128xf32, #tpu.memory_space<vmem>>)
      %dma_wait3A_359 = arith.constant 8 : i32
      %dma_wait3A_360 = arith.constant 0 : i32
      %dma_wait3A_361 = tpu.memref_slice %arg8[%select_n3A_61, %dma_wait3A_359, %dma_wait3A_360] : memref<2x16x125xi32, #tpu.memory_space<vmem>> -> memref<1x1x125xi32, #tpu.memory_space<vmem>>
      %dma_wait3A_362 = tpu.memref_squeeze %dma_wait3A_361 : memref<1x1x125xi32, #tpu.memory_space<vmem>> -> memref<125xi32, #tpu.memory_space<vmem>>
      %dma_wait3A_363 = arith.constant 0 : i32
      %dma_wait3A_364 = arith.constant 0 : i32
      %dma_wait3A_365 = tpu.memref_slice %arg11[%dma_wait3A_363, %dma_wait3A_364] : memref<10000x128xf32, #tpu.memory_space<vmem_shared>> -> memref<10000x128xf32, #tpu.memory_space<vmem_shared>>
      tpu.wait_indirect_dma semaphore(%arg14 : memref<!tpu.dma_semaphore, #tpu.memory_space<semaphore_mem>>) src(%arg9 : memref<125x128xf32, #tpu.memory_space<vmem>>) dst(%dma_wait3A_365 : memref<10000x128xf32, #tpu.memory_space<vmem_shared>>)
      %dma_start3A_366 = arith.constant 10 : i32
      %dma_start3A_367 = arith.constant 0 : i32
      %dma_start3A_368 = tpu.memref_slice %arg7[%select_n3A_61, %dma_start3A_366, %dma_start3A_367] : memref<2x16x125xi32, #tpu.memory_space<vmem>> -> memref<1x1x125xi32, #tpu.memory_space<vmem>>
      %dma_start3A_369 = tpu.memref_squeeze %dma_start3A_368 : memref<1x1x125xi32, #tpu.memory_space<vmem>> -> memref<125xi32, #tpu.memory_space<vmem>>
      %dma_start3A_370 = arith.constant 0 : i32
      %dma_start3A_371 = arith.constant 0 : i32
      %dma_start3A_372 = tpu.memref_slice %arg2[%dma_start3A_370, %dma_start3A_371] : memref<20000x128xf32, #tpu.memory_space<hbm>> -> memref<20000x128xf32, #tpu.memory_space<hbm>>
      tpu.enqueue_indirect_dma source(%dma_start3A_372 : memref<20000x128xf32, #tpu.memory_space<hbm>>) target(%arg9 : memref<125x128xf32, #tpu.memory_space<vmem>>) offsets(%dma_start3A_369 : memref<125xi32, #tpu.memory_space<vmem>>) semaphore(%arg12 : memref<!tpu.dma_semaphore, #tpu.memory_space<semaphore_mem>>)
      %dma_start3A_373 = arith.constant 9 : i32
      %dma_start3A_374 = arith.constant 0 : i32
      %dma_start3A_375 = tpu.memref_slice %arg8[%select_n3A_61, %dma_start3A_373, %dma_start3A_374] : memref<2x16x125xi32, #tpu.memory_space<vmem>> -> memref<1x1x125xi32, #tpu.memory_space<vmem>>
      %dma_start3A_376 = tpu.memref_squeeze %dma_start3A_375 : memref<1x1x125xi32, #tpu.memory_space<vmem>> -> memref<125xi32, #tpu.memory_space<vmem>>
      %dma_start3A_377 = arith.constant 0 : i32
      %dma_start3A_378 = arith.constant 0 : i32
      %dma_start3A_379 = tpu.memref_slice %arg11[%dma_start3A_377, %dma_start3A_378] : memref<10000x128xf32, #tpu.memory_space<vmem_shared>> -> memref<10000x128xf32, #tpu.memory_space<vmem_shared>>
      tpu.enqueue_indirect_dma source(%arg10 : memref<125x128xf32, #tpu.memory_space<vmem>>) target(%dma_start3A_379 : memref<10000x128xf32, #tpu.memory_space<vmem_shared>>) offsets(%dma_start3A_376 : memref<125xi32, #tpu.memory_space<vmem>>) semaphore(%arg15 : memref<!tpu.dma_semaphore, #tpu.memory_space<semaphore_mem>>) {add = true}
      %dma_wait3A_380 = arith.constant 10 : i32
      %dma_wait3A_381 = arith.constant 0 : i32
      %dma_wait3A_382 = tpu.memref_slice %arg7[%select_n3A_61, %dma_wait3A_380, %dma_wait3A_381] : memref<2x16x125xi32, #tpu.memory_space<vmem>> -> memref<1x1x125xi32, #tpu.memory_space<vmem>>
      %dma_wait3A_383 = tpu.memref_squeeze %dma_wait3A_382 : memref<1x1x125xi32, #tpu.memory_space<vmem>> -> memref<125xi32, #tpu.memory_space<vmem>>
      %dma_wait3A_384 = arith.constant 0 : i32
      %dma_wait3A_385 = arith.constant 0 : i32
      %dma_wait3A_386 = tpu.memref_slice %arg2[%dma_wait3A_384, %dma_wait3A_385] : memref<20000x128xf32, #tpu.memory_space<hbm>> -> memref<20000x128xf32, #tpu.memory_space<hbm>>
      tpu.wait_indirect_dma semaphore(%arg12 : memref<!tpu.dma_semaphore, #tpu.memory_space<semaphore_mem>>) src(%dma_wait3A_386 : memref<20000x128xf32, #tpu.memory_space<hbm>>) dst(%arg9 : memref<125x128xf32, #tpu.memory_space<vmem>>)
      %dma_wait3A_387 = arith.constant 9 : i32
      %dma_wait3A_388 = arith.constant 0 : i32
      %dma_wait3A_389 = tpu.memref_slice %arg8[%select_n3A_61, %dma_wait3A_387, %dma_wait3A_388] : memref<2x16x125xi32, #tpu.memory_space<vmem>> -> memref<1x1x125xi32, #tpu.memory_space<vmem>>
      %dma_wait3A_390 = tpu.memref_squeeze %dma_wait3A_389 : memref<1x1x125xi32, #tpu.memory_space<vmem>> -> memref<125xi32, #tpu.memory_space<vmem>>
      %dma_wait3A_391 = arith.constant 0 : i32
      %dma_wait3A_392 = arith.constant 0 : i32
      %dma_wait3A_393 = tpu.memref_slice %arg11[%dma_wait3A_391, %dma_wait3A_392] : memref<10000x128xf32, #tpu.memory_space<vmem_shared>> -> memref<10000x128xf32, #tpu.memory_space<vmem_shared>>
      tpu.wait_indirect_dma semaphore(%arg15 : memref<!tpu.dma_semaphore, #tpu.memory_space<semaphore_mem>>) src(%arg10 : memref<125x128xf32, #tpu.memory_space<vmem>>) dst(%dma_wait3A_393 : memref<10000x128xf32, #tpu.memory_space<vmem_shared>>)
      %dma_start3A_394 = arith.constant 11 : i32
      %dma_start3A_395 = arith.constant 0 : i32
      %dma_start3A_396 = tpu.memref_slice %arg7[%select_n3A_61, %dma_start3A_394, %dma_start3A_395] : memref<2x16x125xi32, #tpu.memory_space<vmem>> -> memref<1x1x125xi32, #tpu.memory_space<vmem>>
      %dma_start3A_397 = tpu.memref_squeeze %dma_start3A_396 : memref<1x1x125xi32, #tpu.memory_space<vmem>> -> memref<125xi32, #tpu.memory_space<vmem>>
      %dma_start3A_398 = arith.constant 0 : i32
      %dma_start3A_399 = arith.constant 0 : i32
      %dma_start3A_400 = tpu.memref_slice %arg2[%dma_start3A_398, %dma_start3A_399] : memref<20000x128xf32, #tpu.memory_space<hbm>> -> memref<20000x128xf32, #tpu.memory_space<hbm>>
      tpu.enqueue_indirect_dma source(%dma_start3A_400 : memref<20000x128xf32, #tpu.memory_space<hbm>>) target(%arg10 : memref<125x128xf32, #tpu.memory_space<vmem>>) offsets(%dma_start3A_397 : memref<125xi32, #tpu.memory_space<vmem>>) semaphore(%arg13 : memref<!tpu.dma_semaphore, #tpu.memory_space<semaphore_mem>>)
      %dma_start3A_401 = arith.constant 10 : i32
      %dma_start3A_402 = arith.constant 0 : i32
      %dma_start3A_403 = tpu.memref_slice %arg8[%select_n3A_61, %dma_start3A_401, %dma_start3A_402] : memref<2x16x125xi32, #tpu.memory_space<vmem>> -> memref<1x1x125xi32, #tpu.memory_space<vmem>>
      %dma_start3A_404 = tpu.memref_squeeze %dma_start3A_403 : memref<1x1x125xi32, #tpu.memory_space<vmem>> -> memref<125xi32, #tpu.memory_space<vmem>>
      %dma_start3A_405 = arith.constant 0 : i32
      %dma_start3A_406 = arith.constant 0 : i32
      %dma_start3A_407 = tpu.memref_slice %arg11[%dma_start3A_405, %dma_start3A_406] : memref<10000x128xf32, #tpu.memory_space<vmem_shared>> -> memref<10000x128xf32, #tpu.memory_space<vmem_shared>>
      tpu.enqueue_indirect_dma source(%arg9 : memref<125x128xf32, #tpu.memory_space<vmem>>) target(%dma_start3A_407 : memref<10000x128xf32, #tpu.memory_space<vmem_shared>>) offsets(%dma_start3A_404 : memref<125xi32, #tpu.memory_space<vmem>>) semaphore(%arg14 : memref<!tpu.dma_semaphore, #tpu.memory_space<semaphore_mem>>) {add = true}
      %dma_wait3A_408 = arith.constant 11 : i32
      %dma_wait3A_409 = arith.constant 0 : i32
      %dma_wait3A_410 = tpu.memref_slice %arg7[%select_n3A_61, %dma_wait3A_408, %dma_wait3A_409] : memref<2x16x125xi32, #tpu.memory_space<vmem>> -> memref<1x1x125xi32, #tpu.memory_space<vmem>>
      %dma_wait3A_411 = tpu.memref_squeeze %dma_wait3A_410 : memref<1x1x125xi32, #tpu.memory_space<vmem>> -> memref<125xi32, #tpu.memory_space<vmem>>
      %dma_wait3A_412 = arith.constant 0 : i32
      %dma_wait3A_413 = arith.constant 0 : i32
      %dma_wait3A_414 = tpu.memref_slice %arg2[%dma_wait3A_412, %dma_wait3A_413] : memref<20000x128xf32, #tpu.memory_space<hbm>> -> memref<20000x128xf32, #tpu.memory_space<hbm>>
      tpu.wait_indirect_dma semaphore(%arg13 : memref<!tpu.dma_semaphore, #tpu.memory_space<semaphore_mem>>) src(%dma_wait3A_414 : memref<20000x128xf32, #tpu.memory_space<hbm>>) dst(%arg10 : memref<125x128xf32, #tpu.memory_space<vmem>>)
      %dma_wait3A_415 = arith.constant 10 : i32
      %dma_wait3A_416 = arith.constant 0 : i32
      %dma_wait3A_417 = tpu.memref_slice %arg8[%select_n3A_61, %dma_wait3A_415, %dma_wait3A_416] : memref<2x16x125xi32, #tpu.memory_space<vmem>> -> memref<1x1x125xi32, #tpu.memory_space<vmem>>
      %dma_wait3A_418 = tpu.memref_squeeze %dma_wait3A_417 : memref<1x1x125xi32, #tpu.memory_space<vmem>> -> memref<125xi32, #tpu.memory_space<vmem>>
      %dma_wait3A_419 = arith.constant 0 : i32
      %dma_wait3A_420 = arith.constant 0 : i32
      %dma_wait3A_421 = tpu.memref_slice %arg11[%dma_wait3A_419, %dma_wait3A_420] : memref<10000x128xf32, #tpu.memory_space<vmem_shared>> -> memref<10000x128xf32, #tpu.memory_space<vmem_shared>>
      tpu.wait_indirect_dma semaphore(%arg14 : memref<!tpu.dma_semaphore, #tpu.memory_space<semaphore_mem>>) src(%arg9 : memref<125x128xf32, #tpu.memory_space<vmem>>) dst(%dma_wait3A_421 : memref<10000x128xf32, #tpu.memory_space<vmem_shared>>)
      %dma_start3A_422 = arith.constant 12 : i32
      %dma_start3A_423 = arith.constant 0 : i32
      %dma_start3A_424 = tpu.memref_slice %arg7[%select_n3A_61, %dma_start3A_422, %dma_start3A_423] : memref<2x16x125xi32, #tpu.memory_space<vmem>> -> memref<1x1x125xi32, #tpu.memory_space<vmem>>
      %dma_start3A_425 = tpu.memref_squeeze %dma_start3A_424 : memref<1x1x125xi32, #tpu.memory_space<vmem>> -> memref<125xi32, #tpu.memory_space<vmem>>
      %dma_start3A_426 = arith.constant 0 : i32
      %dma_start3A_427 = arith.constant 0 : i32
      %dma_start3A_428 = tpu.memref_slice %arg2[%dma_start3A_426, %dma_start3A_427] : memref<20000x128xf32, #tpu.memory_space<hbm>> -> memref<20000x128xf32, #tpu.memory_space<hbm>>
      tpu.enqueue_indirect_dma source(%dma_start3A_428 : memref<20000x128xf32, #tpu.memory_space<hbm>>) target(%arg9 : memref<125x128xf32, #tpu.memory_space<vmem>>) offsets(%dma_start3A_425 : memref<125xi32, #tpu.memory_space<vmem>>) semaphore(%arg12 : memref<!tpu.dma_semaphore, #tpu.memory_space<semaphore_mem>>)
      %dma_start3A_429 = arith.constant 11 : i32
      %dma_start3A_430 = arith.constant 0 : i32
      %dma_start3A_431 = tpu.memref_slice %arg8[%select_n3A_61, %dma_start3A_429, %dma_start3A_430] : memref<2x16x125xi32, #tpu.memory_space<vmem>> -> memref<1x1x125xi32, #tpu.memory_space<vmem>>
      %dma_start3A_432 = tpu.memref_squeeze %dma_start3A_431 : memref<1x1x125xi32, #tpu.memory_space<vmem>> -> memref<125xi32, #tpu.memory_space<vmem>>
      %dma_start3A_433 = arith.constant 0 : i32
      %dma_start3A_434 = arith.constant 0 : i32
      %dma_start3A_435 = tpu.memref_slice %arg11[%dma_start3A_433, %dma_start3A_434] : memref<10000x128xf32, #tpu.memory_space<vmem_shared>> -> memref<10000x128xf32, #tpu.memory_space<vmem_shared>>
      tpu.enqueue_indirect_dma source(%arg10 : memref<125x128xf32, #tpu.memory_space<vmem>>) target(%dma_start3A_435 : memref<10000x128xf32, #tpu.memory_space<vmem_shared>>) offsets(%dma_start3A_432 : memref<125xi32, #tpu.memory_space<vmem>>) semaphore(%arg15 : memref<!tpu.dma_semaphore, #tpu.memory_space<semaphore_mem>>) {add = true}
      %dma_wait3A_436 = arith.constant 12 : i32
      %dma_wait3A_437 = arith.constant 0 : i32
      %dma_wait3A_438 = tpu.memref_slice %arg7[%select_n3A_61, %dma_wait3A_436, %dma_wait3A_437] : memref<2x16x125xi32, #tpu.memory_space<vmem>> -> memref<1x1x125xi32, #tpu.memory_space<vmem>>
      %dma_wait3A_439 = tpu.memref_squeeze %dma_wait3A_438 : memref<1x1x125xi32, #tpu.memory_space<vmem>> -> memref<125xi32, #tpu.memory_space<vmem>>
      %dma_wait3A_440 = arith.constant 0 : i32
      %dma_wait3A_441 = arith.constant 0 : i32
      %dma_wait3A_442 = tpu.memref_slice %arg2[%dma_wait3A_440, %dma_wait3A_441] : memref<20000x128xf32, #tpu.memory_space<hbm>> -> memref<20000x128xf32, #tpu.memory_space<hbm>>
      tpu.wait_indirect_dma semaphore(%arg12 : memref<!tpu.dma_semaphore, #tpu.memory_space<semaphore_mem>>) src(%dma_wait3A_442 : memref<20000x128xf32, #tpu.memory_space<hbm>>) dst(%arg9 : memref<125x128xf32, #tpu.memory_space<vmem>>)
      %dma_wait3A_443 = arith.constant 11 : i32
      %dma_wait3A_444 = arith.constant 0 : i32
      %dma_wait3A_445 = tpu.memref_slice %arg8[%select_n3A_61, %dma_wait3A_443, %dma_wait3A_444] : memref<2x16x125xi32, #tpu.memory_space<vmem>> -> memref<1x1x125xi32, #tpu.memory_space<vmem>>
      %dma_wait3A_446 = tpu.memref_squeeze %dma_wait3A_445 : memref<1x1x125xi32, #tpu.memory_space<vmem>> -> memref<125xi32, #tpu.memory_space<vmem>>
      %dma_wait3A_447 = arith.constant 0 : i32
      %dma_wait3A_448 = arith.constant 0 : i32
      %dma_wait3A_449 = tpu.memref_slice %arg11[%dma_wait3A_447, %dma_wait3A_448] : memref<10000x128xf32, #tpu.memory_space<vmem_shared>> -> memref<10000x128xf32, #tpu.memory_space<vmem_shared>>
      tpu.wait_indirect_dma semaphore(%arg15 : memref<!tpu.dma_semaphore, #tpu.memory_space<semaphore_mem>>) src(%arg10 : memref<125x128xf32, #tpu.memory_space<vmem>>) dst(%dma_wait3A_449 : memref<10000x128xf32, #tpu.memory_space<vmem_shared>>)
      %dma_start3A_450 = arith.constant 13 : i32
      %dma_start3A_451 = arith.constant 0 : i32
      %dma_start3A_452 = tpu.memref_slice %arg7[%select_n3A_61, %dma_start3A_450, %dma_start3A_451] : memref<2x16x125xi32, #tpu.memory_space<vmem>> -> memref<1x1x125xi32, #tpu.memory_space<vmem>>
      %dma_start3A_453 = tpu.memref_squeeze %dma_start3A_452 : memref<1x1x125xi32, #tpu.memory_space<vmem>> -> memref<125xi32, #tpu.memory_space<vmem>>
      %dma_start3A_454 = arith.constant 0 : i32
      %dma_start3A_455 = arith.constant 0 : i32
      %dma_start3A_456 = tpu.memref_slice %arg2[%dma_start3A_454, %dma_start3A_455] : memref<20000x128xf32, #tpu.memory_space<hbm>> -> memref<20000x128xf32, #tpu.memory_space<hbm>>
      tpu.enqueue_indirect_dma source(%dma_start3A_456 : memref<20000x128xf32, #tpu.memory_space<hbm>>) target(%arg10 : memref<125x128xf32, #tpu.memory_space<vmem>>) offsets(%dma_start3A_453 : memref<125xi32, #tpu.memory_space<vmem>>) semaphore(%arg13 : memref<!tpu.dma_semaphore, #tpu.memory_space<semaphore_mem>>)
      %dma_start3A_457 = arith.constant 12 : i32
      %dma_start3A_458 = arith.constant 0 : i32
      %dma_start3A_459 = tpu.memref_slice %arg8[%select_n3A_61, %dma_start3A_457, %dma_start3A_458] : memref<2x16x125xi32, #tpu.memory_space<vmem>> -> memref<1x1x125xi32, #tpu.memory_space<vmem>>
      %dma_start3A_460 = tpu.memref_squeeze %dma_start3A_459 : memref<1x1x125xi32, #tpu.memory_space<vmem>> -> memref<125xi32, #tpu.memory_space<vmem>>
      %dma_start3A_461 = arith.constant 0 : i32
      %dma_start3A_462 = arith.constant 0 : i32
      %dma_start3A_463 = tpu.memref_slice %arg11[%dma_start3A_461, %dma_start3A_462] : memref<10000x128xf32, #tpu.memory_space<vmem_shared>> -> memref<10000x128xf32, #tpu.memory_space<vmem_shared>>
      tpu.enqueue_indirect_dma source(%arg9 : memref<125x128xf32, #tpu.memory_space<vmem>>) target(%dma_start3A_463 : memref<10000x128xf32, #tpu.memory_space<vmem_shared>>) offsets(%dma_start3A_460 : memref<125xi32, #tpu.memory_space<vmem>>) semaphore(%arg14 : memref<!tpu.dma_semaphore, #tpu.memory_space<semaphore_mem>>) {add = true}
      %dma_wait3A_464 = arith.constant 13 : i32
      %dma_wait3A_465 = arith.constant 0 : i32
      %dma_wait3A_466 = tpu.memref_slice %arg7[%select_n3A_61, %dma_wait3A_464, %dma_wait3A_465] : memref<2x16x125xi32, #tpu.memory_space<vmem>> -> memref<1x1x125xi32, #tpu.memory_space<vmem>>
      %dma_wait3A_467 = tpu.memref_squeeze %dma_wait3A_466 : memref<1x1x125xi32, #tpu.memory_space<vmem>> -> memref<125xi32, #tpu.memory_space<vmem>>
      %dma_wait3A_468 = arith.constant 0 : i32
      %dma_wait3A_469 = arith.constant 0 : i32
      %dma_wait3A_470 = tpu.memref_slice %arg2[%dma_wait3A_468, %dma_wait3A_469] : memref<20000x128xf32, #tpu.memory_space<hbm>> -> memref<20000x128xf32, #tpu.memory_space<hbm>>
      tpu.wait_indirect_dma semaphore(%arg13 : memref<!tpu.dma_semaphore, #tpu.memory_space<semaphore_mem>>) src(%dma_wait3A_470 : memref<20000x128xf32, #tpu.memory_space<hbm>>) dst(%arg10 : memref<125x128xf32, #tpu.memory_space<vmem>>)
      %dma_wait3A_471 = arith.constant 12 : i32
      %dma_wait3A_472 = arith.constant 0 : i32
      %dma_wait3A_473 = tpu.memref_slice %arg8[%select_n3A_61, %dma_wait3A_471, %dma_wait3A_472] : memref<2x16x125xi32, #tpu.memory_space<vmem>> -> memref<1x1x125xi32, #tpu.memory_space<vmem>>
      %dma_wait3A_474 = tpu.memref_squeeze %dma_wait3A_473 : memref<1x1x125xi32, #tpu.memory_space<vmem>> -> memref<125xi32, #tpu.memory_space<vmem>>
      %dma_wait3A_475 = arith.constant 0 : i32
      %dma_wait3A_476 = arith.constant 0 : i32
      %dma_wait3A_477 = tpu.memref_slice %arg11[%dma_wait3A_475, %dma_wait3A_476] : memref<10000x128xf32, #tpu.memory_space<vmem_shared>> -> memref<10000x128xf32, #tpu.memory_space<vmem_shared>>
      tpu.wait_indirect_dma semaphore(%arg14 : memref<!tpu.dma_semaphore, #tpu.memory_space<semaphore_mem>>) src(%arg9 : memref<125x128xf32, #tpu.memory_space<vmem>>) dst(%dma_wait3A_477 : memref<10000x128xf32, #tpu.memory_space<vmem_shared>>)
      %dma_start3A_478 = arith.constant 14 : i32
      %dma_start3A_479 = arith.constant 0 : i32
      %dma_start3A_480 = tpu.memref_slice %arg7[%select_n3A_61, %dma_start3A_478, %dma_start3A_479] : memref<2x16x125xi32, #tpu.memory_space<vmem>> -> memref<1x1x125xi32, #tpu.memory_space<vmem>>
      %dma_start3A_481 = tpu.memref_squeeze %dma_start3A_480 : memref<1x1x125xi32, #tpu.memory_space<vmem>> -> memref<125xi32, #tpu.memory_space<vmem>>
      %dma_start3A_482 = arith.constant 0 : i32
      %dma_start3A_483 = arith.constant 0 : i32
      %dma_start3A_484 = tpu.memref_slice %arg2[%dma_start3A_482, %dma_start3A_483] : memref<20000x128xf32, #tpu.memory_space<hbm>> -> memref<20000x128xf32, #tpu.memory_space<hbm>>
      tpu.enqueue_indirect_dma source(%dma_start3A_484 : memref<20000x128xf32, #tpu.memory_space<hbm>>) target(%arg9 : memref<125x128xf32, #tpu.memory_space<vmem>>) offsets(%dma_start3A_481 : memref<125xi32, #tpu.memory_space<vmem>>) semaphore(%arg12 : memref<!tpu.dma_semaphore, #tpu.memory_space<semaphore_mem>>)
      %dma_start3A_485 = arith.constant 13 : i32
      %dma_start3A_486 = arith.constant 0 : i32
      %dma_start3A_487 = tpu.memref_slice %arg8[%select_n3A_61, %dma_start3A_485, %dma_start3A_486] : memref<2x16x125xi32, #tpu.memory_space<vmem>> -> memref<1x1x125xi32, #tpu.memory_space<vmem>>
      %dma_start3A_488 = tpu.memref_squeeze %dma_start3A_487 : memref<1x1x125xi32, #tpu.memory_space<vmem>> -> memref<125xi32, #tpu.memory_space<vmem>>
      %dma_start3A_489 = arith.constant 0 : i32
      %dma_start3A_490 = arith.constant 0 : i32
      %dma_start3A_491 = tpu.memref_slice %arg11[%dma_start3A_489, %dma_start3A_490] : memref<10000x128xf32, #tpu.memory_space<vmem_shared>> -> memref<10000x128xf32, #tpu.memory_space<vmem_shared>>
      tpu.enqueue_indirect_dma source(%arg10 : memref<125x128xf32, #tpu.memory_space<vmem>>) target(%dma_start3A_491 : memref<10000x128xf32, #tpu.memory_space<vmem_shared>>) offsets(%dma_start3A_488 : memref<125xi32, #tpu.memory_space<vmem>>) semaphore(%arg15 : memref<!tpu.dma_semaphore, #tpu.memory_space<semaphore_mem>>) {add = true}
      %dma_wait3A_492 = arith.constant 14 : i32
      %dma_wait3A_493 = arith.constant 0 : i32
      %dma_wait3A_494 = tpu.memref_slice %arg7[%select_n3A_61, %dma_wait3A_492, %dma_wait3A_493] : memref<2x16x125xi32, #tpu.memory_space<vmem>> -> memref<1x1x125xi32, #tpu.memory_space<vmem>>
      %dma_wait3A_495 = tpu.memref_squeeze %dma_wait3A_494 : memref<1x1x125xi32, #tpu.memory_space<vmem>> -> memref<125xi32, #tpu.memory_space<vmem>>
      %dma_wait3A_496 = arith.constant 0 : i32
      %dma_wait3A_497 = arith.constant 0 : i32
      %dma_wait3A_498 = tpu.memref_slice %arg2[%dma_wait3A_496, %dma_wait3A_497] : memref<20000x128xf32, #tpu.memory_space<hbm>> -> memref<20000x128xf32, #tpu.memory_space<hbm>>
      tpu.wait_indirect_dma semaphore(%arg12 : memref<!tpu.dma_semaphore, #tpu.memory_space<semaphore_mem>>) src(%dma_wait3A_498 : memref<20000x128xf32, #tpu.memory_space<hbm>>) dst(%arg9 : memref<125x128xf32, #tpu.memory_space<vmem>>)
      %dma_wait3A_499 = arith.constant 13 : i32
      %dma_wait3A_500 = arith.constant 0 : i32
      %dma_wait3A_501 = tpu.memref_slice %arg8[%select_n3A_61, %dma_wait3A_499, %dma_wait3A_500] : memref<2x16x125xi32, #tpu.memory_space<vmem>> -> memref<1x1x125xi32, #tpu.memory_space<vmem>>
      %dma_wait3A_502 = tpu.memref_squeeze %dma_wait3A_501 : memref<1x1x125xi32, #tpu.memory_space<vmem>> -> memref<125xi32, #tpu.memory_space<vmem>>
      %dma_wait3A_503 = arith.constant 0 : i32
      %dma_wait3A_504 = arith.constant 0 : i32
      %dma_wait3A_505 = tpu.memref_slice %arg11[%dma_wait3A_503, %dma_wait3A_504] : memref<10000x128xf32, #tpu.memory_space<vmem_shared>> -> memref<10000x128xf32, #tpu.memory_space<vmem_shared>>
      tpu.wait_indirect_dma semaphore(%arg15 : memref<!tpu.dma_semaphore, #tpu.memory_space<semaphore_mem>>) src(%arg10 : memref<125x128xf32, #tpu.memory_space<vmem>>) dst(%dma_wait3A_505 : memref<10000x128xf32, #tpu.memory_space<vmem_shared>>)
      %dma_start3A_506 = arith.constant 15 : i32
      %dma_start3A_507 = arith.constant 0 : i32
      %dma_start3A_508 = tpu.memref_slice %arg7[%select_n3A_61, %dma_start3A_506, %dma_start3A_507] : memref<2x16x125xi32, #tpu.memory_space<vmem>> -> memref<1x1x125xi32, #tpu.memory_space<vmem>>
      %dma_start3A_509 = tpu.memref_squeeze %dma_start3A_508 : memref<1x1x125xi32, #tpu.memory_space<vmem>> -> memref<125xi32, #tpu.memory_space<vmem>>
      %dma_start3A_510 = arith.constant 0 : i32
      %dma_start3A_511 = arith.constant 0 : i32
      %dma_start3A_512 = tpu.memref_slice %arg2[%dma_start3A_510, %dma_start3A_511] : memref<20000x128xf32, #tpu.memory_space<hbm>> -> memref<20000x128xf32, #tpu.memory_space<hbm>>
      tpu.enqueue_indirect_dma source(%dma_start3A_512 : memref<20000x128xf32, #tpu.memory_space<hbm>>) target(%arg10 : memref<125x128xf32, #tpu.memory_space<vmem>>) offsets(%dma_start3A_509 : memref<125xi32, #tpu.memory_space<vmem>>) semaphore(%arg13 : memref<!tpu.dma_semaphore, #tpu.memory_space<semaphore_mem>>)
      %dma_start3A_513 = arith.constant 14 : i32
      %dma_start3A_514 = arith.constant 0 : i32
      %dma_start3A_515 = tpu.memref_slice %arg8[%select_n3A_61, %dma_start3A_513, %dma_start3A_514] : memref<2x16x125xi32, #tpu.memory_space<vmem>> -> memref<1x1x125xi32, #tpu.memory_space<vmem>>
      %dma_start3A_516 = tpu.memref_squeeze %dma_start3A_515 : memref<1x1x125xi32, #tpu.memory_space<vmem>> -> memref<125xi32, #tpu.memory_space<vmem>>
      %dma_start3A_517 = arith.constant 0 : i32
      %dma_start3A_518 = arith.constant 0 : i32
      %dma_start3A_519 = tpu.memref_slice %arg11[%dma_start3A_517, %dma_start3A_518] : memref<10000x128xf32, #tpu.memory_space<vmem_shared>> -> memref<10000x128xf32, #tpu.memory_space<vmem_shared>>
      tpu.enqueue_indirect_dma source(%arg9 : memref<125x128xf32, #tpu.memory_space<vmem>>) target(%dma_start3A_519 : memref<10000x128xf32, #tpu.memory_space<vmem_shared>>) offsets(%dma_start3A_516 : memref<125xi32, #tpu.memory_space<vmem>>) semaphore(%arg14 : memref<!tpu.dma_semaphore, #tpu.memory_space<semaphore_mem>>) {add = true}
      %dma_wait3A_520 = arith.constant 15 : i32
      %dma_wait3A_521 = arith.constant 0 : i32
      %dma_wait3A_522 = tpu.memref_slice %arg7[%select_n3A_61, %dma_wait3A_520, %dma_wait3A_521] : memref<2x16x125xi32, #tpu.memory_space<vmem>> -> memref<1x1x125xi32, #tpu.memory_space<vmem>>
      %dma_wait3A_523 = tpu.memref_squeeze %dma_wait3A_522 : memref<1x1x125xi32, #tpu.memory_space<vmem>> -> memref<125xi32, #tpu.memory_space<vmem>>
      %dma_wait3A_524 = arith.constant 0 : i32
      %dma_wait3A_525 = arith.constant 0 : i32
      %dma_wait3A_526 = tpu.memref_slice %arg2[%dma_wait3A_524, %dma_wait3A_525] : memref<20000x128xf32, #tpu.memory_space<hbm>> -> memref<20000x128xf32, #tpu.memory_space<hbm>>
      tpu.wait_indirect_dma semaphore(%arg13 : memref<!tpu.dma_semaphore, #tpu.memory_space<semaphore_mem>>) src(%dma_wait3A_526 : memref<20000x128xf32, #tpu.memory_space<hbm>>) dst(%arg10 : memref<125x128xf32, #tpu.memory_space<vmem>>)
      %dma_start3A_527 = arith.constant 15 : i32
      %dma_start3A_528 = arith.constant 0 : i32
      %dma_start3A_529 = tpu.memref_slice %arg8[%select_n3A_61, %dma_start3A_527, %dma_start3A_528] : memref<2x16x125xi32, #tpu.memory_space<vmem>> -> memref<1x1x125xi32, #tpu.memory_space<vmem>>
      %dma_start3A_530 = tpu.memref_squeeze %dma_start3A_529 : memref<1x1x125xi32, #tpu.memory_space<vmem>> -> memref<125xi32, #tpu.memory_space<vmem>>
      %dma_start3A_531 = arith.constant 0 : i32
      %dma_start3A_532 = arith.constant 0 : i32
      %dma_start3A_533 = tpu.memref_slice %arg11[%dma_start3A_531, %dma_start3A_532] : memref<10000x128xf32, #tpu.memory_space<vmem_shared>> -> memref<10000x128xf32, #tpu.memory_space<vmem_shared>>
      tpu.enqueue_indirect_dma source(%arg10 : memref<125x128xf32, #tpu.memory_space<vmem>>) target(%dma_start3A_533 : memref<10000x128xf32, #tpu.memory_space<vmem_shared>>) offsets(%dma_start3A_530 : memref<125xi32, #tpu.memory_space<vmem>>) semaphore(%arg15 : memref<!tpu.dma_semaphore, #tpu.memory_space<semaphore_mem>>) {add = true}
      %dma_wait3A_534 = arith.constant 14 : i32
      %dma_wait3A_535 = arith.constant 0 : i32
      %dma_wait3A_536 = tpu.memref_slice %arg8[%select_n3A_61, %dma_wait3A_534, %dma_wait3A_535] : memref<2x16x125xi32, #tpu.memory_space<vmem>> -> memref<1x1x125xi32, #tpu.memory_space<vmem>>
      %dma_wait3A_537 = tpu.memref_squeeze %dma_wait3A_536 : memref<1x1x125xi32, #tpu.memory_space<vmem>> -> memref<125xi32, #tpu.memory_space<vmem>>
      %dma_wait3A_538 = arith.constant 0 : i32
      %dma_wait3A_539 = arith.constant 0 : i32
      %dma_wait3A_540 = tpu.memref_slice %arg11[%dma_wait3A_538, %dma_wait3A_539] : memref<10000x128xf32, #tpu.memory_space<vmem_shared>> -> memref<10000x128xf32, #tpu.memory_space<vmem_shared>>
      tpu.wait_indirect_dma semaphore(%arg14 : memref<!tpu.dma_semaphore, #tpu.memory_space<semaphore_mem>>) src(%arg9 : memref<125x128xf32, #tpu.memory_space<vmem>>) dst(%dma_wait3A_540 : memref<10000x128xf32, #tpu.memory_space<vmem_shared>>)
      %dma_wait3A_541 = arith.constant 15 : i32
      %dma_wait3A_542 = arith.constant 0 : i32
      %dma_wait3A_543 = tpu.memref_slice %arg8[%select_n3A_61, %dma_wait3A_541, %dma_wait3A_542] : memref<2x16x125xi32, #tpu.memory_space<vmem>> -> memref<1x1x125xi32, #tpu.memory_space<vmem>>
      %dma_wait3A_544 = tpu.memref_squeeze %dma_wait3A_543 : memref<1x1x125xi32, #tpu.memory_space<vmem>> -> memref<125xi32, #tpu.memory_space<vmem>>
      %dma_wait3A_545 = arith.constant 0 : i32
      %dma_wait3A_546 = arith.constant 0 : i32
      %dma_wait3A_547 = tpu.memref_slice %arg11[%dma_wait3A_545, %dma_wait3A_546] : memref<10000x128xf32, #tpu.memory_space<vmem_shared>> -> memref<10000x128xf32, #tpu.memory_space<vmem_shared>>
      tpu.wait_indirect_dma semaphore(%arg15 : memref<!tpu.dma_semaphore, #tpu.memory_space<semaphore_mem>>) src(%arg10 : memref<125x128xf32, #tpu.memory_space<vmem>>) dst(%dma_wait3A_547 : memref<10000x128xf32, #tpu.memory_space<vmem_shared>>)
    }
    %scan3A_42 = arith.constant 10 : i32
    %barrier3A_43 = arith.constant 0 : index
    tpu.barrier barrier_id(%barrier3A_43)
    %mul3A_44 = arith.constant 10000 : i32
    %mul3A_45 = arith.muli %arg0, %mul3A_44 : i32
    %add3A = arith.addi %mul3A_45, %mul3A_0 : i32
    "tpu.region"() ({
      %run_scoped3A = tpu.sem_alloc : memref<!tpu.dma_semaphore, #tpu.memory_space<semaphore_mem>>
      %dma_start3A_51 = arith.constant 0 : i32
      %dma_start3A_52 = tpu.memref_slice %arg6[%add3A, %dma_start3A_51] : memref<20000x128xf32, #tpu.memory_space<hbm>> -> memref<624x128xf32, #tpu.memory_space<hbm>>
      %dma_start3A_53 = arith.constant 0 : i32
      %dma_start3A_54 = tpu.memref_slice %arg11[%mul3A_0, %dma_start3A_53] : memref<10000x128xf32, #tpu.memory_space<vmem_shared>> -> memref<624x128xf32, #tpu.memory_space<vmem_shared>>
      tpu.enqueue_dma source(%dma_start3A_54 : memref<624x128xf32, #tpu.memory_space<vmem_shared>>) target(%dma_start3A_52 : memref<624x128xf32, #tpu.memory_space<hbm>>) target_semaphore(%run_scoped3A : memref<!tpu.dma_semaphore, #tpu.memory_space<semaphore_mem>>)
      %dma_wait3A = arith.constant 0 : i32
      %dma_wait3A_55 = tpu.memref_slice %arg6[%add3A, %dma_wait3A] : memref<20000x128xf32, #tpu.memory_space<hbm>> -> memref<624x128xf32, #tpu.memory_space<hbm>>
      %dma_wait3A_56 = arith.constant 0 : i32
      %dma_wait3A_57 = tpu.memref_slice %arg11[%mul3A_0, %dma_wait3A_56] : memref<10000x128xf32, #tpu.memory_space<vmem_shared>> -> memref<624x128xf32, #tpu.memory_space<vmem_shared>>
      tpu.wait_dma2 semaphore(%run_scoped3A : memref<!tpu.dma_semaphore, #tpu.memory_space<semaphore_mem>>) src(%dma_wait3A_57 : memref<624x128xf32, #tpu.memory_space<vmem_shared>>) dst(%dma_wait3A_55 : memref<624x128xf32, #tpu.memory_space<hbm>>)
      tpu.yield
    }) : () -> ()
    %eq3A_46 = arith.constant 15 : i32
    %eq3A_47 = arith.cmpi eq, %arg1, %eq3A_46 : i32
    %convert_element_type3A_48 = arith.extui %eq3A_47 : i1 to i32
    %cond3A_49 = arith.constant 0 : i32
    %cond3A_50 = arith.cmpi ne, %convert_element_type3A_48, %cond3A_49 : i32
    scf.if %cond3A_50 {
      %mul3A_51 = arith.constant 10000 : i32
      %mul3A_52 = arith.muli %arg0, %mul3A_51 : i32
      %add3A_53 = arith.constant 9984 : i32
      %add3A_54 = arith.addi %mul3A_52, %add3A_53 : i32
      "tpu.region"() ({
        %run_scoped3A = tpu.sem_alloc : memref<!tpu.dma_semaphore, #tpu.memory_space<semaphore_mem>>
        %dma_start3A_55 = arith.constant 0 : i32
        %dma_start3A_56 = tpu.memref_slice %arg6[%add3A_54, %dma_start3A_55] : memref<20000x128xf32, #tpu.memory_space<hbm>> -> memref<16x128xf32, #tpu.memory_space<hbm>>
        %dma_start3A_57 = arith.constant 9984 : i32
        %dma_start3A_58 = arith.constant 0 : i32
        %dma_start3A_59 = tpu.memref_slice %arg11[%dma_start3A_57, %dma_start3A_58] : memref<10000x128xf32, #tpu.memory_space<vmem_shared>> -> memref<16x128xf32, #tpu.memory_space<vmem_shared>>
        tpu.enqueue_dma source(%dma_start3A_59 : memref<16x128xf32, #tpu.memory_space<vmem_shared>>) target(%dma_start3A_56 : memref<16x128xf32, #tpu.memory_space<hbm>>) target_semaphore(%run_scoped3A : memref<!tpu.dma_semaphore, #tpu.memory_space<semaphore_mem>>)
        %dma_wait3A = arith.constant 0 : i32
        %dma_wait3A_60 = tpu.memref_slice %arg6[%add3A_54, %dma_wait3A] : memref<20000x128xf32, #tpu.memory_space<hbm>> -> memref<16x128xf32, #tpu.memory_space<hbm>>
        %dma_wait3A_61 = arith.constant 9984 : i32
        %dma_wait3A_62 = arith.constant 0 : i32
        %dma_wait3A_63 = tpu.memref_slice %arg11[%dma_wait3A_61, %dma_wait3A_62] : memref<10000x128xf32, #tpu.memory_space<vmem_shared>> -> memref<16x128xf32, #tpu.memory_space<vmem_shared>>
        tpu.wait_dma2 semaphore(%run_scoped3A : memref<!tpu.dma_semaphore, #tpu.memory_space<semaphore_mem>>) src(%dma_wait3A_63 : memref<16x128xf32, #tpu.memory_space<vmem_shared>>) dst(%dma_wait3A_60 : memref<16x128xf32, #tpu.memory_space<hbm>>)
        tpu.yield
      }) : () -> ()
    } else {
    }
    return
  }
}

#map = affine_map<(d0, d1) -> (0, 0)>
#map1 = affine_map<(d0, d1) -> (0, 0, 0, 0, 0)>
module attributes {stable_mosaic.version = 14 : i64} {
  func.func @edge_agg(%arg0: i32, %arg1: i32, %arg2: memref<20000x64xf32, #tpu.memory_space<hbm>>, %arg3: memref<2x16x5x32x125xi32, #tpu.memory_space<hbm>>, %arg4: memref<2x16x5x32x125xi32, #tpu.memory_space<hbm>>, %arg5: memref<624x64xf32, #tpu.memory_space<hbm>>, %arg6: memref<20000x64xf32, #tpu.memory_space<hbm>>, %arg7: memref<2x32x125xi32, #tpu.memory_space<vmem>>, %arg8: memref<2x32x125xi32, #tpu.memory_space<vmem>>, %arg9: memref<125x64xf32, #tpu.memory_space<vmem>>, %arg10: memref<125x64xf32, #tpu.memory_space<vmem>>, %arg11: memref<125x64xf32, #tpu.memory_space<vmem>>, %arg12: memref<125x64xf32, #tpu.memory_space<vmem>>, %arg13: memref<10000x64xf32, #tpu.memory_space<vmem_shared>>, %arg14: memref<!tpu.dma_semaphore, #tpu.memory_space<semaphore_mem>>, %arg15: memref<!tpu.dma_semaphore, #tpu.memory_space<semaphore_mem>>, %arg16: memref<!tpu.dma_semaphore, #tpu.memory_space<semaphore_mem>>, %arg17: memref<!tpu.dma_semaphore, #tpu.memory_space<semaphore_mem>>, %arg18: memref<!tpu.dma_semaphore, #tpu.memory_space<semaphore_mem>>, %arg19: memref<!tpu.dma_semaphore, #tpu.memory_space<semaphore_mem>>, %arg20: memref<!tpu.dma_semaphore, #tpu.memory_space<semaphore_mem>>, %arg21: memref<!tpu.dma_semaphore, #tpu.memory_space<semaphore_mem>>, %arg22: memref<!tpu.dma_semaphore, #tpu.memory_space<semaphore_mem>>) attributes {dimension_semantics = [#tpu.dimension_semantics<core_parallel>, #tpu.dimension_semantics<subcore_parallel>], iteration_bounds = array<i64: 2, 16>, scalar_prefetch = 0 : i64, scratch_operands = 16 : i64, tpu.core_type = #tpu.core_type<sc_vector_subcore>, window_params = [{transform_indices = #map}, {transform_indices = #map1}, {transform_indices = #map1}, {transform_indices = #map}, {transform_indices = #map}]} {
    %mul3A = arith.constant 624 : i32
    %mul3A_0 = arith.muli %arg1, %mul3A : i32
    "tpu.region"() ({
      %run_scoped3A = tpu.sem_alloc : memref<!tpu.dma_semaphore, #tpu.memory_space<semaphore_mem>>
      %dma_start3A_51 = arith.constant 0 : i32
      %dma_start3A_52 = tpu.memref_slice %arg13[%mul3A_0, %dma_start3A_51] : memref<10000x64xf32, #tpu.memory_space<vmem_shared>> -> memref<624x64xf32, #tpu.memory_space<vmem_shared>>
      tpu.enqueue_dma source(%arg5 : memref<624x64xf32, #tpu.memory_space<hbm>>) target(%dma_start3A_52 : memref<624x64xf32, #tpu.memory_space<vmem_shared>>) target_semaphore(%run_scoped3A : memref<!tpu.dma_semaphore, #tpu.memory_space<semaphore_mem>>)
      %dma_wait3A = arith.constant 0 : i32
      %dma_wait3A_53 = tpu.memref_slice %arg13[%mul3A_0, %dma_wait3A] : memref<10000x64xf32, #tpu.memory_space<vmem_shared>> -> memref<624x64xf32, #tpu.memory_space<vmem_shared>>
      tpu.wait_dma2 semaphore(%run_scoped3A : memref<!tpu.dma_semaphore, #tpu.memory_space<semaphore_mem>>) src(%arg5 : memref<624x64xf32, #tpu.memory_space<hbm>>) dst(%dma_wait3A_53 : memref<624x64xf32, #tpu.memory_space<vmem_shared>>)
      tpu.yield
    }) : () -> ()
    %eq3A = arith.constant 15 : i32
    %eq3A_1 = arith.cmpi eq, %arg1, %eq3A : i32
    %convert_element_type3A = arith.extui %eq3A_1 : i1 to i32
    %cond3A = arith.constant 0 : i32
    %cond3A_2 = arith.cmpi ne, %convert_element_type3A, %cond3A : i32
    scf.if %cond3A_2 {
      "tpu.region"() ({
        %run_scoped3A = tpu.sem_alloc : memref<!tpu.dma_semaphore, #tpu.memory_space<semaphore_mem>>
        %dma_start3A_51 = arith.constant 9984 : i32
        %dma_start3A_52 = arith.constant 0 : i32
        %dma_start3A_53 = tpu.memref_slice %arg13[%dma_start3A_51, %dma_start3A_52] : memref<10000x64xf32, #tpu.memory_space<vmem_shared>> -> memref<16x64xf32, #tpu.memory_space<vmem_shared>>
        %dma_start3A_54 = arith.constant 0 : i32
        %dma_start3A_55 = arith.constant 0 : i32
        %dma_start3A_56 = tpu.memref_slice %arg5[%dma_start3A_54, %dma_start3A_55] : memref<624x64xf32, #tpu.memory_space<hbm>> -> memref<16x64xf32, #tpu.memory_space<hbm>>
        tpu.enqueue_dma source(%dma_start3A_56 : memref<16x64xf32, #tpu.memory_space<hbm>>) target(%dma_start3A_53 : memref<16x64xf32, #tpu.memory_space<vmem_shared>>) target_semaphore(%run_scoped3A : memref<!tpu.dma_semaphore, #tpu.memory_space<semaphore_mem>>)
        %dma_wait3A = arith.constant 9984 : i32
        %dma_wait3A_57 = arith.constant 0 : i32
        %dma_wait3A_58 = tpu.memref_slice %arg13[%dma_wait3A, %dma_wait3A_57] : memref<10000x64xf32, #tpu.memory_space<vmem_shared>> -> memref<16x64xf32, #tpu.memory_space<vmem_shared>>
        %dma_wait3A_59 = arith.constant 0 : i32
        %dma_wait3A_60 = arith.constant 0 : i32
        %dma_wait3A_61 = tpu.memref_slice %arg5[%dma_wait3A_59, %dma_wait3A_60] : memref<624x64xf32, #tpu.memory_space<hbm>> -> memref<16x64xf32, #tpu.memory_space<hbm>>
        tpu.wait_dma2 semaphore(%run_scoped3A : memref<!tpu.dma_semaphore, #tpu.memory_space<semaphore_mem>>) src(%dma_wait3A_61 : memref<16x64xf32, #tpu.memory_space<hbm>>) dst(%dma_wait3A_58 : memref<16x64xf32, #tpu.memory_space<vmem_shared>>)
        tpu.yield
      }) : () -> ()
    } else {
    }
    %barrier3A = arith.constant 0 : index
    tpu.barrier barrier_id(%barrier3A)
    %dma_start3A = arith.constant 0 : i32
    %dma_start3A_3 = arith.constant 0 : i32
    %dma_start3A_4 = arith.constant 0 : i32
    %dma_start3A_5 = arith.constant 0 : i32
    %dma_start3A_6 = tpu.memref_slice %arg7[%dma_start3A_3, %dma_start3A_4, %dma_start3A_5] : memref<2x32x125xi32, #tpu.memory_space<vmem>> -> memref<1x32x125xi32, #tpu.memory_space<vmem>>
    %dma_start3A_7 = tpu.memref_squeeze %dma_start3A_6 : memref<1x32x125xi32, #tpu.memory_space<vmem>> -> memref<32x125xi32, #tpu.memory_space<vmem>>
    %dma_start3A_8 = arith.constant 0 : i32
    %dma_start3A_9 = arith.constant 0 : i32
    %dma_start3A_10 = tpu.memref_slice %arg3[%arg0, %arg1, %dma_start3A, %dma_start3A_8, %dma_start3A_9] : memref<2x16x5x32x125xi32, #tpu.memory_space<hbm>> -> memref<1x1x1x32x125xi32, #tpu.memory_space<hbm>>
    %dma_start3A_11 = tpu.memref_squeeze %dma_start3A_10 : memref<1x1x1x32x125xi32, #tpu.memory_space<hbm>> -> memref<32x125xi32, #tpu.memory_space<hbm>>
    %dma_start3A_12 = arith.constant 0 : i32
    %dma_start3A_13 = arith.constant 0 : i32
    %dma_start3A_14 = tpu.memref_slice %arg7[%dma_start3A_3, %dma_start3A_12, %dma_start3A_13] : memref<2x32x125xi32, #tpu.memory_space<vmem>> -> memref<1x32x125xi32, #tpu.memory_space<vmem>>
    %dma_start3A_15 = tpu.memref_squeeze %dma_start3A_14 : memref<1x32x125xi32, #tpu.memory_space<vmem>> -> memref<32x125xi32, #tpu.memory_space<vmem>>
    %dma_start3A_16 = arith.constant 0 : i32
    %dma_start3A_17 = arith.constant 0 : i32
    %dma_start3A_18 = tpu.memref_slice %arg3[%arg0, %arg1, %dma_start3A, %dma_start3A_16, %dma_start3A_17] : memref<2x16x5x32x125xi32, #tpu.memory_space<hbm>> -> memref<1x1x1x32x125xi32, #tpu.memory_space<hbm>>
    %dma_start3A_19 = tpu.memref_squeeze %dma_start3A_18 : memref<1x1x1x32x125xi32, #tpu.memory_space<hbm>> -> memref<32x125xi32, #tpu.memory_space<hbm>>
    tpu.enqueue_dma source(%dma_start3A_19 : memref<32x125xi32, #tpu.memory_space<hbm>>) target(%dma_start3A_15 : memref<32x125xi32, #tpu.memory_space<vmem>>) target_semaphore(%arg22 : memref<!tpu.dma_semaphore, #tpu.memory_space<semaphore_mem>>)
    %dma_start3A_20 = arith.constant 0 : i32
    %dma_start3A_21 = arith.constant 0 : i32
    %dma_start3A_22 = arith.constant 0 : i32
    %dma_start3A_23 = arith.constant 0 : i32
    %dma_start3A_24 = tpu.memref_slice %arg8[%dma_start3A_21, %dma_start3A_22, %dma_start3A_23] : memref<2x32x125xi32, #tpu.memory_space<vmem>> -> memref<1x32x125xi32, #tpu.memory_space<vmem>>
    %dma_start3A_25 = tpu.memref_squeeze %dma_start3A_24 : memref<1x32x125xi32, #tpu.memory_space<vmem>> -> memref<32x125xi32, #tpu.memory_space<vmem>>
    %dma_start3A_26 = arith.constant 0 : i32
    %dma_start3A_27 = arith.constant 0 : i32
    %dma_start3A_28 = tpu.memref_slice %arg4[%arg0, %arg1, %dma_start3A_20, %dma_start3A_26, %dma_start3A_27] : memref<2x16x5x32x125xi32, #tpu.memory_space<hbm>> -> memref<1x1x1x32x125xi32, #tpu.memory_space<hbm>>
    %dma_start3A_29 = tpu.memref_squeeze %dma_start3A_28 : memref<1x1x1x32x125xi32, #tpu.memory_space<hbm>> -> memref<32x125xi32, #tpu.memory_space<hbm>>
    %dma_start3A_30 = arith.constant 0 : i32
    %dma_start3A_31 = arith.constant 0 : i32
    %dma_start3A_32 = tpu.memref_slice %arg8[%dma_start3A_21, %dma_start3A_30, %dma_start3A_31] : memref<2x32x125xi32, #tpu.memory_space<vmem>> -> memref<1x32x125xi32, #tpu.memory_space<vmem>>
    %dma_start3A_33 = tpu.memref_squeeze %dma_start3A_32 : memref<1x32x125xi32, #tpu.memory_space<vmem>> -> memref<32x125xi32, #tpu.memory_space<vmem>>
    %dma_start3A_34 = arith.constant 0 : i32
    %dma_start3A_35 = arith.constant 0 : i32
    %dma_start3A_36 = tpu.memref_slice %arg4[%arg0, %arg1, %dma_start3A_20, %dma_start3A_34, %dma_start3A_35] : memref<2x16x5x32x125xi32, #tpu.memory_space<hbm>> -> memref<1x1x1x32x125xi32, #tpu.memory_space<hbm>>
    %dma_start3A_37 = tpu.memref_squeeze %dma_start3A_36 : memref<1x1x1x32x125xi32, #tpu.memory_space<hbm>> -> memref<32x125xi32, #tpu.memory_space<hbm>>
    tpu.enqueue_dma source(%dma_start3A_37 : memref<32x125xi32, #tpu.memory_space<hbm>>) target(%dma_start3A_33 : memref<32x125xi32, #tpu.memory_space<vmem>>) target_semaphore(%arg22 : memref<!tpu.dma_semaphore, #tpu.memory_space<semaphore_mem>>)
    %scan3A = arith.constant 0 : i32
    %scan3A_38 = arith.constant 0 : i32
    %scan3A_39 = arith.constant 5 : i32
    %scan3A_40 = arith.addi %scan3A_38, %scan3A_39 : i32
    %scan3A_41 = arith.constant 1 : i32
    scf.for %scan3A_51 = %scan3A_38 to %scan3A_40 step %scan3A_41  : i32 {
      %jit3A = arith.constant 2 : i32
      %eq3A_52 = arith.constant 0 : i32
      %eq3A_53 = arith.cmpi eq, %jit3A, %eq3A_52 : i32
      %jit3A_54 = arith.constant 1 : i32
      %select_n3A = arith.select %eq3A_53, %jit3A_54, %jit3A : i32
      %rem3A = arith.remsi %scan3A_51, %select_n3A : i32
      %ne3A = arith.constant 0 : i32
      %ne3A_55 = arith.cmpi ne, %rem3A, %ne3A : i32
      %lt3A = arith.constant 0 : i32
      %lt3A_56 = arith.cmpi slt, %rem3A, %lt3A : i32
      %lt3A_57 = arith.constant 0 : i32
      %lt3A_58 = arith.cmpi slt, %select_n3A, %lt3A_57 : i32
      %ne3A_59 = arith.xori %lt3A_56, %lt3A_58 : i1
      %and3A = arith.andi %ne3A_59, %ne3A_55 : i1
      %add3A_60 = arith.addi %rem3A, %select_n3A : i32
      %select_n3A_61 = arith.select %and3A, %add3A_60, %rem3A : i32
      %dma_wait3A = arith.constant 0 : i32
      %dma_wait3A_62 = arith.constant 0 : i32
      %dma_wait3A_63 = tpu.memref_slice %arg7[%select_n3A_61, %dma_wait3A, %dma_wait3A_62] : memref<2x32x125xi32, #tpu.memory_space<vmem>> -> memref<1x32x125xi32, #tpu.memory_space<vmem>>
      %dma_wait3A_64 = tpu.memref_squeeze %dma_wait3A_63 : memref<1x32x125xi32, #tpu.memory_space<vmem>> -> memref<32x125xi32, #tpu.memory_space<vmem>>
      %dma_wait3A_65 = arith.constant 0 : i32
      %dma_wait3A_66 = arith.constant 0 : i32
      %dma_wait3A_67 = tpu.memref_slice %arg3[%arg0, %arg1, %scan3A_51, %dma_wait3A_65, %dma_wait3A_66] : memref<2x16x5x32x125xi32, #tpu.memory_space<hbm>> -> memref<1x1x1x32x125xi32, #tpu.memory_space<hbm>>
      %dma_wait3A_68 = tpu.memref_squeeze %dma_wait3A_67 : memref<1x1x1x32x125xi32, #tpu.memory_space<hbm>> -> memref<32x125xi32, #tpu.memory_space<hbm>>
      %dma_wait3A_69 = arith.constant 0 : i32
      %dma_wait3A_70 = arith.constant 0 : i32
      %dma_wait3A_71 = tpu.memref_slice %arg7[%select_n3A_61, %dma_wait3A_69, %dma_wait3A_70] : memref<2x32x125xi32, #tpu.memory_space<vmem>> -> memref<1x32x125xi32, #tpu.memory_space<vmem>>
      %dma_wait3A_72 = tpu.memref_squeeze %dma_wait3A_71 : memref<1x32x125xi32, #tpu.memory_space<vmem>> -> memref<32x125xi32, #tpu.memory_space<vmem>>
      %dma_wait3A_73 = arith.constant 0 : i32
      %dma_wait3A_74 = arith.constant 0 : i32
      %dma_wait3A_75 = tpu.memref_slice %arg3[%arg0, %arg1, %scan3A_51, %dma_wait3A_73, %dma_wait3A_74] : memref<2x16x5x32x125xi32, #tpu.memory_space<hbm>> -> memref<1x1x1x32x125xi32, #tpu.memory_space<hbm>>
      %dma_wait3A_76 = tpu.memref_squeeze %dma_wait3A_75 : memref<1x1x1x32x125xi32, #tpu.memory_space<hbm>> -> memref<32x125xi32, #tpu.memory_space<hbm>>
      tpu.wait_dma2 semaphore(%arg22 : memref<!tpu.dma_semaphore, #tpu.memory_space<semaphore_mem>>) src(%dma_wait3A_76 : memref<32x125xi32, #tpu.memory_space<hbm>>) dst(%dma_wait3A_72 : memref<32x125xi32, #tpu.memory_space<vmem>>)
      %dma_wait3A_77 = arith.constant 0 : i32
      %dma_wait3A_78 = arith.constant 0 : i32
      %dma_wait3A_79 = tpu.memref_slice %arg8[%select_n3A_61, %dma_wait3A_77, %dma_wait3A_78] : memref<2x32x125xi32, #tpu.memory_space<vmem>> -> memref<1x32x125xi32, #tpu.memory_space<vmem>>
      %dma_wait3A_80 = tpu.memref_squeeze %dma_wait3A_79 : memref<1x32x125xi32, #tpu.memory_space<vmem>> -> memref<32x125xi32, #tpu.memory_space<vmem>>
      %dma_wait3A_81 = arith.constant 0 : i32
      %dma_wait3A_82 = arith.constant 0 : i32
      %dma_wait3A_83 = tpu.memref_slice %arg4[%arg0, %arg1, %scan3A_51, %dma_wait3A_81, %dma_wait3A_82] : memref<2x16x5x32x125xi32, #tpu.memory_space<hbm>> -> memref<1x1x1x32x125xi32, #tpu.memory_space<hbm>>
      %dma_wait3A_84 = tpu.memref_squeeze %dma_wait3A_83 : memref<1x1x1x32x125xi32, #tpu.memory_space<hbm>> -> memref<32x125xi32, #tpu.memory_space<hbm>>
      %dma_wait3A_85 = arith.constant 0 : i32
      %dma_wait3A_86 = arith.constant 0 : i32
      %dma_wait3A_87 = tpu.memref_slice %arg8[%select_n3A_61, %dma_wait3A_85, %dma_wait3A_86] : memref<2x32x125xi32, #tpu.memory_space<vmem>> -> memref<1x32x125xi32, #tpu.memory_space<vmem>>
      %dma_wait3A_88 = tpu.memref_squeeze %dma_wait3A_87 : memref<1x32x125xi32, #tpu.memory_space<vmem>> -> memref<32x125xi32, #tpu.memory_space<vmem>>
      %dma_wait3A_89 = arith.constant 0 : i32
      %dma_wait3A_90 = arith.constant 0 : i32
      %dma_wait3A_91 = tpu.memref_slice %arg4[%arg0, %arg1, %scan3A_51, %dma_wait3A_89, %dma_wait3A_90] : memref<2x16x5x32x125xi32, #tpu.memory_space<hbm>> -> memref<1x1x1x32x125xi32, #tpu.memory_space<hbm>>
      %dma_wait3A_92 = tpu.memref_squeeze %dma_wait3A_91 : memref<1x1x1x32x125xi32, #tpu.memory_space<hbm>> -> memref<32x125xi32, #tpu.memory_space<hbm>>
      tpu.wait_dma2 semaphore(%arg22 : memref<!tpu.dma_semaphore, #tpu.memory_space<semaphore_mem>>) src(%dma_wait3A_92 : memref<32x125xi32, #tpu.memory_space<hbm>>) dst(%dma_wait3A_88 : memref<32x125xi32, #tpu.memory_space<vmem>>)
      %add3A_93 = arith.constant 1 : i32
      %add3A_94 = arith.addi %scan3A_51, %add3A_93 : i32
      %lt3A_95 = arith.constant 5 : i32
      %lt3A_96 = arith.cmpi slt, %add3A_94, %lt3A_95 : i32
      %convert_element_type3A_97 = arith.extui %lt3A_96 : i1 to i32
      %cond3A_98 = arith.constant 0 : i32
      %cond3A_99 = arith.cmpi ne, %convert_element_type3A_97, %cond3A_98 : i32
      scf.if %cond3A_99 {
        %add3A_996 = arith.constant 1 : i32
        %add3A_997 = arith.addi %scan3A_51, %add3A_996 : i32
        %sub3A = arith.constant 1 : i32
        %sub3A_998 = arith.subi %sub3A, %select_n3A_61 : i32
        %dma_start3A_999 = arith.constant 0 : i32
        %dma_start3A_1000 = arith.constant 0 : i32
        %dma_start3A_1001 = tpu.memref_slice %arg7[%sub3A_998, %dma_start3A_999, %dma_start3A_1000] : memref<2x32x125xi32, #tpu.memory_space<vmem>> -> memref<1x32x125xi32, #tpu.memory_space<vmem>>
        %dma_start3A_1002 = tpu.memref_squeeze %dma_start3A_1001 : memref<1x32x125xi32, #tpu.memory_space<vmem>> -> memref<32x125xi32, #tpu.memory_space<vmem>>
        %dma_start3A_1003 = arith.constant 0 : i32
        %dma_start3A_1004 = arith.constant 0 : i32
        %dma_start3A_1005 = tpu.memref_slice %arg3[%arg0, %arg1, %add3A_997, %dma_start3A_1003, %dma_start3A_1004] : memref<2x16x5x32x125xi32, #tpu.memory_space<hbm>> -> memref<1x1x1x32x125xi32, #tpu.memory_space<hbm>>
        %dma_start3A_1006 = tpu.memref_squeeze %dma_start3A_1005 : memref<1x1x1x32x125xi32, #tpu.memory_space<hbm>> -> memref<32x125xi32, #tpu.memory_space<hbm>>
        %dma_start3A_1007 = arith.constant 0 : i32
        %dma_start3A_1008 = arith.constant 0 : i32
        %dma_start3A_1009 = tpu.memref_slice %arg7[%sub3A_998, %dma_start3A_1007, %dma_start3A_1008] : memref<2x32x125xi32, #tpu.memory_space<vmem>> -> memref<1x32x125xi32, #tpu.memory_space<vmem>>
        %dma_start3A_1010 = tpu.memref_squeeze %dma_start3A_1009 : memref<1x32x125xi32, #tpu.memory_space<vmem>> -> memref<32x125xi32, #tpu.memory_space<vmem>>
        %dma_start3A_1011 = arith.constant 0 : i32
        %dma_start3A_1012 = arith.constant 0 : i32
        %dma_start3A_1013 = tpu.memref_slice %arg3[%arg0, %arg1, %add3A_997, %dma_start3A_1011, %dma_start3A_1012] : memref<2x16x5x32x125xi32, #tpu.memory_space<hbm>> -> memref<1x1x1x32x125xi32, #tpu.memory_space<hbm>>
        %dma_start3A_1014 = tpu.memref_squeeze %dma_start3A_1013 : memref<1x1x1x32x125xi32, #tpu.memory_space<hbm>> -> memref<32x125xi32, #tpu.memory_space<hbm>>
        tpu.enqueue_dma source(%dma_start3A_1014 : memref<32x125xi32, #tpu.memory_space<hbm>>) target(%dma_start3A_1010 : memref<32x125xi32, #tpu.memory_space<vmem>>) target_semaphore(%arg22 : memref<!tpu.dma_semaphore, #tpu.memory_space<semaphore_mem>>)
        %add3A_1015 = arith.constant 1 : i32
        %add3A_1016 = arith.addi %scan3A_51, %add3A_1015 : i32
        %sub3A_1017 = arith.constant 1 : i32
        %sub3A_1018 = arith.subi %sub3A_1017, %select_n3A_61 : i32
        %dma_start3A_1019 = arith.constant 0 : i32
        %dma_start3A_1020 = arith.constant 0 : i32
        %dma_start3A_1021 = tpu.memref_slice %arg8[%sub3A_1018, %dma_start3A_1019, %dma_start3A_1020] : memref<2x32x125xi32, #tpu.memory_space<vmem>> -> memref<1x32x125xi32, #tpu.memory_space<vmem>>
        %dma_start3A_1022 = tpu.memref_squeeze %dma_start3A_1021 : memref<1x32x125xi32, #tpu.memory_space<vmem>> -> memref<32x125xi32, #tpu.memory_space<vmem>>
        %dma_start3A_1023 = arith.constant 0 : i32
        %dma_start3A_1024 = arith.constant 0 : i32
        %dma_start3A_1025 = tpu.memref_slice %arg4[%arg0, %arg1, %add3A_1016, %dma_start3A_1023, %dma_start3A_1024] : memref<2x16x5x32x125xi32, #tpu.memory_space<hbm>> -> memref<1x1x1x32x125xi32, #tpu.memory_space<hbm>>
        %dma_start3A_1026 = tpu.memref_squeeze %dma_start3A_1025 : memref<1x1x1x32x125xi32, #tpu.memory_space<hbm>> -> memref<32x125xi32, #tpu.memory_space<hbm>>
        %dma_start3A_1027 = arith.constant 0 : i32
        %dma_start3A_1028 = arith.constant 0 : i32
        %dma_start3A_1029 = tpu.memref_slice %arg8[%sub3A_1018, %dma_start3A_1027, %dma_start3A_1028] : memref<2x32x125xi32, #tpu.memory_space<vmem>> -> memref<1x32x125xi32, #tpu.memory_space<vmem>>
        %dma_start3A_1030 = tpu.memref_squeeze %dma_start3A_1029 : memref<1x32x125xi32, #tpu.memory_space<vmem>> -> memref<32x125xi32, #tpu.memory_space<vmem>>
        %dma_start3A_1031 = arith.constant 0 : i32
        %dma_start3A_1032 = arith.constant 0 : i32
        %dma_start3A_1033 = tpu.memref_slice %arg4[%arg0, %arg1, %add3A_1016, %dma_start3A_1031, %dma_start3A_1032] : memref<2x16x5x32x125xi32, #tpu.memory_space<hbm>> -> memref<1x1x1x32x125xi32, #tpu.memory_space<hbm>>
        %dma_start3A_1034 = tpu.memref_squeeze %dma_start3A_1033 : memref<1x1x1x32x125xi32, #tpu.memory_space<hbm>> -> memref<32x125xi32, #tpu.memory_space<hbm>>
        tpu.enqueue_dma source(%dma_start3A_1034 : memref<32x125xi32, #tpu.memory_space<hbm>>) target(%dma_start3A_1030 : memref<32x125xi32, #tpu.memory_space<vmem>>) target_semaphore(%arg22 : memref<!tpu.dma_semaphore, #tpu.memory_space<semaphore_mem>>)
      } else {
      }
      %dma_start3A_100 = arith.constant 0 : i32
      %dma_start3A_101 = arith.constant 0 : i32
      %dma_start3A_102 = tpu.memref_slice %arg7[%select_n3A_61, %dma_start3A_100, %dma_start3A_101] : memref<2x32x125xi32, #tpu.memory_space<vmem>> -> memref<1x1x125xi32, #tpu.memory_space<vmem>>
      %dma_start3A_103 = tpu.memref_squeeze %dma_start3A_102 : memref<1x1x125xi32, #tpu.memory_space<vmem>> -> memref<125xi32, #tpu.memory_space<vmem>>
      %dma_start3A_104 = arith.constant 0 : i32
      %dma_start3A_105 = arith.constant 0 : i32
      %dma_start3A_106 = tpu.memref_slice %arg2[%dma_start3A_104, %dma_start3A_105] : memref<20000x64xf32, #tpu.memory_space<hbm>> -> memref<20000x64xf32, #tpu.memory_space<hbm>>
      tpu.enqueue_indirect_dma source(%dma_start3A_106 : memref<20000x64xf32, #tpu.memory_space<hbm>>) target(%arg9 : memref<125x64xf32, #tpu.memory_space<vmem>>) offsets(%dma_start3A_103 : memref<125xi32, #tpu.memory_space<vmem>>) semaphore(%arg14 : memref<!tpu.dma_semaphore, #tpu.memory_space<semaphore_mem>>)
      %dma_wait3A_107 = arith.constant 0 : i32
      %dma_wait3A_108 = arith.constant 0 : i32
      %dma_wait3A_109 = tpu.memref_slice %arg7[%select_n3A_61, %dma_wait3A_107, %dma_wait3A_108] : memref<2x32x125xi32, #tpu.memory_space<vmem>> -> memref<1x1x125xi32, #tpu.memory_space<vmem>>
      %dma_wait3A_110 = tpu.memref_squeeze %dma_wait3A_109 : memref<1x1x125xi32, #tpu.memory_space<vmem>> -> memref<125xi32, #tpu.memory_space<vmem>>
      %dma_wait3A_111 = arith.constant 0 : i32
      %dma_wait3A_112 = arith.constant 0 : i32
      %dma_wait3A_113 = tpu.memref_slice %arg2[%dma_wait3A_111, %dma_wait3A_112] : memref<20000x64xf32, #tpu.memory_space<hbm>> -> memref<20000x64xf32, #tpu.memory_space<hbm>>
      tpu.wait_indirect_dma semaphore(%arg14 : memref<!tpu.dma_semaphore, #tpu.memory_space<semaphore_mem>>) src(%dma_wait3A_113 : memref<20000x64xf32, #tpu.memory_space<hbm>>) dst(%arg9 : memref<125x64xf32, #tpu.memory_space<vmem>>)
      %dma_start3A_114 = arith.constant 1 : i32
      %dma_start3A_115 = arith.constant 0 : i32
      %dma_start3A_116 = tpu.memref_slice %arg7[%select_n3A_61, %dma_start3A_114, %dma_start3A_115] : memref<2x32x125xi32, #tpu.memory_space<vmem>> -> memref<1x1x125xi32, #tpu.memory_space<vmem>>
      %dma_start3A_117 = tpu.memref_squeeze %dma_start3A_116 : memref<1x1x125xi32, #tpu.memory_space<vmem>> -> memref<125xi32, #tpu.memory_space<vmem>>
      %dma_start3A_118 = arith.constant 0 : i32
      %dma_start3A_119 = arith.constant 0 : i32
      %dma_start3A_120 = tpu.memref_slice %arg2[%dma_start3A_118, %dma_start3A_119] : memref<20000x64xf32, #tpu.memory_space<hbm>> -> memref<20000x64xf32, #tpu.memory_space<hbm>>
      tpu.enqueue_indirect_dma source(%dma_start3A_120 : memref<20000x64xf32, #tpu.memory_space<hbm>>) target(%arg10 : memref<125x64xf32, #tpu.memory_space<vmem>>) offsets(%dma_start3A_117 : memref<125xi32, #tpu.memory_space<vmem>>) semaphore(%arg15 : memref<!tpu.dma_semaphore, #tpu.memory_space<semaphore_mem>>)
      %dma_start3A_121 = arith.constant 0 : i32
      %dma_start3A_122 = arith.constant 0 : i32
      %dma_start3A_123 = tpu.memref_slice %arg8[%select_n3A_61, %dma_start3A_121, %dma_start3A_122] : memref<2x32x125xi32, #tpu.memory_space<vmem>> -> memref<1x1x125xi32, #tpu.memory_space<vmem>>
      %dma_start3A_124 = tpu.memref_squeeze %dma_start3A_123 : memref<1x1x125xi32, #tpu.memory_space<vmem>> -> memref<125xi32, #tpu.memory_space<vmem>>
      %dma_start3A_125 = arith.constant 0 : i32
      %dma_start3A_126 = arith.constant 0 : i32
      %dma_start3A_127 = tpu.memref_slice %arg13[%dma_start3A_125, %dma_start3A_126] : memref<10000x64xf32, #tpu.memory_space<vmem_shared>> -> memref<10000x64xf32, #tpu.memory_space<vmem_shared>>
      tpu.enqueue_indirect_dma source(%arg9 : memref<125x64xf32, #tpu.memory_space<vmem>>) target(%dma_start3A_127 : memref<10000x64xf32, #tpu.memory_space<vmem_shared>>) offsets(%dma_start3A_124 : memref<125xi32, #tpu.memory_space<vmem>>) semaphore(%arg18 : memref<!tpu.dma_semaphore, #tpu.memory_space<semaphore_mem>>) {add = true}
      %dma_wait3A_128 = arith.constant 1 : i32
      %dma_wait3A_129 = arith.constant 0 : i32
      %dma_wait3A_130 = tpu.memref_slice %arg7[%select_n3A_61, %dma_wait3A_128, %dma_wait3A_129] : memref<2x32x125xi32, #tpu.memory_space<vmem>> -> memref<1x1x125xi32, #tpu.memory_space<vmem>>
      %dma_wait3A_131 = tpu.memref_squeeze %dma_wait3A_130 : memref<1x1x125xi32, #tpu.memory_space<vmem>> -> memref<125xi32, #tpu.memory_space<vmem>>
      %dma_wait3A_132 = arith.constant 0 : i32
      %dma_wait3A_133 = arith.constant 0 : i32
      %dma_wait3A_134 = tpu.memref_slice %arg2[%dma_wait3A_132, %dma_wait3A_133] : memref<20000x64xf32, #tpu.memory_space<hbm>> -> memref<20000x64xf32, #tpu.memory_space<hbm>>
      tpu.wait_indirect_dma semaphore(%arg15 : memref<!tpu.dma_semaphore, #tpu.memory_space<semaphore_mem>>) src(%dma_wait3A_134 : memref<20000x64xf32, #tpu.memory_space<hbm>>) dst(%arg10 : memref<125x64xf32, #tpu.memory_space<vmem>>)
      %dma_start3A_135 = arith.constant 2 : i32
      %dma_start3A_136 = arith.constant 0 : i32
      %dma_start3A_137 = tpu.memref_slice %arg7[%select_n3A_61, %dma_start3A_135, %dma_start3A_136] : memref<2x32x125xi32, #tpu.memory_space<vmem>> -> memref<1x1x125xi32, #tpu.memory_space<vmem>>
      %dma_start3A_138 = tpu.memref_squeeze %dma_start3A_137 : memref<1x1x125xi32, #tpu.memory_space<vmem>> -> memref<125xi32, #tpu.memory_space<vmem>>
      %dma_start3A_139 = arith.constant 0 : i32
      %dma_start3A_140 = arith.constant 0 : i32
      %dma_start3A_141 = tpu.memref_slice %arg2[%dma_start3A_139, %dma_start3A_140] : memref<20000x64xf32, #tpu.memory_space<hbm>> -> memref<20000x64xf32, #tpu.memory_space<hbm>>
      tpu.enqueue_indirect_dma source(%dma_start3A_141 : memref<20000x64xf32, #tpu.memory_space<hbm>>) target(%arg11 : memref<125x64xf32, #tpu.memory_space<vmem>>) offsets(%dma_start3A_138 : memref<125xi32, #tpu.memory_space<vmem>>) semaphore(%arg16 : memref<!tpu.dma_semaphore, #tpu.memory_space<semaphore_mem>>)
      %dma_start3A_142 = arith.constant 1 : i32
      %dma_start3A_143 = arith.constant 0 : i32
      %dma_start3A_144 = tpu.memref_slice %arg8[%select_n3A_61, %dma_start3A_142, %dma_start3A_143] : memref<2x32x125xi32, #tpu.memory_space<vmem>> -> memref<1x1x125xi32, #tpu.memory_space<vmem>>
      %dma_start3A_145 = tpu.memref_squeeze %dma_start3A_144 : memref<1x1x125xi32, #tpu.memory_space<vmem>> -> memref<125xi32, #tpu.memory_space<vmem>>
      %dma_start3A_146 = arith.constant 0 : i32
      %dma_start3A_147 = arith.constant 0 : i32
      %dma_start3A_148 = tpu.memref_slice %arg13[%dma_start3A_146, %dma_start3A_147] : memref<10000x64xf32, #tpu.memory_space<vmem_shared>> -> memref<10000x64xf32, #tpu.memory_space<vmem_shared>>
      tpu.enqueue_indirect_dma source(%arg10 : memref<125x64xf32, #tpu.memory_space<vmem>>) target(%dma_start3A_148 : memref<10000x64xf32, #tpu.memory_space<vmem_shared>>) offsets(%dma_start3A_145 : memref<125xi32, #tpu.memory_space<vmem>>) semaphore(%arg19 : memref<!tpu.dma_semaphore, #tpu.memory_space<semaphore_mem>>) {add = true}
      %dma_wait3A_149 = arith.constant 2 : i32
      %dma_wait3A_150 = arith.constant 0 : i32
      %dma_wait3A_151 = tpu.memref_slice %arg7[%select_n3A_61, %dma_wait3A_149, %dma_wait3A_150] : memref<2x32x125xi32, #tpu.memory_space<vmem>> -> memref<1x1x125xi32, #tpu.memory_space<vmem>>
      %dma_wait3A_152 = tpu.memref_squeeze %dma_wait3A_151 : memref<1x1x125xi32, #tpu.memory_space<vmem>> -> memref<125xi32, #tpu.memory_space<vmem>>
      %dma_wait3A_153 = arith.constant 0 : i32
      %dma_wait3A_154 = arith.constant 0 : i32
      %dma_wait3A_155 = tpu.memref_slice %arg2[%dma_wait3A_153, %dma_wait3A_154] : memref<20000x64xf32, #tpu.memory_space<hbm>> -> memref<20000x64xf32, #tpu.memory_space<hbm>>
      tpu.wait_indirect_dma semaphore(%arg16 : memref<!tpu.dma_semaphore, #tpu.memory_space<semaphore_mem>>) src(%dma_wait3A_155 : memref<20000x64xf32, #tpu.memory_space<hbm>>) dst(%arg11 : memref<125x64xf32, #tpu.memory_space<vmem>>)
      %dma_start3A_156 = arith.constant 3 : i32
      %dma_start3A_157 = arith.constant 0 : i32
      %dma_start3A_158 = tpu.memref_slice %arg7[%select_n3A_61, %dma_start3A_156, %dma_start3A_157] : memref<2x32x125xi32, #tpu.memory_space<vmem>> -> memref<1x1x125xi32, #tpu.memory_space<vmem>>
      %dma_start3A_159 = tpu.memref_squeeze %dma_start3A_158 : memref<1x1x125xi32, #tpu.memory_space<vmem>> -> memref<125xi32, #tpu.memory_space<vmem>>
      %dma_start3A_160 = arith.constant 0 : i32
      %dma_start3A_161 = arith.constant 0 : i32
      %dma_start3A_162 = tpu.memref_slice %arg2[%dma_start3A_160, %dma_start3A_161] : memref<20000x64xf32, #tpu.memory_space<hbm>> -> memref<20000x64xf32, #tpu.memory_space<hbm>>
      tpu.enqueue_indirect_dma source(%dma_start3A_162 : memref<20000x64xf32, #tpu.memory_space<hbm>>) target(%arg12 : memref<125x64xf32, #tpu.memory_space<vmem>>) offsets(%dma_start3A_159 : memref<125xi32, #tpu.memory_space<vmem>>) semaphore(%arg17 : memref<!tpu.dma_semaphore, #tpu.memory_space<semaphore_mem>>)
      %dma_start3A_163 = arith.constant 2 : i32
      %dma_start3A_164 = arith.constant 0 : i32
      %dma_start3A_165 = tpu.memref_slice %arg8[%select_n3A_61, %dma_start3A_163, %dma_start3A_164] : memref<2x32x125xi32, #tpu.memory_space<vmem>> -> memref<1x1x125xi32, #tpu.memory_space<vmem>>
      %dma_start3A_166 = tpu.memref_squeeze %dma_start3A_165 : memref<1x1x125xi32, #tpu.memory_space<vmem>> -> memref<125xi32, #tpu.memory_space<vmem>>
      %dma_start3A_167 = arith.constant 0 : i32
      %dma_start3A_168 = arith.constant 0 : i32
      %dma_start3A_169 = tpu.memref_slice %arg13[%dma_start3A_167, %dma_start3A_168] : memref<10000x64xf32, #tpu.memory_space<vmem_shared>> -> memref<10000x64xf32, #tpu.memory_space<vmem_shared>>
      tpu.enqueue_indirect_dma source(%arg11 : memref<125x64xf32, #tpu.memory_space<vmem>>) target(%dma_start3A_169 : memref<10000x64xf32, #tpu.memory_space<vmem_shared>>) offsets(%dma_start3A_166 : memref<125xi32, #tpu.memory_space<vmem>>) semaphore(%arg20 : memref<!tpu.dma_semaphore, #tpu.memory_space<semaphore_mem>>) {add = true}
      %dma_wait3A_170 = arith.constant 3 : i32
      %dma_wait3A_171 = arith.constant 0 : i32
      %dma_wait3A_172 = tpu.memref_slice %arg7[%select_n3A_61, %dma_wait3A_170, %dma_wait3A_171] : memref<2x32x125xi32, #tpu.memory_space<vmem>> -> memref<1x1x125xi32, #tpu.memory_space<vmem>>
      %dma_wait3A_173 = tpu.memref_squeeze %dma_wait3A_172 : memref<1x1x125xi32, #tpu.memory_space<vmem>> -> memref<125xi32, #tpu.memory_space<vmem>>
      %dma_wait3A_174 = arith.constant 0 : i32
      %dma_wait3A_175 = arith.constant 0 : i32
      %dma_wait3A_176 = tpu.memref_slice %arg2[%dma_wait3A_174, %dma_wait3A_175] : memref<20000x64xf32, #tpu.memory_space<hbm>> -> memref<20000x64xf32, #tpu.memory_space<hbm>>
      tpu.wait_indirect_dma semaphore(%arg17 : memref<!tpu.dma_semaphore, #tpu.memory_space<semaphore_mem>>) src(%dma_wait3A_176 : memref<20000x64xf32, #tpu.memory_space<hbm>>) dst(%arg12 : memref<125x64xf32, #tpu.memory_space<vmem>>)
      %dma_wait3A_177 = arith.constant 0 : i32
      %dma_wait3A_178 = arith.constant 0 : i32
      %dma_wait3A_179 = tpu.memref_slice %arg8[%select_n3A_61, %dma_wait3A_177, %dma_wait3A_178] : memref<2x32x125xi32, #tpu.memory_space<vmem>> -> memref<1x1x125xi32, #tpu.memory_space<vmem>>
      %dma_wait3A_180 = tpu.memref_squeeze %dma_wait3A_179 : memref<1x1x125xi32, #tpu.memory_space<vmem>> -> memref<125xi32, #tpu.memory_space<vmem>>
      %dma_wait3A_181 = arith.constant 0 : i32
      %dma_wait3A_182 = arith.constant 0 : i32
      %dma_wait3A_183 = tpu.memref_slice %arg13[%dma_wait3A_181, %dma_wait3A_182] : memref<10000x64xf32, #tpu.memory_space<vmem_shared>> -> memref<10000x64xf32, #tpu.memory_space<vmem_shared>>
      tpu.wait_indirect_dma semaphore(%arg18 : memref<!tpu.dma_semaphore, #tpu.memory_space<semaphore_mem>>) src(%arg9 : memref<125x64xf32, #tpu.memory_space<vmem>>) dst(%dma_wait3A_183 : memref<10000x64xf32, #tpu.memory_space<vmem_shared>>)
      %dma_start3A_184 = arith.constant 4 : i32
      %dma_start3A_185 = arith.constant 0 : i32
      %dma_start3A_186 = tpu.memref_slice %arg7[%select_n3A_61, %dma_start3A_184, %dma_start3A_185] : memref<2x32x125xi32, #tpu.memory_space<vmem>> -> memref<1x1x125xi32, #tpu.memory_space<vmem>>
      %dma_start3A_187 = tpu.memref_squeeze %dma_start3A_186 : memref<1x1x125xi32, #tpu.memory_space<vmem>> -> memref<125xi32, #tpu.memory_space<vmem>>
      %dma_start3A_188 = arith.constant 0 : i32
      %dma_start3A_189 = arith.constant 0 : i32
      %dma_start3A_190 = tpu.memref_slice %arg2[%dma_start3A_188, %dma_start3A_189] : memref<20000x64xf32, #tpu.memory_space<hbm>> -> memref<20000x64xf32, #tpu.memory_space<hbm>>
      tpu.enqueue_indirect_dma source(%dma_start3A_190 : memref<20000x64xf32, #tpu.memory_space<hbm>>) target(%arg9 : memref<125x64xf32, #tpu.memory_space<vmem>>) offsets(%dma_start3A_187 : memref<125xi32, #tpu.memory_space<vmem>>) semaphore(%arg14 : memref<!tpu.dma_semaphore, #tpu.memory_space<semaphore_mem>>)
      %dma_start3A_191 = arith.constant 3 : i32
      %dma_start3A_192 = arith.constant 0 : i32
      %dma_start3A_193 = tpu.memref_slice %arg8[%select_n3A_61, %dma_start3A_191, %dma_start3A_192] : memref<2x32x125xi32, #tpu.memory_space<vmem>> -> memref<1x1x125xi32, #tpu.memory_space<vmem>>
      %dma_start3A_194 = tpu.memref_squeeze %dma_start3A_193 : memref<1x1x125xi32, #tpu.memory_space<vmem>> -> memref<125xi32, #tpu.memory_space<vmem>>
      %dma_start3A_195 = arith.constant 0 : i32
      %dma_start3A_196 = arith.constant 0 : i32
      %dma_start3A_197 = tpu.memref_slice %arg13[%dma_start3A_195, %dma_start3A_196] : memref<10000x64xf32, #tpu.memory_space<vmem_shared>> -> memref<10000x64xf32, #tpu.memory_space<vmem_shared>>
      tpu.enqueue_indirect_dma source(%arg12 : memref<125x64xf32, #tpu.memory_space<vmem>>) target(%dma_start3A_197 : memref<10000x64xf32, #tpu.memory_space<vmem_shared>>) offsets(%dma_start3A_194 : memref<125xi32, #tpu.memory_space<vmem>>) semaphore(%arg21 : memref<!tpu.dma_semaphore, #tpu.memory_space<semaphore_mem>>) {add = true}
      %dma_wait3A_198 = arith.constant 4 : i32
      %dma_wait3A_199 = arith.constant 0 : i32
      %dma_wait3A_200 = tpu.memref_slice %arg7[%select_n3A_61, %dma_wait3A_198, %dma_wait3A_199] : memref<2x32x125xi32, #tpu.memory_space<vmem>> -> memref<1x1x125xi32, #tpu.memory_space<vmem>>
      %dma_wait3A_201 = tpu.memref_squeeze %dma_wait3A_200 : memref<1x1x125xi32, #tpu.memory_space<vmem>> -> memref<125xi32, #tpu.memory_space<vmem>>
      %dma_wait3A_202 = arith.constant 0 : i32
      %dma_wait3A_203 = arith.constant 0 : i32
      %dma_wait3A_204 = tpu.memref_slice %arg2[%dma_wait3A_202, %dma_wait3A_203] : memref<20000x64xf32, #tpu.memory_space<hbm>> -> memref<20000x64xf32, #tpu.memory_space<hbm>>
      tpu.wait_indirect_dma semaphore(%arg14 : memref<!tpu.dma_semaphore, #tpu.memory_space<semaphore_mem>>) src(%dma_wait3A_204 : memref<20000x64xf32, #tpu.memory_space<hbm>>) dst(%arg9 : memref<125x64xf32, #tpu.memory_space<vmem>>)
      %dma_wait3A_205 = arith.constant 1 : i32
      %dma_wait3A_206 = arith.constant 0 : i32
      %dma_wait3A_207 = tpu.memref_slice %arg8[%select_n3A_61, %dma_wait3A_205, %dma_wait3A_206] : memref<2x32x125xi32, #tpu.memory_space<vmem>> -> memref<1x1x125xi32, #tpu.memory_space<vmem>>
      %dma_wait3A_208 = tpu.memref_squeeze %dma_wait3A_207 : memref<1x1x125xi32, #tpu.memory_space<vmem>> -> memref<125xi32, #tpu.memory_space<vmem>>
      %dma_wait3A_209 = arith.constant 0 : i32
      %dma_wait3A_210 = arith.constant 0 : i32
      %dma_wait3A_211 = tpu.memref_slice %arg13[%dma_wait3A_209, %dma_wait3A_210] : memref<10000x64xf32, #tpu.memory_space<vmem_shared>> -> memref<10000x64xf32, #tpu.memory_space<vmem_shared>>
      tpu.wait_indirect_dma semaphore(%arg19 : memref<!tpu.dma_semaphore, #tpu.memory_space<semaphore_mem>>) src(%arg10 : memref<125x64xf32, #tpu.memory_space<vmem>>) dst(%dma_wait3A_211 : memref<10000x64xf32, #tpu.memory_space<vmem_shared>>)
      %dma_start3A_212 = arith.constant 5 : i32
      %dma_start3A_213 = arith.constant 0 : i32
      %dma_start3A_214 = tpu.memref_slice %arg7[%select_n3A_61, %dma_start3A_212, %dma_start3A_213] : memref<2x32x125xi32, #tpu.memory_space<vmem>> -> memref<1x1x125xi32, #tpu.memory_space<vmem>>
      %dma_start3A_215 = tpu.memref_squeeze %dma_start3A_214 : memref<1x1x125xi32, #tpu.memory_space<vmem>> -> memref<125xi32, #tpu.memory_space<vmem>>
      %dma_start3A_216 = arith.constant 0 : i32
      %dma_start3A_217 = arith.constant 0 : i32
      %dma_start3A_218 = tpu.memref_slice %arg2[%dma_start3A_216, %dma_start3A_217] : memref<20000x64xf32, #tpu.memory_space<hbm>> -> memref<20000x64xf32, #tpu.memory_space<hbm>>
      tpu.enqueue_indirect_dma source(%dma_start3A_218 : memref<20000x64xf32, #tpu.memory_space<hbm>>) target(%arg10 : memref<125x64xf32, #tpu.memory_space<vmem>>) offsets(%dma_start3A_215 : memref<125xi32, #tpu.memory_space<vmem>>) semaphore(%arg15 : memref<!tpu.dma_semaphore, #tpu.memory_space<semaphore_mem>>)
      %dma_start3A_219 = arith.constant 4 : i32
      %dma_start3A_220 = arith.constant 0 : i32
      %dma_start3A_221 = tpu.memref_slice %arg8[%select_n3A_61, %dma_start3A_219, %dma_start3A_220] : memref<2x32x125xi32, #tpu.memory_space<vmem>> -> memref<1x1x125xi32, #tpu.memory_space<vmem>>
      %dma_start3A_222 = tpu.memref_squeeze %dma_start3A_221 : memref<1x1x125xi32, #tpu.memory_space<vmem>> -> memref<125xi32, #tpu.memory_space<vmem>>
      %dma_start3A_223 = arith.constant 0 : i32
      %dma_start3A_224 = arith.constant 0 : i32
      %dma_start3A_225 = tpu.memref_slice %arg13[%dma_start3A_223, %dma_start3A_224] : memref<10000x64xf32, #tpu.memory_space<vmem_shared>> -> memref<10000x64xf32, #tpu.memory_space<vmem_shared>>
      tpu.enqueue_indirect_dma source(%arg9 : memref<125x64xf32, #tpu.memory_space<vmem>>) target(%dma_start3A_225 : memref<10000x64xf32, #tpu.memory_space<vmem_shared>>) offsets(%dma_start3A_222 : memref<125xi32, #tpu.memory_space<vmem>>) semaphore(%arg18 : memref<!tpu.dma_semaphore, #tpu.memory_space<semaphore_mem>>) {add = true}
      %dma_wait3A_226 = arith.constant 5 : i32
      %dma_wait3A_227 = arith.constant 0 : i32
      %dma_wait3A_228 = tpu.memref_slice %arg7[%select_n3A_61, %dma_wait3A_226, %dma_wait3A_227] : memref<2x32x125xi32, #tpu.memory_space<vmem>> -> memref<1x1x125xi32, #tpu.memory_space<vmem>>
      %dma_wait3A_229 = tpu.memref_squeeze %dma_wait3A_228 : memref<1x1x125xi32, #tpu.memory_space<vmem>> -> memref<125xi32, #tpu.memory_space<vmem>>
      %dma_wait3A_230 = arith.constant 0 : i32
      %dma_wait3A_231 = arith.constant 0 : i32
      %dma_wait3A_232 = tpu.memref_slice %arg2[%dma_wait3A_230, %dma_wait3A_231] : memref<20000x64xf32, #tpu.memory_space<hbm>> -> memref<20000x64xf32, #tpu.memory_space<hbm>>
      tpu.wait_indirect_dma semaphore(%arg15 : memref<!tpu.dma_semaphore, #tpu.memory_space<semaphore_mem>>) src(%dma_wait3A_232 : memref<20000x64xf32, #tpu.memory_space<hbm>>) dst(%arg10 : memref<125x64xf32, #tpu.memory_space<vmem>>)
      %dma_wait3A_233 = arith.constant 2 : i32
      %dma_wait3A_234 = arith.constant 0 : i32
      %dma_wait3A_235 = tpu.memref_slice %arg8[%select_n3A_61, %dma_wait3A_233, %dma_wait3A_234] : memref<2x32x125xi32, #tpu.memory_space<vmem>> -> memref<1x1x125xi32, #tpu.memory_space<vmem>>
      %dma_wait3A_236 = tpu.memref_squeeze %dma_wait3A_235 : memref<1x1x125xi32, #tpu.memory_space<vmem>> -> memref<125xi32, #tpu.memory_space<vmem>>
      %dma_wait3A_237 = arith.constant 0 : i32
      %dma_wait3A_238 = arith.constant 0 : i32
      %dma_wait3A_239 = tpu.memref_slice %arg13[%dma_wait3A_237, %dma_wait3A_238] : memref<10000x64xf32, #tpu.memory_space<vmem_shared>> -> memref<10000x64xf32, #tpu.memory_space<vmem_shared>>
      tpu.wait_indirect_dma semaphore(%arg20 : memref<!tpu.dma_semaphore, #tpu.memory_space<semaphore_mem>>) src(%arg11 : memref<125x64xf32, #tpu.memory_space<vmem>>) dst(%dma_wait3A_239 : memref<10000x64xf32, #tpu.memory_space<vmem_shared>>)
      %dma_start3A_240 = arith.constant 6 : i32
      %dma_start3A_241 = arith.constant 0 : i32
      %dma_start3A_242 = tpu.memref_slice %arg7[%select_n3A_61, %dma_start3A_240, %dma_start3A_241] : memref<2x32x125xi32, #tpu.memory_space<vmem>> -> memref<1x1x125xi32, #tpu.memory_space<vmem>>
      %dma_start3A_243 = tpu.memref_squeeze %dma_start3A_242 : memref<1x1x125xi32, #tpu.memory_space<vmem>> -> memref<125xi32, #tpu.memory_space<vmem>>
      %dma_start3A_244 = arith.constant 0 : i32
      %dma_start3A_245 = arith.constant 0 : i32
      %dma_start3A_246 = tpu.memref_slice %arg2[%dma_start3A_244, %dma_start3A_245] : memref<20000x64xf32, #tpu.memory_space<hbm>> -> memref<20000x64xf32, #tpu.memory_space<hbm>>
      tpu.enqueue_indirect_dma source(%dma_start3A_246 : memref<20000x64xf32, #tpu.memory_space<hbm>>) target(%arg11 : memref<125x64xf32, #tpu.memory_space<vmem>>) offsets(%dma_start3A_243 : memref<125xi32, #tpu.memory_space<vmem>>) semaphore(%arg16 : memref<!tpu.dma_semaphore, #tpu.memory_space<semaphore_mem>>)
      %dma_start3A_247 = arith.constant 5 : i32
      %dma_start3A_248 = arith.constant 0 : i32
      %dma_start3A_249 = tpu.memref_slice %arg8[%select_n3A_61, %dma_start3A_247, %dma_start3A_248] : memref<2x32x125xi32, #tpu.memory_space<vmem>> -> memref<1x1x125xi32, #tpu.memory_space<vmem>>
      %dma_start3A_250 = tpu.memref_squeeze %dma_start3A_249 : memref<1x1x125xi32, #tpu.memory_space<vmem>> -> memref<125xi32, #tpu.memory_space<vmem>>
      %dma_start3A_251 = arith.constant 0 : i32
      %dma_start3A_252 = arith.constant 0 : i32
      %dma_start3A_253 = tpu.memref_slice %arg13[%dma_start3A_251, %dma_start3A_252] : memref<10000x64xf32, #tpu.memory_space<vmem_shared>> -> memref<10000x64xf32, #tpu.memory_space<vmem_shared>>
      tpu.enqueue_indirect_dma source(%arg10 : memref<125x64xf32, #tpu.memory_space<vmem>>) target(%dma_start3A_253 : memref<10000x64xf32, #tpu.memory_space<vmem_shared>>) offsets(%dma_start3A_250 : memref<125xi32, #tpu.memory_space<vmem>>) semaphore(%arg19 : memref<!tpu.dma_semaphore, #tpu.memory_space<semaphore_mem>>) {add = true}
      %dma_wait3A_254 = arith.constant 6 : i32
      %dma_wait3A_255 = arith.constant 0 : i32
      %dma_wait3A_256 = tpu.memref_slice %arg7[%select_n3A_61, %dma_wait3A_254, %dma_wait3A_255] : memref<2x32x125xi32, #tpu.memory_space<vmem>> -> memref<1x1x125xi32, #tpu.memory_space<vmem>>
      %dma_wait3A_257 = tpu.memref_squeeze %dma_wait3A_256 : memref<1x1x125xi32, #tpu.memory_space<vmem>> -> memref<125xi32, #tpu.memory_space<vmem>>
      %dma_wait3A_258 = arith.constant 0 : i32
      %dma_wait3A_259 = arith.constant 0 : i32
      %dma_wait3A_260 = tpu.memref_slice %arg2[%dma_wait3A_258, %dma_wait3A_259] : memref<20000x64xf32, #tpu.memory_space<hbm>> -> memref<20000x64xf32, #tpu.memory_space<hbm>>
      tpu.wait_indirect_dma semaphore(%arg16 : memref<!tpu.dma_semaphore, #tpu.memory_space<semaphore_mem>>) src(%dma_wait3A_260 : memref<20000x64xf32, #tpu.memory_space<hbm>>) dst(%arg11 : memref<125x64xf32, #tpu.memory_space<vmem>>)
      %dma_wait3A_261 = arith.constant 3 : i32
      %dma_wait3A_262 = arith.constant 0 : i32
      %dma_wait3A_263 = tpu.memref_slice %arg8[%select_n3A_61, %dma_wait3A_261, %dma_wait3A_262] : memref<2x32x125xi32, #tpu.memory_space<vmem>> -> memref<1x1x125xi32, #tpu.memory_space<vmem>>
      %dma_wait3A_264 = tpu.memref_squeeze %dma_wait3A_263 : memref<1x1x125xi32, #tpu.memory_space<vmem>> -> memref<125xi32, #tpu.memory_space<vmem>>
      %dma_wait3A_265 = arith.constant 0 : i32
      %dma_wait3A_266 = arith.constant 0 : i32
      %dma_wait3A_267 = tpu.memref_slice %arg13[%dma_wait3A_265, %dma_wait3A_266] : memref<10000x64xf32, #tpu.memory_space<vmem_shared>> -> memref<10000x64xf32, #tpu.memory_space<vmem_shared>>
      tpu.wait_indirect_dma semaphore(%arg21 : memref<!tpu.dma_semaphore, #tpu.memory_space<semaphore_mem>>) src(%arg12 : memref<125x64xf32, #tpu.memory_space<vmem>>) dst(%dma_wait3A_267 : memref<10000x64xf32, #tpu.memory_space<vmem_shared>>)
      %dma_start3A_268 = arith.constant 7 : i32
      %dma_start3A_269 = arith.constant 0 : i32
      %dma_start3A_270 = tpu.memref_slice %arg7[%select_n3A_61, %dma_start3A_268, %dma_start3A_269] : memref<2x32x125xi32, #tpu.memory_space<vmem>> -> memref<1x1x125xi32, #tpu.memory_space<vmem>>
      %dma_start3A_271 = tpu.memref_squeeze %dma_start3A_270 : memref<1x1x125xi32, #tpu.memory_space<vmem>> -> memref<125xi32, #tpu.memory_space<vmem>>
      %dma_start3A_272 = arith.constant 0 : i32
      %dma_start3A_273 = arith.constant 0 : i32
      %dma_start3A_274 = tpu.memref_slice %arg2[%dma_start3A_272, %dma_start3A_273] : memref<20000x64xf32, #tpu.memory_space<hbm>> -> memref<20000x64xf32, #tpu.memory_space<hbm>>
      tpu.enqueue_indirect_dma source(%dma_start3A_274 : memref<20000x64xf32, #tpu.memory_space<hbm>>) target(%arg12 : memref<125x64xf32, #tpu.memory_space<vmem>>) offsets(%dma_start3A_271 : memref<125xi32, #tpu.memory_space<vmem>>) semaphore(%arg17 : memref<!tpu.dma_semaphore, #tpu.memory_space<semaphore_mem>>)
      %dma_start3A_275 = arith.constant 6 : i32
      %dma_start3A_276 = arith.constant 0 : i32
      %dma_start3A_277 = tpu.memref_slice %arg8[%select_n3A_61, %dma_start3A_275, %dma_start3A_276] : memref<2x32x125xi32, #tpu.memory_space<vmem>> -> memref<1x1x125xi32, #tpu.memory_space<vmem>>
      %dma_start3A_278 = tpu.memref_squeeze %dma_start3A_277 : memref<1x1x125xi32, #tpu.memory_space<vmem>> -> memref<125xi32, #tpu.memory_space<vmem>>
      %dma_start3A_279 = arith.constant 0 : i32
      %dma_start3A_280 = arith.constant 0 : i32
      %dma_start3A_281 = tpu.memref_slice %arg13[%dma_start3A_279, %dma_start3A_280] : memref<10000x64xf32, #tpu.memory_space<vmem_shared>> -> memref<10000x64xf32, #tpu.memory_space<vmem_shared>>
      tpu.enqueue_indirect_dma source(%arg11 : memref<125x64xf32, #tpu.memory_space<vmem>>) target(%dma_start3A_281 : memref<10000x64xf32, #tpu.memory_space<vmem_shared>>) offsets(%dma_start3A_278 : memref<125xi32, #tpu.memory_space<vmem>>) semaphore(%arg20 : memref<!tpu.dma_semaphore, #tpu.memory_space<semaphore_mem>>) {add = true}
      %dma_wait3A_282 = arith.constant 7 : i32
      %dma_wait3A_283 = arith.constant 0 : i32
      %dma_wait3A_284 = tpu.memref_slice %arg7[%select_n3A_61, %dma_wait3A_282, %dma_wait3A_283] : memref<2x32x125xi32, #tpu.memory_space<vmem>> -> memref<1x1x125xi32, #tpu.memory_space<vmem>>
      %dma_wait3A_285 = tpu.memref_squeeze %dma_wait3A_284 : memref<1x1x125xi32, #tpu.memory_space<vmem>> -> memref<125xi32, #tpu.memory_space<vmem>>
      %dma_wait3A_286 = arith.constant 0 : i32
      %dma_wait3A_287 = arith.constant 0 : i32
      %dma_wait3A_288 = tpu.memref_slice %arg2[%dma_wait3A_286, %dma_wait3A_287] : memref<20000x64xf32, #tpu.memory_space<hbm>> -> memref<20000x64xf32, #tpu.memory_space<hbm>>
      tpu.wait_indirect_dma semaphore(%arg17 : memref<!tpu.dma_semaphore, #tpu.memory_space<semaphore_mem>>) src(%dma_wait3A_288 : memref<20000x64xf32, #tpu.memory_space<hbm>>) dst(%arg12 : memref<125x64xf32, #tpu.memory_space<vmem>>)
      %dma_wait3A_289 = arith.constant 4 : i32
      %dma_wait3A_290 = arith.constant 0 : i32
      %dma_wait3A_291 = tpu.memref_slice %arg8[%select_n3A_61, %dma_wait3A_289, %dma_wait3A_290] : memref<2x32x125xi32, #tpu.memory_space<vmem>> -> memref<1x1x125xi32, #tpu.memory_space<vmem>>
      %dma_wait3A_292 = tpu.memref_squeeze %dma_wait3A_291 : memref<1x1x125xi32, #tpu.memory_space<vmem>> -> memref<125xi32, #tpu.memory_space<vmem>>
      %dma_wait3A_293 = arith.constant 0 : i32
      %dma_wait3A_294 = arith.constant 0 : i32
      %dma_wait3A_295 = tpu.memref_slice %arg13[%dma_wait3A_293, %dma_wait3A_294] : memref<10000x64xf32, #tpu.memory_space<vmem_shared>> -> memref<10000x64xf32, #tpu.memory_space<vmem_shared>>
      tpu.wait_indirect_dma semaphore(%arg18 : memref<!tpu.dma_semaphore, #tpu.memory_space<semaphore_mem>>) src(%arg9 : memref<125x64xf32, #tpu.memory_space<vmem>>) dst(%dma_wait3A_295 : memref<10000x64xf32, #tpu.memory_space<vmem_shared>>)
      %dma_start3A_296 = arith.constant 8 : i32
      %dma_start3A_297 = arith.constant 0 : i32
      %dma_start3A_298 = tpu.memref_slice %arg7[%select_n3A_61, %dma_start3A_296, %dma_start3A_297] : memref<2x32x125xi32, #tpu.memory_space<vmem>> -> memref<1x1x125xi32, #tpu.memory_space<vmem>>
      %dma_start3A_299 = tpu.memref_squeeze %dma_start3A_298 : memref<1x1x125xi32, #tpu.memory_space<vmem>> -> memref<125xi32, #tpu.memory_space<vmem>>
      %dma_start3A_300 = arith.constant 0 : i32
      %dma_start3A_301 = arith.constant 0 : i32
      %dma_start3A_302 = tpu.memref_slice %arg2[%dma_start3A_300, %dma_start3A_301] : memref<20000x64xf32, #tpu.memory_space<hbm>> -> memref<20000x64xf32, #tpu.memory_space<hbm>>
      tpu.enqueue_indirect_dma source(%dma_start3A_302 : memref<20000x64xf32, #tpu.memory_space<hbm>>) target(%arg9 : memref<125x64xf32, #tpu.memory_space<vmem>>) offsets(%dma_start3A_299 : memref<125xi32, #tpu.memory_space<vmem>>) semaphore(%arg14 : memref<!tpu.dma_semaphore, #tpu.memory_space<semaphore_mem>>)
      %dma_start3A_303 = arith.constant 7 : i32
      %dma_start3A_304 = arith.constant 0 : i32
      %dma_start3A_305 = tpu.memref_slice %arg8[%select_n3A_61, %dma_start3A_303, %dma_start3A_304] : memref<2x32x125xi32, #tpu.memory_space<vmem>> -> memref<1x1x125xi32, #tpu.memory_space<vmem>>
      %dma_start3A_306 = tpu.memref_squeeze %dma_start3A_305 : memref<1x1x125xi32, #tpu.memory_space<vmem>> -> memref<125xi32, #tpu.memory_space<vmem>>
      %dma_start3A_307 = arith.constant 0 : i32
      %dma_start3A_308 = arith.constant 0 : i32
      %dma_start3A_309 = tpu.memref_slice %arg13[%dma_start3A_307, %dma_start3A_308] : memref<10000x64xf32, #tpu.memory_space<vmem_shared>> -> memref<10000x64xf32, #tpu.memory_space<vmem_shared>>
      tpu.enqueue_indirect_dma source(%arg12 : memref<125x64xf32, #tpu.memory_space<vmem>>) target(%dma_start3A_309 : memref<10000x64xf32, #tpu.memory_space<vmem_shared>>) offsets(%dma_start3A_306 : memref<125xi32, #tpu.memory_space<vmem>>) semaphore(%arg21 : memref<!tpu.dma_semaphore, #tpu.memory_space<semaphore_mem>>) {add = true}
      %dma_wait3A_310 = arith.constant 8 : i32
      %dma_wait3A_311 = arith.constant 0 : i32
      %dma_wait3A_312 = tpu.memref_slice %arg7[%select_n3A_61, %dma_wait3A_310, %dma_wait3A_311] : memref<2x32x125xi32, #tpu.memory_space<vmem>> -> memref<1x1x125xi32, #tpu.memory_space<vmem>>
      %dma_wait3A_313 = tpu.memref_squeeze %dma_wait3A_312 : memref<1x1x125xi32, #tpu.memory_space<vmem>> -> memref<125xi32, #tpu.memory_space<vmem>>
      %dma_wait3A_314 = arith.constant 0 : i32
      %dma_wait3A_315 = arith.constant 0 : i32
      %dma_wait3A_316 = tpu.memref_slice %arg2[%dma_wait3A_314, %dma_wait3A_315] : memref<20000x64xf32, #tpu.memory_space<hbm>> -> memref<20000x64xf32, #tpu.memory_space<hbm>>
      tpu.wait_indirect_dma semaphore(%arg14 : memref<!tpu.dma_semaphore, #tpu.memory_space<semaphore_mem>>) src(%dma_wait3A_316 : memref<20000x64xf32, #tpu.memory_space<hbm>>) dst(%arg9 : memref<125x64xf32, #tpu.memory_space<vmem>>)
      %dma_wait3A_317 = arith.constant 5 : i32
      %dma_wait3A_318 = arith.constant 0 : i32
      %dma_wait3A_319 = tpu.memref_slice %arg8[%select_n3A_61, %dma_wait3A_317, %dma_wait3A_318] : memref<2x32x125xi32, #tpu.memory_space<vmem>> -> memref<1x1x125xi32, #tpu.memory_space<vmem>>
      %dma_wait3A_320 = tpu.memref_squeeze %dma_wait3A_319 : memref<1x1x125xi32, #tpu.memory_space<vmem>> -> memref<125xi32, #tpu.memory_space<vmem>>
      %dma_wait3A_321 = arith.constant 0 : i32
      %dma_wait3A_322 = arith.constant 0 : i32
      %dma_wait3A_323 = tpu.memref_slice %arg13[%dma_wait3A_321, %dma_wait3A_322] : memref<10000x64xf32, #tpu.memory_space<vmem_shared>> -> memref<10000x64xf32, #tpu.memory_space<vmem_shared>>
      tpu.wait_indirect_dma semaphore(%arg19 : memref<!tpu.dma_semaphore, #tpu.memory_space<semaphore_mem>>) src(%arg10 : memref<125x64xf32, #tpu.memory_space<vmem>>) dst(%dma_wait3A_323 : memref<10000x64xf32, #tpu.memory_space<vmem_shared>>)
      %dma_start3A_324 = arith.constant 9 : i32
      %dma_start3A_325 = arith.constant 0 : i32
      %dma_start3A_326 = tpu.memref_slice %arg7[%select_n3A_61, %dma_start3A_324, %dma_start3A_325] : memref<2x32x125xi32, #tpu.memory_space<vmem>> -> memref<1x1x125xi32, #tpu.memory_space<vmem>>
      %dma_start3A_327 = tpu.memref_squeeze %dma_start3A_326 : memref<1x1x125xi32, #tpu.memory_space<vmem>> -> memref<125xi32, #tpu.memory_space<vmem>>
      %dma_start3A_328 = arith.constant 0 : i32
      %dma_start3A_329 = arith.constant 0 : i32
      %dma_start3A_330 = tpu.memref_slice %arg2[%dma_start3A_328, %dma_start3A_329] : memref<20000x64xf32, #tpu.memory_space<hbm>> -> memref<20000x64xf32, #tpu.memory_space<hbm>>
      tpu.enqueue_indirect_dma source(%dma_start3A_330 : memref<20000x64xf32, #tpu.memory_space<hbm>>) target(%arg10 : memref<125x64xf32, #tpu.memory_space<vmem>>) offsets(%dma_start3A_327 : memref<125xi32, #tpu.memory_space<vmem>>) semaphore(%arg15 : memref<!tpu.dma_semaphore, #tpu.memory_space<semaphore_mem>>)
      %dma_start3A_331 = arith.constant 8 : i32
      %dma_start3A_332 = arith.constant 0 : i32
      %dma_start3A_333 = tpu.memref_slice %arg8[%select_n3A_61, %dma_start3A_331, %dma_start3A_332] : memref<2x32x125xi32, #tpu.memory_space<vmem>> -> memref<1x1x125xi32, #tpu.memory_space<vmem>>
      %dma_start3A_334 = tpu.memref_squeeze %dma_start3A_333 : memref<1x1x125xi32, #tpu.memory_space<vmem>> -> memref<125xi32, #tpu.memory_space<vmem>>
      %dma_start3A_335 = arith.constant 0 : i32
      %dma_start3A_336 = arith.constant 0 : i32
      %dma_start3A_337 = tpu.memref_slice %arg13[%dma_start3A_335, %dma_start3A_336] : memref<10000x64xf32, #tpu.memory_space<vmem_shared>> -> memref<10000x64xf32, #tpu.memory_space<vmem_shared>>
      tpu.enqueue_indirect_dma source(%arg9 : memref<125x64xf32, #tpu.memory_space<vmem>>) target(%dma_start3A_337 : memref<10000x64xf32, #tpu.memory_space<vmem_shared>>) offsets(%dma_start3A_334 : memref<125xi32, #tpu.memory_space<vmem>>) semaphore(%arg18 : memref<!tpu.dma_semaphore, #tpu.memory_space<semaphore_mem>>) {add = true}
      %dma_wait3A_338 = arith.constant 9 : i32
      %dma_wait3A_339 = arith.constant 0 : i32
      %dma_wait3A_340 = tpu.memref_slice %arg7[%select_n3A_61, %dma_wait3A_338, %dma_wait3A_339] : memref<2x32x125xi32, #tpu.memory_space<vmem>> -> memref<1x1x125xi32, #tpu.memory_space<vmem>>
      %dma_wait3A_341 = tpu.memref_squeeze %dma_wait3A_340 : memref<1x1x125xi32, #tpu.memory_space<vmem>> -> memref<125xi32, #tpu.memory_space<vmem>>
      %dma_wait3A_342 = arith.constant 0 : i32
      %dma_wait3A_343 = arith.constant 0 : i32
      %dma_wait3A_344 = tpu.memref_slice %arg2[%dma_wait3A_342, %dma_wait3A_343] : memref<20000x64xf32, #tpu.memory_space<hbm>> -> memref<20000x64xf32, #tpu.memory_space<hbm>>
      tpu.wait_indirect_dma semaphore(%arg15 : memref<!tpu.dma_semaphore, #tpu.memory_space<semaphore_mem>>) src(%dma_wait3A_344 : memref<20000x64xf32, #tpu.memory_space<hbm>>) dst(%arg10 : memref<125x64xf32, #tpu.memory_space<vmem>>)
      %dma_wait3A_345 = arith.constant 6 : i32
      %dma_wait3A_346 = arith.constant 0 : i32
      %dma_wait3A_347 = tpu.memref_slice %arg8[%select_n3A_61, %dma_wait3A_345, %dma_wait3A_346] : memref<2x32x125xi32, #tpu.memory_space<vmem>> -> memref<1x1x125xi32, #tpu.memory_space<vmem>>
      %dma_wait3A_348 = tpu.memref_squeeze %dma_wait3A_347 : memref<1x1x125xi32, #tpu.memory_space<vmem>> -> memref<125xi32, #tpu.memory_space<vmem>>
      %dma_wait3A_349 = arith.constant 0 : i32
      %dma_wait3A_350 = arith.constant 0 : i32
      %dma_wait3A_351 = tpu.memref_slice %arg13[%dma_wait3A_349, %dma_wait3A_350] : memref<10000x64xf32, #tpu.memory_space<vmem_shared>> -> memref<10000x64xf32, #tpu.memory_space<vmem_shared>>
      tpu.wait_indirect_dma semaphore(%arg20 : memref<!tpu.dma_semaphore, #tpu.memory_space<semaphore_mem>>) src(%arg11 : memref<125x64xf32, #tpu.memory_space<vmem>>) dst(%dma_wait3A_351 : memref<10000x64xf32, #tpu.memory_space<vmem_shared>>)
      %dma_start3A_352 = arith.constant 10 : i32
      %dma_start3A_353 = arith.constant 0 : i32
      %dma_start3A_354 = tpu.memref_slice %arg7[%select_n3A_61, %dma_start3A_352, %dma_start3A_353] : memref<2x32x125xi32, #tpu.memory_space<vmem>> -> memref<1x1x125xi32, #tpu.memory_space<vmem>>
      %dma_start3A_355 = tpu.memref_squeeze %dma_start3A_354 : memref<1x1x125xi32, #tpu.memory_space<vmem>> -> memref<125xi32, #tpu.memory_space<vmem>>
      %dma_start3A_356 = arith.constant 0 : i32
      %dma_start3A_357 = arith.constant 0 : i32
      %dma_start3A_358 = tpu.memref_slice %arg2[%dma_start3A_356, %dma_start3A_357] : memref<20000x64xf32, #tpu.memory_space<hbm>> -> memref<20000x64xf32, #tpu.memory_space<hbm>>
      tpu.enqueue_indirect_dma source(%dma_start3A_358 : memref<20000x64xf32, #tpu.memory_space<hbm>>) target(%arg11 : memref<125x64xf32, #tpu.memory_space<vmem>>) offsets(%dma_start3A_355 : memref<125xi32, #tpu.memory_space<vmem>>) semaphore(%arg16 : memref<!tpu.dma_semaphore, #tpu.memory_space<semaphore_mem>>)
      %dma_start3A_359 = arith.constant 9 : i32
      %dma_start3A_360 = arith.constant 0 : i32
      %dma_start3A_361 = tpu.memref_slice %arg8[%select_n3A_61, %dma_start3A_359, %dma_start3A_360] : memref<2x32x125xi32, #tpu.memory_space<vmem>> -> memref<1x1x125xi32, #tpu.memory_space<vmem>>
      %dma_start3A_362 = tpu.memref_squeeze %dma_start3A_361 : memref<1x1x125xi32, #tpu.memory_space<vmem>> -> memref<125xi32, #tpu.memory_space<vmem>>
      %dma_start3A_363 = arith.constant 0 : i32
      %dma_start3A_364 = arith.constant 0 : i32
      %dma_start3A_365 = tpu.memref_slice %arg13[%dma_start3A_363, %dma_start3A_364] : memref<10000x64xf32, #tpu.memory_space<vmem_shared>> -> memref<10000x64xf32, #tpu.memory_space<vmem_shared>>
      tpu.enqueue_indirect_dma source(%arg10 : memref<125x64xf32, #tpu.memory_space<vmem>>) target(%dma_start3A_365 : memref<10000x64xf32, #tpu.memory_space<vmem_shared>>) offsets(%dma_start3A_362 : memref<125xi32, #tpu.memory_space<vmem>>) semaphore(%arg19 : memref<!tpu.dma_semaphore, #tpu.memory_space<semaphore_mem>>) {add = true}
      %dma_wait3A_366 = arith.constant 10 : i32
      %dma_wait3A_367 = arith.constant 0 : i32
      %dma_wait3A_368 = tpu.memref_slice %arg7[%select_n3A_61, %dma_wait3A_366, %dma_wait3A_367] : memref<2x32x125xi32, #tpu.memory_space<vmem>> -> memref<1x1x125xi32, #tpu.memory_space<vmem>>
      %dma_wait3A_369 = tpu.memref_squeeze %dma_wait3A_368 : memref<1x1x125xi32, #tpu.memory_space<vmem>> -> memref<125xi32, #tpu.memory_space<vmem>>
      %dma_wait3A_370 = arith.constant 0 : i32
      %dma_wait3A_371 = arith.constant 0 : i32
      %dma_wait3A_372 = tpu.memref_slice %arg2[%dma_wait3A_370, %dma_wait3A_371] : memref<20000x64xf32, #tpu.memory_space<hbm>> -> memref<20000x64xf32, #tpu.memory_space<hbm>>
      tpu.wait_indirect_dma semaphore(%arg16 : memref<!tpu.dma_semaphore, #tpu.memory_space<semaphore_mem>>) src(%dma_wait3A_372 : memref<20000x64xf32, #tpu.memory_space<hbm>>) dst(%arg11 : memref<125x64xf32, #tpu.memory_space<vmem>>)
      %dma_wait3A_373 = arith.constant 7 : i32
      %dma_wait3A_374 = arith.constant 0 : i32
      %dma_wait3A_375 = tpu.memref_slice %arg8[%select_n3A_61, %dma_wait3A_373, %dma_wait3A_374] : memref<2x32x125xi32, #tpu.memory_space<vmem>> -> memref<1x1x125xi32, #tpu.memory_space<vmem>>
      %dma_wait3A_376 = tpu.memref_squeeze %dma_wait3A_375 : memref<1x1x125xi32, #tpu.memory_space<vmem>> -> memref<125xi32, #tpu.memory_space<vmem>>
      %dma_wait3A_377 = arith.constant 0 : i32
      %dma_wait3A_378 = arith.constant 0 : i32
      %dma_wait3A_379 = tpu.memref_slice %arg13[%dma_wait3A_377, %dma_wait3A_378] : memref<10000x64xf32, #tpu.memory_space<vmem_shared>> -> memref<10000x64xf32, #tpu.memory_space<vmem_shared>>
      tpu.wait_indirect_dma semaphore(%arg21 : memref<!tpu.dma_semaphore, #tpu.memory_space<semaphore_mem>>) src(%arg12 : memref<125x64xf32, #tpu.memory_space<vmem>>) dst(%dma_wait3A_379 : memref<10000x64xf32, #tpu.memory_space<vmem_shared>>)
      %dma_start3A_380 = arith.constant 11 : i32
      %dma_start3A_381 = arith.constant 0 : i32
      %dma_start3A_382 = tpu.memref_slice %arg7[%select_n3A_61, %dma_start3A_380, %dma_start3A_381] : memref<2x32x125xi32, #tpu.memory_space<vmem>> -> memref<1x1x125xi32, #tpu.memory_space<vmem>>
      %dma_start3A_383 = tpu.memref_squeeze %dma_start3A_382 : memref<1x1x125xi32, #tpu.memory_space<vmem>> -> memref<125xi32, #tpu.memory_space<vmem>>
      %dma_start3A_384 = arith.constant 0 : i32
      %dma_start3A_385 = arith.constant 0 : i32
      %dma_start3A_386 = tpu.memref_slice %arg2[%dma_start3A_384, %dma_start3A_385] : memref<20000x64xf32, #tpu.memory_space<hbm>> -> memref<20000x64xf32, #tpu.memory_space<hbm>>
      tpu.enqueue_indirect_dma source(%dma_start3A_386 : memref<20000x64xf32, #tpu.memory_space<hbm>>) target(%arg12 : memref<125x64xf32, #tpu.memory_space<vmem>>) offsets(%dma_start3A_383 : memref<125xi32, #tpu.memory_space<vmem>>) semaphore(%arg17 : memref<!tpu.dma_semaphore, #tpu.memory_space<semaphore_mem>>)
      %dma_start3A_387 = arith.constant 10 : i32
      %dma_start3A_388 = arith.constant 0 : i32
      %dma_start3A_389 = tpu.memref_slice %arg8[%select_n3A_61, %dma_start3A_387, %dma_start3A_388] : memref<2x32x125xi32, #tpu.memory_space<vmem>> -> memref<1x1x125xi32, #tpu.memory_space<vmem>>
      %dma_start3A_390 = tpu.memref_squeeze %dma_start3A_389 : memref<1x1x125xi32, #tpu.memory_space<vmem>> -> memref<125xi32, #tpu.memory_space<vmem>>
      %dma_start3A_391 = arith.constant 0 : i32
      %dma_start3A_392 = arith.constant 0 : i32
      %dma_start3A_393 = tpu.memref_slice %arg13[%dma_start3A_391, %dma_start3A_392] : memref<10000x64xf32, #tpu.memory_space<vmem_shared>> -> memref<10000x64xf32, #tpu.memory_space<vmem_shared>>
      tpu.enqueue_indirect_dma source(%arg11 : memref<125x64xf32, #tpu.memory_space<vmem>>) target(%dma_start3A_393 : memref<10000x64xf32, #tpu.memory_space<vmem_shared>>) offsets(%dma_start3A_390 : memref<125xi32, #tpu.memory_space<vmem>>) semaphore(%arg20 : memref<!tpu.dma_semaphore, #tpu.memory_space<semaphore_mem>>) {add = true}
      %dma_wait3A_394 = arith.constant 11 : i32
      %dma_wait3A_395 = arith.constant 0 : i32
      %dma_wait3A_396 = tpu.memref_slice %arg7[%select_n3A_61, %dma_wait3A_394, %dma_wait3A_395] : memref<2x32x125xi32, #tpu.memory_space<vmem>> -> memref<1x1x125xi32, #tpu.memory_space<vmem>>
      %dma_wait3A_397 = tpu.memref_squeeze %dma_wait3A_396 : memref<1x1x125xi32, #tpu.memory_space<vmem>> -> memref<125xi32, #tpu.memory_space<vmem>>
      %dma_wait3A_398 = arith.constant 0 : i32
      %dma_wait3A_399 = arith.constant 0 : i32
      %dma_wait3A_400 = tpu.memref_slice %arg2[%dma_wait3A_398, %dma_wait3A_399] : memref<20000x64xf32, #tpu.memory_space<hbm>> -> memref<20000x64xf32, #tpu.memory_space<hbm>>
      tpu.wait_indirect_dma semaphore(%arg17 : memref<!tpu.dma_semaphore, #tpu.memory_space<semaphore_mem>>) src(%dma_wait3A_400 : memref<20000x64xf32, #tpu.memory_space<hbm>>) dst(%arg12 : memref<125x64xf32, #tpu.memory_space<vmem>>)
      %dma_wait3A_401 = arith.constant 8 : i32
      %dma_wait3A_402 = arith.constant 0 : i32
      %dma_wait3A_403 = tpu.memref_slice %arg8[%select_n3A_61, %dma_wait3A_401, %dma_wait3A_402] : memref<2x32x125xi32, #tpu.memory_space<vmem>> -> memref<1x1x125xi32, #tpu.memory_space<vmem>>
      %dma_wait3A_404 = tpu.memref_squeeze %dma_wait3A_403 : memref<1x1x125xi32, #tpu.memory_space<vmem>> -> memref<125xi32, #tpu.memory_space<vmem>>
      %dma_wait3A_405 = arith.constant 0 : i32
      %dma_wait3A_406 = arith.constant 0 : i32
      %dma_wait3A_407 = tpu.memref_slice %arg13[%dma_wait3A_405, %dma_wait3A_406] : memref<10000x64xf32, #tpu.memory_space<vmem_shared>> -> memref<10000x64xf32, #tpu.memory_space<vmem_shared>>
      tpu.wait_indirect_dma semaphore(%arg18 : memref<!tpu.dma_semaphore, #tpu.memory_space<semaphore_mem>>) src(%arg9 : memref<125x64xf32, #tpu.memory_space<vmem>>) dst(%dma_wait3A_407 : memref<10000x64xf32, #tpu.memory_space<vmem_shared>>)
      %dma_start3A_408 = arith.constant 12 : i32
      %dma_start3A_409 = arith.constant 0 : i32
      %dma_start3A_410 = tpu.memref_slice %arg7[%select_n3A_61, %dma_start3A_408, %dma_start3A_409] : memref<2x32x125xi32, #tpu.memory_space<vmem>> -> memref<1x1x125xi32, #tpu.memory_space<vmem>>
      %dma_start3A_411 = tpu.memref_squeeze %dma_start3A_410 : memref<1x1x125xi32, #tpu.memory_space<vmem>> -> memref<125xi32, #tpu.memory_space<vmem>>
      %dma_start3A_412 = arith.constant 0 : i32
      %dma_start3A_413 = arith.constant 0 : i32
      %dma_start3A_414 = tpu.memref_slice %arg2[%dma_start3A_412, %dma_start3A_413] : memref<20000x64xf32, #tpu.memory_space<hbm>> -> memref<20000x64xf32, #tpu.memory_space<hbm>>
      tpu.enqueue_indirect_dma source(%dma_start3A_414 : memref<20000x64xf32, #tpu.memory_space<hbm>>) target(%arg9 : memref<125x64xf32, #tpu.memory_space<vmem>>) offsets(%dma_start3A_411 : memref<125xi32, #tpu.memory_space<vmem>>) semaphore(%arg14 : memref<!tpu.dma_semaphore, #tpu.memory_space<semaphore_mem>>)
      %dma_start3A_415 = arith.constant 11 : i32
      %dma_start3A_416 = arith.constant 0 : i32
      %dma_start3A_417 = tpu.memref_slice %arg8[%select_n3A_61, %dma_start3A_415, %dma_start3A_416] : memref<2x32x125xi32, #tpu.memory_space<vmem>> -> memref<1x1x125xi32, #tpu.memory_space<vmem>>
      %dma_start3A_418 = tpu.memref_squeeze %dma_start3A_417 : memref<1x1x125xi32, #tpu.memory_space<vmem>> -> memref<125xi32, #tpu.memory_space<vmem>>
      %dma_start3A_419 = arith.constant 0 : i32
      %dma_start3A_420 = arith.constant 0 : i32
      %dma_start3A_421 = tpu.memref_slice %arg13[%dma_start3A_419, %dma_start3A_420] : memref<10000x64xf32, #tpu.memory_space<vmem_shared>> -> memref<10000x64xf32, #tpu.memory_space<vmem_shared>>
      tpu.enqueue_indirect_dma source(%arg12 : memref<125x64xf32, #tpu.memory_space<vmem>>) target(%dma_start3A_421 : memref<10000x64xf32, #tpu.memory_space<vmem_shared>>) offsets(%dma_start3A_418 : memref<125xi32, #tpu.memory_space<vmem>>) semaphore(%arg21 : memref<!tpu.dma_semaphore, #tpu.memory_space<semaphore_mem>>) {add = true}
      %dma_wait3A_422 = arith.constant 12 : i32
      %dma_wait3A_423 = arith.constant 0 : i32
      %dma_wait3A_424 = tpu.memref_slice %arg7[%select_n3A_61, %dma_wait3A_422, %dma_wait3A_423] : memref<2x32x125xi32, #tpu.memory_space<vmem>> -> memref<1x1x125xi32, #tpu.memory_space<vmem>>
      %dma_wait3A_425 = tpu.memref_squeeze %dma_wait3A_424 : memref<1x1x125xi32, #tpu.memory_space<vmem>> -> memref<125xi32, #tpu.memory_space<vmem>>
      %dma_wait3A_426 = arith.constant 0 : i32
      %dma_wait3A_427 = arith.constant 0 : i32
      %dma_wait3A_428 = tpu.memref_slice %arg2[%dma_wait3A_426, %dma_wait3A_427] : memref<20000x64xf32, #tpu.memory_space<hbm>> -> memref<20000x64xf32, #tpu.memory_space<hbm>>
      tpu.wait_indirect_dma semaphore(%arg14 : memref<!tpu.dma_semaphore, #tpu.memory_space<semaphore_mem>>) src(%dma_wait3A_428 : memref<20000x64xf32, #tpu.memory_space<hbm>>) dst(%arg9 : memref<125x64xf32, #tpu.memory_space<vmem>>)
      %dma_wait3A_429 = arith.constant 9 : i32
      %dma_wait3A_430 = arith.constant 0 : i32
      %dma_wait3A_431 = tpu.memref_slice %arg8[%select_n3A_61, %dma_wait3A_429, %dma_wait3A_430] : memref<2x32x125xi32, #tpu.memory_space<vmem>> -> memref<1x1x125xi32, #tpu.memory_space<vmem>>
      %dma_wait3A_432 = tpu.memref_squeeze %dma_wait3A_431 : memref<1x1x125xi32, #tpu.memory_space<vmem>> -> memref<125xi32, #tpu.memory_space<vmem>>
      %dma_wait3A_433 = arith.constant 0 : i32
      %dma_wait3A_434 = arith.constant 0 : i32
      %dma_wait3A_435 = tpu.memref_slice %arg13[%dma_wait3A_433, %dma_wait3A_434] : memref<10000x64xf32, #tpu.memory_space<vmem_shared>> -> memref<10000x64xf32, #tpu.memory_space<vmem_shared>>
      tpu.wait_indirect_dma semaphore(%arg19 : memref<!tpu.dma_semaphore, #tpu.memory_space<semaphore_mem>>) src(%arg10 : memref<125x64xf32, #tpu.memory_space<vmem>>) dst(%dma_wait3A_435 : memref<10000x64xf32, #tpu.memory_space<vmem_shared>>)
      %dma_start3A_436 = arith.constant 13 : i32
      %dma_start3A_437 = arith.constant 0 : i32
      %dma_start3A_438 = tpu.memref_slice %arg7[%select_n3A_61, %dma_start3A_436, %dma_start3A_437] : memref<2x32x125xi32, #tpu.memory_space<vmem>> -> memref<1x1x125xi32, #tpu.memory_space<vmem>>
      %dma_start3A_439 = tpu.memref_squeeze %dma_start3A_438 : memref<1x1x125xi32, #tpu.memory_space<vmem>> -> memref<125xi32, #tpu.memory_space<vmem>>
      %dma_start3A_440 = arith.constant 0 : i32
      %dma_start3A_441 = arith.constant 0 : i32
      %dma_start3A_442 = tpu.memref_slice %arg2[%dma_start3A_440, %dma_start3A_441] : memref<20000x64xf32, #tpu.memory_space<hbm>> -> memref<20000x64xf32, #tpu.memory_space<hbm>>
      tpu.enqueue_indirect_dma source(%dma_start3A_442 : memref<20000x64xf32, #tpu.memory_space<hbm>>) target(%arg10 : memref<125x64xf32, #tpu.memory_space<vmem>>) offsets(%dma_start3A_439 : memref<125xi32, #tpu.memory_space<vmem>>) semaphore(%arg15 : memref<!tpu.dma_semaphore, #tpu.memory_space<semaphore_mem>>)
      %dma_start3A_443 = arith.constant 12 : i32
      %dma_start3A_444 = arith.constant 0 : i32
      %dma_start3A_445 = tpu.memref_slice %arg8[%select_n3A_61, %dma_start3A_443, %dma_start3A_444] : memref<2x32x125xi32, #tpu.memory_space<vmem>> -> memref<1x1x125xi32, #tpu.memory_space<vmem>>
      %dma_start3A_446 = tpu.memref_squeeze %dma_start3A_445 : memref<1x1x125xi32, #tpu.memory_space<vmem>> -> memref<125xi32, #tpu.memory_space<vmem>>
      %dma_start3A_447 = arith.constant 0 : i32
      %dma_start3A_448 = arith.constant 0 : i32
      %dma_start3A_449 = tpu.memref_slice %arg13[%dma_start3A_447, %dma_start3A_448] : memref<10000x64xf32, #tpu.memory_space<vmem_shared>> -> memref<10000x64xf32, #tpu.memory_space<vmem_shared>>
      tpu.enqueue_indirect_dma source(%arg9 : memref<125x64xf32, #tpu.memory_space<vmem>>) target(%dma_start3A_449 : memref<10000x64xf32, #tpu.memory_space<vmem_shared>>) offsets(%dma_start3A_446 : memref<125xi32, #tpu.memory_space<vmem>>) semaphore(%arg18 : memref<!tpu.dma_semaphore, #tpu.memory_space<semaphore_mem>>) {add = true}
      %dma_wait3A_450 = arith.constant 13 : i32
      %dma_wait3A_451 = arith.constant 0 : i32
      %dma_wait3A_452 = tpu.memref_slice %arg7[%select_n3A_61, %dma_wait3A_450, %dma_wait3A_451] : memref<2x32x125xi32, #tpu.memory_space<vmem>> -> memref<1x1x125xi32, #tpu.memory_space<vmem>>
      %dma_wait3A_453 = tpu.memref_squeeze %dma_wait3A_452 : memref<1x1x125xi32, #tpu.memory_space<vmem>> -> memref<125xi32, #tpu.memory_space<vmem>>
      %dma_wait3A_454 = arith.constant 0 : i32
      %dma_wait3A_455 = arith.constant 0 : i32
      %dma_wait3A_456 = tpu.memref_slice %arg2[%dma_wait3A_454, %dma_wait3A_455] : memref<20000x64xf32, #tpu.memory_space<hbm>> -> memref<20000x64xf32, #tpu.memory_space<hbm>>
      tpu.wait_indirect_dma semaphore(%arg15 : memref<!tpu.dma_semaphore, #tpu.memory_space<semaphore_mem>>) src(%dma_wait3A_456 : memref<20000x64xf32, #tpu.memory_space<hbm>>) dst(%arg10 : memref<125x64xf32, #tpu.memory_space<vmem>>)
      %dma_wait3A_457 = arith.constant 10 : i32
      %dma_wait3A_458 = arith.constant 0 : i32
      %dma_wait3A_459 = tpu.memref_slice %arg8[%select_n3A_61, %dma_wait3A_457, %dma_wait3A_458] : memref<2x32x125xi32, #tpu.memory_space<vmem>> -> memref<1x1x125xi32, #tpu.memory_space<vmem>>
      %dma_wait3A_460 = tpu.memref_squeeze %dma_wait3A_459 : memref<1x1x125xi32, #tpu.memory_space<vmem>> -> memref<125xi32, #tpu.memory_space<vmem>>
      %dma_wait3A_461 = arith.constant 0 : i32
      %dma_wait3A_462 = arith.constant 0 : i32
      %dma_wait3A_463 = tpu.memref_slice %arg13[%dma_wait3A_461, %dma_wait3A_462] : memref<10000x64xf32, #tpu.memory_space<vmem_shared>> -> memref<10000x64xf32, #tpu.memory_space<vmem_shared>>
      tpu.wait_indirect_dma semaphore(%arg20 : memref<!tpu.dma_semaphore, #tpu.memory_space<semaphore_mem>>) src(%arg11 : memref<125x64xf32, #tpu.memory_space<vmem>>) dst(%dma_wait3A_463 : memref<10000x64xf32, #tpu.memory_space<vmem_shared>>)
      %dma_start3A_464 = arith.constant 14 : i32
      %dma_start3A_465 = arith.constant 0 : i32
      %dma_start3A_466 = tpu.memref_slice %arg7[%select_n3A_61, %dma_start3A_464, %dma_start3A_465] : memref<2x32x125xi32, #tpu.memory_space<vmem>> -> memref<1x1x125xi32, #tpu.memory_space<vmem>>
      %dma_start3A_467 = tpu.memref_squeeze %dma_start3A_466 : memref<1x1x125xi32, #tpu.memory_space<vmem>> -> memref<125xi32, #tpu.memory_space<vmem>>
      %dma_start3A_468 = arith.constant 0 : i32
      %dma_start3A_469 = arith.constant 0 : i32
      %dma_start3A_470 = tpu.memref_slice %arg2[%dma_start3A_468, %dma_start3A_469] : memref<20000x64xf32, #tpu.memory_space<hbm>> -> memref<20000x64xf32, #tpu.memory_space<hbm>>
      tpu.enqueue_indirect_dma source(%dma_start3A_470 : memref<20000x64xf32, #tpu.memory_space<hbm>>) target(%arg11 : memref<125x64xf32, #tpu.memory_space<vmem>>) offsets(%dma_start3A_467 : memref<125xi32, #tpu.memory_space<vmem>>) semaphore(%arg16 : memref<!tpu.dma_semaphore, #tpu.memory_space<semaphore_mem>>)
      %dma_start3A_471 = arith.constant 13 : i32
      %dma_start3A_472 = arith.constant 0 : i32
      %dma_start3A_473 = tpu.memref_slice %arg8[%select_n3A_61, %dma_start3A_471, %dma_start3A_472] : memref<2x32x125xi32, #tpu.memory_space<vmem>> -> memref<1x1x125xi32, #tpu.memory_space<vmem>>
      %dma_start3A_474 = tpu.memref_squeeze %dma_start3A_473 : memref<1x1x125xi32, #tpu.memory_space<vmem>> -> memref<125xi32, #tpu.memory_space<vmem>>
      %dma_start3A_475 = arith.constant 0 : i32
      %dma_start3A_476 = arith.constant 0 : i32
      %dma_start3A_477 = tpu.memref_slice %arg13[%dma_start3A_475, %dma_start3A_476] : memref<10000x64xf32, #tpu.memory_space<vmem_shared>> -> memref<10000x64xf32, #tpu.memory_space<vmem_shared>>
      tpu.enqueue_indirect_dma source(%arg10 : memref<125x64xf32, #tpu.memory_space<vmem>>) target(%dma_start3A_477 : memref<10000x64xf32, #tpu.memory_space<vmem_shared>>) offsets(%dma_start3A_474 : memref<125xi32, #tpu.memory_space<vmem>>) semaphore(%arg19 : memref<!tpu.dma_semaphore, #tpu.memory_space<semaphore_mem>>) {add = true}
      %dma_wait3A_478 = arith.constant 14 : i32
      %dma_wait3A_479 = arith.constant 0 : i32
      %dma_wait3A_480 = tpu.memref_slice %arg7[%select_n3A_61, %dma_wait3A_478, %dma_wait3A_479] : memref<2x32x125xi32, #tpu.memory_space<vmem>> -> memref<1x1x125xi32, #tpu.memory_space<vmem>>
      %dma_wait3A_481 = tpu.memref_squeeze %dma_wait3A_480 : memref<1x1x125xi32, #tpu.memory_space<vmem>> -> memref<125xi32, #tpu.memory_space<vmem>>
      %dma_wait3A_482 = arith.constant 0 : i32
      %dma_wait3A_483 = arith.constant 0 : i32
      %dma_wait3A_484 = tpu.memref_slice %arg2[%dma_wait3A_482, %dma_wait3A_483] : memref<20000x64xf32, #tpu.memory_space<hbm>> -> memref<20000x64xf32, #tpu.memory_space<hbm>>
      tpu.wait_indirect_dma semaphore(%arg16 : memref<!tpu.dma_semaphore, #tpu.memory_space<semaphore_mem>>) src(%dma_wait3A_484 : memref<20000x64xf32, #tpu.memory_space<hbm>>) dst(%arg11 : memref<125x64xf32, #tpu.memory_space<vmem>>)
      %dma_wait3A_485 = arith.constant 11 : i32
      %dma_wait3A_486 = arith.constant 0 : i32
      %dma_wait3A_487 = tpu.memref_slice %arg8[%select_n3A_61, %dma_wait3A_485, %dma_wait3A_486] : memref<2x32x125xi32, #tpu.memory_space<vmem>> -> memref<1x1x125xi32, #tpu.memory_space<vmem>>
      %dma_wait3A_488 = tpu.memref_squeeze %dma_wait3A_487 : memref<1x1x125xi32, #tpu.memory_space<vmem>> -> memref<125xi32, #tpu.memory_space<vmem>>
      %dma_wait3A_489 = arith.constant 0 : i32
      %dma_wait3A_490 = arith.constant 0 : i32
      %dma_wait3A_491 = tpu.memref_slice %arg13[%dma_wait3A_489, %dma_wait3A_490] : memref<10000x64xf32, #tpu.memory_space<vmem_shared>> -> memref<10000x64xf32, #tpu.memory_space<vmem_shared>>
      tpu.wait_indirect_dma semaphore(%arg21 : memref<!tpu.dma_semaphore, #tpu.memory_space<semaphore_mem>>) src(%arg12 : memref<125x64xf32, #tpu.memory_space<vmem>>) dst(%dma_wait3A_491 : memref<10000x64xf32, #tpu.memory_space<vmem_shared>>)
      %dma_start3A_492 = arith.constant 15 : i32
      %dma_start3A_493 = arith.constant 0 : i32
      %dma_start3A_494 = tpu.memref_slice %arg7[%select_n3A_61, %dma_start3A_492, %dma_start3A_493] : memref<2x32x125xi32, #tpu.memory_space<vmem>> -> memref<1x1x125xi32, #tpu.memory_space<vmem>>
      %dma_start3A_495 = tpu.memref_squeeze %dma_start3A_494 : memref<1x1x125xi32, #tpu.memory_space<vmem>> -> memref<125xi32, #tpu.memory_space<vmem>>
      %dma_start3A_496 = arith.constant 0 : i32
      %dma_start3A_497 = arith.constant 0 : i32
      %dma_start3A_498 = tpu.memref_slice %arg2[%dma_start3A_496, %dma_start3A_497] : memref<20000x64xf32, #tpu.memory_space<hbm>> -> memref<20000x64xf32, #tpu.memory_space<hbm>>
      tpu.enqueue_indirect_dma source(%dma_start3A_498 : memref<20000x64xf32, #tpu.memory_space<hbm>>) target(%arg12 : memref<125x64xf32, #tpu.memory_space<vmem>>) offsets(%dma_start3A_495 : memref<125xi32, #tpu.memory_space<vmem>>) semaphore(%arg17 : memref<!tpu.dma_semaphore, #tpu.memory_space<semaphore_mem>>)
      %dma_start3A_499 = arith.constant 14 : i32
      %dma_start3A_500 = arith.constant 0 : i32
      %dma_start3A_501 = tpu.memref_slice %arg8[%select_n3A_61, %dma_start3A_499, %dma_start3A_500] : memref<2x32x125xi32, #tpu.memory_space<vmem>> -> memref<1x1x125xi32, #tpu.memory_space<vmem>>
      %dma_start3A_502 = tpu.memref_squeeze %dma_start3A_501 : memref<1x1x125xi32, #tpu.memory_space<vmem>> -> memref<125xi32, #tpu.memory_space<vmem>>
      %dma_start3A_503 = arith.constant 0 : i32
      %dma_start3A_504 = arith.constant 0 : i32
      %dma_start3A_505 = tpu.memref_slice %arg13[%dma_start3A_503, %dma_start3A_504] : memref<10000x64xf32, #tpu.memory_space<vmem_shared>> -> memref<10000x64xf32, #tpu.memory_space<vmem_shared>>
      tpu.enqueue_indirect_dma source(%arg11 : memref<125x64xf32, #tpu.memory_space<vmem>>) target(%dma_start3A_505 : memref<10000x64xf32, #tpu.memory_space<vmem_shared>>) offsets(%dma_start3A_502 : memref<125xi32, #tpu.memory_space<vmem>>) semaphore(%arg20 : memref<!tpu.dma_semaphore, #tpu.memory_space<semaphore_mem>>) {add = true}
      %dma_wait3A_506 = arith.constant 15 : i32
      %dma_wait3A_507 = arith.constant 0 : i32
      %dma_wait3A_508 = tpu.memref_slice %arg7[%select_n3A_61, %dma_wait3A_506, %dma_wait3A_507] : memref<2x32x125xi32, #tpu.memory_space<vmem>> -> memref<1x1x125xi32, #tpu.memory_space<vmem>>
      %dma_wait3A_509 = tpu.memref_squeeze %dma_wait3A_508 : memref<1x1x125xi32, #tpu.memory_space<vmem>> -> memref<125xi32, #tpu.memory_space<vmem>>
      %dma_wait3A_510 = arith.constant 0 : i32
      %dma_wait3A_511 = arith.constant 0 : i32
      %dma_wait3A_512 = tpu.memref_slice %arg2[%dma_wait3A_510, %dma_wait3A_511] : memref<20000x64xf32, #tpu.memory_space<hbm>> -> memref<20000x64xf32, #tpu.memory_space<hbm>>
      tpu.wait_indirect_dma semaphore(%arg17 : memref<!tpu.dma_semaphore, #tpu.memory_space<semaphore_mem>>) src(%dma_wait3A_512 : memref<20000x64xf32, #tpu.memory_space<hbm>>) dst(%arg12 : memref<125x64xf32, #tpu.memory_space<vmem>>)
      %dma_wait3A_513 = arith.constant 12 : i32
      %dma_wait3A_514 = arith.constant 0 : i32
      %dma_wait3A_515 = tpu.memref_slice %arg8[%select_n3A_61, %dma_wait3A_513, %dma_wait3A_514] : memref<2x32x125xi32, #tpu.memory_space<vmem>> -> memref<1x1x125xi32, #tpu.memory_space<vmem>>
      %dma_wait3A_516 = tpu.memref_squeeze %dma_wait3A_515 : memref<1x1x125xi32, #tpu.memory_space<vmem>> -> memref<125xi32, #tpu.memory_space<vmem>>
      %dma_wait3A_517 = arith.constant 0 : i32
      %dma_wait3A_518 = arith.constant 0 : i32
      %dma_wait3A_519 = tpu.memref_slice %arg13[%dma_wait3A_517, %dma_wait3A_518] : memref<10000x64xf32, #tpu.memory_space<vmem_shared>> -> memref<10000x64xf32, #tpu.memory_space<vmem_shared>>
      tpu.wait_indirect_dma semaphore(%arg18 : memref<!tpu.dma_semaphore, #tpu.memory_space<semaphore_mem>>) src(%arg9 : memref<125x64xf32, #tpu.memory_space<vmem>>) dst(%dma_wait3A_519 : memref<10000x64xf32, #tpu.memory_space<vmem_shared>>)
      %dma_start3A_520 = arith.constant 16 : i32
      %dma_start3A_521 = arith.constant 0 : i32
      %dma_start3A_522 = tpu.memref_slice %arg7[%select_n3A_61, %dma_start3A_520, %dma_start3A_521] : memref<2x32x125xi32, #tpu.memory_space<vmem>> -> memref<1x1x125xi32, #tpu.memory_space<vmem>>
      %dma_start3A_523 = tpu.memref_squeeze %dma_start3A_522 : memref<1x1x125xi32, #tpu.memory_space<vmem>> -> memref<125xi32, #tpu.memory_space<vmem>>
      %dma_start3A_524 = arith.constant 0 : i32
      %dma_start3A_525 = arith.constant 0 : i32
      %dma_start3A_526 = tpu.memref_slice %arg2[%dma_start3A_524, %dma_start3A_525] : memref<20000x64xf32, #tpu.memory_space<hbm>> -> memref<20000x64xf32, #tpu.memory_space<hbm>>
      tpu.enqueue_indirect_dma source(%dma_start3A_526 : memref<20000x64xf32, #tpu.memory_space<hbm>>) target(%arg9 : memref<125x64xf32, #tpu.memory_space<vmem>>) offsets(%dma_start3A_523 : memref<125xi32, #tpu.memory_space<vmem>>) semaphore(%arg14 : memref<!tpu.dma_semaphore, #tpu.memory_space<semaphore_mem>>)
      %dma_start3A_527 = arith.constant 15 : i32
      %dma_start3A_528 = arith.constant 0 : i32
      %dma_start3A_529 = tpu.memref_slice %arg8[%select_n3A_61, %dma_start3A_527, %dma_start3A_528] : memref<2x32x125xi32, #tpu.memory_space<vmem>> -> memref<1x1x125xi32, #tpu.memory_space<vmem>>
      %dma_start3A_530 = tpu.memref_squeeze %dma_start3A_529 : memref<1x1x125xi32, #tpu.memory_space<vmem>> -> memref<125xi32, #tpu.memory_space<vmem>>
      %dma_start3A_531 = arith.constant 0 : i32
      %dma_start3A_532 = arith.constant 0 : i32
      %dma_start3A_533 = tpu.memref_slice %arg13[%dma_start3A_531, %dma_start3A_532] : memref<10000x64xf32, #tpu.memory_space<vmem_shared>> -> memref<10000x64xf32, #tpu.memory_space<vmem_shared>>
      tpu.enqueue_indirect_dma source(%arg12 : memref<125x64xf32, #tpu.memory_space<vmem>>) target(%dma_start3A_533 : memref<10000x64xf32, #tpu.memory_space<vmem_shared>>) offsets(%dma_start3A_530 : memref<125xi32, #tpu.memory_space<vmem>>) semaphore(%arg21 : memref<!tpu.dma_semaphore, #tpu.memory_space<semaphore_mem>>) {add = true}
      %dma_wait3A_534 = arith.constant 16 : i32
      %dma_wait3A_535 = arith.constant 0 : i32
      %dma_wait3A_536 = tpu.memref_slice %arg7[%select_n3A_61, %dma_wait3A_534, %dma_wait3A_535] : memref<2x32x125xi32, #tpu.memory_space<vmem>> -> memref<1x1x125xi32, #tpu.memory_space<vmem>>
      %dma_wait3A_537 = tpu.memref_squeeze %dma_wait3A_536 : memref<1x1x125xi32, #tpu.memory_space<vmem>> -> memref<125xi32, #tpu.memory_space<vmem>>
      %dma_wait3A_538 = arith.constant 0 : i32
      %dma_wait3A_539 = arith.constant 0 : i32
      %dma_wait3A_540 = tpu.memref_slice %arg2[%dma_wait3A_538, %dma_wait3A_539] : memref<20000x64xf32, #tpu.memory_space<hbm>> -> memref<20000x64xf32, #tpu.memory_space<hbm>>
      tpu.wait_indirect_dma semaphore(%arg14 : memref<!tpu.dma_semaphore, #tpu.memory_space<semaphore_mem>>) src(%dma_wait3A_540 : memref<20000x64xf32, #tpu.memory_space<hbm>>) dst(%arg9 : memref<125x64xf32, #tpu.memory_space<vmem>>)
      %dma_wait3A_541 = arith.constant 13 : i32
      %dma_wait3A_542 = arith.constant 0 : i32
      %dma_wait3A_543 = tpu.memref_slice %arg8[%select_n3A_61, %dma_wait3A_541, %dma_wait3A_542] : memref<2x32x125xi32, #tpu.memory_space<vmem>> -> memref<1x1x125xi32, #tpu.memory_space<vmem>>
      %dma_wait3A_544 = tpu.memref_squeeze %dma_wait3A_543 : memref<1x1x125xi32, #tpu.memory_space<vmem>> -> memref<125xi32, #tpu.memory_space<vmem>>
      %dma_wait3A_545 = arith.constant 0 : i32
      %dma_wait3A_546 = arith.constant 0 : i32
      %dma_wait3A_547 = tpu.memref_slice %arg13[%dma_wait3A_545, %dma_wait3A_546] : memref<10000x64xf32, #tpu.memory_space<vmem_shared>> -> memref<10000x64xf32, #tpu.memory_space<vmem_shared>>
      tpu.wait_indirect_dma semaphore(%arg19 : memref<!tpu.dma_semaphore, #tpu.memory_space<semaphore_mem>>) src(%arg10 : memref<125x64xf32, #tpu.memory_space<vmem>>) dst(%dma_wait3A_547 : memref<10000x64xf32, #tpu.memory_space<vmem_shared>>)
      %dma_start3A_548 = arith.constant 17 : i32
      %dma_start3A_549 = arith.constant 0 : i32
      %dma_start3A_550 = tpu.memref_slice %arg7[%select_n3A_61, %dma_start3A_548, %dma_start3A_549] : memref<2x32x125xi32, #tpu.memory_space<vmem>> -> memref<1x1x125xi32, #tpu.memory_space<vmem>>
      %dma_start3A_551 = tpu.memref_squeeze %dma_start3A_550 : memref<1x1x125xi32, #tpu.memory_space<vmem>> -> memref<125xi32, #tpu.memory_space<vmem>>
      %dma_start3A_552 = arith.constant 0 : i32
      %dma_start3A_553 = arith.constant 0 : i32
      %dma_start3A_554 = tpu.memref_slice %arg2[%dma_start3A_552, %dma_start3A_553] : memref<20000x64xf32, #tpu.memory_space<hbm>> -> memref<20000x64xf32, #tpu.memory_space<hbm>>
      tpu.enqueue_indirect_dma source(%dma_start3A_554 : memref<20000x64xf32, #tpu.memory_space<hbm>>) target(%arg10 : memref<125x64xf32, #tpu.memory_space<vmem>>) offsets(%dma_start3A_551 : memref<125xi32, #tpu.memory_space<vmem>>) semaphore(%arg15 : memref<!tpu.dma_semaphore, #tpu.memory_space<semaphore_mem>>)
      %dma_start3A_555 = arith.constant 16 : i32
      %dma_start3A_556 = arith.constant 0 : i32
      %dma_start3A_557 = tpu.memref_slice %arg8[%select_n3A_61, %dma_start3A_555, %dma_start3A_556] : memref<2x32x125xi32, #tpu.memory_space<vmem>> -> memref<1x1x125xi32, #tpu.memory_space<vmem>>
      %dma_start3A_558 = tpu.memref_squeeze %dma_start3A_557 : memref<1x1x125xi32, #tpu.memory_space<vmem>> -> memref<125xi32, #tpu.memory_space<vmem>>
      %dma_start3A_559 = arith.constant 0 : i32
      %dma_start3A_560 = arith.constant 0 : i32
      %dma_start3A_561 = tpu.memref_slice %arg13[%dma_start3A_559, %dma_start3A_560] : memref<10000x64xf32, #tpu.memory_space<vmem_shared>> -> memref<10000x64xf32, #tpu.memory_space<vmem_shared>>
      tpu.enqueue_indirect_dma source(%arg9 : memref<125x64xf32, #tpu.memory_space<vmem>>) target(%dma_start3A_561 : memref<10000x64xf32, #tpu.memory_space<vmem_shared>>) offsets(%dma_start3A_558 : memref<125xi32, #tpu.memory_space<vmem>>) semaphore(%arg18 : memref<!tpu.dma_semaphore, #tpu.memory_space<semaphore_mem>>) {add = true}
      %dma_wait3A_562 = arith.constant 17 : i32
      %dma_wait3A_563 = arith.constant 0 : i32
      %dma_wait3A_564 = tpu.memref_slice %arg7[%select_n3A_61, %dma_wait3A_562, %dma_wait3A_563] : memref<2x32x125xi32, #tpu.memory_space<vmem>> -> memref<1x1x125xi32, #tpu.memory_space<vmem>>
      %dma_wait3A_565 = tpu.memref_squeeze %dma_wait3A_564 : memref<1x1x125xi32, #tpu.memory_space<vmem>> -> memref<125xi32, #tpu.memory_space<vmem>>
      %dma_wait3A_566 = arith.constant 0 : i32
      %dma_wait3A_567 = arith.constant 0 : i32
      %dma_wait3A_568 = tpu.memref_slice %arg2[%dma_wait3A_566, %dma_wait3A_567] : memref<20000x64xf32, #tpu.memory_space<hbm>> -> memref<20000x64xf32, #tpu.memory_space<hbm>>
      tpu.wait_indirect_dma semaphore(%arg15 : memref<!tpu.dma_semaphore, #tpu.memory_space<semaphore_mem>>) src(%dma_wait3A_568 : memref<20000x64xf32, #tpu.memory_space<hbm>>) dst(%arg10 : memref<125x64xf32, #tpu.memory_space<vmem>>)
      %dma_wait3A_569 = arith.constant 14 : i32
      %dma_wait3A_570 = arith.constant 0 : i32
      %dma_wait3A_571 = tpu.memref_slice %arg8[%select_n3A_61, %dma_wait3A_569, %dma_wait3A_570] : memref<2x32x125xi32, #tpu.memory_space<vmem>> -> memref<1x1x125xi32, #tpu.memory_space<vmem>>
      %dma_wait3A_572 = tpu.memref_squeeze %dma_wait3A_571 : memref<1x1x125xi32, #tpu.memory_space<vmem>> -> memref<125xi32, #tpu.memory_space<vmem>>
      %dma_wait3A_573 = arith.constant 0 : i32
      %dma_wait3A_574 = arith.constant 0 : i32
      %dma_wait3A_575 = tpu.memref_slice %arg13[%dma_wait3A_573, %dma_wait3A_574] : memref<10000x64xf32, #tpu.memory_space<vmem_shared>> -> memref<10000x64xf32, #tpu.memory_space<vmem_shared>>
      tpu.wait_indirect_dma semaphore(%arg20 : memref<!tpu.dma_semaphore, #tpu.memory_space<semaphore_mem>>) src(%arg11 : memref<125x64xf32, #tpu.memory_space<vmem>>) dst(%dma_wait3A_575 : memref<10000x64xf32, #tpu.memory_space<vmem_shared>>)
      %dma_start3A_576 = arith.constant 18 : i32
      %dma_start3A_577 = arith.constant 0 : i32
      %dma_start3A_578 = tpu.memref_slice %arg7[%select_n3A_61, %dma_start3A_576, %dma_start3A_577] : memref<2x32x125xi32, #tpu.memory_space<vmem>> -> memref<1x1x125xi32, #tpu.memory_space<vmem>>
      %dma_start3A_579 = tpu.memref_squeeze %dma_start3A_578 : memref<1x1x125xi32, #tpu.memory_space<vmem>> -> memref<125xi32, #tpu.memory_space<vmem>>
      %dma_start3A_580 = arith.constant 0 : i32
      %dma_start3A_581 = arith.constant 0 : i32
      %dma_start3A_582 = tpu.memref_slice %arg2[%dma_start3A_580, %dma_start3A_581] : memref<20000x64xf32, #tpu.memory_space<hbm>> -> memref<20000x64xf32, #tpu.memory_space<hbm>>
      tpu.enqueue_indirect_dma source(%dma_start3A_582 : memref<20000x64xf32, #tpu.memory_space<hbm>>) target(%arg11 : memref<125x64xf32, #tpu.memory_space<vmem>>) offsets(%dma_start3A_579 : memref<125xi32, #tpu.memory_space<vmem>>) semaphore(%arg16 : memref<!tpu.dma_semaphore, #tpu.memory_space<semaphore_mem>>)
      %dma_start3A_583 = arith.constant 17 : i32
      %dma_start3A_584 = arith.constant 0 : i32
      %dma_start3A_585 = tpu.memref_slice %arg8[%select_n3A_61, %dma_start3A_583, %dma_start3A_584] : memref<2x32x125xi32, #tpu.memory_space<vmem>> -> memref<1x1x125xi32, #tpu.memory_space<vmem>>
      %dma_start3A_586 = tpu.memref_squeeze %dma_start3A_585 : memref<1x1x125xi32, #tpu.memory_space<vmem>> -> memref<125xi32, #tpu.memory_space<vmem>>
      %dma_start3A_587 = arith.constant 0 : i32
      %dma_start3A_588 = arith.constant 0 : i32
      %dma_start3A_589 = tpu.memref_slice %arg13[%dma_start3A_587, %dma_start3A_588] : memref<10000x64xf32, #tpu.memory_space<vmem_shared>> -> memref<10000x64xf32, #tpu.memory_space<vmem_shared>>
      tpu.enqueue_indirect_dma source(%arg10 : memref<125x64xf32, #tpu.memory_space<vmem>>) target(%dma_start3A_589 : memref<10000x64xf32, #tpu.memory_space<vmem_shared>>) offsets(%dma_start3A_586 : memref<125xi32, #tpu.memory_space<vmem>>) semaphore(%arg19 : memref<!tpu.dma_semaphore, #tpu.memory_space<semaphore_mem>>) {add = true}
      %dma_wait3A_590 = arith.constant 18 : i32
      %dma_wait3A_591 = arith.constant 0 : i32
      %dma_wait3A_592 = tpu.memref_slice %arg7[%select_n3A_61, %dma_wait3A_590, %dma_wait3A_591] : memref<2x32x125xi32, #tpu.memory_space<vmem>> -> memref<1x1x125xi32, #tpu.memory_space<vmem>>
      %dma_wait3A_593 = tpu.memref_squeeze %dma_wait3A_592 : memref<1x1x125xi32, #tpu.memory_space<vmem>> -> memref<125xi32, #tpu.memory_space<vmem>>
      %dma_wait3A_594 = arith.constant 0 : i32
      %dma_wait3A_595 = arith.constant 0 : i32
      %dma_wait3A_596 = tpu.memref_slice %arg2[%dma_wait3A_594, %dma_wait3A_595] : memref<20000x64xf32, #tpu.memory_space<hbm>> -> memref<20000x64xf32, #tpu.memory_space<hbm>>
      tpu.wait_indirect_dma semaphore(%arg16 : memref<!tpu.dma_semaphore, #tpu.memory_space<semaphore_mem>>) src(%dma_wait3A_596 : memref<20000x64xf32, #tpu.memory_space<hbm>>) dst(%arg11 : memref<125x64xf32, #tpu.memory_space<vmem>>)
      %dma_wait3A_597 = arith.constant 15 : i32
      %dma_wait3A_598 = arith.constant 0 : i32
      %dma_wait3A_599 = tpu.memref_slice %arg8[%select_n3A_61, %dma_wait3A_597, %dma_wait3A_598] : memref<2x32x125xi32, #tpu.memory_space<vmem>> -> memref<1x1x125xi32, #tpu.memory_space<vmem>>
      %dma_wait3A_600 = tpu.memref_squeeze %dma_wait3A_599 : memref<1x1x125xi32, #tpu.memory_space<vmem>> -> memref<125xi32, #tpu.memory_space<vmem>>
      %dma_wait3A_601 = arith.constant 0 : i32
      %dma_wait3A_602 = arith.constant 0 : i32
      %dma_wait3A_603 = tpu.memref_slice %arg13[%dma_wait3A_601, %dma_wait3A_602] : memref<10000x64xf32, #tpu.memory_space<vmem_shared>> -> memref<10000x64xf32, #tpu.memory_space<vmem_shared>>
      tpu.wait_indirect_dma semaphore(%arg21 : memref<!tpu.dma_semaphore, #tpu.memory_space<semaphore_mem>>) src(%arg12 : memref<125x64xf32, #tpu.memory_space<vmem>>) dst(%dma_wait3A_603 : memref<10000x64xf32, #tpu.memory_space<vmem_shared>>)
      %dma_start3A_604 = arith.constant 19 : i32
      %dma_start3A_605 = arith.constant 0 : i32
      %dma_start3A_606 = tpu.memref_slice %arg7[%select_n3A_61, %dma_start3A_604, %dma_start3A_605] : memref<2x32x125xi32, #tpu.memory_space<vmem>> -> memref<1x1x125xi32, #tpu.memory_space<vmem>>
      %dma_start3A_607 = tpu.memref_squeeze %dma_start3A_606 : memref<1x1x125xi32, #tpu.memory_space<vmem>> -> memref<125xi32, #tpu.memory_space<vmem>>
      %dma_start3A_608 = arith.constant 0 : i32
      %dma_start3A_609 = arith.constant 0 : i32
      %dma_start3A_610 = tpu.memref_slice %arg2[%dma_start3A_608, %dma_start3A_609] : memref<20000x64xf32, #tpu.memory_space<hbm>> -> memref<20000x64xf32, #tpu.memory_space<hbm>>
      tpu.enqueue_indirect_dma source(%dma_start3A_610 : memref<20000x64xf32, #tpu.memory_space<hbm>>) target(%arg12 : memref<125x64xf32, #tpu.memory_space<vmem>>) offsets(%dma_start3A_607 : memref<125xi32, #tpu.memory_space<vmem>>) semaphore(%arg17 : memref<!tpu.dma_semaphore, #tpu.memory_space<semaphore_mem>>)
      %dma_start3A_611 = arith.constant 18 : i32
      %dma_start3A_612 = arith.constant 0 : i32
      %dma_start3A_613 = tpu.memref_slice %arg8[%select_n3A_61, %dma_start3A_611, %dma_start3A_612] : memref<2x32x125xi32, #tpu.memory_space<vmem>> -> memref<1x1x125xi32, #tpu.memory_space<vmem>>
      %dma_start3A_614 = tpu.memref_squeeze %dma_start3A_613 : memref<1x1x125xi32, #tpu.memory_space<vmem>> -> memref<125xi32, #tpu.memory_space<vmem>>
      %dma_start3A_615 = arith.constant 0 : i32
      %dma_start3A_616 = arith.constant 0 : i32
      %dma_start3A_617 = tpu.memref_slice %arg13[%dma_start3A_615, %dma_start3A_616] : memref<10000x64xf32, #tpu.memory_space<vmem_shared>> -> memref<10000x64xf32, #tpu.memory_space<vmem_shared>>
      tpu.enqueue_indirect_dma source(%arg11 : memref<125x64xf32, #tpu.memory_space<vmem>>) target(%dma_start3A_617 : memref<10000x64xf32, #tpu.memory_space<vmem_shared>>) offsets(%dma_start3A_614 : memref<125xi32, #tpu.memory_space<vmem>>) semaphore(%arg20 : memref<!tpu.dma_semaphore, #tpu.memory_space<semaphore_mem>>) {add = true}
      %dma_wait3A_618 = arith.constant 19 : i32
      %dma_wait3A_619 = arith.constant 0 : i32
      %dma_wait3A_620 = tpu.memref_slice %arg7[%select_n3A_61, %dma_wait3A_618, %dma_wait3A_619] : memref<2x32x125xi32, #tpu.memory_space<vmem>> -> memref<1x1x125xi32, #tpu.memory_space<vmem>>
      %dma_wait3A_621 = tpu.memref_squeeze %dma_wait3A_620 : memref<1x1x125xi32, #tpu.memory_space<vmem>> -> memref<125xi32, #tpu.memory_space<vmem>>
      %dma_wait3A_622 = arith.constant 0 : i32
      %dma_wait3A_623 = arith.constant 0 : i32
      %dma_wait3A_624 = tpu.memref_slice %arg2[%dma_wait3A_622, %dma_wait3A_623] : memref<20000x64xf32, #tpu.memory_space<hbm>> -> memref<20000x64xf32, #tpu.memory_space<hbm>>
      tpu.wait_indirect_dma semaphore(%arg17 : memref<!tpu.dma_semaphore, #tpu.memory_space<semaphore_mem>>) src(%dma_wait3A_624 : memref<20000x64xf32, #tpu.memory_space<hbm>>) dst(%arg12 : memref<125x64xf32, #tpu.memory_space<vmem>>)
      %dma_wait3A_625 = arith.constant 16 : i32
      %dma_wait3A_626 = arith.constant 0 : i32
      %dma_wait3A_627 = tpu.memref_slice %arg8[%select_n3A_61, %dma_wait3A_625, %dma_wait3A_626] : memref<2x32x125xi32, #tpu.memory_space<vmem>> -> memref<1x1x125xi32, #tpu.memory_space<vmem>>
      %dma_wait3A_628 = tpu.memref_squeeze %dma_wait3A_627 : memref<1x1x125xi32, #tpu.memory_space<vmem>> -> memref<125xi32, #tpu.memory_space<vmem>>
      %dma_wait3A_629 = arith.constant 0 : i32
      %dma_wait3A_630 = arith.constant 0 : i32
      %dma_wait3A_631 = tpu.memref_slice %arg13[%dma_wait3A_629, %dma_wait3A_630] : memref<10000x64xf32, #tpu.memory_space<vmem_shared>> -> memref<10000x64xf32, #tpu.memory_space<vmem_shared>>
      tpu.wait_indirect_dma semaphore(%arg18 : memref<!tpu.dma_semaphore, #tpu.memory_space<semaphore_mem>>) src(%arg9 : memref<125x64xf32, #tpu.memory_space<vmem>>) dst(%dma_wait3A_631 : memref<10000x64xf32, #tpu.memory_space<vmem_shared>>)
      %dma_start3A_632 = arith.constant 20 : i32
      %dma_start3A_633 = arith.constant 0 : i32
      %dma_start3A_634 = tpu.memref_slice %arg7[%select_n3A_61, %dma_start3A_632, %dma_start3A_633] : memref<2x32x125xi32, #tpu.memory_space<vmem>> -> memref<1x1x125xi32, #tpu.memory_space<vmem>>
      %dma_start3A_635 = tpu.memref_squeeze %dma_start3A_634 : memref<1x1x125xi32, #tpu.memory_space<vmem>> -> memref<125xi32, #tpu.memory_space<vmem>>
      %dma_start3A_636 = arith.constant 0 : i32
      %dma_start3A_637 = arith.constant 0 : i32
      %dma_start3A_638 = tpu.memref_slice %arg2[%dma_start3A_636, %dma_start3A_637] : memref<20000x64xf32, #tpu.memory_space<hbm>> -> memref<20000x64xf32, #tpu.memory_space<hbm>>
      tpu.enqueue_indirect_dma source(%dma_start3A_638 : memref<20000x64xf32, #tpu.memory_space<hbm>>) target(%arg9 : memref<125x64xf32, #tpu.memory_space<vmem>>) offsets(%dma_start3A_635 : memref<125xi32, #tpu.memory_space<vmem>>) semaphore(%arg14 : memref<!tpu.dma_semaphore, #tpu.memory_space<semaphore_mem>>)
      %dma_start3A_639 = arith.constant 19 : i32
      %dma_start3A_640 = arith.constant 0 : i32
      %dma_start3A_641 = tpu.memref_slice %arg8[%select_n3A_61, %dma_start3A_639, %dma_start3A_640] : memref<2x32x125xi32, #tpu.memory_space<vmem>> -> memref<1x1x125xi32, #tpu.memory_space<vmem>>
      %dma_start3A_642 = tpu.memref_squeeze %dma_start3A_641 : memref<1x1x125xi32, #tpu.memory_space<vmem>> -> memref<125xi32, #tpu.memory_space<vmem>>
      %dma_start3A_643 = arith.constant 0 : i32
      %dma_start3A_644 = arith.constant 0 : i32
      %dma_start3A_645 = tpu.memref_slice %arg13[%dma_start3A_643, %dma_start3A_644] : memref<10000x64xf32, #tpu.memory_space<vmem_shared>> -> memref<10000x64xf32, #tpu.memory_space<vmem_shared>>
      tpu.enqueue_indirect_dma source(%arg12 : memref<125x64xf32, #tpu.memory_space<vmem>>) target(%dma_start3A_645 : memref<10000x64xf32, #tpu.memory_space<vmem_shared>>) offsets(%dma_start3A_642 : memref<125xi32, #tpu.memory_space<vmem>>) semaphore(%arg21 : memref<!tpu.dma_semaphore, #tpu.memory_space<semaphore_mem>>) {add = true}
      %dma_wait3A_646 = arith.constant 20 : i32
      %dma_wait3A_647 = arith.constant 0 : i32
      %dma_wait3A_648 = tpu.memref_slice %arg7[%select_n3A_61, %dma_wait3A_646, %dma_wait3A_647] : memref<2x32x125xi32, #tpu.memory_space<vmem>> -> memref<1x1x125xi32, #tpu.memory_space<vmem>>
      %dma_wait3A_649 = tpu.memref_squeeze %dma_wait3A_648 : memref<1x1x125xi32, #tpu.memory_space<vmem>> -> memref<125xi32, #tpu.memory_space<vmem>>
      %dma_wait3A_650 = arith.constant 0 : i32
      %dma_wait3A_651 = arith.constant 0 : i32
      %dma_wait3A_652 = tpu.memref_slice %arg2[%dma_wait3A_650, %dma_wait3A_651] : memref<20000x64xf32, #tpu.memory_space<hbm>> -> memref<20000x64xf32, #tpu.memory_space<hbm>>
      tpu.wait_indirect_dma semaphore(%arg14 : memref<!tpu.dma_semaphore, #tpu.memory_space<semaphore_mem>>) src(%dma_wait3A_652 : memref<20000x64xf32, #tpu.memory_space<hbm>>) dst(%arg9 : memref<125x64xf32, #tpu.memory_space<vmem>>)
      %dma_wait3A_653 = arith.constant 17 : i32
      %dma_wait3A_654 = arith.constant 0 : i32
      %dma_wait3A_655 = tpu.memref_slice %arg8[%select_n3A_61, %dma_wait3A_653, %dma_wait3A_654] : memref<2x32x125xi32, #tpu.memory_space<vmem>> -> memref<1x1x125xi32, #tpu.memory_space<vmem>>
      %dma_wait3A_656 = tpu.memref_squeeze %dma_wait3A_655 : memref<1x1x125xi32, #tpu.memory_space<vmem>> -> memref<125xi32, #tpu.memory_space<vmem>>
      %dma_wait3A_657 = arith.constant 0 : i32
      %dma_wait3A_658 = arith.constant 0 : i32
      %dma_wait3A_659 = tpu.memref_slice %arg13[%dma_wait3A_657, %dma_wait3A_658] : memref<10000x64xf32, #tpu.memory_space<vmem_shared>> -> memref<10000x64xf32, #tpu.memory_space<vmem_shared>>
      tpu.wait_indirect_dma semaphore(%arg19 : memref<!tpu.dma_semaphore, #tpu.memory_space<semaphore_mem>>) src(%arg10 : memref<125x64xf32, #tpu.memory_space<vmem>>) dst(%dma_wait3A_659 : memref<10000x64xf32, #tpu.memory_space<vmem_shared>>)
      %dma_start3A_660 = arith.constant 21 : i32
      %dma_start3A_661 = arith.constant 0 : i32
      %dma_start3A_662 = tpu.memref_slice %arg7[%select_n3A_61, %dma_start3A_660, %dma_start3A_661] : memref<2x32x125xi32, #tpu.memory_space<vmem>> -> memref<1x1x125xi32, #tpu.memory_space<vmem>>
      %dma_start3A_663 = tpu.memref_squeeze %dma_start3A_662 : memref<1x1x125xi32, #tpu.memory_space<vmem>> -> memref<125xi32, #tpu.memory_space<vmem>>
      %dma_start3A_664 = arith.constant 0 : i32
      %dma_start3A_665 = arith.constant 0 : i32
      %dma_start3A_666 = tpu.memref_slice %arg2[%dma_start3A_664, %dma_start3A_665] : memref<20000x64xf32, #tpu.memory_space<hbm>> -> memref<20000x64xf32, #tpu.memory_space<hbm>>
      tpu.enqueue_indirect_dma source(%dma_start3A_666 : memref<20000x64xf32, #tpu.memory_space<hbm>>) target(%arg10 : memref<125x64xf32, #tpu.memory_space<vmem>>) offsets(%dma_start3A_663 : memref<125xi32, #tpu.memory_space<vmem>>) semaphore(%arg15 : memref<!tpu.dma_semaphore, #tpu.memory_space<semaphore_mem>>)
      %dma_start3A_667 = arith.constant 20 : i32
      %dma_start3A_668 = arith.constant 0 : i32
      %dma_start3A_669 = tpu.memref_slice %arg8[%select_n3A_61, %dma_start3A_667, %dma_start3A_668] : memref<2x32x125xi32, #tpu.memory_space<vmem>> -> memref<1x1x125xi32, #tpu.memory_space<vmem>>
      %dma_start3A_670 = tpu.memref_squeeze %dma_start3A_669 : memref<1x1x125xi32, #tpu.memory_space<vmem>> -> memref<125xi32, #tpu.memory_space<vmem>>
      %dma_start3A_671 = arith.constant 0 : i32
      %dma_start3A_672 = arith.constant 0 : i32
      %dma_start3A_673 = tpu.memref_slice %arg13[%dma_start3A_671, %dma_start3A_672] : memref<10000x64xf32, #tpu.memory_space<vmem_shared>> -> memref<10000x64xf32, #tpu.memory_space<vmem_shared>>
      tpu.enqueue_indirect_dma source(%arg9 : memref<125x64xf32, #tpu.memory_space<vmem>>) target(%dma_start3A_673 : memref<10000x64xf32, #tpu.memory_space<vmem_shared>>) offsets(%dma_start3A_670 : memref<125xi32, #tpu.memory_space<vmem>>) semaphore(%arg18 : memref<!tpu.dma_semaphore, #tpu.memory_space<semaphore_mem>>) {add = true}
      %dma_wait3A_674 = arith.constant 21 : i32
      %dma_wait3A_675 = arith.constant 0 : i32
      %dma_wait3A_676 = tpu.memref_slice %arg7[%select_n3A_61, %dma_wait3A_674, %dma_wait3A_675] : memref<2x32x125xi32, #tpu.memory_space<vmem>> -> memref<1x1x125xi32, #tpu.memory_space<vmem>>
      %dma_wait3A_677 = tpu.memref_squeeze %dma_wait3A_676 : memref<1x1x125xi32, #tpu.memory_space<vmem>> -> memref<125xi32, #tpu.memory_space<vmem>>
      %dma_wait3A_678 = arith.constant 0 : i32
      %dma_wait3A_679 = arith.constant 0 : i32
      %dma_wait3A_680 = tpu.memref_slice %arg2[%dma_wait3A_678, %dma_wait3A_679] : memref<20000x64xf32, #tpu.memory_space<hbm>> -> memref<20000x64xf32, #tpu.memory_space<hbm>>
      tpu.wait_indirect_dma semaphore(%arg15 : memref<!tpu.dma_semaphore, #tpu.memory_space<semaphore_mem>>) src(%dma_wait3A_680 : memref<20000x64xf32, #tpu.memory_space<hbm>>) dst(%arg10 : memref<125x64xf32, #tpu.memory_space<vmem>>)
      %dma_wait3A_681 = arith.constant 18 : i32
      %dma_wait3A_682 = arith.constant 0 : i32
      %dma_wait3A_683 = tpu.memref_slice %arg8[%select_n3A_61, %dma_wait3A_681, %dma_wait3A_682] : memref<2x32x125xi32, #tpu.memory_space<vmem>> -> memref<1x1x125xi32, #tpu.memory_space<vmem>>
      %dma_wait3A_684 = tpu.memref_squeeze %dma_wait3A_683 : memref<1x1x125xi32, #tpu.memory_space<vmem>> -> memref<125xi32, #tpu.memory_space<vmem>>
      %dma_wait3A_685 = arith.constant 0 : i32
      %dma_wait3A_686 = arith.constant 0 : i32
      %dma_wait3A_687 = tpu.memref_slice %arg13[%dma_wait3A_685, %dma_wait3A_686] : memref<10000x64xf32, #tpu.memory_space<vmem_shared>> -> memref<10000x64xf32, #tpu.memory_space<vmem_shared>>
      tpu.wait_indirect_dma semaphore(%arg20 : memref<!tpu.dma_semaphore, #tpu.memory_space<semaphore_mem>>) src(%arg11 : memref<125x64xf32, #tpu.memory_space<vmem>>) dst(%dma_wait3A_687 : memref<10000x64xf32, #tpu.memory_space<vmem_shared>>)
      %dma_start3A_688 = arith.constant 22 : i32
      %dma_start3A_689 = arith.constant 0 : i32
      %dma_start3A_690 = tpu.memref_slice %arg7[%select_n3A_61, %dma_start3A_688, %dma_start3A_689] : memref<2x32x125xi32, #tpu.memory_space<vmem>> -> memref<1x1x125xi32, #tpu.memory_space<vmem>>
      %dma_start3A_691 = tpu.memref_squeeze %dma_start3A_690 : memref<1x1x125xi32, #tpu.memory_space<vmem>> -> memref<125xi32, #tpu.memory_space<vmem>>
      %dma_start3A_692 = arith.constant 0 : i32
      %dma_start3A_693 = arith.constant 0 : i32
      %dma_start3A_694 = tpu.memref_slice %arg2[%dma_start3A_692, %dma_start3A_693] : memref<20000x64xf32, #tpu.memory_space<hbm>> -> memref<20000x64xf32, #tpu.memory_space<hbm>>
      tpu.enqueue_indirect_dma source(%dma_start3A_694 : memref<20000x64xf32, #tpu.memory_space<hbm>>) target(%arg11 : memref<125x64xf32, #tpu.memory_space<vmem>>) offsets(%dma_start3A_691 : memref<125xi32, #tpu.memory_space<vmem>>) semaphore(%arg16 : memref<!tpu.dma_semaphore, #tpu.memory_space<semaphore_mem>>)
      %dma_start3A_695 = arith.constant 21 : i32
      %dma_start3A_696 = arith.constant 0 : i32
      %dma_start3A_697 = tpu.memref_slice %arg8[%select_n3A_61, %dma_start3A_695, %dma_start3A_696] : memref<2x32x125xi32, #tpu.memory_space<vmem>> -> memref<1x1x125xi32, #tpu.memory_space<vmem>>
      %dma_start3A_698 = tpu.memref_squeeze %dma_start3A_697 : memref<1x1x125xi32, #tpu.memory_space<vmem>> -> memref<125xi32, #tpu.memory_space<vmem>>
      %dma_start3A_699 = arith.constant 0 : i32
      %dma_start3A_700 = arith.constant 0 : i32
      %dma_start3A_701 = tpu.memref_slice %arg13[%dma_start3A_699, %dma_start3A_700] : memref<10000x64xf32, #tpu.memory_space<vmem_shared>> -> memref<10000x64xf32, #tpu.memory_space<vmem_shared>>
      tpu.enqueue_indirect_dma source(%arg10 : memref<125x64xf32, #tpu.memory_space<vmem>>) target(%dma_start3A_701 : memref<10000x64xf32, #tpu.memory_space<vmem_shared>>) offsets(%dma_start3A_698 : memref<125xi32, #tpu.memory_space<vmem>>) semaphore(%arg19 : memref<!tpu.dma_semaphore, #tpu.memory_space<semaphore_mem>>) {add = true}
      %dma_wait3A_702 = arith.constant 22 : i32
      %dma_wait3A_703 = arith.constant 0 : i32
      %dma_wait3A_704 = tpu.memref_slice %arg7[%select_n3A_61, %dma_wait3A_702, %dma_wait3A_703] : memref<2x32x125xi32, #tpu.memory_space<vmem>> -> memref<1x1x125xi32, #tpu.memory_space<vmem>>
      %dma_wait3A_705 = tpu.memref_squeeze %dma_wait3A_704 : memref<1x1x125xi32, #tpu.memory_space<vmem>> -> memref<125xi32, #tpu.memory_space<vmem>>
      %dma_wait3A_706 = arith.constant 0 : i32
      %dma_wait3A_707 = arith.constant 0 : i32
      %dma_wait3A_708 = tpu.memref_slice %arg2[%dma_wait3A_706, %dma_wait3A_707] : memref<20000x64xf32, #tpu.memory_space<hbm>> -> memref<20000x64xf32, #tpu.memory_space<hbm>>
      tpu.wait_indirect_dma semaphore(%arg16 : memref<!tpu.dma_semaphore, #tpu.memory_space<semaphore_mem>>) src(%dma_wait3A_708 : memref<20000x64xf32, #tpu.memory_space<hbm>>) dst(%arg11 : memref<125x64xf32, #tpu.memory_space<vmem>>)
      %dma_wait3A_709 = arith.constant 19 : i32
      %dma_wait3A_710 = arith.constant 0 : i32
      %dma_wait3A_711 = tpu.memref_slice %arg8[%select_n3A_61, %dma_wait3A_709, %dma_wait3A_710] : memref<2x32x125xi32, #tpu.memory_space<vmem>> -> memref<1x1x125xi32, #tpu.memory_space<vmem>>
      %dma_wait3A_712 = tpu.memref_squeeze %dma_wait3A_711 : memref<1x1x125xi32, #tpu.memory_space<vmem>> -> memref<125xi32, #tpu.memory_space<vmem>>
      %dma_wait3A_713 = arith.constant 0 : i32
      %dma_wait3A_714 = arith.constant 0 : i32
      %dma_wait3A_715 = tpu.memref_slice %arg13[%dma_wait3A_713, %dma_wait3A_714] : memref<10000x64xf32, #tpu.memory_space<vmem_shared>> -> memref<10000x64xf32, #tpu.memory_space<vmem_shared>>
      tpu.wait_indirect_dma semaphore(%arg21 : memref<!tpu.dma_semaphore, #tpu.memory_space<semaphore_mem>>) src(%arg12 : memref<125x64xf32, #tpu.memory_space<vmem>>) dst(%dma_wait3A_715 : memref<10000x64xf32, #tpu.memory_space<vmem_shared>>)
      %dma_start3A_716 = arith.constant 23 : i32
      %dma_start3A_717 = arith.constant 0 : i32
      %dma_start3A_718 = tpu.memref_slice %arg7[%select_n3A_61, %dma_start3A_716, %dma_start3A_717] : memref<2x32x125xi32, #tpu.memory_space<vmem>> -> memref<1x1x125xi32, #tpu.memory_space<vmem>>
      %dma_start3A_719 = tpu.memref_squeeze %dma_start3A_718 : memref<1x1x125xi32, #tpu.memory_space<vmem>> -> memref<125xi32, #tpu.memory_space<vmem>>
      %dma_start3A_720 = arith.constant 0 : i32
      %dma_start3A_721 = arith.constant 0 : i32
      %dma_start3A_722 = tpu.memref_slice %arg2[%dma_start3A_720, %dma_start3A_721] : memref<20000x64xf32, #tpu.memory_space<hbm>> -> memref<20000x64xf32, #tpu.memory_space<hbm>>
      tpu.enqueue_indirect_dma source(%dma_start3A_722 : memref<20000x64xf32, #tpu.memory_space<hbm>>) target(%arg12 : memref<125x64xf32, #tpu.memory_space<vmem>>) offsets(%dma_start3A_719 : memref<125xi32, #tpu.memory_space<vmem>>) semaphore(%arg17 : memref<!tpu.dma_semaphore, #tpu.memory_space<semaphore_mem>>)
      %dma_start3A_723 = arith.constant 22 : i32
      %dma_start3A_724 = arith.constant 0 : i32
      %dma_start3A_725 = tpu.memref_slice %arg8[%select_n3A_61, %dma_start3A_723, %dma_start3A_724] : memref<2x32x125xi32, #tpu.memory_space<vmem>> -> memref<1x1x125xi32, #tpu.memory_space<vmem>>
      %dma_start3A_726 = tpu.memref_squeeze %dma_start3A_725 : memref<1x1x125xi32, #tpu.memory_space<vmem>> -> memref<125xi32, #tpu.memory_space<vmem>>
      %dma_start3A_727 = arith.constant 0 : i32
      %dma_start3A_728 = arith.constant 0 : i32
      %dma_start3A_729 = tpu.memref_slice %arg13[%dma_start3A_727, %dma_start3A_728] : memref<10000x64xf32, #tpu.memory_space<vmem_shared>> -> memref<10000x64xf32, #tpu.memory_space<vmem_shared>>
      tpu.enqueue_indirect_dma source(%arg11 : memref<125x64xf32, #tpu.memory_space<vmem>>) target(%dma_start3A_729 : memref<10000x64xf32, #tpu.memory_space<vmem_shared>>) offsets(%dma_start3A_726 : memref<125xi32, #tpu.memory_space<vmem>>) semaphore(%arg20 : memref<!tpu.dma_semaphore, #tpu.memory_space<semaphore_mem>>) {add = true}
      %dma_wait3A_730 = arith.constant 23 : i32
      %dma_wait3A_731 = arith.constant 0 : i32
      %dma_wait3A_732 = tpu.memref_slice %arg7[%select_n3A_61, %dma_wait3A_730, %dma_wait3A_731] : memref<2x32x125xi32, #tpu.memory_space<vmem>> -> memref<1x1x125xi32, #tpu.memory_space<vmem>>
      %dma_wait3A_733 = tpu.memref_squeeze %dma_wait3A_732 : memref<1x1x125xi32, #tpu.memory_space<vmem>> -> memref<125xi32, #tpu.memory_space<vmem>>
      %dma_wait3A_734 = arith.constant 0 : i32
      %dma_wait3A_735 = arith.constant 0 : i32
      %dma_wait3A_736 = tpu.memref_slice %arg2[%dma_wait3A_734, %dma_wait3A_735] : memref<20000x64xf32, #tpu.memory_space<hbm>> -> memref<20000x64xf32, #tpu.memory_space<hbm>>
      tpu.wait_indirect_dma semaphore(%arg17 : memref<!tpu.dma_semaphore, #tpu.memory_space<semaphore_mem>>) src(%dma_wait3A_736 : memref<20000x64xf32, #tpu.memory_space<hbm>>) dst(%arg12 : memref<125x64xf32, #tpu.memory_space<vmem>>)
      %dma_wait3A_737 = arith.constant 20 : i32
      %dma_wait3A_738 = arith.constant 0 : i32
      %dma_wait3A_739 = tpu.memref_slice %arg8[%select_n3A_61, %dma_wait3A_737, %dma_wait3A_738] : memref<2x32x125xi32, #tpu.memory_space<vmem>> -> memref<1x1x125xi32, #tpu.memory_space<vmem>>
      %dma_wait3A_740 = tpu.memref_squeeze %dma_wait3A_739 : memref<1x1x125xi32, #tpu.memory_space<vmem>> -> memref<125xi32, #tpu.memory_space<vmem>>
      %dma_wait3A_741 = arith.constant 0 : i32
      %dma_wait3A_742 = arith.constant 0 : i32
      %dma_wait3A_743 = tpu.memref_slice %arg13[%dma_wait3A_741, %dma_wait3A_742] : memref<10000x64xf32, #tpu.memory_space<vmem_shared>> -> memref<10000x64xf32, #tpu.memory_space<vmem_shared>>
      tpu.wait_indirect_dma semaphore(%arg18 : memref<!tpu.dma_semaphore, #tpu.memory_space<semaphore_mem>>) src(%arg9 : memref<125x64xf32, #tpu.memory_space<vmem>>) dst(%dma_wait3A_743 : memref<10000x64xf32, #tpu.memory_space<vmem_shared>>)
      %dma_start3A_744 = arith.constant 24 : i32
      %dma_start3A_745 = arith.constant 0 : i32
      %dma_start3A_746 = tpu.memref_slice %arg7[%select_n3A_61, %dma_start3A_744, %dma_start3A_745] : memref<2x32x125xi32, #tpu.memory_space<vmem>> -> memref<1x1x125xi32, #tpu.memory_space<vmem>>
      %dma_start3A_747 = tpu.memref_squeeze %dma_start3A_746 : memref<1x1x125xi32, #tpu.memory_space<vmem>> -> memref<125xi32, #tpu.memory_space<vmem>>
      %dma_start3A_748 = arith.constant 0 : i32
      %dma_start3A_749 = arith.constant 0 : i32
      %dma_start3A_750 = tpu.memref_slice %arg2[%dma_start3A_748, %dma_start3A_749] : memref<20000x64xf32, #tpu.memory_space<hbm>> -> memref<20000x64xf32, #tpu.memory_space<hbm>>
      tpu.enqueue_indirect_dma source(%dma_start3A_750 : memref<20000x64xf32, #tpu.memory_space<hbm>>) target(%arg9 : memref<125x64xf32, #tpu.memory_space<vmem>>) offsets(%dma_start3A_747 : memref<125xi32, #tpu.memory_space<vmem>>) semaphore(%arg14 : memref<!tpu.dma_semaphore, #tpu.memory_space<semaphore_mem>>)
      %dma_start3A_751 = arith.constant 23 : i32
      %dma_start3A_752 = arith.constant 0 : i32
      %dma_start3A_753 = tpu.memref_slice %arg8[%select_n3A_61, %dma_start3A_751, %dma_start3A_752] : memref<2x32x125xi32, #tpu.memory_space<vmem>> -> memref<1x1x125xi32, #tpu.memory_space<vmem>>
      %dma_start3A_754 = tpu.memref_squeeze %dma_start3A_753 : memref<1x1x125xi32, #tpu.memory_space<vmem>> -> memref<125xi32, #tpu.memory_space<vmem>>
      %dma_start3A_755 = arith.constant 0 : i32
      %dma_start3A_756 = arith.constant 0 : i32
      %dma_start3A_757 = tpu.memref_slice %arg13[%dma_start3A_755, %dma_start3A_756] : memref<10000x64xf32, #tpu.memory_space<vmem_shared>> -> memref<10000x64xf32, #tpu.memory_space<vmem_shared>>
      tpu.enqueue_indirect_dma source(%arg12 : memref<125x64xf32, #tpu.memory_space<vmem>>) target(%dma_start3A_757 : memref<10000x64xf32, #tpu.memory_space<vmem_shared>>) offsets(%dma_start3A_754 : memref<125xi32, #tpu.memory_space<vmem>>) semaphore(%arg21 : memref<!tpu.dma_semaphore, #tpu.memory_space<semaphore_mem>>) {add = true}
      %dma_wait3A_758 = arith.constant 24 : i32
      %dma_wait3A_759 = arith.constant 0 : i32
      %dma_wait3A_760 = tpu.memref_slice %arg7[%select_n3A_61, %dma_wait3A_758, %dma_wait3A_759] : memref<2x32x125xi32, #tpu.memory_space<vmem>> -> memref<1x1x125xi32, #tpu.memory_space<vmem>>
      %dma_wait3A_761 = tpu.memref_squeeze %dma_wait3A_760 : memref<1x1x125xi32, #tpu.memory_space<vmem>> -> memref<125xi32, #tpu.memory_space<vmem>>
      %dma_wait3A_762 = arith.constant 0 : i32
      %dma_wait3A_763 = arith.constant 0 : i32
      %dma_wait3A_764 = tpu.memref_slice %arg2[%dma_wait3A_762, %dma_wait3A_763] : memref<20000x64xf32, #tpu.memory_space<hbm>> -> memref<20000x64xf32, #tpu.memory_space<hbm>>
      tpu.wait_indirect_dma semaphore(%arg14 : memref<!tpu.dma_semaphore, #tpu.memory_space<semaphore_mem>>) src(%dma_wait3A_764 : memref<20000x64xf32, #tpu.memory_space<hbm>>) dst(%arg9 : memref<125x64xf32, #tpu.memory_space<vmem>>)
      %dma_wait3A_765 = arith.constant 21 : i32
      %dma_wait3A_766 = arith.constant 0 : i32
      %dma_wait3A_767 = tpu.memref_slice %arg8[%select_n3A_61, %dma_wait3A_765, %dma_wait3A_766] : memref<2x32x125xi32, #tpu.memory_space<vmem>> -> memref<1x1x125xi32, #tpu.memory_space<vmem>>
      %dma_wait3A_768 = tpu.memref_squeeze %dma_wait3A_767 : memref<1x1x125xi32, #tpu.memory_space<vmem>> -> memref<125xi32, #tpu.memory_space<vmem>>
      %dma_wait3A_769 = arith.constant 0 : i32
      %dma_wait3A_770 = arith.constant 0 : i32
      %dma_wait3A_771 = tpu.memref_slice %arg13[%dma_wait3A_769, %dma_wait3A_770] : memref<10000x64xf32, #tpu.memory_space<vmem_shared>> -> memref<10000x64xf32, #tpu.memory_space<vmem_shared>>
      tpu.wait_indirect_dma semaphore(%arg19 : memref<!tpu.dma_semaphore, #tpu.memory_space<semaphore_mem>>) src(%arg10 : memref<125x64xf32, #tpu.memory_space<vmem>>) dst(%dma_wait3A_771 : memref<10000x64xf32, #tpu.memory_space<vmem_shared>>)
      %dma_start3A_772 = arith.constant 25 : i32
      %dma_start3A_773 = arith.constant 0 : i32
      %dma_start3A_774 = tpu.memref_slice %arg7[%select_n3A_61, %dma_start3A_772, %dma_start3A_773] : memref<2x32x125xi32, #tpu.memory_space<vmem>> -> memref<1x1x125xi32, #tpu.memory_space<vmem>>
      %dma_start3A_775 = tpu.memref_squeeze %dma_start3A_774 : memref<1x1x125xi32, #tpu.memory_space<vmem>> -> memref<125xi32, #tpu.memory_space<vmem>>
      %dma_start3A_776 = arith.constant 0 : i32
      %dma_start3A_777 = arith.constant 0 : i32
      %dma_start3A_778 = tpu.memref_slice %arg2[%dma_start3A_776, %dma_start3A_777] : memref<20000x64xf32, #tpu.memory_space<hbm>> -> memref<20000x64xf32, #tpu.memory_space<hbm>>
      tpu.enqueue_indirect_dma source(%dma_start3A_778 : memref<20000x64xf32, #tpu.memory_space<hbm>>) target(%arg10 : memref<125x64xf32, #tpu.memory_space<vmem>>) offsets(%dma_start3A_775 : memref<125xi32, #tpu.memory_space<vmem>>) semaphore(%arg15 : memref<!tpu.dma_semaphore, #tpu.memory_space<semaphore_mem>>)
      %dma_start3A_779 = arith.constant 24 : i32
      %dma_start3A_780 = arith.constant 0 : i32
      %dma_start3A_781 = tpu.memref_slice %arg8[%select_n3A_61, %dma_start3A_779, %dma_start3A_780] : memref<2x32x125xi32, #tpu.memory_space<vmem>> -> memref<1x1x125xi32, #tpu.memory_space<vmem>>
      %dma_start3A_782 = tpu.memref_squeeze %dma_start3A_781 : memref<1x1x125xi32, #tpu.memory_space<vmem>> -> memref<125xi32, #tpu.memory_space<vmem>>
      %dma_start3A_783 = arith.constant 0 : i32
      %dma_start3A_784 = arith.constant 0 : i32
      %dma_start3A_785 = tpu.memref_slice %arg13[%dma_start3A_783, %dma_start3A_784] : memref<10000x64xf32, #tpu.memory_space<vmem_shared>> -> memref<10000x64xf32, #tpu.memory_space<vmem_shared>>
      tpu.enqueue_indirect_dma source(%arg9 : memref<125x64xf32, #tpu.memory_space<vmem>>) target(%dma_start3A_785 : memref<10000x64xf32, #tpu.memory_space<vmem_shared>>) offsets(%dma_start3A_782 : memref<125xi32, #tpu.memory_space<vmem>>) semaphore(%arg18 : memref<!tpu.dma_semaphore, #tpu.memory_space<semaphore_mem>>) {add = true}
      %dma_wait3A_786 = arith.constant 25 : i32
      %dma_wait3A_787 = arith.constant 0 : i32
      %dma_wait3A_788 = tpu.memref_slice %arg7[%select_n3A_61, %dma_wait3A_786, %dma_wait3A_787] : memref<2x32x125xi32, #tpu.memory_space<vmem>> -> memref<1x1x125xi32, #tpu.memory_space<vmem>>
      %dma_wait3A_789 = tpu.memref_squeeze %dma_wait3A_788 : memref<1x1x125xi32, #tpu.memory_space<vmem>> -> memref<125xi32, #tpu.memory_space<vmem>>
      %dma_wait3A_790 = arith.constant 0 : i32
      %dma_wait3A_791 = arith.constant 0 : i32
      %dma_wait3A_792 = tpu.memref_slice %arg2[%dma_wait3A_790, %dma_wait3A_791] : memref<20000x64xf32, #tpu.memory_space<hbm>> -> memref<20000x64xf32, #tpu.memory_space<hbm>>
      tpu.wait_indirect_dma semaphore(%arg15 : memref<!tpu.dma_semaphore, #tpu.memory_space<semaphore_mem>>) src(%dma_wait3A_792 : memref<20000x64xf32, #tpu.memory_space<hbm>>) dst(%arg10 : memref<125x64xf32, #tpu.memory_space<vmem>>)
      %dma_wait3A_793 = arith.constant 22 : i32
      %dma_wait3A_794 = arith.constant 0 : i32
      %dma_wait3A_795 = tpu.memref_slice %arg8[%select_n3A_61, %dma_wait3A_793, %dma_wait3A_794] : memref<2x32x125xi32, #tpu.memory_space<vmem>> -> memref<1x1x125xi32, #tpu.memory_space<vmem>>
      %dma_wait3A_796 = tpu.memref_squeeze %dma_wait3A_795 : memref<1x1x125xi32, #tpu.memory_space<vmem>> -> memref<125xi32, #tpu.memory_space<vmem>>
      %dma_wait3A_797 = arith.constant 0 : i32
      %dma_wait3A_798 = arith.constant 0 : i32
      %dma_wait3A_799 = tpu.memref_slice %arg13[%dma_wait3A_797, %dma_wait3A_798] : memref<10000x64xf32, #tpu.memory_space<vmem_shared>> -> memref<10000x64xf32, #tpu.memory_space<vmem_shared>>
      tpu.wait_indirect_dma semaphore(%arg20 : memref<!tpu.dma_semaphore, #tpu.memory_space<semaphore_mem>>) src(%arg11 : memref<125x64xf32, #tpu.memory_space<vmem>>) dst(%dma_wait3A_799 : memref<10000x64xf32, #tpu.memory_space<vmem_shared>>)
      %dma_start3A_800 = arith.constant 26 : i32
      %dma_start3A_801 = arith.constant 0 : i32
      %dma_start3A_802 = tpu.memref_slice %arg7[%select_n3A_61, %dma_start3A_800, %dma_start3A_801] : memref<2x32x125xi32, #tpu.memory_space<vmem>> -> memref<1x1x125xi32, #tpu.memory_space<vmem>>
      %dma_start3A_803 = tpu.memref_squeeze %dma_start3A_802 : memref<1x1x125xi32, #tpu.memory_space<vmem>> -> memref<125xi32, #tpu.memory_space<vmem>>
      %dma_start3A_804 = arith.constant 0 : i32
      %dma_start3A_805 = arith.constant 0 : i32
      %dma_start3A_806 = tpu.memref_slice %arg2[%dma_start3A_804, %dma_start3A_805] : memref<20000x64xf32, #tpu.memory_space<hbm>> -> memref<20000x64xf32, #tpu.memory_space<hbm>>
      tpu.enqueue_indirect_dma source(%dma_start3A_806 : memref<20000x64xf32, #tpu.memory_space<hbm>>) target(%arg11 : memref<125x64xf32, #tpu.memory_space<vmem>>) offsets(%dma_start3A_803 : memref<125xi32, #tpu.memory_space<vmem>>) semaphore(%arg16 : memref<!tpu.dma_semaphore, #tpu.memory_space<semaphore_mem>>)
      %dma_start3A_807 = arith.constant 25 : i32
      %dma_start3A_808 = arith.constant 0 : i32
      %dma_start3A_809 = tpu.memref_slice %arg8[%select_n3A_61, %dma_start3A_807, %dma_start3A_808] : memref<2x32x125xi32, #tpu.memory_space<vmem>> -> memref<1x1x125xi32, #tpu.memory_space<vmem>>
      %dma_start3A_810 = tpu.memref_squeeze %dma_start3A_809 : memref<1x1x125xi32, #tpu.memory_space<vmem>> -> memref<125xi32, #tpu.memory_space<vmem>>
      %dma_start3A_811 = arith.constant 0 : i32
      %dma_start3A_812 = arith.constant 0 : i32
      %dma_start3A_813 = tpu.memref_slice %arg13[%dma_start3A_811, %dma_start3A_812] : memref<10000x64xf32, #tpu.memory_space<vmem_shared>> -> memref<10000x64xf32, #tpu.memory_space<vmem_shared>>
      tpu.enqueue_indirect_dma source(%arg10 : memref<125x64xf32, #tpu.memory_space<vmem>>) target(%dma_start3A_813 : memref<10000x64xf32, #tpu.memory_space<vmem_shared>>) offsets(%dma_start3A_810 : memref<125xi32, #tpu.memory_space<vmem>>) semaphore(%arg19 : memref<!tpu.dma_semaphore, #tpu.memory_space<semaphore_mem>>) {add = true}
      %dma_wait3A_814 = arith.constant 26 : i32
      %dma_wait3A_815 = arith.constant 0 : i32
      %dma_wait3A_816 = tpu.memref_slice %arg7[%select_n3A_61, %dma_wait3A_814, %dma_wait3A_815] : memref<2x32x125xi32, #tpu.memory_space<vmem>> -> memref<1x1x125xi32, #tpu.memory_space<vmem>>
      %dma_wait3A_817 = tpu.memref_squeeze %dma_wait3A_816 : memref<1x1x125xi32, #tpu.memory_space<vmem>> -> memref<125xi32, #tpu.memory_space<vmem>>
      %dma_wait3A_818 = arith.constant 0 : i32
      %dma_wait3A_819 = arith.constant 0 : i32
      %dma_wait3A_820 = tpu.memref_slice %arg2[%dma_wait3A_818, %dma_wait3A_819] : memref<20000x64xf32, #tpu.memory_space<hbm>> -> memref<20000x64xf32, #tpu.memory_space<hbm>>
      tpu.wait_indirect_dma semaphore(%arg16 : memref<!tpu.dma_semaphore, #tpu.memory_space<semaphore_mem>>) src(%dma_wait3A_820 : memref<20000x64xf32, #tpu.memory_space<hbm>>) dst(%arg11 : memref<125x64xf32, #tpu.memory_space<vmem>>)
      %dma_wait3A_821 = arith.constant 23 : i32
      %dma_wait3A_822 = arith.constant 0 : i32
      %dma_wait3A_823 = tpu.memref_slice %arg8[%select_n3A_61, %dma_wait3A_821, %dma_wait3A_822] : memref<2x32x125xi32, #tpu.memory_space<vmem>> -> memref<1x1x125xi32, #tpu.memory_space<vmem>>
      %dma_wait3A_824 = tpu.memref_squeeze %dma_wait3A_823 : memref<1x1x125xi32, #tpu.memory_space<vmem>> -> memref<125xi32, #tpu.memory_space<vmem>>
      %dma_wait3A_825 = arith.constant 0 : i32
      %dma_wait3A_826 = arith.constant 0 : i32
      %dma_wait3A_827 = tpu.memref_slice %arg13[%dma_wait3A_825, %dma_wait3A_826] : memref<10000x64xf32, #tpu.memory_space<vmem_shared>> -> memref<10000x64xf32, #tpu.memory_space<vmem_shared>>
      tpu.wait_indirect_dma semaphore(%arg21 : memref<!tpu.dma_semaphore, #tpu.memory_space<semaphore_mem>>) src(%arg12 : memref<125x64xf32, #tpu.memory_space<vmem>>) dst(%dma_wait3A_827 : memref<10000x64xf32, #tpu.memory_space<vmem_shared>>)
      %dma_start3A_828 = arith.constant 27 : i32
      %dma_start3A_829 = arith.constant 0 : i32
      %dma_start3A_830 = tpu.memref_slice %arg7[%select_n3A_61, %dma_start3A_828, %dma_start3A_829] : memref<2x32x125xi32, #tpu.memory_space<vmem>> -> memref<1x1x125xi32, #tpu.memory_space<vmem>>
      %dma_start3A_831 = tpu.memref_squeeze %dma_start3A_830 : memref<1x1x125xi32, #tpu.memory_space<vmem>> -> memref<125xi32, #tpu.memory_space<vmem>>
      %dma_start3A_832 = arith.constant 0 : i32
      %dma_start3A_833 = arith.constant 0 : i32
      %dma_start3A_834 = tpu.memref_slice %arg2[%dma_start3A_832, %dma_start3A_833] : memref<20000x64xf32, #tpu.memory_space<hbm>> -> memref<20000x64xf32, #tpu.memory_space<hbm>>
      tpu.enqueue_indirect_dma source(%dma_start3A_834 : memref<20000x64xf32, #tpu.memory_space<hbm>>) target(%arg12 : memref<125x64xf32, #tpu.memory_space<vmem>>) offsets(%dma_start3A_831 : memref<125xi32, #tpu.memory_space<vmem>>) semaphore(%arg17 : memref<!tpu.dma_semaphore, #tpu.memory_space<semaphore_mem>>)
      %dma_start3A_835 = arith.constant 26 : i32
      %dma_start3A_836 = arith.constant 0 : i32
      %dma_start3A_837 = tpu.memref_slice %arg8[%select_n3A_61, %dma_start3A_835, %dma_start3A_836] : memref<2x32x125xi32, #tpu.memory_space<vmem>> -> memref<1x1x125xi32, #tpu.memory_space<vmem>>
      %dma_start3A_838 = tpu.memref_squeeze %dma_start3A_837 : memref<1x1x125xi32, #tpu.memory_space<vmem>> -> memref<125xi32, #tpu.memory_space<vmem>>
      %dma_start3A_839 = arith.constant 0 : i32
      %dma_start3A_840 = arith.constant 0 : i32
      %dma_start3A_841 = tpu.memref_slice %arg13[%dma_start3A_839, %dma_start3A_840] : memref<10000x64xf32, #tpu.memory_space<vmem_shared>> -> memref<10000x64xf32, #tpu.memory_space<vmem_shared>>
      tpu.enqueue_indirect_dma source(%arg11 : memref<125x64xf32, #tpu.memory_space<vmem>>) target(%dma_start3A_841 : memref<10000x64xf32, #tpu.memory_space<vmem_shared>>) offsets(%dma_start3A_838 : memref<125xi32, #tpu.memory_space<vmem>>) semaphore(%arg20 : memref<!tpu.dma_semaphore, #tpu.memory_space<semaphore_mem>>) {add = true}
      %dma_wait3A_842 = arith.constant 27 : i32
      %dma_wait3A_843 = arith.constant 0 : i32
      %dma_wait3A_844 = tpu.memref_slice %arg7[%select_n3A_61, %dma_wait3A_842, %dma_wait3A_843] : memref<2x32x125xi32, #tpu.memory_space<vmem>> -> memref<1x1x125xi32, #tpu.memory_space<vmem>>
      %dma_wait3A_845 = tpu.memref_squeeze %dma_wait3A_844 : memref<1x1x125xi32, #tpu.memory_space<vmem>> -> memref<125xi32, #tpu.memory_space<vmem>>
      %dma_wait3A_846 = arith.constant 0 : i32
      %dma_wait3A_847 = arith.constant 0 : i32
      %dma_wait3A_848 = tpu.memref_slice %arg2[%dma_wait3A_846, %dma_wait3A_847] : memref<20000x64xf32, #tpu.memory_space<hbm>> -> memref<20000x64xf32, #tpu.memory_space<hbm>>
      tpu.wait_indirect_dma semaphore(%arg17 : memref<!tpu.dma_semaphore, #tpu.memory_space<semaphore_mem>>) src(%dma_wait3A_848 : memref<20000x64xf32, #tpu.memory_space<hbm>>) dst(%arg12 : memref<125x64xf32, #tpu.memory_space<vmem>>)
      %dma_wait3A_849 = arith.constant 24 : i32
      %dma_wait3A_850 = arith.constant 0 : i32
      %dma_wait3A_851 = tpu.memref_slice %arg8[%select_n3A_61, %dma_wait3A_849, %dma_wait3A_850] : memref<2x32x125xi32, #tpu.memory_space<vmem>> -> memref<1x1x125xi32, #tpu.memory_space<vmem>>
      %dma_wait3A_852 = tpu.memref_squeeze %dma_wait3A_851 : memref<1x1x125xi32, #tpu.memory_space<vmem>> -> memref<125xi32, #tpu.memory_space<vmem>>
      %dma_wait3A_853 = arith.constant 0 : i32
      %dma_wait3A_854 = arith.constant 0 : i32
      %dma_wait3A_855 = tpu.memref_slice %arg13[%dma_wait3A_853, %dma_wait3A_854] : memref<10000x64xf32, #tpu.memory_space<vmem_shared>> -> memref<10000x64xf32, #tpu.memory_space<vmem_shared>>
      tpu.wait_indirect_dma semaphore(%arg18 : memref<!tpu.dma_semaphore, #tpu.memory_space<semaphore_mem>>) src(%arg9 : memref<125x64xf32, #tpu.memory_space<vmem>>) dst(%dma_wait3A_855 : memref<10000x64xf32, #tpu.memory_space<vmem_shared>>)
      %dma_start3A_856 = arith.constant 28 : i32
      %dma_start3A_857 = arith.constant 0 : i32
      %dma_start3A_858 = tpu.memref_slice %arg7[%select_n3A_61, %dma_start3A_856, %dma_start3A_857] : memref<2x32x125xi32, #tpu.memory_space<vmem>> -> memref<1x1x125xi32, #tpu.memory_space<vmem>>
      %dma_start3A_859 = tpu.memref_squeeze %dma_start3A_858 : memref<1x1x125xi32, #tpu.memory_space<vmem>> -> memref<125xi32, #tpu.memory_space<vmem>>
      %dma_start3A_860 = arith.constant 0 : i32
      %dma_start3A_861 = arith.constant 0 : i32
      %dma_start3A_862 = tpu.memref_slice %arg2[%dma_start3A_860, %dma_start3A_861] : memref<20000x64xf32, #tpu.memory_space<hbm>> -> memref<20000x64xf32, #tpu.memory_space<hbm>>
      tpu.enqueue_indirect_dma source(%dma_start3A_862 : memref<20000x64xf32, #tpu.memory_space<hbm>>) target(%arg9 : memref<125x64xf32, #tpu.memory_space<vmem>>) offsets(%dma_start3A_859 : memref<125xi32, #tpu.memory_space<vmem>>) semaphore(%arg14 : memref<!tpu.dma_semaphore, #tpu.memory_space<semaphore_mem>>)
      %dma_start3A_863 = arith.constant 27 : i32
      %dma_start3A_864 = arith.constant 0 : i32
      %dma_start3A_865 = tpu.memref_slice %arg8[%select_n3A_61, %dma_start3A_863, %dma_start3A_864] : memref<2x32x125xi32, #tpu.memory_space<vmem>> -> memref<1x1x125xi32, #tpu.memory_space<vmem>>
      %dma_start3A_866 = tpu.memref_squeeze %dma_start3A_865 : memref<1x1x125xi32, #tpu.memory_space<vmem>> -> memref<125xi32, #tpu.memory_space<vmem>>
      %dma_start3A_867 = arith.constant 0 : i32
      %dma_start3A_868 = arith.constant 0 : i32
      %dma_start3A_869 = tpu.memref_slice %arg13[%dma_start3A_867, %dma_start3A_868] : memref<10000x64xf32, #tpu.memory_space<vmem_shared>> -> memref<10000x64xf32, #tpu.memory_space<vmem_shared>>
      tpu.enqueue_indirect_dma source(%arg12 : memref<125x64xf32, #tpu.memory_space<vmem>>) target(%dma_start3A_869 : memref<10000x64xf32, #tpu.memory_space<vmem_shared>>) offsets(%dma_start3A_866 : memref<125xi32, #tpu.memory_space<vmem>>) semaphore(%arg21 : memref<!tpu.dma_semaphore, #tpu.memory_space<semaphore_mem>>) {add = true}
      %dma_wait3A_870 = arith.constant 28 : i32
      %dma_wait3A_871 = arith.constant 0 : i32
      %dma_wait3A_872 = tpu.memref_slice %arg7[%select_n3A_61, %dma_wait3A_870, %dma_wait3A_871] : memref<2x32x125xi32, #tpu.memory_space<vmem>> -> memref<1x1x125xi32, #tpu.memory_space<vmem>>
      %dma_wait3A_873 = tpu.memref_squeeze %dma_wait3A_872 : memref<1x1x125xi32, #tpu.memory_space<vmem>> -> memref<125xi32, #tpu.memory_space<vmem>>
      %dma_wait3A_874 = arith.constant 0 : i32
      %dma_wait3A_875 = arith.constant 0 : i32
      %dma_wait3A_876 = tpu.memref_slice %arg2[%dma_wait3A_874, %dma_wait3A_875] : memref<20000x64xf32, #tpu.memory_space<hbm>> -> memref<20000x64xf32, #tpu.memory_space<hbm>>
      tpu.wait_indirect_dma semaphore(%arg14 : memref<!tpu.dma_semaphore, #tpu.memory_space<semaphore_mem>>) src(%dma_wait3A_876 : memref<20000x64xf32, #tpu.memory_space<hbm>>) dst(%arg9 : memref<125x64xf32, #tpu.memory_space<vmem>>)
      %dma_wait3A_877 = arith.constant 25 : i32
      %dma_wait3A_878 = arith.constant 0 : i32
      %dma_wait3A_879 = tpu.memref_slice %arg8[%select_n3A_61, %dma_wait3A_877, %dma_wait3A_878] : memref<2x32x125xi32, #tpu.memory_space<vmem>> -> memref<1x1x125xi32, #tpu.memory_space<vmem>>
      %dma_wait3A_880 = tpu.memref_squeeze %dma_wait3A_879 : memref<1x1x125xi32, #tpu.memory_space<vmem>> -> memref<125xi32, #tpu.memory_space<vmem>>
      %dma_wait3A_881 = arith.constant 0 : i32
      %dma_wait3A_882 = arith.constant 0 : i32
      %dma_wait3A_883 = tpu.memref_slice %arg13[%dma_wait3A_881, %dma_wait3A_882] : memref<10000x64xf32, #tpu.memory_space<vmem_shared>> -> memref<10000x64xf32, #tpu.memory_space<vmem_shared>>
      tpu.wait_indirect_dma semaphore(%arg19 : memref<!tpu.dma_semaphore, #tpu.memory_space<semaphore_mem>>) src(%arg10 : memref<125x64xf32, #tpu.memory_space<vmem>>) dst(%dma_wait3A_883 : memref<10000x64xf32, #tpu.memory_space<vmem_shared>>)
      %dma_start3A_884 = arith.constant 29 : i32
      %dma_start3A_885 = arith.constant 0 : i32
      %dma_start3A_886 = tpu.memref_slice %arg7[%select_n3A_61, %dma_start3A_884, %dma_start3A_885] : memref<2x32x125xi32, #tpu.memory_space<vmem>> -> memref<1x1x125xi32, #tpu.memory_space<vmem>>
      %dma_start3A_887 = tpu.memref_squeeze %dma_start3A_886 : memref<1x1x125xi32, #tpu.memory_space<vmem>> -> memref<125xi32, #tpu.memory_space<vmem>>
      %dma_start3A_888 = arith.constant 0 : i32
      %dma_start3A_889 = arith.constant 0 : i32
      %dma_start3A_890 = tpu.memref_slice %arg2[%dma_start3A_888, %dma_start3A_889] : memref<20000x64xf32, #tpu.memory_space<hbm>> -> memref<20000x64xf32, #tpu.memory_space<hbm>>
      tpu.enqueue_indirect_dma source(%dma_start3A_890 : memref<20000x64xf32, #tpu.memory_space<hbm>>) target(%arg10 : memref<125x64xf32, #tpu.memory_space<vmem>>) offsets(%dma_start3A_887 : memref<125xi32, #tpu.memory_space<vmem>>) semaphore(%arg15 : memref<!tpu.dma_semaphore, #tpu.memory_space<semaphore_mem>>)
      %dma_start3A_891 = arith.constant 28 : i32
      %dma_start3A_892 = arith.constant 0 : i32
      %dma_start3A_893 = tpu.memref_slice %arg8[%select_n3A_61, %dma_start3A_891, %dma_start3A_892] : memref<2x32x125xi32, #tpu.memory_space<vmem>> -> memref<1x1x125xi32, #tpu.memory_space<vmem>>
      %dma_start3A_894 = tpu.memref_squeeze %dma_start3A_893 : memref<1x1x125xi32, #tpu.memory_space<vmem>> -> memref<125xi32, #tpu.memory_space<vmem>>
      %dma_start3A_895 = arith.constant 0 : i32
      %dma_start3A_896 = arith.constant 0 : i32
      %dma_start3A_897 = tpu.memref_slice %arg13[%dma_start3A_895, %dma_start3A_896] : memref<10000x64xf32, #tpu.memory_space<vmem_shared>> -> memref<10000x64xf32, #tpu.memory_space<vmem_shared>>
      tpu.enqueue_indirect_dma source(%arg9 : memref<125x64xf32, #tpu.memory_space<vmem>>) target(%dma_start3A_897 : memref<10000x64xf32, #tpu.memory_space<vmem_shared>>) offsets(%dma_start3A_894 : memref<125xi32, #tpu.memory_space<vmem>>) semaphore(%arg18 : memref<!tpu.dma_semaphore, #tpu.memory_space<semaphore_mem>>) {add = true}
      %dma_wait3A_898 = arith.constant 29 : i32
      %dma_wait3A_899 = arith.constant 0 : i32
      %dma_wait3A_900 = tpu.memref_slice %arg7[%select_n3A_61, %dma_wait3A_898, %dma_wait3A_899] : memref<2x32x125xi32, #tpu.memory_space<vmem>> -> memref<1x1x125xi32, #tpu.memory_space<vmem>>
      %dma_wait3A_901 = tpu.memref_squeeze %dma_wait3A_900 : memref<1x1x125xi32, #tpu.memory_space<vmem>> -> memref<125xi32, #tpu.memory_space<vmem>>
      %dma_wait3A_902 = arith.constant 0 : i32
      %dma_wait3A_903 = arith.constant 0 : i32
      %dma_wait3A_904 = tpu.memref_slice %arg2[%dma_wait3A_902, %dma_wait3A_903] : memref<20000x64xf32, #tpu.memory_space<hbm>> -> memref<20000x64xf32, #tpu.memory_space<hbm>>
      tpu.wait_indirect_dma semaphore(%arg15 : memref<!tpu.dma_semaphore, #tpu.memory_space<semaphore_mem>>) src(%dma_wait3A_904 : memref<20000x64xf32, #tpu.memory_space<hbm>>) dst(%arg10 : memref<125x64xf32, #tpu.memory_space<vmem>>)
      %dma_wait3A_905 = arith.constant 26 : i32
      %dma_wait3A_906 = arith.constant 0 : i32
      %dma_wait3A_907 = tpu.memref_slice %arg8[%select_n3A_61, %dma_wait3A_905, %dma_wait3A_906] : memref<2x32x125xi32, #tpu.memory_space<vmem>> -> memref<1x1x125xi32, #tpu.memory_space<vmem>>
      %dma_wait3A_908 = tpu.memref_squeeze %dma_wait3A_907 : memref<1x1x125xi32, #tpu.memory_space<vmem>> -> memref<125xi32, #tpu.memory_space<vmem>>
      %dma_wait3A_909 = arith.constant 0 : i32
      %dma_wait3A_910 = arith.constant 0 : i32
      %dma_wait3A_911 = tpu.memref_slice %arg13[%dma_wait3A_909, %dma_wait3A_910] : memref<10000x64xf32, #tpu.memory_space<vmem_shared>> -> memref<10000x64xf32, #tpu.memory_space<vmem_shared>>
      tpu.wait_indirect_dma semaphore(%arg20 : memref<!tpu.dma_semaphore, #tpu.memory_space<semaphore_mem>>) src(%arg11 : memref<125x64xf32, #tpu.memory_space<vmem>>) dst(%dma_wait3A_911 : memref<10000x64xf32, #tpu.memory_space<vmem_shared>>)
      %dma_start3A_912 = arith.constant 30 : i32
      %dma_start3A_913 = arith.constant 0 : i32
      %dma_start3A_914 = tpu.memref_slice %arg7[%select_n3A_61, %dma_start3A_912, %dma_start3A_913] : memref<2x32x125xi32, #tpu.memory_space<vmem>> -> memref<1x1x125xi32, #tpu.memory_space<vmem>>
      %dma_start3A_915 = tpu.memref_squeeze %dma_start3A_914 : memref<1x1x125xi32, #tpu.memory_space<vmem>> -> memref<125xi32, #tpu.memory_space<vmem>>
      %dma_start3A_916 = arith.constant 0 : i32
      %dma_start3A_917 = arith.constant 0 : i32
      %dma_start3A_918 = tpu.memref_slice %arg2[%dma_start3A_916, %dma_start3A_917] : memref<20000x64xf32, #tpu.memory_space<hbm>> -> memref<20000x64xf32, #tpu.memory_space<hbm>>
      tpu.enqueue_indirect_dma source(%dma_start3A_918 : memref<20000x64xf32, #tpu.memory_space<hbm>>) target(%arg11 : memref<125x64xf32, #tpu.memory_space<vmem>>) offsets(%dma_start3A_915 : memref<125xi32, #tpu.memory_space<vmem>>) semaphore(%arg16 : memref<!tpu.dma_semaphore, #tpu.memory_space<semaphore_mem>>)
      %dma_start3A_919 = arith.constant 29 : i32
      %dma_start3A_920 = arith.constant 0 : i32
      %dma_start3A_921 = tpu.memref_slice %arg8[%select_n3A_61, %dma_start3A_919, %dma_start3A_920] : memref<2x32x125xi32, #tpu.memory_space<vmem>> -> memref<1x1x125xi32, #tpu.memory_space<vmem>>
      %dma_start3A_922 = tpu.memref_squeeze %dma_start3A_921 : memref<1x1x125xi32, #tpu.memory_space<vmem>> -> memref<125xi32, #tpu.memory_space<vmem>>
      %dma_start3A_923 = arith.constant 0 : i32
      %dma_start3A_924 = arith.constant 0 : i32
      %dma_start3A_925 = tpu.memref_slice %arg13[%dma_start3A_923, %dma_start3A_924] : memref<10000x64xf32, #tpu.memory_space<vmem_shared>> -> memref<10000x64xf32, #tpu.memory_space<vmem_shared>>
      tpu.enqueue_indirect_dma source(%arg10 : memref<125x64xf32, #tpu.memory_space<vmem>>) target(%dma_start3A_925 : memref<10000x64xf32, #tpu.memory_space<vmem_shared>>) offsets(%dma_start3A_922 : memref<125xi32, #tpu.memory_space<vmem>>) semaphore(%arg19 : memref<!tpu.dma_semaphore, #tpu.memory_space<semaphore_mem>>) {add = true}
      %dma_wait3A_926 = arith.constant 30 : i32
      %dma_wait3A_927 = arith.constant 0 : i32
      %dma_wait3A_928 = tpu.memref_slice %arg7[%select_n3A_61, %dma_wait3A_926, %dma_wait3A_927] : memref<2x32x125xi32, #tpu.memory_space<vmem>> -> memref<1x1x125xi32, #tpu.memory_space<vmem>>
      %dma_wait3A_929 = tpu.memref_squeeze %dma_wait3A_928 : memref<1x1x125xi32, #tpu.memory_space<vmem>> -> memref<125xi32, #tpu.memory_space<vmem>>
      %dma_wait3A_930 = arith.constant 0 : i32
      %dma_wait3A_931 = arith.constant 0 : i32
      %dma_wait3A_932 = tpu.memref_slice %arg2[%dma_wait3A_930, %dma_wait3A_931] : memref<20000x64xf32, #tpu.memory_space<hbm>> -> memref<20000x64xf32, #tpu.memory_space<hbm>>
      tpu.wait_indirect_dma semaphore(%arg16 : memref<!tpu.dma_semaphore, #tpu.memory_space<semaphore_mem>>) src(%dma_wait3A_932 : memref<20000x64xf32, #tpu.memory_space<hbm>>) dst(%arg11 : memref<125x64xf32, #tpu.memory_space<vmem>>)
      %dma_wait3A_933 = arith.constant 27 : i32
      %dma_wait3A_934 = arith.constant 0 : i32
      %dma_wait3A_935 = tpu.memref_slice %arg8[%select_n3A_61, %dma_wait3A_933, %dma_wait3A_934] : memref<2x32x125xi32, #tpu.memory_space<vmem>> -> memref<1x1x125xi32, #tpu.memory_space<vmem>>
      %dma_wait3A_936 = tpu.memref_squeeze %dma_wait3A_935 : memref<1x1x125xi32, #tpu.memory_space<vmem>> -> memref<125xi32, #tpu.memory_space<vmem>>
      %dma_wait3A_937 = arith.constant 0 : i32
      %dma_wait3A_938 = arith.constant 0 : i32
      %dma_wait3A_939 = tpu.memref_slice %arg13[%dma_wait3A_937, %dma_wait3A_938] : memref<10000x64xf32, #tpu.memory_space<vmem_shared>> -> memref<10000x64xf32, #tpu.memory_space<vmem_shared>>
      tpu.wait_indirect_dma semaphore(%arg21 : memref<!tpu.dma_semaphore, #tpu.memory_space<semaphore_mem>>) src(%arg12 : memref<125x64xf32, #tpu.memory_space<vmem>>) dst(%dma_wait3A_939 : memref<10000x64xf32, #tpu.memory_space<vmem_shared>>)
      %dma_start3A_940 = arith.constant 31 : i32
      %dma_start3A_941 = arith.constant 0 : i32
      %dma_start3A_942 = tpu.memref_slice %arg7[%select_n3A_61, %dma_start3A_940, %dma_start3A_941] : memref<2x32x125xi32, #tpu.memory_space<vmem>> -> memref<1x1x125xi32, #tpu.memory_space<vmem>>
      %dma_start3A_943 = tpu.memref_squeeze %dma_start3A_942 : memref<1x1x125xi32, #tpu.memory_space<vmem>> -> memref<125xi32, #tpu.memory_space<vmem>>
      %dma_start3A_944 = arith.constant 0 : i32
      %dma_start3A_945 = arith.constant 0 : i32
      %dma_start3A_946 = tpu.memref_slice %arg2[%dma_start3A_944, %dma_start3A_945] : memref<20000x64xf32, #tpu.memory_space<hbm>> -> memref<20000x64xf32, #tpu.memory_space<hbm>>
      tpu.enqueue_indirect_dma source(%dma_start3A_946 : memref<20000x64xf32, #tpu.memory_space<hbm>>) target(%arg12 : memref<125x64xf32, #tpu.memory_space<vmem>>) offsets(%dma_start3A_943 : memref<125xi32, #tpu.memory_space<vmem>>) semaphore(%arg17 : memref<!tpu.dma_semaphore, #tpu.memory_space<semaphore_mem>>)
      %dma_start3A_947 = arith.constant 30 : i32
      %dma_start3A_948 = arith.constant 0 : i32
      %dma_start3A_949 = tpu.memref_slice %arg8[%select_n3A_61, %dma_start3A_947, %dma_start3A_948] : memref<2x32x125xi32, #tpu.memory_space<vmem>> -> memref<1x1x125xi32, #tpu.memory_space<vmem>>
      %dma_start3A_950 = tpu.memref_squeeze %dma_start3A_949 : memref<1x1x125xi32, #tpu.memory_space<vmem>> -> memref<125xi32, #tpu.memory_space<vmem>>
      %dma_start3A_951 = arith.constant 0 : i32
      %dma_start3A_952 = arith.constant 0 : i32
      %dma_start3A_953 = tpu.memref_slice %arg13[%dma_start3A_951, %dma_start3A_952] : memref<10000x64xf32, #tpu.memory_space<vmem_shared>> -> memref<10000x64xf32, #tpu.memory_space<vmem_shared>>
      tpu.enqueue_indirect_dma source(%arg11 : memref<125x64xf32, #tpu.memory_space<vmem>>) target(%dma_start3A_953 : memref<10000x64xf32, #tpu.memory_space<vmem_shared>>) offsets(%dma_start3A_950 : memref<125xi32, #tpu.memory_space<vmem>>) semaphore(%arg20 : memref<!tpu.dma_semaphore, #tpu.memory_space<semaphore_mem>>) {add = true}
      %dma_wait3A_954 = arith.constant 31 : i32
      %dma_wait3A_955 = arith.constant 0 : i32
      %dma_wait3A_956 = tpu.memref_slice %arg7[%select_n3A_61, %dma_wait3A_954, %dma_wait3A_955] : memref<2x32x125xi32, #tpu.memory_space<vmem>> -> memref<1x1x125xi32, #tpu.memory_space<vmem>>
      %dma_wait3A_957 = tpu.memref_squeeze %dma_wait3A_956 : memref<1x1x125xi32, #tpu.memory_space<vmem>> -> memref<125xi32, #tpu.memory_space<vmem>>
      %dma_wait3A_958 = arith.constant 0 : i32
      %dma_wait3A_959 = arith.constant 0 : i32
      %dma_wait3A_960 = tpu.memref_slice %arg2[%dma_wait3A_958, %dma_wait3A_959] : memref<20000x64xf32, #tpu.memory_space<hbm>> -> memref<20000x64xf32, #tpu.memory_space<hbm>>
      tpu.wait_indirect_dma semaphore(%arg17 : memref<!tpu.dma_semaphore, #tpu.memory_space<semaphore_mem>>) src(%dma_wait3A_960 : memref<20000x64xf32, #tpu.memory_space<hbm>>) dst(%arg12 : memref<125x64xf32, #tpu.memory_space<vmem>>)
      %dma_start3A_961 = arith.constant 31 : i32
      %dma_start3A_962 = arith.constant 0 : i32
      %dma_start3A_963 = tpu.memref_slice %arg8[%select_n3A_61, %dma_start3A_961, %dma_start3A_962] : memref<2x32x125xi32, #tpu.memory_space<vmem>> -> memref<1x1x125xi32, #tpu.memory_space<vmem>>
      %dma_start3A_964 = tpu.memref_squeeze %dma_start3A_963 : memref<1x1x125xi32, #tpu.memory_space<vmem>> -> memref<125xi32, #tpu.memory_space<vmem>>
      %dma_start3A_965 = arith.constant 0 : i32
      %dma_start3A_966 = arith.constant 0 : i32
      %dma_start3A_967 = tpu.memref_slice %arg13[%dma_start3A_965, %dma_start3A_966] : memref<10000x64xf32, #tpu.memory_space<vmem_shared>> -> memref<10000x64xf32, #tpu.memory_space<vmem_shared>>
      tpu.enqueue_indirect_dma source(%arg12 : memref<125x64xf32, #tpu.memory_space<vmem>>) target(%dma_start3A_967 : memref<10000x64xf32, #tpu.memory_space<vmem_shared>>) offsets(%dma_start3A_964 : memref<125xi32, #tpu.memory_space<vmem>>) semaphore(%arg21 : memref<!tpu.dma_semaphore, #tpu.memory_space<semaphore_mem>>) {add = true}
      %dma_wait3A_968 = arith.constant 28 : i32
      %dma_wait3A_969 = arith.constant 0 : i32
      %dma_wait3A_970 = tpu.memref_slice %arg8[%select_n3A_61, %dma_wait3A_968, %dma_wait3A_969] : memref<2x32x125xi32, #tpu.memory_space<vmem>> -> memref<1x1x125xi32, #tpu.memory_space<vmem>>
      %dma_wait3A_971 = tpu.memref_squeeze %dma_wait3A_970 : memref<1x1x125xi32, #tpu.memory_space<vmem>> -> memref<125xi32, #tpu.memory_space<vmem>>
      %dma_wait3A_972 = arith.constant 0 : i32
      %dma_wait3A_973 = arith.constant 0 : i32
      %dma_wait3A_974 = tpu.memref_slice %arg13[%dma_wait3A_972, %dma_wait3A_973] : memref<10000x64xf32, #tpu.memory_space<vmem_shared>> -> memref<10000x64xf32, #tpu.memory_space<vmem_shared>>
      tpu.wait_indirect_dma semaphore(%arg18 : memref<!tpu.dma_semaphore, #tpu.memory_space<semaphore_mem>>) src(%arg9 : memref<125x64xf32, #tpu.memory_space<vmem>>) dst(%dma_wait3A_974 : memref<10000x64xf32, #tpu.memory_space<vmem_shared>>)
      %dma_wait3A_975 = arith.constant 29 : i32
      %dma_wait3A_976 = arith.constant 0 : i32
      %dma_wait3A_977 = tpu.memref_slice %arg8[%select_n3A_61, %dma_wait3A_975, %dma_wait3A_976] : memref<2x32x125xi32, #tpu.memory_space<vmem>> -> memref<1x1x125xi32, #tpu.memory_space<vmem>>
      %dma_wait3A_978 = tpu.memref_squeeze %dma_wait3A_977 : memref<1x1x125xi32, #tpu.memory_space<vmem>> -> memref<125xi32, #tpu.memory_space<vmem>>
      %dma_wait3A_979 = arith.constant 0 : i32
      %dma_wait3A_980 = arith.constant 0 : i32
      %dma_wait3A_981 = tpu.memref_slice %arg13[%dma_wait3A_979, %dma_wait3A_980] : memref<10000x64xf32, #tpu.memory_space<vmem_shared>> -> memref<10000x64xf32, #tpu.memory_space<vmem_shared>>
      tpu.wait_indirect_dma semaphore(%arg19 : memref<!tpu.dma_semaphore, #tpu.memory_space<semaphore_mem>>) src(%arg10 : memref<125x64xf32, #tpu.memory_space<vmem>>) dst(%dma_wait3A_981 : memref<10000x64xf32, #tpu.memory_space<vmem_shared>>)
      %dma_wait3A_982 = arith.constant 30 : i32
      %dma_wait3A_983 = arith.constant 0 : i32
      %dma_wait3A_984 = tpu.memref_slice %arg8[%select_n3A_61, %dma_wait3A_982, %dma_wait3A_983] : memref<2x32x125xi32, #tpu.memory_space<vmem>> -> memref<1x1x125xi32, #tpu.memory_space<vmem>>
      %dma_wait3A_985 = tpu.memref_squeeze %dma_wait3A_984 : memref<1x1x125xi32, #tpu.memory_space<vmem>> -> memref<125xi32, #tpu.memory_space<vmem>>
      %dma_wait3A_986 = arith.constant 0 : i32
      %dma_wait3A_987 = arith.constant 0 : i32
      %dma_wait3A_988 = tpu.memref_slice %arg13[%dma_wait3A_986, %dma_wait3A_987] : memref<10000x64xf32, #tpu.memory_space<vmem_shared>> -> memref<10000x64xf32, #tpu.memory_space<vmem_shared>>
      tpu.wait_indirect_dma semaphore(%arg20 : memref<!tpu.dma_semaphore, #tpu.memory_space<semaphore_mem>>) src(%arg11 : memref<125x64xf32, #tpu.memory_space<vmem>>) dst(%dma_wait3A_988 : memref<10000x64xf32, #tpu.memory_space<vmem_shared>>)
      %dma_wait3A_989 = arith.constant 31 : i32
      %dma_wait3A_990 = arith.constant 0 : i32
      %dma_wait3A_991 = tpu.memref_slice %arg8[%select_n3A_61, %dma_wait3A_989, %dma_wait3A_990] : memref<2x32x125xi32, #tpu.memory_space<vmem>> -> memref<1x1x125xi32, #tpu.memory_space<vmem>>
      %dma_wait3A_992 = tpu.memref_squeeze %dma_wait3A_991 : memref<1x1x125xi32, #tpu.memory_space<vmem>> -> memref<125xi32, #tpu.memory_space<vmem>>
      %dma_wait3A_993 = arith.constant 0 : i32
      %dma_wait3A_994 = arith.constant 0 : i32
      %dma_wait3A_995 = tpu.memref_slice %arg13[%dma_wait3A_993, %dma_wait3A_994] : memref<10000x64xf32, #tpu.memory_space<vmem_shared>> -> memref<10000x64xf32, #tpu.memory_space<vmem_shared>>
      tpu.wait_indirect_dma semaphore(%arg21 : memref<!tpu.dma_semaphore, #tpu.memory_space<semaphore_mem>>) src(%arg12 : memref<125x64xf32, #tpu.memory_space<vmem>>) dst(%dma_wait3A_995 : memref<10000x64xf32, #tpu.memory_space<vmem_shared>>)
    }
    %scan3A_42 = arith.constant 5 : i32
    %barrier3A_43 = arith.constant 0 : index
    tpu.barrier barrier_id(%barrier3A_43)
    %mul3A_44 = arith.constant 10000 : i32
    %mul3A_45 = arith.muli %arg0, %mul3A_44 : i32
    %add3A = arith.addi %mul3A_45, %mul3A_0 : i32
    "tpu.region"() ({
      %run_scoped3A = tpu.sem_alloc : memref<!tpu.dma_semaphore, #tpu.memory_space<semaphore_mem>>
      %dma_start3A_51 = arith.constant 0 : i32
      %dma_start3A_52 = tpu.memref_slice %arg6[%add3A, %dma_start3A_51] : memref<20000x64xf32, #tpu.memory_space<hbm>> -> memref<624x64xf32, #tpu.memory_space<hbm>>
      %dma_start3A_53 = arith.constant 0 : i32
      %dma_start3A_54 = tpu.memref_slice %arg13[%mul3A_0, %dma_start3A_53] : memref<10000x64xf32, #tpu.memory_space<vmem_shared>> -> memref<624x64xf32, #tpu.memory_space<vmem_shared>>
      tpu.enqueue_dma source(%dma_start3A_54 : memref<624x64xf32, #tpu.memory_space<vmem_shared>>) target(%dma_start3A_52 : memref<624x64xf32, #tpu.memory_space<hbm>>) target_semaphore(%run_scoped3A : memref<!tpu.dma_semaphore, #tpu.memory_space<semaphore_mem>>)
      %dma_wait3A = arith.constant 0 : i32
      %dma_wait3A_55 = tpu.memref_slice %arg6[%add3A, %dma_wait3A] : memref<20000x64xf32, #tpu.memory_space<hbm>> -> memref<624x64xf32, #tpu.memory_space<hbm>>
      %dma_wait3A_56 = arith.constant 0 : i32
      %dma_wait3A_57 = tpu.memref_slice %arg13[%mul3A_0, %dma_wait3A_56] : memref<10000x64xf32, #tpu.memory_space<vmem_shared>> -> memref<624x64xf32, #tpu.memory_space<vmem_shared>>
      tpu.wait_dma2 semaphore(%run_scoped3A : memref<!tpu.dma_semaphore, #tpu.memory_space<semaphore_mem>>) src(%dma_wait3A_57 : memref<624x64xf32, #tpu.memory_space<vmem_shared>>) dst(%dma_wait3A_55 : memref<624x64xf32, #tpu.memory_space<hbm>>)
      tpu.yield
    }) : () -> ()
    %eq3A_46 = arith.constant 15 : i32
    %eq3A_47 = arith.cmpi eq, %arg1, %eq3A_46 : i32
    %convert_element_type3A_48 = arith.extui %eq3A_47 : i1 to i32
    %cond3A_49 = arith.constant 0 : i32
    %cond3A_50 = arith.cmpi ne, %convert_element_type3A_48, %cond3A_49 : i32
    scf.if %cond3A_50 {
      %mul3A_51 = arith.constant 10000 : i32
      %mul3A_52 = arith.muli %arg0, %mul3A_51 : i32
      %add3A_53 = arith.constant 9984 : i32
      %add3A_54 = arith.addi %mul3A_52, %add3A_53 : i32
      "tpu.region"() ({
        %run_scoped3A = tpu.sem_alloc : memref<!tpu.dma_semaphore, #tpu.memory_space<semaphore_mem>>
        %dma_start3A_55 = arith.constant 0 : i32
        %dma_start3A_56 = tpu.memref_slice %arg6[%add3A_54, %dma_start3A_55] : memref<20000x64xf32, #tpu.memory_space<hbm>> -> memref<16x64xf32, #tpu.memory_space<hbm>>
        %dma_start3A_57 = arith.constant 9984 : i32
        %dma_start3A_58 = arith.constant 0 : i32
        %dma_start3A_59 = tpu.memref_slice %arg13[%dma_start3A_57, %dma_start3A_58] : memref<10000x64xf32, #tpu.memory_space<vmem_shared>> -> memref<16x64xf32, #tpu.memory_space<vmem_shared>>
        tpu.enqueue_dma source(%dma_start3A_59 : memref<16x64xf32, #tpu.memory_space<vmem_shared>>) target(%dma_start3A_56 : memref<16x64xf32, #tpu.memory_space<hbm>>) target_semaphore(%run_scoped3A : memref<!tpu.dma_semaphore, #tpu.memory_space<semaphore_mem>>)
        %dma_wait3A = arith.constant 0 : i32
        %dma_wait3A_60 = tpu.memref_slice %arg6[%add3A_54, %dma_wait3A] : memref<20000x64xf32, #tpu.memory_space<hbm>> -> memref<16x64xf32, #tpu.memory_space<hbm>>
        %dma_wait3A_61 = arith.constant 9984 : i32
        %dma_wait3A_62 = arith.constant 0 : i32
        %dma_wait3A_63 = tpu.memref_slice %arg13[%dma_wait3A_61, %dma_wait3A_62] : memref<10000x64xf32, #tpu.memory_space<vmem_shared>> -> memref<16x64xf32, #tpu.memory_space<vmem_shared>>
        tpu.wait_dma2 semaphore(%run_scoped3A : memref<!tpu.dma_semaphore, #tpu.memory_space<semaphore_mem>>) src(%dma_wait3A_63 : memref<16x64xf32, #tpu.memory_space<vmem_shared>>) dst(%dma_wait3A_60 : memref<16x64xf32, #tpu.memory_space<hbm>>)
        tpu.yield
      }) : () -> ()
    } else {
    }
    return
  }
}

module attributes {stable_mosaic.version = 14 : i64} {
  func.func @_mlp1_stats(%arg0: i32, %arg1: memref<2000x128xf32, #tpu.memory_space<vmem>>, %arg2: memref<2000x128xf32, #tpu.memory_space<vmem>>, %arg3: memref<2000x1xi32, #tpu.memory_space<vmem>>, %arg4: memref<128x64xf32, #tpu.memory_space<vmem>>, %arg5: memref<1x64xf32, #tpu.memory_space<vmem>>, %arg6: memref<64x64xf32, #tpu.memory_space<vmem>>, %arg7: memref<1x64xf32, #tpu.memory_space<vmem>>, %arg8: memref<2000x64xf32, #tpu.memory_space<vmem>>, %arg9: memref<128x64xf32, #tpu.memory_space<vmem>>, %arg10: memref<128x64xf32, #tpu.memory_space<vmem>>, %arg11: memref<1x128xf32, #tpu.memory_space<vmem>>) attributes {dimension_semantics = [#tpu.dimension_semantics<arbitrary>], iteration_bounds = array<i64: 10>, scalar_prefetch = 0 : i64, scratch_operands = 0 : i64, tpu.core_type = #tpu.core_type<tc>, window_params = [{transform_indices = @transform_0, window_bounds = array<i64: 2000, 128>}, {transform_indices = @transform_1, window_bounds = array<i64: 2000, 128>}, {transform_indices = @transform_2, window_bounds = array<i64: 2000, 1>}, {pipeline_mode = #tpu.pipeline_mode<synchronous>, transform_indices = @transform_3, window_bounds = array<i64: 128, 64>}, {pipeline_mode = #tpu.pipeline_mode<synchronous>, transform_indices = @transform_4, window_bounds = array<i64: 1, 64>}, {pipeline_mode = #tpu.pipeline_mode<synchronous>, transform_indices = @transform_5, window_bounds = array<i64: 64, 64>}, {pipeline_mode = #tpu.pipeline_mode<synchronous>, transform_indices = @transform_6, window_bounds = array<i64: 1, 64>}, {transform_indices = @transform_7, window_bounds = array<i64: 2000, 64>}, {pipeline_mode = #tpu.pipeline_mode<synchronous>, transform_indices = @transform_8, window_bounds = array<i64: 128, 64>}, {pipeline_mode = #tpu.pipeline_mode<synchronous>, transform_indices = @transform_9, window_bounds = array<i64: 128, 64>}, {pipeline_mode = #tpu.pipeline_mode<synchronous>, transform_indices = @transform_10, window_bounds = array<i64: 1, 128>}]} {
    %get3A = arith.constant 0 : index
    %get3A_0 = arith.constant 0 : index
    %get3A_1 = vector.load %arg1[%get3A, %get3A_0] : memref<2000x128xf32, #tpu.memory_space<vmem>>, vector<2000x128xf32>
    %get3A_2 = arith.constant 0 : index
    %get3A_3 = arith.constant 0 : index
    %get3A_4 = vector.load %arg2[%get3A_2, %get3A_3] : memref<2000x128xf32, #tpu.memory_space<vmem>>, vector<2000x128xf32>
    %add3A = arith.addf %get3A_1, %get3A_4 : vector<2000x128xf32>
    %get3A_5 = arith.constant 0 : index
    %get3A_6 = arith.constant 0 : index
    %get3A_7 = vector.load %arg4[%get3A_5, %get3A_6] : memref<128x64xf32, #tpu.memory_space<vmem>>, vector<128x64xf32>
    %get3A_8 = arith.constant 0 : index
    %get3A_9 = arith.constant 0 : index
    %get3A_10 = vector.load %arg5[%get3A_8, %get3A_9] : memref<1x64xf32, #tpu.memory_space<vmem>>, vector<1x64xf32>
    %get3A_11 = arith.constant 0 : index
    %get3A_12 = arith.constant 0 : index
    %get3A_13 = vector.load %arg6[%get3A_11, %get3A_12] : memref<64x64xf32, #tpu.memory_space<vmem>>, vector<64x64xf32>
    %get3A_14 = arith.constant 0 : index
    %get3A_15 = arith.constant 0 : index
    %get3A_16 = vector.load %arg7[%get3A_14, %get3A_15] : memref<1x64xf32, #tpu.memory_space<vmem>>, vector<1x64xf32>
    %dot_general3A = arith.constant dense<0.000000e+00> : vector<2000x64xf32>
    %dot_general3A_17 = tpu.matmul %add3A, %get3A_7, %dot_general3A {dimension_numbers = #tpu.dot_dimension_numbers<[1], [0], [0], [1], [0, 0, 1, 1], [], []>, transpose_lhs_hint = false} : vector<2000x128xf32>, vector<128x64xf32>, vector<2000x64xf32> -> vector<2000x64xf32>
    %add3A_18 = vector.broadcast %get3A_10 : vector<1x64xf32> to vector<2000x64xf32>
    %add3A_19 = arith.addf %dot_general3A_17, %add3A_18 : vector<2000x64xf32>
    %max3A = arith.constant 0.000000e+00 : f32
    %max3A_20 = vector.broadcast %max3A : f32 to vector<2000x64xf32>
    %max3A_21 = arith.maximumf %add3A_19, %max3A_20 : vector<2000x64xf32>
    %dot_general3A_22 = arith.constant dense<0.000000e+00> : vector<2000x64xf32>
    %dot_general3A_23 = tpu.matmul %max3A_21, %get3A_13, %dot_general3A_22 {dimension_numbers = #tpu.dot_dimension_numbers<[1], [0], [0], [1], [0, 0, 1, 1], [], []>, transpose_lhs_hint = false} : vector<2000x64xf32>, vector<64x64xf32>, vector<2000x64xf32> -> vector<2000x64xf32>
    %add3A_24 = vector.broadcast %get3A_16 : vector<1x64xf32> to vector<2000x64xf32>
    %add3A_25 = arith.addf %dot_general3A_23, %add3A_24 : vector<2000x64xf32>
    %swap3A = arith.constant 0 : index
    %swap3A_26 = arith.constant 0 : index
    %swap3A_27 = vector.load %arg8[%swap3A, %swap3A_26] : memref<2000x64xf32, #tpu.memory_space<vmem>>, vector<2000x64xf32>
    tpu.vector_store %arg8[%swap3A, %swap3A_26], %add3A_25 {strides = array<i32>} : memref<2000x64xf32, #tpu.memory_space<vmem>>, vector<2000x64xf32>,
    %iota3A = tpu.iota {dimensions = array<i32: 1>} : vector<1x128xi32>
    %get3A_28 = arith.constant 0 : index
    %get3A_29 = arith.constant 0 : index
    %get3A_30 = vector.load %arg3[%get3A_28, %get3A_29] : memref<2000x1xi32, #tpu.memory_space<vmem>>, vector<2000x1xi32>
    %eq3A = vector.broadcast %get3A_30 : vector<2000x1xi32> to vector<2000x128xi32>
    %eq3A_31 = vector.broadcast %iota3A : vector<1x128xi32> to vector<2000x128xi32>
    %eq3A_32 = arith.cmpi eq, %eq3A, %eq3A_31 : vector<2000x128xi32>
    %convert_element_type3A = arith.extui %eq3A_32 : vector<2000x128xi1> to vector<2000x128xi32>
    %convert_element_type3A_33 = arith.sitofp %convert_element_type3A : vector<2000x128xi32> to vector<2000x128xf32>
    %eq3A_34 = arith.constant 0 : i32
    %eq3A_35 = arith.cmpi eq, %arg0, %eq3A_34 : i32
    %convert_element_type3A_36 = arith.extui %eq3A_35 : i1 to i32
    %cond3A = arith.constant 0 : i32
    %cond3A_37 = arith.cmpi ne, %convert_element_type3A_36, %cond3A : i32
    scf.if %cond3A_37 {
      %broadcast_in_dim3A_87 = arith.constant 0.000000e+00 : f32
      %broadcast_in_dim3A_88 = vector.broadcast %broadcast_in_dim3A_87 : f32 to vector<128x64xf32>
      %swap3A_89 = arith.constant 0 : index
      %swap3A_90 = arith.constant 0 : index
      %swap3A_91 = vector.load %arg9[%swap3A_89, %swap3A_90] : memref<128x64xf32, #tpu.memory_space<vmem>>, vector<128x64xf32>
      tpu.vector_store %arg9[%swap3A_89, %swap3A_90], %broadcast_in_dim3A_88 {strides = array<i32>} : memref<128x64xf32, #tpu.memory_space<vmem>>, vector<128x64xf32>,
      %broadcast_in_dim3A_92 = arith.constant 0.000000e+00 : f32
      %broadcast_in_dim3A_93 = vector.broadcast %broadcast_in_dim3A_92 : f32 to vector<128x64xf32>
      %swap3A_94 = arith.constant 0 : index
      %swap3A_95 = arith.constant 0 : index
      %swap3A_96 = vector.load %arg10[%swap3A_94, %swap3A_95] : memref<128x64xf32, #tpu.memory_space<vmem>>, vector<128x64xf32>
      tpu.vector_store %arg10[%swap3A_94, %swap3A_95], %broadcast_in_dim3A_93 {strides = array<i32>} : memref<128x64xf32, #tpu.memory_space<vmem>>, vector<128x64xf32>,
      %broadcast_in_dim3A_97 = arith.constant 0.000000e+00 : f32
      %broadcast_in_dim3A_98 = vector.broadcast %broadcast_in_dim3A_97 : f32 to vector<1x128xf32>
      %swap3A_99 = arith.constant 0 : index
      %swap3A_100 = arith.constant 0 : index
      %swap3A_101 = vector.load %arg11[%swap3A_99, %swap3A_100] : memref<1x128xf32, #tpu.memory_space<vmem>>, vector<1x128xf32>
      tpu.vector_store %arg11[%swap3A_99, %swap3A_100], %broadcast_in_dim3A_98 {strides = array<i32>} : memref<1x128xf32, #tpu.memory_space<vmem>>, vector<1x128xf32>,
    } else {
    }
    %get3A_38 = arith.constant 0 : index
    %get3A_39 = arith.constant 0 : index
    %get3A_40 = vector.load %arg9[%get3A_38, %get3A_39] : memref<128x64xf32, #tpu.memory_space<vmem>>, vector<128x64xf32>
    %convert_element_type3A_41 = arith.truncf %add3A_25 : vector<2000x64xf32> to vector<2000x64xbf16>
    %convert_element_type3A_42 = arith.extf %convert_element_type3A_41 : vector<2000x64xbf16> to vector<2000x64xf32>
    %sub3A = arith.subf %add3A_25, %convert_element_type3A_42 : vector<2000x64xf32>
    %convert_element_type3A_43 = arith.truncf %sub3A : vector<2000x64xf32> to vector<2000x64xbf16>
    %convert_element_type3A_44 = arith.extf %convert_element_type3A_43 : vector<2000x64xbf16> to vector<2000x64xf32>
    %sub3A_45 = arith.subf %sub3A, %convert_element_type3A_44 : vector<2000x64xf32>
    %dot_general3A_46 = arith.constant dense<0.000000e+00> : vector<128x64xf32>
    %dot_general3A_47 = tpu.matmul %convert_element_type3A_33, %convert_element_type3A_42, %dot_general3A_46 {dimension_numbers = #tpu.dot_dimension_numbers<[0], [0], [1], [1], [0, 1, 1, 1], [], []>, transpose_lhs_hint = false} : vector<2000x128xf32>, vector<2000x64xf32>, vector<128x64xf32> -> vector<128x64xf32>
    %dot_general3A_48 = arith.constant dense<0.000000e+00> : vector<128x64xf32>
    %dot_general3A_49 = tpu.matmul %convert_element_type3A_33, %convert_element_type3A_44, %dot_general3A_48 {dimension_numbers = #tpu.dot_dimension_numbers<[0], [0], [1], [1], [0, 1, 1, 1], [], []>, transpose_lhs_hint = false} : vector<2000x128xf32>, vector<2000x64xf32>, vector<128x64xf32> -> vector<128x64xf32>
    %add3A_50 = arith.addf %dot_general3A_47, %dot_general3A_49 : vector<128x64xf32>
    %dot_general3A_51 = arith.constant dense<0.000000e+00> : vector<128x64xf32>
    %dot_general3A_52 = tpu.matmul %convert_element_type3A_33, %sub3A_45, %dot_general3A_51 {dimension_numbers = #tpu.dot_dimension_numbers<[0], [0], [1], [1], [0, 1, 1, 1], [], []>, transpose_lhs_hint = false} : vector<2000x128xf32>, vector<2000x64xf32>, vector<128x64xf32> -> vector<128x64xf32>
    %add3A_53 = arith.addf %add3A_50, %dot_general3A_52 : vector<128x64xf32>
    %add3A_54 = arith.addf %get3A_40, %add3A_53 : vector<128x64xf32>
    %swap3A_55 = arith.constant 0 : index
    %swap3A_56 = arith.constant 0 : index
    %swap3A_57 = vector.load %arg9[%swap3A_55, %swap3A_56] : memref<128x64xf32, #tpu.memory_space<vmem>>, vector<128x64xf32>
    tpu.vector_store %arg9[%swap3A_55, %swap3A_56], %add3A_54 {strides = array<i32>} : memref<128x64xf32, #tpu.memory_space<vmem>>, vector<128x64xf32>,
    %get3A_58 = arith.constant 0 : index
    %get3A_59 = arith.constant 0 : index
    %get3A_60 = vector.load %arg10[%get3A_58, %get3A_59] : memref<128x64xf32, #tpu.memory_space<vmem>>, vector<128x64xf32>
    %mul3A = arith.mulf %add3A_25, %add3A_25 : vector<2000x64xf32>
    %convert_element_type3A_61 = arith.truncf %mul3A : vector<2000x64xf32> to vector<2000x64xbf16>
    %convert_element_type3A_62 = arith.extf %convert_element_type3A_61 : vector<2000x64xbf16> to vector<2000x64xf32>
    %sub3A_63 = arith.subf %mul3A, %convert_element_type3A_62 : vector<2000x64xf32>
    %convert_element_type3A_64 = arith.truncf %sub3A_63 : vector<2000x64xf32> to vector<2000x64xbf16>
    %convert_element_type3A_65 = arith.extf %convert_element_type3A_64 : vector<2000x64xbf16> to vector<2000x64xf32>
    %sub3A_66 = arith.subf %sub3A_63, %convert_element_type3A_65 : vector<2000x64xf32>
    %dot_general3A_67 = arith.constant dense<0.000000e+00> : vector<128x64xf32>
    %dot_general3A_68 = tpu.matmul %convert_element_type3A_33, %convert_element_type3A_62, %dot_general3A_67 {dimension_numbers = #tpu.dot_dimension_numbers<[0], [0], [1], [1], [0, 1, 1, 1], [], []>, transpose_lhs_hint = false} : vector<2000x128xf32>, vector<2000x64xf32>, vector<128x64xf32> -> vector<128x64xf32>
    %dot_general3A_69 = arith.constant dense<0.000000e+00> : vector<128x64xf32>
    %dot_general3A_70 = tpu.matmul %convert_element_type3A_33, %convert_element_type3A_65, %dot_general3A_69 {dimension_numbers = #tpu.dot_dimension_numbers<[0], [0], [1], [1], [0, 1, 1, 1], [], []>, transpose_lhs_hint = false} : vector<2000x128xf32>, vector<2000x64xf32>, vector<128x64xf32> -> vector<128x64xf32>
    %add3A_71 = arith.addf %dot_general3A_68, %dot_general3A_70 : vector<128x64xf32>
    %dot_general3A_72 = arith.constant dense<0.000000e+00> : vector<128x64xf32>
    %dot_general3A_73 = tpu.matmul %convert_element_type3A_33, %sub3A_66, %dot_general3A_72 {dimension_numbers = #tpu.dot_dimension_numbers<[0], [0], [1], [1], [0, 1, 1, 1], [], []>, transpose_lhs_hint = false} : vector<2000x128xf32>, vector<2000x64xf32>, vector<128x64xf32> -> vector<128x64xf32>
    %add3A_74 = arith.addf %add3A_71, %dot_general3A_73 : vector<128x64xf32>
    %add3A_75 = arith.addf %get3A_60, %add3A_74 : vector<128x64xf32>
    %swap3A_76 = arith.constant 0 : index
    %swap3A_77 = arith.constant 0 : index
    %swap3A_78 = vector.load %arg10[%swap3A_76, %swap3A_77] : memref<128x64xf32, #tpu.memory_space<vmem>>, vector<128x64xf32>
    tpu.vector_store %arg10[%swap3A_76, %swap3A_77], %add3A_75 {strides = array<i32>} : memref<128x64xf32, #tpu.memory_space<vmem>>, vector<128x64xf32>,
    %get3A_79 = arith.constant 0 : index
    %get3A_80 = arith.constant 0 : index
    %get3A_81 = vector.load %arg11[%get3A_79, %get3A_80] : memref<1x128xf32, #tpu.memory_space<vmem>>, vector<1x128xf32>
    %reduce_sum3A = arith.constant dense<0.000000e+00> : vector<128xf32>
    %reduce_sum3A_82 = vector.multi_reduction <add>, %convert_element_type3A_33, %reduce_sum3A [0] : vector<2000x128xf32> to vector<128xf32>
    %broadcast_in_dim3A = vector.shape_cast %reduce_sum3A_82 : vector<128xf32> to vector<1x128xf32>
    %add3A_83 = arith.addf %get3A_81, %broadcast_in_dim3A : vector<1x128xf32>
    %swap3A_84 = arith.constant 0 : index
    %swap3A_85 = arith.constant 0 : index
    %swap3A_86 = vector.load %arg11[%swap3A_84, %swap3A_85] : memref<1x128xf32, #tpu.memory_space<vmem>>, vector<1x128xf32>
    tpu.vector_store %arg11[%swap3A_84, %swap3A_85], %add3A_83 {strides = array<i32>} : memref<1x128xf32, #tpu.memory_space<vmem>>, vector<1x128xf32>,
    return
  }
  func.func @transform_0(%arg0: i32) -> (i32, i32) {
    %c0_i32 = arith.constant 0 : i32
    %c0_i32_0 = arith.constant 0 : i32
    return %arg0, %c0_i32 : i32, i32
  }
  func.func @transform_1(%arg0: i32) -> (i32, i32) {
    %c0_i32 = arith.constant 0 : i32
    %c0_i32_0 = arith.constant 0 : i32
    return %arg0, %c0_i32 : i32, i32
  }
  func.func @transform_2(%arg0: i32) -> (i32, i32) {
    %c0_i32 = arith.constant 0 : i32
    %c0_i32_0 = arith.constant 0 : i32
    return %arg0, %c0_i32 : i32, i32
  }
  func.func @transform_3(%arg0: i32) -> (i32, i32) {
    %c0_i32 = arith.constant 0 : i32
    %c0_i32_0 = arith.constant 0 : i32
    %c0_i32_1 = arith.constant 0 : i32
    return %c0_i32, %c0_i32_0 : i32, i32
  }
  func.func @transform_4(%arg0: i32) -> (i32, i32) {
    %c0_i32 = arith.constant 0 : i32
    %c0_i32_0 = arith.constant 0 : i32
    %c0_i32_1 = arith.constant 0 : i32
    return %c0_i32, %c0_i32_0 : i32, i32
  }
  func.func @transform_5(%arg0: i32) -> (i32, i32) {
    %c0_i32 = arith.constant 0 : i32
    %c0_i32_0 = arith.constant 0 : i32
    %c0_i32_1 = arith.constant 0 : i32
    return %c0_i32, %c0_i32_0 : i32, i32
  }
  func.func @transform_6(%arg0: i32) -> (i32, i32) {
    %c0_i32 = arith.constant 0 : i32
    %c0_i32_0 = arith.constant 0 : i32
    %c0_i32_1 = arith.constant 0 : i32
    return %c0_i32, %c0_i32_0 : i32, i32
  }
  func.func @transform_7(%arg0: i32) -> (i32, i32) {
    %c0_i32 = arith.constant 0 : i32
    %c0_i32_0 = arith.constant 0 : i32
    return %arg0, %c0_i32 : i32, i32
  }
  func.func @transform_8(%arg0: i32) -> (i32, i32) {
    %c0_i32 = arith.constant 0 : i32
    %c0_i32_0 = arith.constant 0 : i32
    %c0_i32_1 = arith.constant 0 : i32
    return %c0_i32, %c0_i32_0 : i32, i32
  }
  func.func @transform_9(%arg0: i32) -> (i32, i32) {
    %c0_i32 = arith.constant 0 : i32
    %c0_i32_0 = arith.constant 0 : i32
    %c0_i32_1 = arith.constant 0 : i32
    return %c0_i32, %c0_i32_0 : i32, i32
  }
  func.func @transform_10(%arg0: i32) -> (i32, i32) {
    %c0_i32 = arith.constant 0 : i32
    %c0_i32_0 = arith.constant 0 : i32
    %c0_i32_1 = arith.constant 0 : i32
    return %c0_i32, %c0_i32_0 : i32, i32
  }
}

module attributes {stable_mosaic.version = 14 : i64} {
  func.func @_ln1_apply(%arg0: i32, %arg1: memref<2000x64xf32, #tpu.memory_space<vmem>>, %arg2: memref<2000x1xi32, #tpu.memory_space<vmem>>, %arg3: memref<128x64xf32, #tpu.memory_space<vmem>>, %arg4: memref<128x64xf32, #tpu.memory_space<vmem>>, %arg5: memref<1x128xf32, #tpu.memory_space<vmem>>, %arg6: memref<1x64xf32, #tpu.memory_space<vmem>>, %arg7: memref<1x64xf32, #tpu.memory_space<vmem>>, %arg8: memref<2000x64xf32, #tpu.memory_space<vmem>>) attributes {dimension_semantics = [#tpu.dimension_semantics<arbitrary>], iteration_bounds = array<i64: 10>, scalar_prefetch = 0 : i64, scratch_operands = 0 : i64, tpu.core_type = #tpu.core_type<tc>, window_params = [{transform_indices = @transform_0, window_bounds = array<i64: 2000, 64>}, {transform_indices = @transform_1, window_bounds = array<i64: 2000, 1>}, {pipeline_mode = #tpu.pipeline_mode<synchronous>, transform_indices = @transform_2, window_bounds = array<i64: 128, 64>}, {pipeline_mode = #tpu.pipeline_mode<synchronous>, transform_indices = @transform_3, window_bounds = array<i64: 128, 64>}, {pipeline_mode = #tpu.pipeline_mode<synchronous>, transform_indices = @transform_4, window_bounds = array<i64: 1, 128>}, {pipeline_mode = #tpu.pipeline_mode<synchronous>, transform_indices = @transform_5, window_bounds = array<i64: 1, 64>}, {pipeline_mode = #tpu.pipeline_mode<synchronous>, transform_indices = @transform_6, window_bounds = array<i64: 1, 64>}, {transform_indices = @transform_7, window_bounds = array<i64: 2000, 64>}]} {
    %get3A = arith.constant 0 : index
    %get3A_0 = arith.constant 0 : index
    %get3A_1 = vector.load %arg1[%get3A, %get3A_0] : memref<2000x64xf32, #tpu.memory_space<vmem>>, vector<2000x64xf32>
    %get3A_2 = arith.constant 0 : index
    %get3A_3 = arith.constant 0 : index
    %get3A_4 = vector.load %arg3[%get3A_2, %get3A_3] : memref<128x64xf32, #tpu.memory_space<vmem>>, vector<128x64xf32>
    %get3A_5 = arith.constant 0 : index
    %get3A_6 = arith.constant 0 : index
    %get3A_7 = vector.load %arg4[%get3A_5, %get3A_6] : memref<128x64xf32, #tpu.memory_space<vmem>>, vector<128x64xf32>
    %get3A_8 = arith.constant 0 : index
    %get3A_9 = arith.constant 0 : index
    %get3A_10 = vector.load %arg5[%get3A_8, %get3A_9] : memref<1x128xf32, #tpu.memory_space<vmem>>, vector<1x128xf32>
    %get3A_11 = vector.shape_cast %get3A_10 : vector<1x128xf32> to vector<128xf32>
    %max3A = arith.constant 1.000000e+00 : f32
    %max3A_12 = vector.broadcast %max3A : f32 to vector<128xf32>
    %max3A_13 = arith.maximumf %get3A_11, %max3A_12 : vector<128xf32>
    %mul3A = arith.constant 6.400000e+01 : f32
    %mul3A_14 = vector.broadcast %mul3A : f32 to vector<128xf32>
    %mul3A_15 = arith.mulf %max3A_13, %mul3A_14 : vector<128xf32>
    %reduce_sum3A = arith.constant dense<0.000000e+00> : vector<128xf32>
    %reduce_sum3A_16 = vector.multi_reduction <add>, %get3A_4, %reduce_sum3A [1] : vector<128x64xf32> to vector<128xf32>
    %div3A = arith.divf %reduce_sum3A_16, %mul3A_15 : vector<128xf32>
    %reduce_sum3A_17 = arith.constant dense<0.000000e+00> : vector<128xf32>
    %reduce_sum3A_18 = vector.multi_reduction <add>, %get3A_7, %reduce_sum3A_17 [1] : vector<128x64xf32> to vector<128xf32>
    %div3A_19 = arith.divf %reduce_sum3A_18, %mul3A_15 : vector<128xf32>
    %mul3A_20 = arith.mulf %div3A, %div3A : vector<128xf32>
    %sub3A = arith.subf %div3A_19, %mul3A_20 : vector<128xf32>
    %add3A = arith.constant 9.99999974E-6 : f32
    %add3A_21 = vector.broadcast %add3A : f32 to vector<128xf32>
    %add3A_22 = arith.addf %sub3A, %add3A_21 : vector<128xf32>
    %rsqrt3A = math.rsqrt %add3A_22 : vector<128xf32>
    %iota3A = tpu.iota {dimensions = array<i32: 1>} : vector<1x128xi32>
    %get3A_23 = arith.constant 0 : index
    %get3A_24 = arith.constant 0 : index
    %get3A_25 = vector.load %arg2[%get3A_23, %get3A_24] : memref<2000x1xi32, #tpu.memory_space<vmem>>, vector<2000x1xi32>
    %eq3A = vector.broadcast %get3A_25 : vector<2000x1xi32> to vector<2000x128xi32>
    %eq3A_26 = vector.broadcast %iota3A : vector<1x128xi32> to vector<2000x128xi32>
    %eq3A_27 = arith.cmpi eq, %eq3A, %eq3A_26 : vector<2000x128xi32>
    %convert_element_type3A = arith.extui %eq3A_27 : vector<2000x128xi1> to vector<2000x128xi32>
    %convert_element_type3A_28 = arith.sitofp %convert_element_type3A : vector<2000x128xi32> to vector<2000x128xf32>
    %broadcast_in_dim3A = vector.shape_cast %div3A : vector<128xf32> to vector<128x1xf32>
    %broadcast_in_dim3A_29 = vector.shape_cast %broadcast_in_dim3A : vector<128x1xf32> to vector<128x1xf32>
    %broadcast_in_dim3A_30 = vector.broadcast %broadcast_in_dim3A_29 : vector<128x1xf32> to vector<128x64xf32>
    %convert_element_type3A_31 = arith.truncf %broadcast_in_dim3A_30 : vector<128x64xf32> to vector<128x64xbf16>
    %convert_element_type3A_32 = arith.extf %convert_element_type3A_31 : vector<128x64xbf16> to vector<128x64xf32>
    %sub3A_33 = arith.subf %broadcast_in_dim3A_30, %convert_element_type3A_32 : vector<128x64xf32>
    %convert_element_type3A_34 = arith.truncf %sub3A_33 : vector<128x64xf32> to vector<128x64xbf16>
    %convert_element_type3A_35 = arith.extf %convert_element_type3A_34 : vector<128x64xbf16> to vector<128x64xf32>
    %sub3A_36 = arith.subf %sub3A_33, %convert_element_type3A_35 : vector<128x64xf32>
    %dot_general3A = arith.constant dense<0.000000e+00> : vector<2000x64xf32>
    %dot_general3A_37 = tpu.matmul %convert_element_type3A_28, %convert_element_type3A_32, %dot_general3A {dimension_numbers = #tpu.dot_dimension_numbers<[1], [0], [0], [1], [0, 0, 1, 1], [], []>, transpose_lhs_hint = false} : vector<2000x128xf32>, vector<128x64xf32>, vector<2000x64xf32> -> vector<2000x64xf32>
    %dot_general3A_38 = arith.constant dense<0.000000e+00> : vector<2000x64xf32>
    %dot_general3A_39 = tpu.matmul %convert_element_type3A_28, %convert_element_type3A_35, %dot_general3A_38 {dimension_numbers = #tpu.dot_dimension_numbers<[1], [0], [0], [1], [0, 0, 1, 1], [], []>, transpose_lhs_hint = false} : vector<2000x128xf32>, vector<128x64xf32>, vector<2000x64xf32> -> vector<2000x64xf32>
    %add3A_40 = arith.addf %dot_general3A_37, %dot_general3A_39 : vector<2000x64xf32>
    %dot_general3A_41 = arith.constant dense<0.000000e+00> : vector<2000x64xf32>
    %dot_general3A_42 = tpu.matmul %convert_element_type3A_28, %sub3A_36, %dot_general3A_41 {dimension_numbers = #tpu.dot_dimension_numbers<[1], [0], [0], [1], [0, 0, 1, 1], [], []>, transpose_lhs_hint = false} : vector<2000x128xf32>, vector<128x64xf32>, vector<2000x64xf32> -> vector<2000x64xf32>
    %add3A_43 = arith.addf %add3A_40, %dot_general3A_42 : vector<2000x64xf32>
    %sub3A_44 = arith.subf %get3A_1, %add3A_43 : vector<2000x64xf32>
    %broadcast_in_dim3A_45 = vector.shape_cast %rsqrt3A : vector<128xf32> to vector<128x1xf32>
    %broadcast_in_dim3A_46 = vector.shape_cast %broadcast_in_dim3A_45 : vector<128x1xf32> to vector<128x1xf32>
    %broadcast_in_dim3A_47 = vector.broadcast %broadcast_in_dim3A_46 : vector<128x1xf32> to vector<128x64xf32>
    %convert_element_type3A_48 = arith.truncf %broadcast_in_dim3A_47 : vector<128x64xf32> to vector<128x64xbf16>
    %convert_element_type3A_49 = arith.extf %convert_element_type3A_48 : vector<128x64xbf16> to vector<128x64xf32>
    %sub3A_50 = arith.subf %broadcast_in_dim3A_47, %convert_element_type3A_49 : vector<128x64xf32>
    %convert_element_type3A_51 = arith.truncf %sub3A_50 : vector<128x64xf32> to vector<128x64xbf16>
    %convert_element_type3A_52 = arith.extf %convert_element_type3A_51 : vector<128x64xbf16> to vector<128x64xf32>
    %sub3A_53 = arith.subf %sub3A_50, %convert_element_type3A_52 : vector<128x64xf32>
    %dot_general3A_54 = arith.constant dense<0.000000e+00> : vector<2000x64xf32>
    %dot_general3A_55 = tpu.matmul %convert_element_type3A_28, %convert_element_type3A_49, %dot_general3A_54 {dimension_numbers = #tpu.dot_dimension_numbers<[1], [0], [0], [1], [0, 0, 1, 1], [], []>, transpose_lhs_hint = false} : vector<2000x128xf32>, vector<128x64xf32>, vector<2000x64xf32> -> vector<2000x64xf32>
    %dot_general3A_56 = arith.constant dense<0.000000e+00> : vector<2000x64xf32>
    %dot_general3A_57 = tpu.matmul %convert_element_type3A_28, %convert_element_type3A_52, %dot_general3A_56 {dimension_numbers = #tpu.dot_dimension_numbers<[1], [0], [0], [1], [0, 0, 1, 1], [], []>, transpose_lhs_hint = false} : vector<2000x128xf32>, vector<128x64xf32>, vector<2000x64xf32> -> vector<2000x64xf32>
    %add3A_58 = arith.addf %dot_general3A_55, %dot_general3A_57 : vector<2000x64xf32>
    %dot_general3A_59 = arith.constant dense<0.000000e+00> : vector<2000x64xf32>
    %dot_general3A_60 = tpu.matmul %convert_element_type3A_28, %sub3A_53, %dot_general3A_59 {dimension_numbers = #tpu.dot_dimension_numbers<[1], [0], [0], [1], [0, 0, 1, 1], [], []>, transpose_lhs_hint = false} : vector<2000x128xf32>, vector<128x64xf32>, vector<2000x64xf32> -> vector<2000x64xf32>
    %add3A_61 = arith.addf %add3A_58, %dot_general3A_60 : vector<2000x64xf32>
    %mul3A_62 = arith.mulf %sub3A_44, %add3A_61 : vector<2000x64xf32>
    %get3A_63 = arith.constant 0 : index
    %get3A_64 = arith.constant 0 : index
    %get3A_65 = vector.load %arg6[%get3A_63, %get3A_64] : memref<1x64xf32, #tpu.memory_space<vmem>>, vector<1x64xf32>
    %mul3A_66 = vector.broadcast %get3A_65 : vector<1x64xf32> to vector<2000x64xf32>
    %mul3A_67 = arith.mulf %mul3A_62, %mul3A_66 : vector<2000x64xf32>
    %get3A_68 = arith.constant 0 : index
    %get3A_69 = arith.constant 0 : index
    %get3A_70 = vector.load %arg7[%get3A_68, %get3A_69] : memref<1x64xf32, #tpu.memory_space<vmem>>, vector<1x64xf32>
    %add3A_71 = vector.broadcast %get3A_70 : vector<1x64xf32> to vector<2000x64xf32>
    %add3A_72 = arith.addf %mul3A_67, %add3A_71 : vector<2000x64xf32>
    %max3A_73 = arith.constant 0.000000e+00 : f32
    %max3A_74 = vector.broadcast %max3A_73 : f32 to vector<2000x64xf32>
    %max3A_75 = arith.maximumf %add3A_72, %max3A_74 : vector<2000x64xf32>
    %swap3A = arith.constant 0 : index
    %swap3A_76 = arith.constant 0 : index
    %swap3A_77 = vector.load %arg8[%swap3A, %swap3A_76] : memref<2000x64xf32, #tpu.memory_space<vmem>>, vector<2000x64xf32>
    tpu.vector_store %arg8[%swap3A, %swap3A_76], %max3A_75 {strides = array<i32>} : memref<2000x64xf32, #tpu.memory_space<vmem>>, vector<2000x64xf32>,
    return
  }
  func.func @transform_0(%arg0: i32) -> (i32, i32) {
    %c0_i32 = arith.constant 0 : i32
    %c0_i32_0 = arith.constant 0 : i32
    return %arg0, %c0_i32 : i32, i32
  }
  func.func @transform_1(%arg0: i32) -> (i32, i32) {
    %c0_i32 = arith.constant 0 : i32
    %c0_i32_0 = arith.constant 0 : i32
    return %arg0, %c0_i32 : i32, i32
  }
  func.func @transform_2(%arg0: i32) -> (i32, i32) {
    %c0_i32 = arith.constant 0 : i32
    %c0_i32_0 = arith.constant 0 : i32
    %c0_i32_1 = arith.constant 0 : i32
    return %c0_i32, %c0_i32_0 : i32, i32
  }
  func.func @transform_3(%arg0: i32) -> (i32, i32) {
    %c0_i32 = arith.constant 0 : i32
    %c0_i32_0 = arith.constant 0 : i32
    %c0_i32_1 = arith.constant 0 : i32
    return %c0_i32, %c0_i32_0 : i32, i32
  }
  func.func @transform_4(%arg0: i32) -> (i32, i32) {
    %c0_i32 = arith.constant 0 : i32
    %c0_i32_0 = arith.constant 0 : i32
    %c0_i32_1 = arith.constant 0 : i32
    return %c0_i32, %c0_i32_0 : i32, i32
  }
  func.func @transform_5(%arg0: i32) -> (i32, i32) {
    %c0_i32 = arith.constant 0 : i32
    %c0_i32_0 = arith.constant 0 : i32
    %c0_i32_1 = arith.constant 0 : i32
    return %c0_i32, %c0_i32_0 : i32, i32
  }
  func.func @transform_6(%arg0: i32) -> (i32, i32) {
    %c0_i32 = arith.constant 0 : i32
    %c0_i32_0 = arith.constant 0 : i32
    %c0_i32_1 = arith.constant 0 : i32
    return %c0_i32, %c0_i32_0 : i32, i32
  }
  func.func @transform_7(%arg0: i32) -> (i32, i32) {
    %c0_i32 = arith.constant 0 : i32
    %c0_i32_0 = arith.constant 0 : i32
    return %arg0, %c0_i32 : i32, i32
  }
}

module attributes {stable_mosaic.version = 14 : i64} {
  func.func @_mlp2_stats(%arg0: i32, %arg1: memref<2000x64xf32, #tpu.memory_space<vmem>>, %arg2: memref<2000x64xf32, #tpu.memory_space<vmem>>, %arg3: memref<2000x1xi32, #tpu.memory_space<vmem>>, %arg4: memref<64x64xf32, #tpu.memory_space<vmem>>, %arg5: memref<1x64xf32, #tpu.memory_space<vmem>>, %arg6: memref<64x64xf32, #tpu.memory_space<vmem>>, %arg7: memref<1x64xf32, #tpu.memory_space<vmem>>, %arg8: memref<2000x64xf32, #tpu.memory_space<vmem>>, %arg9: memref<128x64xf32, #tpu.memory_space<vmem>>, %arg10: memref<128x64xf32, #tpu.memory_space<vmem>>) attributes {dimension_semantics = [#tpu.dimension_semantics<arbitrary>], iteration_bounds = array<i64: 10>, scalar_prefetch = 0 : i64, scratch_operands = 0 : i64, tpu.core_type = #tpu.core_type<tc>, window_params = [{transform_indices = @transform_0, window_bounds = array<i64: 2000, 64>}, {transform_indices = @transform_1, window_bounds = array<i64: 2000, 64>}, {transform_indices = @transform_2, window_bounds = array<i64: 2000, 1>}, {pipeline_mode = #tpu.pipeline_mode<synchronous>, transform_indices = @transform_3, window_bounds = array<i64: 64, 64>}, {pipeline_mode = #tpu.pipeline_mode<synchronous>, transform_indices = @transform_4, window_bounds = array<i64: 1, 64>}, {pipeline_mode = #tpu.pipeline_mode<synchronous>, transform_indices = @transform_5, window_bounds = array<i64: 64, 64>}, {pipeline_mode = #tpu.pipeline_mode<synchronous>, transform_indices = @transform_6, window_bounds = array<i64: 1, 64>}, {transform_indices = @transform_7, window_bounds = array<i64: 2000, 64>}, {pipeline_mode = #tpu.pipeline_mode<synchronous>, transform_indices = @transform_8, window_bounds = array<i64: 128, 64>}, {pipeline_mode = #tpu.pipeline_mode<synchronous>, transform_indices = @transform_9, window_bounds = array<i64: 128, 64>}]} {
    %get3A = arith.constant 0 : index
    %get3A_0 = arith.constant 0 : index
    %get3A_1 = vector.load %arg1[%get3A, %get3A_0] : memref<2000x64xf32, #tpu.memory_space<vmem>>, vector<2000x64xf32>
    %get3A_2 = arith.constant 0 : index
    %get3A_3 = arith.constant 0 : index
    %get3A_4 = vector.load %arg2[%get3A_2, %get3A_3] : memref<2000x64xf32, #tpu.memory_space<vmem>>, vector<2000x64xf32>
    %add3A = arith.addf %get3A_1, %get3A_4 : vector<2000x64xf32>
    %get3A_5 = arith.constant 0 : index
    %get3A_6 = arith.constant 0 : index
    %get3A_7 = vector.load %arg4[%get3A_5, %get3A_6] : memref<64x64xf32, #tpu.memory_space<vmem>>, vector<64x64xf32>
    %get3A_8 = arith.constant 0 : index
    %get3A_9 = arith.constant 0 : index
    %get3A_10 = vector.load %arg5[%get3A_8, %get3A_9] : memref<1x64xf32, #tpu.memory_space<vmem>>, vector<1x64xf32>
    %get3A_11 = arith.constant 0 : index
    %get3A_12 = arith.constant 0 : index
    %get3A_13 = vector.load %arg6[%get3A_11, %get3A_12] : memref<64x64xf32, #tpu.memory_space<vmem>>, vector<64x64xf32>
    %get3A_14 = arith.constant 0 : index
    %get3A_15 = arith.constant 0 : index
    %get3A_16 = vector.load %arg7[%get3A_14, %get3A_15] : memref<1x64xf32, #tpu.memory_space<vmem>>, vector<1x64xf32>
    %dot_general3A = arith.constant dense<0.000000e+00> : vector<2000x64xf32>
    %dot_general3A_17 = tpu.matmul %add3A, %get3A_7, %dot_general3A {dimension_numbers = #tpu.dot_dimension_numbers<[1], [0], [0], [1], [0, 0, 1, 1], [], []>, transpose_lhs_hint = false} : vector<2000x64xf32>, vector<64x64xf32>, vector<2000x64xf32> -> vector<2000x64xf32>
    %add3A_18 = vector.broadcast %get3A_10 : vector<1x64xf32> to vector<2000x64xf32>
    %add3A_19 = arith.addf %dot_general3A_17, %add3A_18 : vector<2000x64xf32>
    %max3A = arith.constant 0.000000e+00 : f32
    %max3A_20 = vector.broadcast %max3A : f32 to vector<2000x64xf32>
    %max3A_21 = arith.maximumf %add3A_19, %max3A_20 : vector<2000x64xf32>
    %dot_general3A_22 = arith.constant dense<0.000000e+00> : vector<2000x64xf32>
    %dot_general3A_23 = tpu.matmul %max3A_21, %get3A_13, %dot_general3A_22 {dimension_numbers = #tpu.dot_dimension_numbers<[1], [0], [0], [1], [0, 0, 1, 1], [], []>, transpose_lhs_hint = false} : vector<2000x64xf32>, vector<64x64xf32>, vector<2000x64xf32> -> vector<2000x64xf32>
    %add3A_24 = vector.broadcast %get3A_16 : vector<1x64xf32> to vector<2000x64xf32>
    %add3A_25 = arith.addf %dot_general3A_23, %add3A_24 : vector<2000x64xf32>
    %swap3A = arith.constant 0 : index
    %swap3A_26 = arith.constant 0 : index
    %swap3A_27 = vector.load %arg8[%swap3A, %swap3A_26] : memref<2000x64xf32, #tpu.memory_space<vmem>>, vector<2000x64xf32>
    tpu.vector_store %arg8[%swap3A, %swap3A_26], %add3A_25 {strides = array<i32>} : memref<2000x64xf32, #tpu.memory_space<vmem>>, vector<2000x64xf32>,
    %iota3A = tpu.iota {dimensions = array<i32: 1>} : vector<1x128xi32>
    %get3A_28 = arith.constant 0 : index
    %get3A_29 = arith.constant 0 : index
    %get3A_30 = vector.load %arg3[%get3A_28, %get3A_29] : memref<2000x1xi32, #tpu.memory_space<vmem>>, vector<2000x1xi32>
    %eq3A = vector.broadcast %get3A_30 : vector<2000x1xi32> to vector<2000x128xi32>
    %eq3A_31 = vector.broadcast %iota3A : vector<1x128xi32> to vector<2000x128xi32>
    %eq3A_32 = arith.cmpi eq, %eq3A, %eq3A_31 : vector<2000x128xi32>
    %convert_element_type3A = arith.extui %eq3A_32 : vector<2000x128xi1> to vector<2000x128xi32>
    %convert_element_type3A_33 = arith.sitofp %convert_element_type3A : vector<2000x128xi32> to vector<2000x128xf32>
    %eq3A_34 = arith.constant 0 : i32
    %eq3A_35 = arith.cmpi eq, %arg0, %eq3A_34 : i32
    %convert_element_type3A_36 = arith.extui %eq3A_35 : i1 to i32
    %cond3A = arith.constant 0 : i32
    %cond3A_37 = arith.cmpi ne, %convert_element_type3A_36, %cond3A : i32
    scf.if %cond3A_37 {
      %broadcast_in_dim3A = arith.constant 0.000000e+00 : f32
      %broadcast_in_dim3A_79 = vector.broadcast %broadcast_in_dim3A : f32 to vector<128x64xf32>
      %swap3A_80 = arith.constant 0 : index
      %swap3A_81 = arith.constant 0 : index
      %swap3A_82 = vector.load %arg9[%swap3A_80, %swap3A_81] : memref<128x64xf32, #tpu.memory_space<vmem>>, vector<128x64xf32>
      tpu.vector_store %arg9[%swap3A_80, %swap3A_81], %broadcast_in_dim3A_79 {strides = array<i32>} : memref<128x64xf32, #tpu.memory_space<vmem>>, vector<128x64xf32>,
      %broadcast_in_dim3A_83 = arith.constant 0.000000e+00 : f32
      %broadcast_in_dim3A_84 = vector.broadcast %broadcast_in_dim3A_83 : f32 to vector<128x64xf32>
      %swap3A_85 = arith.constant 0 : index
      %swap3A_86 = arith.constant 0 : index
      %swap3A_87 = vector.load %arg10[%swap3A_85, %swap3A_86] : memref<128x64xf32, #tpu.memory_space<vmem>>, vector<128x64xf32>
      tpu.vector_store %arg10[%swap3A_85, %swap3A_86], %broadcast_in_dim3A_84 {strides = array<i32>} : memref<128x64xf32, #tpu.memory_space<vmem>>, vector<128x64xf32>,
    } else {
    }
    %get3A_38 = arith.constant 0 : index
    %get3A_39 = arith.constant 0 : index
    %get3A_40 = vector.load %arg9[%get3A_38, %get3A_39] : memref<128x64xf32, #tpu.memory_space<vmem>>, vector<128x64xf32>
    %convert_element_type3A_41 = arith.truncf %add3A_25 : vector<2000x64xf32> to vector<2000x64xbf16>
    %convert_element_type3A_42 = arith.extf %convert_element_type3A_41 : vector<2000x64xbf16> to vector<2000x64xf32>
    %sub3A = arith.subf %add3A_25, %convert_element_type3A_42 : vector<2000x64xf32>
    %convert_element_type3A_43 = arith.truncf %sub3A : vector<2000x64xf32> to vector<2000x64xbf16>
    %convert_element_type3A_44 = arith.extf %convert_element_type3A_43 : vector<2000x64xbf16> to vector<2000x64xf32>
    %sub3A_45 = arith.subf %sub3A, %convert_element_type3A_44 : vector<2000x64xf32>
    %dot_general3A_46 = arith.constant dense<0.000000e+00> : vector<128x64xf32>
    %dot_general3A_47 = tpu.matmul %convert_element_type3A_33, %convert_element_type3A_42, %dot_general3A_46 {dimension_numbers = #tpu.dot_dimension_numbers<[0], [0], [1], [1], [0, 1, 1, 1], [], []>, transpose_lhs_hint = false} : vector<2000x128xf32>, vector<2000x64xf32>, vector<128x64xf32> -> vector<128x64xf32>
    %dot_general3A_48 = arith.constant dense<0.000000e+00> : vector<128x64xf32>
    %dot_general3A_49 = tpu.matmul %convert_element_type3A_33, %convert_element_type3A_44, %dot_general3A_48 {dimension_numbers = #tpu.dot_dimension_numbers<[0], [0], [1], [1], [0, 1, 1, 1], [], []>, transpose_lhs_hint = false} : vector<2000x128xf32>, vector<2000x64xf32>, vector<128x64xf32> -> vector<128x64xf32>
    %add3A_50 = arith.addf %dot_general3A_47, %dot_general3A_49 : vector<128x64xf32>
    %dot_general3A_51 = arith.constant dense<0.000000e+00> : vector<128x64xf32>
    %dot_general3A_52 = tpu.matmul %convert_element_type3A_33, %sub3A_45, %dot_general3A_51 {dimension_numbers = #tpu.dot_dimension_numbers<[0], [0], [1], [1], [0, 1, 1, 1], [], []>, transpose_lhs_hint = false} : vector<2000x128xf32>, vector<2000x64xf32>, vector<128x64xf32> -> vector<128x64xf32>
    %add3A_53 = arith.addf %add3A_50, %dot_general3A_52 : vector<128x64xf32>
    %add3A_54 = arith.addf %get3A_40, %add3A_53 : vector<128x64xf32>
    %swap3A_55 = arith.constant 0 : index
    %swap3A_56 = arith.constant 0 : index
    %swap3A_57 = vector.load %arg9[%swap3A_55, %swap3A_56] : memref<128x64xf32, #tpu.memory_space<vmem>>, vector<128x64xf32>
    tpu.vector_store %arg9[%swap3A_55, %swap3A_56], %add3A_54 {strides = array<i32>} : memref<128x64xf32, #tpu.memory_space<vmem>>, vector<128x64xf32>,
    %get3A_58 = arith.constant 0 : index
    %get3A_59 = arith.constant 0 : index
    %get3A_60 = vector.load %arg10[%get3A_58, %get3A_59] : memref<128x64xf32, #tpu.memory_space<vmem>>, vector<128x64xf32>
    %mul3A = arith.mulf %add3A_25, %add3A_25 : vector<2000x64xf32>
    %convert_element_type3A_61 = arith.truncf %mul3A : vector<2000x64xf32> to vector<2000x64xbf16>
    %convert_element_type3A_62 = arith.extf %convert_element_type3A_61 : vector<2000x64xbf16> to vector<2000x64xf32>
    %sub3A_63 = arith.subf %mul3A, %convert_element_type3A_62 : vector<2000x64xf32>
    %convert_element_type3A_64 = arith.truncf %sub3A_63 : vector<2000x64xf32> to vector<2000x64xbf16>
    %convert_element_type3A_65 = arith.extf %convert_element_type3A_64 : vector<2000x64xbf16> to vector<2000x64xf32>
    %sub3A_66 = arith.subf %sub3A_63, %convert_element_type3A_65 : vector<2000x64xf32>
    %dot_general3A_67 = arith.constant dense<0.000000e+00> : vector<128x64xf32>
    %dot_general3A_68 = tpu.matmul %convert_element_type3A_33, %convert_element_type3A_62, %dot_general3A_67 {dimension_numbers = #tpu.dot_dimension_numbers<[0], [0], [1], [1], [0, 1, 1, 1], [], []>, transpose_lhs_hint = false} : vector<2000x128xf32>, vector<2000x64xf32>, vector<128x64xf32> -> vector<128x64xf32>
    %dot_general3A_69 = arith.constant dense<0.000000e+00> : vector<128x64xf32>
    %dot_general3A_70 = tpu.matmul %convert_element_type3A_33, %convert_element_type3A_65, %dot_general3A_69 {dimension_numbers = #tpu.dot_dimension_numbers<[0], [0], [1], [1], [0, 1, 1, 1], [], []>, transpose_lhs_hint = false} : vector<2000x128xf32>, vector<2000x64xf32>, vector<128x64xf32> -> vector<128x64xf32>
    %add3A_71 = arith.addf %dot_general3A_68, %dot_general3A_70 : vector<128x64xf32>
    %dot_general3A_72 = arith.constant dense<0.000000e+00> : vector<128x64xf32>
    %dot_general3A_73 = tpu.matmul %convert_element_type3A_33, %sub3A_66, %dot_general3A_72 {dimension_numbers = #tpu.dot_dimension_numbers<[0], [0], [1], [1], [0, 1, 1, 1], [], []>, transpose_lhs_hint = false} : vector<2000x128xf32>, vector<2000x64xf32>, vector<128x64xf32> -> vector<128x64xf32>
    %add3A_74 = arith.addf %add3A_71, %dot_general3A_73 : vector<128x64xf32>
    %add3A_75 = arith.addf %get3A_60, %add3A_74 : vector<128x64xf32>
    %swap3A_76 = arith.constant 0 : index
    %swap3A_77 = arith.constant 0 : index
    %swap3A_78 = vector.load %arg10[%swap3A_76, %swap3A_77] : memref<128x64xf32, #tpu.memory_space<vmem>>, vector<128x64xf32>
    tpu.vector_store %arg10[%swap3A_76, %swap3A_77], %add3A_75 {strides = array<i32>} : memref<128x64xf32, #tpu.memory_space<vmem>>, vector<128x64xf32>,
    return
  }
  func.func @transform_0(%arg0: i32) -> (i32, i32) {
    %c0_i32 = arith.constant 0 : i32
    %c0_i32_0 = arith.constant 0 : i32
    return %arg0, %c0_i32 : i32, i32
  }
  func.func @transform_1(%arg0: i32) -> (i32, i32) {
    %c0_i32 = arith.constant 0 : i32
    %c0_i32_0 = arith.constant 0 : i32
    return %arg0, %c0_i32 : i32, i32
  }
  func.func @transform_2(%arg0: i32) -> (i32, i32) {
    %c0_i32 = arith.constant 0 : i32
    %c0_i32_0 = arith.constant 0 : i32
    return %arg0, %c0_i32 : i32, i32
  }
  func.func @transform_3(%arg0: i32) -> (i32, i32) {
    %c0_i32 = arith.constant 0 : i32
    %c0_i32_0 = arith.constant 0 : i32
    %c0_i32_1 = arith.constant 0 : i32
    return %c0_i32, %c0_i32_0 : i32, i32
  }
  func.func @transform_4(%arg0: i32) -> (i32, i32) {
    %c0_i32 = arith.constant 0 : i32
    %c0_i32_0 = arith.constant 0 : i32
    %c0_i32_1 = arith.constant 0 : i32
    return %c0_i32, %c0_i32_0 : i32, i32
  }
  func.func @transform_5(%arg0: i32) -> (i32, i32) {
    %c0_i32 = arith.constant 0 : i32
    %c0_i32_0 = arith.constant 0 : i32
    %c0_i32_1 = arith.constant 0 : i32
    return %c0_i32, %c0_i32_0 : i32, i32
  }
  func.func @transform_6(%arg0: i32) -> (i32, i32) {
    %c0_i32 = arith.constant 0 : i32
    %c0_i32_0 = arith.constant 0 : i32
    %c0_i32_1 = arith.constant 0 : i32
    return %c0_i32, %c0_i32_0 : i32, i32
  }
  func.func @transform_7(%arg0: i32) -> (i32, i32) {
    %c0_i32 = arith.constant 0 : i32
    %c0_i32_0 = arith.constant 0 : i32
    return %arg0, %c0_i32 : i32, i32
  }
  func.func @transform_8(%arg0: i32) -> (i32, i32) {
    %c0_i32 = arith.constant 0 : i32
    %c0_i32_0 = arith.constant 0 : i32
    %c0_i32_1 = arith.constant 0 : i32
    return %c0_i32, %c0_i32_0 : i32, i32
  }
  func.func @transform_9(%arg0: i32) -> (i32, i32) {
    %c0_i32 = arith.constant 0 : i32
    %c0_i32_0 = arith.constant 0 : i32
    %c0_i32_1 = arith.constant 0 : i32
    return %c0_i32, %c0_i32_0 : i32, i32
  }
}

module attributes {stable_mosaic.version = 14 : i64} {
  func.func @_ln2_pool(%arg0: i32, %arg1: memref<2000x64xf32, #tpu.memory_space<vmem>>, %arg2: memref<2000x1xi32, #tpu.memory_space<vmem>>, %arg3: memref<128x64xf32, #tpu.memory_space<vmem>>, %arg4: memref<128x64xf32, #tpu.memory_space<vmem>>, %arg5: memref<1x128xf32, #tpu.memory_space<vmem>>, %arg6: memref<1x64xf32, #tpu.memory_space<vmem>>, %arg7: memref<1x64xf32, #tpu.memory_space<vmem>>, %arg8: memref<128x64xf32, #tpu.memory_space<vmem>>) attributes {dimension_semantics = [#tpu.dimension_semantics<arbitrary>], iteration_bounds = array<i64: 10>, scalar_prefetch = 0 : i64, scratch_operands = 0 : i64, tpu.core_type = #tpu.core_type<tc>, window_params = [{transform_indices = @transform_0, window_bounds = array<i64: 2000, 64>}, {transform_indices = @transform_1, window_bounds = array<i64: 2000, 1>}, {pipeline_mode = #tpu.pipeline_mode<synchronous>, transform_indices = @transform_2, window_bounds = array<i64: 128, 64>}, {pipeline_mode = #tpu.pipeline_mode<synchronous>, transform_indices = @transform_3, window_bounds = array<i64: 128, 64>}, {pipeline_mode = #tpu.pipeline_mode<synchronous>, transform_indices = @transform_4, window_bounds = array<i64: 1, 128>}, {pipeline_mode = #tpu.pipeline_mode<synchronous>, transform_indices = @transform_5, window_bounds = array<i64: 1, 64>}, {pipeline_mode = #tpu.pipeline_mode<synchronous>, transform_indices = @transform_6, window_bounds = array<i64: 1, 64>}, {pipeline_mode = #tpu.pipeline_mode<synchronous>, transform_indices = @transform_7, window_bounds = array<i64: 128, 64>}]} {
    %get3A = arith.constant 0 : index
    %get3A_0 = arith.constant 0 : index
    %get3A_1 = vector.load %arg1[%get3A, %get3A_0] : memref<2000x64xf32, #tpu.memory_space<vmem>>, vector<2000x64xf32>
    %get3A_2 = arith.constant 0 : index
    %get3A_3 = arith.constant 0 : index
    %get3A_4 = vector.load %arg3[%get3A_2, %get3A_3] : memref<128x64xf32, #tpu.memory_space<vmem>>, vector<128x64xf32>
    %get3A_5 = arith.constant 0 : index
    %get3A_6 = arith.constant 0 : index
    %get3A_7 = vector.load %arg4[%get3A_5, %get3A_6] : memref<128x64xf32, #tpu.memory_space<vmem>>, vector<128x64xf32>
    %get3A_8 = arith.constant 0 : index
    %get3A_9 = arith.constant 0 : index
    %get3A_10 = vector.load %arg5[%get3A_8, %get3A_9] : memref<1x128xf32, #tpu.memory_space<vmem>>, vector<1x128xf32>
    %get3A_11 = vector.shape_cast %get3A_10 : vector<1x128xf32> to vector<128xf32>
    %max3A = arith.constant 1.000000e+00 : f32
    %max3A_12 = vector.broadcast %max3A : f32 to vector<128xf32>
    %max3A_13 = arith.maximumf %get3A_11, %max3A_12 : vector<128xf32>
    %mul3A = arith.constant 6.400000e+01 : f32
    %mul3A_14 = vector.broadcast %mul3A : f32 to vector<128xf32>
    %mul3A_15 = arith.mulf %max3A_13, %mul3A_14 : vector<128xf32>
    %reduce_sum3A = arith.constant dense<0.000000e+00> : vector<128xf32>
    %reduce_sum3A_16 = vector.multi_reduction <add>, %get3A_4, %reduce_sum3A [1] : vector<128x64xf32> to vector<128xf32>
    %div3A = arith.divf %reduce_sum3A_16, %mul3A_15 : vector<128xf32>
    %reduce_sum3A_17 = arith.constant dense<0.000000e+00> : vector<128xf32>
    %reduce_sum3A_18 = vector.multi_reduction <add>, %get3A_7, %reduce_sum3A_17 [1] : vector<128x64xf32> to vector<128xf32>
    %div3A_19 = arith.divf %reduce_sum3A_18, %mul3A_15 : vector<128xf32>
    %mul3A_20 = arith.mulf %div3A, %div3A : vector<128xf32>
    %sub3A = arith.subf %div3A_19, %mul3A_20 : vector<128xf32>
    %add3A = arith.constant 9.99999974E-6 : f32
    %add3A_21 = vector.broadcast %add3A : f32 to vector<128xf32>
    %add3A_22 = arith.addf %sub3A, %add3A_21 : vector<128xf32>
    %rsqrt3A = math.rsqrt %add3A_22 : vector<128xf32>
    %iota3A = tpu.iota {dimensions = array<i32: 1>} : vector<1x128xi32>
    %get3A_23 = arith.constant 0 : index
    %get3A_24 = arith.constant 0 : index
    %get3A_25 = vector.load %arg2[%get3A_23, %get3A_24] : memref<2000x1xi32, #tpu.memory_space<vmem>>, vector<2000x1xi32>
    %eq3A = vector.broadcast %get3A_25 : vector<2000x1xi32> to vector<2000x128xi32>
    %eq3A_26 = vector.broadcast %iota3A : vector<1x128xi32> to vector<2000x128xi32>
    %eq3A_27 = arith.cmpi eq, %eq3A, %eq3A_26 : vector<2000x128xi32>
    %convert_element_type3A = arith.extui %eq3A_27 : vector<2000x128xi1> to vector<2000x128xi32>
    %convert_element_type3A_28 = arith.sitofp %convert_element_type3A : vector<2000x128xi32> to vector<2000x128xf32>
    %broadcast_in_dim3A = vector.shape_cast %div3A : vector<128xf32> to vector<128x1xf32>
    %broadcast_in_dim3A_29 = vector.shape_cast %broadcast_in_dim3A : vector<128x1xf32> to vector<128x1xf32>
    %broadcast_in_dim3A_30 = vector.broadcast %broadcast_in_dim3A_29 : vector<128x1xf32> to vector<128x64xf32>
    %convert_element_type3A_31 = arith.truncf %broadcast_in_dim3A_30 : vector<128x64xf32> to vector<128x64xbf16>
    %convert_element_type3A_32 = arith.extf %convert_element_type3A_31 : vector<128x64xbf16> to vector<128x64xf32>
    %sub3A_33 = arith.subf %broadcast_in_dim3A_30, %convert_element_type3A_32 : vector<128x64xf32>
    %convert_element_type3A_34 = arith.truncf %sub3A_33 : vector<128x64xf32> to vector<128x64xbf16>
    %convert_element_type3A_35 = arith.extf %convert_element_type3A_34 : vector<128x64xbf16> to vector<128x64xf32>
    %sub3A_36 = arith.subf %sub3A_33, %convert_element_type3A_35 : vector<128x64xf32>
    %dot_general3A = arith.constant dense<0.000000e+00> : vector<2000x64xf32>
    %dot_general3A_37 = tpu.matmul %convert_element_type3A_28, %convert_element_type3A_32, %dot_general3A {dimension_numbers = #tpu.dot_dimension_numbers<[1], [0], [0], [1], [0, 0, 1, 1], [], []>, transpose_lhs_hint = false} : vector<2000x128xf32>, vector<128x64xf32>, vector<2000x64xf32> -> vector<2000x64xf32>
    %dot_general3A_38 = arith.constant dense<0.000000e+00> : vector<2000x64xf32>
    %dot_general3A_39 = tpu.matmul %convert_element_type3A_28, %convert_element_type3A_35, %dot_general3A_38 {dimension_numbers = #tpu.dot_dimension_numbers<[1], [0], [0], [1], [0, 0, 1, 1], [], []>, transpose_lhs_hint = false} : vector<2000x128xf32>, vector<128x64xf32>, vector<2000x64xf32> -> vector<2000x64xf32>
    %add3A_40 = arith.addf %dot_general3A_37, %dot_general3A_39 : vector<2000x64xf32>
    %dot_general3A_41 = arith.constant dense<0.000000e+00> : vector<2000x64xf32>
    %dot_general3A_42 = tpu.matmul %convert_element_type3A_28, %sub3A_36, %dot_general3A_41 {dimension_numbers = #tpu.dot_dimension_numbers<[1], [0], [0], [1], [0, 0, 1, 1], [], []>, transpose_lhs_hint = false} : vector<2000x128xf32>, vector<128x64xf32>, vector<2000x64xf32> -> vector<2000x64xf32>
    %add3A_43 = arith.addf %add3A_40, %dot_general3A_42 : vector<2000x64xf32>
    %sub3A_44 = arith.subf %get3A_1, %add3A_43 : vector<2000x64xf32>
    %broadcast_in_dim3A_45 = vector.shape_cast %rsqrt3A : vector<128xf32> to vector<128x1xf32>
    %broadcast_in_dim3A_46 = vector.shape_cast %broadcast_in_dim3A_45 : vector<128x1xf32> to vector<128x1xf32>
    %broadcast_in_dim3A_47 = vector.broadcast %broadcast_in_dim3A_46 : vector<128x1xf32> to vector<128x64xf32>
    %convert_element_type3A_48 = arith.truncf %broadcast_in_dim3A_47 : vector<128x64xf32> to vector<128x64xbf16>
    %convert_element_type3A_49 = arith.extf %convert_element_type3A_48 : vector<128x64xbf16> to vector<128x64xf32>
    %sub3A_50 = arith.subf %broadcast_in_dim3A_47, %convert_element_type3A_49 : vector<128x64xf32>
    %convert_element_type3A_51 = arith.truncf %sub3A_50 : vector<128x64xf32> to vector<128x64xbf16>
    %convert_element_type3A_52 = arith.extf %convert_element_type3A_51 : vector<128x64xbf16> to vector<128x64xf32>
    %sub3A_53 = arith.subf %sub3A_50, %convert_element_type3A_52 : vector<128x64xf32>
    %dot_general3A_54 = arith.constant dense<0.000000e+00> : vector<2000x64xf32>
    %dot_general3A_55 = tpu.matmul %convert_element_type3A_28, %convert_element_type3A_49, %dot_general3A_54 {dimension_numbers = #tpu.dot_dimension_numbers<[1], [0], [0], [1], [0, 0, 1, 1], [], []>, transpose_lhs_hint = false} : vector<2000x128xf32>, vector<128x64xf32>, vector<2000x64xf32> -> vector<2000x64xf32>
    %dot_general3A_56 = arith.constant dense<0.000000e+00> : vector<2000x64xf32>
    %dot_general3A_57 = tpu.matmul %convert_element_type3A_28, %convert_element_type3A_52, %dot_general3A_56 {dimension_numbers = #tpu.dot_dimension_numbers<[1], [0], [0], [1], [0, 0, 1, 1], [], []>, transpose_lhs_hint = false} : vector<2000x128xf32>, vector<128x64xf32>, vector<2000x64xf32> -> vector<2000x64xf32>
    %add3A_58 = arith.addf %dot_general3A_55, %dot_general3A_57 : vector<2000x64xf32>
    %dot_general3A_59 = arith.constant dense<0.000000e+00> : vector<2000x64xf32>
    %dot_general3A_60 = tpu.matmul %convert_element_type3A_28, %sub3A_53, %dot_general3A_59 {dimension_numbers = #tpu.dot_dimension_numbers<[1], [0], [0], [1], [0, 0, 1, 1], [], []>, transpose_lhs_hint = false} : vector<2000x128xf32>, vector<128x64xf32>, vector<2000x64xf32> -> vector<2000x64xf32>
    %add3A_61 = arith.addf %add3A_58, %dot_general3A_60 : vector<2000x64xf32>
    %mul3A_62 = arith.mulf %sub3A_44, %add3A_61 : vector<2000x64xf32>
    %get3A_63 = arith.constant 0 : index
    %get3A_64 = arith.constant 0 : index
    %get3A_65 = vector.load %arg6[%get3A_63, %get3A_64] : memref<1x64xf32, #tpu.memory_space<vmem>>, vector<1x64xf32>
    %mul3A_66 = vector.broadcast %get3A_65 : vector<1x64xf32> to vector<2000x64xf32>
    %mul3A_67 = arith.mulf %mul3A_62, %mul3A_66 : vector<2000x64xf32>
    %get3A_68 = arith.constant 0 : index
    %get3A_69 = arith.constant 0 : index
    %get3A_70 = vector.load %arg7[%get3A_68, %get3A_69] : memref<1x64xf32, #tpu.memory_space<vmem>>, vector<1x64xf32>
    %add3A_71 = vector.broadcast %get3A_70 : vector<1x64xf32> to vector<2000x64xf32>
    %add3A_72 = arith.addf %mul3A_67, %add3A_71 : vector<2000x64xf32>
    %max3A_73 = arith.constant 0.000000e+00 : f32
    %max3A_74 = vector.broadcast %max3A_73 : f32 to vector<2000x64xf32>
    %max3A_75 = arith.maximumf %add3A_72, %max3A_74 : vector<2000x64xf32>
    %eq3A_76 = arith.constant 0 : i32
    %eq3A_77 = arith.cmpi eq, %arg0, %eq3A_76 : i32
    %convert_element_type3A_78 = arith.extui %eq3A_77 : i1 to i32
    %cond3A = arith.constant 0 : i32
    %cond3A_79 = arith.cmpi ne, %convert_element_type3A_78, %cond3A : i32
    scf.if %cond3A_79 {
      %broadcast_in_dim3A_100 = arith.constant 0.000000e+00 : f32
      %broadcast_in_dim3A_101 = vector.broadcast %broadcast_in_dim3A_100 : f32 to vector<128x64xf32>
      %swap3A_102 = arith.constant 0 : index
      %swap3A_103 = arith.constant 0 : index
      %swap3A_104 = vector.load %arg8[%swap3A_102, %swap3A_103] : memref<128x64xf32, #tpu.memory_space<vmem>>, vector<128x64xf32>
      tpu.vector_store %arg8[%swap3A_102, %swap3A_103], %broadcast_in_dim3A_101 {strides = array<i32>} : memref<128x64xf32, #tpu.memory_space<vmem>>, vector<128x64xf32>,
    } else {
    }
    %get3A_80 = arith.constant 0 : index
    %get3A_81 = arith.constant 0 : index
    %get3A_82 = vector.load %arg8[%get3A_80, %get3A_81] : memref<128x64xf32, #tpu.memory_space<vmem>>, vector<128x64xf32>
    %convert_element_type3A_83 = arith.truncf %max3A_75 : vector<2000x64xf32> to vector<2000x64xbf16>
    %convert_element_type3A_84 = arith.extf %convert_element_type3A_83 : vector<2000x64xbf16> to vector<2000x64xf32>
    %sub3A_85 = arith.subf %max3A_75, %convert_element_type3A_84 : vector<2000x64xf32>
    %convert_element_type3A_86 = arith.truncf %sub3A_85 : vector<2000x64xf32> to vector<2000x64xbf16>
    %convert_element_type3A_87 = arith.extf %convert_element_type3A_86 : vector<2000x64xbf16> to vector<2000x64xf32>
    %sub3A_88 = arith.subf %sub3A_85, %convert_element_type3A_87 : vector<2000x64xf32>
    %dot_general3A_89 = arith.constant dense<0.000000e+00> : vector<128x64xf32>
    %dot_general3A_90 = tpu.matmul %convert_element_type3A_28, %convert_element_type3A_84, %dot_general3A_89 {dimension_numbers = #tpu.dot_dimension_numbers<[0], [0], [1], [1], [0, 1, 1, 1], [], []>, transpose_lhs_hint = false} : vector<2000x128xf32>, vector<2000x64xf32>, vector<128x64xf32> -> vector<128x64xf32>
    %dot_general3A_91 = arith.constant dense<0.000000e+00> : vector<128x64xf32>
    %dot_general3A_92 = tpu.matmul %convert_element_type3A_28, %convert_element_type3A_87, %dot_general3A_91 {dimension_numbers = #tpu.dot_dimension_numbers<[0], [0], [1], [1], [0, 1, 1, 1], [], []>, transpose_lhs_hint = false} : vector<2000x128xf32>, vector<2000x64xf32>, vector<128x64xf32> -> vector<128x64xf32>
    %add3A_93 = arith.addf %dot_general3A_90, %dot_general3A_92 : vector<128x64xf32>
    %dot_general3A_94 = arith.constant dense<0.000000e+00> : vector<128x64xf32>
    %dot_general3A_95 = tpu.matmul %convert_element_type3A_28, %sub3A_88, %dot_general3A_94 {dimension_numbers = #tpu.dot_dimension_numbers<[0], [0], [1], [1], [0, 1, 1, 1], [], []>, transpose_lhs_hint = false} : vector<2000x128xf32>, vector<2000x64xf32>, vector<128x64xf32> -> vector<128x64xf32>
    %add3A_96 = arith.addf %add3A_93, %dot_general3A_95 : vector<128x64xf32>
    %add3A_97 = arith.addf %get3A_82, %add3A_96 : vector<128x64xf32>
    %swap3A = arith.constant 0 : index
    %swap3A_98 = arith.constant 0 : index
    %swap3A_99 = vector.load %arg8[%swap3A, %swap3A_98] : memref<128x64xf32, #tpu.memory_space<vmem>>, vector<128x64xf32>
    tpu.vector_store %arg8[%swap3A, %swap3A_98], %add3A_97 {strides = array<i32>} : memref<128x64xf32, #tpu.memory_space<vmem>>, vector<128x64xf32>,
    return
  }
  func.func @transform_0(%arg0: i32) -> (i32, i32) {
    %c0_i32 = arith.constant 0 : i32
    %c0_i32_0 = arith.constant 0 : i32
    return %arg0, %c0_i32 : i32, i32
  }
  func.func @transform_1(%arg0: i32) -> (i32, i32) {
    %c0_i32 = arith.constant 0 : i32
    %c0_i32_0 = arith.constant 0 : i32
    return %arg0, %c0_i32 : i32, i32
  }
  func.func @transform_2(%arg0: i32) -> (i32, i32) {
    %c0_i32 = arith.constant 0 : i32
    %c0_i32_0 = arith.constant 0 : i32
    %c0_i32_1 = arith.constant 0 : i32
    return %c0_i32, %c0_i32_0 : i32, i32
  }
  func.func @transform_3(%arg0: i32) -> (i32, i32) {
    %c0_i32 = arith.constant 0 : i32
    %c0_i32_0 = arith.constant 0 : i32
    %c0_i32_1 = arith.constant 0 : i32
    return %c0_i32, %c0_i32_0 : i32, i32
  }
  func.func @transform_4(%arg0: i32) -> (i32, i32) {
    %c0_i32 = arith.constant 0 : i32
    %c0_i32_0 = arith.constant 0 : i32
    %c0_i32_1 = arith.constant 0 : i32
    return %c0_i32, %c0_i32_0 : i32, i32
  }
  func.func @transform_5(%arg0: i32) -> (i32, i32) {
    %c0_i32 = arith.constant 0 : i32
    %c0_i32_0 = arith.constant 0 : i32
    %c0_i32_1 = arith.constant 0 : i32
    return %c0_i32, %c0_i32_0 : i32, i32
  }
  func.func @transform_6(%arg0: i32) -> (i32, i32) {
    %c0_i32 = arith.constant 0 : i32
    %c0_i32_0 = arith.constant 0 : i32
    %c0_i32_1 = arith.constant 0 : i32
    return %c0_i32, %c0_i32_0 : i32, i32
  }
  func.func @transform_7(%arg0: i32) -> (i32, i32) {
    %c0_i32 = arith.constant 0 : i32
    %c0_i32_0 = arith.constant 0 : i32
    %c0_i32_1 = arith.constant 0 : i32
    return %c0_i32, %c0_i32_0 : i32, i32
  }
}

module attributes {stable_mosaic.version = 14 : i64} {
  func.func @_head(%arg0: memref<128x64xf32, #tpu.memory_space<vmem>>, %arg1: memref<1x128xf32, #tpu.memory_space<vmem>>, %arg2: memref<64x5xf32, #tpu.memory_space<vmem>>, %arg3: memref<64x5xf32, #tpu.memory_space<vmem>>, %arg4: memref<64x128xf32, #tpu.memory_space<vmem>>, %arg5: memref<64x128xf32, #tpu.memory_space<vmem>>, %arg6: memref<5x128xf32, #tpu.memory_space<vmem>>, %arg7: memref<5x128xf32, #tpu.memory_space<vmem>>, %arg8: memref<1x128xf32, #tpu.memory_space<vmem>>, %arg9: memref<128x64xf32, #tpu.memory_space<vmem>>, %arg10: memref<1x64xf32, #tpu.memory_space<vmem>>, %arg11: memref<64x1xf32, #tpu.memory_space<vmem>>, %arg12: memref<1x1xf32, #tpu.memory_space<vmem>>, %arg13: memref<64x1xf32, #tpu.memory_space<vmem>>) attributes {dimension_semantics = [], scalar_prefetch = 0 : i64, scratch_operands = 0 : i64, tpu.core_type = #tpu.core_type<tc>} {
    %get3A = arith.constant 0 : index
    %get3A_0 = arith.constant 0 : index
    %get3A_1 = vector.load %arg1[%get3A, %get3A_0] : memref<1x128xf32, #tpu.memory_space<vmem>>, vector<1x128xf32>
    %get3A_2 = vector.shape_cast %get3A_1 : vector<1x128xf32> to vector<128xf32>
    %max3A = arith.constant 1.000000e+00 : f32
    %max3A_3 = vector.broadcast %max3A : f32 to vector<128xf32>
    %max3A_4 = arith.maximumf %get3A_2, %max3A_3 : vector<128xf32>
    %get3A_5 = arith.constant 0 : index
    %get3A_6 = arith.constant 0 : index
    %get3A_7 = vector.load %arg0[%get3A_5, %get3A_6] : memref<128x64xf32, #tpu.memory_space<vmem>>, vector<128x64xf32>
    %broadcast_in_dim3A = vector.shape_cast %max3A_4 : vector<128xf32> to vector<128x1xf32>
    %div3A = vector.broadcast %broadcast_in_dim3A : vector<128x1xf32> to vector<128x64xf32>
    %div3A_8 = arith.divf %get3A_7, %div3A : vector<128x64xf32>
    %add3A = arith.addf %get3A_7, %div3A_8 : vector<128x64xf32>
    %slice3A = vector.extract_strided_slice %add3A {offsets = [0, 0], sizes = [64, 64], strides = [1, 1]} : vector<128x64xf32> to vector<64x64xf32>
    %slice3A_9 = vector.extract_strided_slice %add3A {offsets = [64, 0], sizes = [64, 64], strides = [1, 1]} : vector<128x64xf32> to vector<64x64xf32>
    %get3A_10 = arith.constant 0 : index
    %get3A_11 = arith.constant 0 : index
    %get3A_12 = vector.load %arg4[%get3A_10, %get3A_11] : memref<64x128xf32, #tpu.memory_space<vmem>>, vector<64x128xf32>
    %dot_general3A = arith.constant dense<0.000000e+00> : vector<64x128xf32>
    %dot_general3A_13 = tpu.matmul %slice3A, %get3A_12, %dot_general3A {dimension_numbers = #tpu.dot_dimension_numbers<[1], [0], [0], [1], [0, 0, 1, 1], [], []>, transpose_lhs_hint = false} : vector<64x64xf32>, vector<64x128xf32>, vector<64x128xf32> -> vector<64x128xf32>
    %get3A_14 = arith.constant 0 : index
    %get3A_15 = arith.constant 0 : index
    %get3A_16 = vector.load %arg5[%get3A_14, %get3A_15] : memref<64x128xf32, #tpu.memory_space<vmem>>, vector<64x128xf32>
    %dot_general3A_17 = arith.constant dense<0.000000e+00> : vector<64x128xf32>
    %dot_general3A_18 = tpu.matmul %slice3A_9, %get3A_16, %dot_general3A_17 {dimension_numbers = #tpu.dot_dimension_numbers<[1], [0], [0], [1], [0, 0, 1, 1], [], []>, transpose_lhs_hint = false} : vector<64x64xf32>, vector<64x128xf32>, vector<64x128xf32> -> vector<64x128xf32>
    %add3A_19 = arith.addf %dot_general3A_13, %dot_general3A_18 : vector<64x128xf32>
    %get3A_20 = arith.constant 0 : index
    %get3A_21 = arith.constant 0 : index
    %get3A_22 = vector.load %arg2[%get3A_20, %get3A_21] : memref<64x5xf32, #tpu.memory_space<vmem>>, vector<64x5xf32>
    %get3A_23 = arith.constant 0 : index
    %get3A_24 = arith.constant 0 : index
    %get3A_25 = vector.load %arg6[%get3A_23, %get3A_24] : memref<5x128xf32, #tpu.memory_space<vmem>>, vector<5x128xf32>
    %dot_general3A_26 = arith.constant dense<0.000000e+00> : vector<64x128xf32>
    %dot_general3A_27 = tpu.matmul %get3A_22, %get3A_25, %dot_general3A_26 {dimension_numbers = #tpu.dot_dimension_numbers<[1], [0], [0], [1], [0, 0, 1, 1], [], []>, transpose_lhs_hint = false} : vector<64x5xf32>, vector<5x128xf32>, vector<64x128xf32> -> vector<64x128xf32>
    %add3A_28 = arith.addf %add3A_19, %dot_general3A_27 : vector<64x128xf32>
    %get3A_29 = arith.constant 0 : index
    %get3A_30 = arith.constant 0 : index
    %get3A_31 = vector.load %arg3[%get3A_29, %get3A_30] : memref<64x5xf32, #tpu.memory_space<vmem>>, vector<64x5xf32>
    %get3A_32 = arith.constant 0 : index
    %get3A_33 = arith.constant 0 : index
    %get3A_34 = vector.load %arg7[%get3A_32, %get3A_33] : memref<5x128xf32, #tpu.memory_space<vmem>>, vector<5x128xf32>
    %dot_general3A_35 = arith.constant dense<0.000000e+00> : vector<64x128xf32>
    %dot_general3A_36 = tpu.matmul %get3A_31, %get3A_34, %dot_general3A_35 {dimension_numbers = #tpu.dot_dimension_numbers<[1], [0], [0], [1], [0, 0, 1, 1], [], []>, transpose_lhs_hint = false} : vector<64x5xf32>, vector<5x128xf32>, vector<64x128xf32> -> vector<64x128xf32>
    %add3A_37 = arith.addf %add3A_28, %dot_general3A_36 : vector<64x128xf32>
    %get3A_38 = arith.constant 0 : index
    %get3A_39 = arith.constant 0 : index
    %get3A_40 = vector.load %arg8[%get3A_38, %get3A_39] : memref<1x128xf32, #tpu.memory_space<vmem>>, vector<1x128xf32>
    %add3A_41 = vector.broadcast %get3A_40 : vector<1x128xf32> to vector<64x128xf32>
    %add3A_42 = arith.addf %add3A_37, %add3A_41 : vector<64x128xf32>
    %max3A_43 = arith.constant 0.000000e+00 : f32
    %max3A_44 = vector.broadcast %max3A_43 : f32 to vector<64x128xf32>
    %max3A_45 = arith.maximumf %add3A_42, %max3A_44 : vector<64x128xf32>
    %get3A_46 = arith.constant 0 : index
    %get3A_47 = arith.constant 0 : index
    %get3A_48 = vector.load %arg9[%get3A_46, %get3A_47] : memref<128x64xf32, #tpu.memory_space<vmem>>, vector<128x64xf32>
    %dot_general3A_49 = arith.constant dense<0.000000e+00> : vector<64x64xf32>
    %dot_general3A_50 = tpu.matmul %max3A_45, %get3A_48, %dot_general3A_49 {dimension_numbers = #tpu.dot_dimension_numbers<[1], [0], [0], [1], [0, 0, 1, 1], [], []>, transpose_lhs_hint = false} : vector<64x128xf32>, vector<128x64xf32>, vector<64x64xf32> -> vector<64x64xf32>
    %get3A_51 = arith.constant 0 : index
    %get3A_52 = arith.constant 0 : index
    %get3A_53 = vector.load %arg10[%get3A_51, %get3A_52] : memref<1x64xf32, #tpu.memory_space<vmem>>, vector<1x64xf32>
    %add3A_54 = vector.broadcast %get3A_53 : vector<1x64xf32> to vector<64x64xf32>
    %add3A_55 = arith.addf %dot_general3A_50, %add3A_54 : vector<64x64xf32>
    %max3A_56 = arith.constant 0.000000e+00 : f32
    %max3A_57 = vector.broadcast %max3A_56 : f32 to vector<64x64xf32>
    %max3A_58 = arith.maximumf %add3A_55, %max3A_57 : vector<64x64xf32>
    %get3A_59 = arith.constant 0 : index
    %get3A_60 = arith.constant 0 : index
    %get3A_61 = vector.load %arg11[%get3A_59, %get3A_60] : memref<64x1xf32, #tpu.memory_space<vmem>>, vector<64x1xf32>
    %dot_general3A_62 = arith.constant dense<0.000000e+00> : vector<64x1xf32>
    %dot_general3A_63 = tpu.matmul %max3A_58, %get3A_61, %dot_general3A_62 {dimension_numbers = #tpu.dot_dimension_numbers<[1], [0], [0], [1], [0, 0, 1, 1], [], []>, transpose_lhs_hint = false} : vector<64x64xf32>, vector<64x1xf32>, vector<64x1xf32> -> vector<64x1xf32>
    %get3A_64 = arith.constant 0 : index
    %get3A_65 = arith.constant 0 : index
    %get3A_66 = vector.load %arg12[%get3A_64, %get3A_65] : memref<1x1xf32, #tpu.memory_space<vmem>>, vector<1x1xf32>
    %add3A_67 = vector.broadcast %get3A_66 : vector<1x1xf32> to vector<64x1xf32>
    %add3A_68 = arith.addf %dot_general3A_63, %add3A_67 : vector<64x1xf32>
    %swap3A = arith.constant 0 : index
    %swap3A_69 = arith.constant 0 : index
    %swap3A_70 = vector.load %arg13[%swap3A, %swap3A_69] : memref<64x1xf32, #tpu.memory_space<vmem>>, vector<64x1xf32>
    tpu.vector_store %arg13[%swap3A, %swap3A_69], %add3A_68 {strides = array<i32>} : memref<64x1xf32, #tpu.memory_space<vmem>>, vector<64x1xf32>,
    return
  }
}

</mosaic_0001>

<sc_bundles>
// kernel: kernel.12.cloned.1.call-start
scs
__scs_entry_jumppad:
0x0: {  	(pc) =	sbr.rel $0x88, $3  }
0x1: {  	(tag) =	ssettag $0x0;
	lr =	simm.s32 $0x1  }
0x2: {  	[smem:$0x3F87] =	sst lr;
	_ =	strace $0xD0000000  }
0x3: {  	_ = 	snop  }
0x4: {  	_ = 	snop  }
0x5: {  	_ = 	snop  }
0x6: {  	_ = 	snop  }
0x7: {  	_ = 	snop  }
__scs_overlays_trampoline_lowered:
0x8: {  	[smem:$0x3F96] =	sst s0  }
0x9: {  	[smem:$0x3F97] =	sst s1  }
0xa: {  	[smem:$0x3F98] =	sst s2  }
0xb: {  	[smem:$0x3F99] =	sst s3  }
0xc: {  	[smem:$0x3F9A] =	sst s4  }
0xd: {  	[smem:$0x3F9B] =	sst s5  }
0xe: {  	[smem:$0x3F9C] =	sst s6  }
0xf: {  	[smem:$0x3F9D] =	sst s7  }
0x10: {  	[smem:$0x3F9E] =	sst s8  }
0x11: {  	[smem:$0x3F9F] =	sst s9;
	s0 =	simm.s32 @!p0 $0x0  }
0x12: {  	s1 =	sld [smem:$0x3F85];
	s0 =	simm.s32 @p0 $0x1  }
0x13: {  	[smem:$0x3FA0] =	sst s0;
	s0 =	simm.s32 @!p1 $0x0  }
0x14: {  	s2 =	sld [smem:$0x3F84];
	s0 =	simm.s32 @p1 $0x1  }
0x15: {  	[smem:$0x3FA1] =	sst s0;
	s0 =	simm.s32 @!p2 $0x0  }
0x16: {  	s3 =	sld [smem:$0x3FDB];
	s0 =	simm.s32 @p2 $0x1  }
0x17: {  	s4 =	simm.s32 $0x1BF5;
	[smem:$0x3FA3] =	sst s0  }
0x18: {  	s0 =	sld [smem:$0x3F86];
	_ =	swait.ge [sflag:s4], $0x0  }
0x19: {  	s7 =	sld [smem:$0x3F87]  }
0x1a: {  	s8 =	sadd.s32 $0xFFFFE003, lr  }
0x1b: {  	s9 =	sadd.s32 $0xFFFFFEF7, lr;
	s5 =	simm.s32 $0xFFFFFFFF;
	p2 =	slt.u32 s8, $0xFFFFF086  }
0x1c: {  	p1 =	slt.u32 s9, $0xF7A;
	s5 =	simm.s32 @!p2 $0x0  }
0x1d: {  	s5 =	simm.s32 @p1 $0x1;
	p0 =	seq.s32 s7, s2  }
0x1e: {  	s7 =	smul.u32 @!p0 $0xF7A, s2;
	p2 =	seq.s32 @!p0 s5, $0x0  }
0x1f: {  	s9 =	smul.u32 $0xF7A, s1;
	s8 =	simm.s32 @!p0 $0x1BF5;
	p2 =	por !p2, p0  }
0x20: {  	[sflag:s8] =	ssyncset.s32 @!p0 $0xFFFFF086;
	s6 =	sadd.s32 @!p0 s3, s7;
	s7 =	simm.s32 @!p0 $0x108  }
0x21: {  	s3 =	sadd.s32 s3, s9;
	s6 =	sadd.s32 @!p0 $0x88, s6;
	s7 =	simm.s32 @p2 $0x1082  }
0x22: {  	[simem:s7], [sflag:s8] =	dma.local @!p0 [hbm:s6], $0xF7A  }
0x23: {  	s9 =	sor.u32 $0xD0000000, s2;
	s6 =	simm.s32 $0x108;
	_ =	swait.ge @!p0 [sflag:s8], $0x0  }
0x24: {  	s3 =	sadd.s32 $0x88, s3;
	s6 =	simm.s32 @!p1 $0x1082;
	[sflag:s4] =	ssyncset.s32 $0xFFFFF086  }
0x25: {  	[simem:s6], [sflag:s4] =	dma.local [hbm:s3], $0xF7A  }
0x26: {  	[smem:$0x3F87] =	sst s1;
	(tag) =	ssettag s2;
	_ =	strace s9  }
0x27: {  	s1 =	sld [smem:$0x3F97]  }
0x28: {  	s2 =	sld [smem:$0x3F98]  }
0x29: {  	s4 =	sld [smem:$0x3F9A]  }
0x2a: {  	p0 =	seq.s32 s5, $0x0;
	s5 =	sld [smem:$0x3F9B]  }
0x2b: {  	s6 =	sld [smem:$0x3F9C]  }
0x2c: {  	s7 =	sld [smem:$0x3F9D]  }
0x2d: {  	s3 =	simm.s32 $0x108;
	s8 =	sld [smem:$0x3F9E]  }
0x2e: {  	s3 =	simm.s32 @!p0 $0x1082;
	s9 =	sld [smem:$0x3F9F]  }
0x2f: {  	lr =	sadd.s32 s0, s3;
	s0 =	sld [smem:$0x3F96]  }
0x30: {  	s3 =	sld [smem:$0x3F99]  }
0x31: {  	[smem:$0x3FA2] =	sst s10  }
0x32: {  	s10 =	sld [smem:$0x3FA0];
	_ =	sdelay $0x3  }
0x33: {  	p0 =	seq.s32 s10, $0x1;
	s10 =	sld [smem:$0x3FA2];
	_ =	sdelay $0x3  }
0x34: {  	[smem:$0x3FA2] =	sst s10  }
0x35: {  	s10 =	sld [smem:$0x3FA1];
	_ =	sdelay $0x3  }
0x36: {  	p1 =	seq.s32 s10, $0x1;
	s10 =	sld [smem:$0x3FA2];
	_ =	sdelay $0x3  }
0x37: {  	[smem:$0x3FA2] =	sst s10  }
0x38: {  	s10 =	sld [smem:$0x3FA3]  }
0x39: {  	_ = 	snop;
	(pc) =	sbr.ind lr, $3  }
0x3a: {  	_ = 	snop  }
0x3b: {  	_ = 	snop  }
0x3c: {  	p2 =	seq.s32 s10, $0x1;
	s10 =	sld [smem:$0x3FA2]  }
0x3d: {  	_ =	shalt  }
0x3e: {  	_ =	shalt  }
0x3f: {  	_ =	shalt  }
0x40: {  	_ =	shalt  }
0x41: {  	_ =	shalt  }
0x42: {  	_ =	shalt  }
0x43: {  	_ =	shalt  }
0x44: {  	_ =	shalt  }
0x45: {  	_ =	shalt  }
0x46: {  	_ =	shalt  }
0x47: {  	_ =	shalt  }
0x48: {  	_ =	shalt  }
0x49: {  	_ =	shalt  }
0x4a: {  	_ =	shalt  }
0x4b: {  	_ =	shalt  }
0x4c: {  	_ =	shalt  }
0x4d: {  	_ =	shalt  }
0x4e: {  	_ =	shalt  }
0x4f: {  	_ =	shalt  }
0x50: {  	_ =	shalt  }
0x51: {  	_ =	shalt  }
0x52: {  	_ =	shalt  }
0x53: {  	_ =	shalt  }
0x54: {  	_ =	shalt  }
0x55: {  	_ =	shalt  }
0x56: {  	_ =	shalt  }
0x57: {  	_ =	shalt  }
0x58: {  	_ =	shalt  }
0x59: {  	_ =	shalt  }
0x5a: {  	_ =	shalt  }
0x5b: {  	_ =	shalt  }
0x5c: {  	_ =	shalt  }
0x5d: {  	_ =	shalt  }
0x5e: {  	_ =	shalt  }
0x5f: {  	_ =	shalt  }
0x60: {  	_ =	shalt  }
0x61: {  	_ =	shalt  }
0x62: {  	_ =	shalt  }
0x63: {  	_ =	shalt  }
0x64: {  	_ =	shalt  }
0x65: {  	_ =	shalt  }
0x66: {  	_ =	shalt  }
0x67: {  	_ =	shalt  }
0x68: {  	_ =	shalt  }
0x69: {  	_ =	shalt  }
0x6a: {  	_ =	shalt  }
0x6b: {  	_ =	shalt  }
0x6c: {  	_ =	shalt  }
0x6d: {  	_ =	shalt  }
0x6e: {  	_ =	shalt  }
0x6f: {  	_ =	shalt  }
0x70: {  	_ =	shalt  }
0x71: {  	_ =	shalt  }
0x72: {  	_ =	shalt  }
0x73: {  	_ =	shalt  }
0x74: {  	_ =	shalt  }
0x75: {  	_ =	shalt  }
0x76: {  	_ =	shalt  }
0x77: {  	_ =	shalt  }
0x78: {  	_ =	shalt  }
0x79: {  	_ =	shalt  }
0x7a: {  	_ =	shalt  }
0x7b: {  	_ =	shalt  }
0x7c: {  	_ =	shalt  }
0x7d: {  	_ =	shalt  }
0x7e: {  	_ =	shalt  }
0x7f: {  	_ =	shalt  }
0x80: {  	_ =	shalt  }
0x81: {  	_ =	shalt  }
0x82: {  	_ =	shalt  }
0x83: {  	_ =	shalt  }
0x84: {  	_ =	shalt  }
0x85: {  	_ =	shalt  }
0x86: {  	_ =	shalt  }
0x87: {  	_ =	shalt  }
.Lfunc_end0:
.L_simem_size_0:
called_computation.1_lowered:
.L_overlay_start_0:
0x88: {  	s2 =	sld [smem:$0x3FD9]  }
0x89: {  	s3 =	sld [smem:$0x3FFE];
	_ =	sdelay $0x1  }
0x8a: {  	s1 =	srdreg.scid  }
0x8b: {  	s0 =	sand.u32 $0x1, s1  }
0x8c: {  	s16 =	sshll.u32 s0, $0xA;
	s2 =	sadd.s32 s3, s2  }
0x8d: {  	s2 =	sadd.s32 s2, s16  }
0x8e: {  	[smem:$0x3FAE] =	sst s2  }
0x8f: {  	_ = 	snop  }
0x90: {  	(tm) =	ssettm $0x1  }
0x91: {  	s17 =	sld [smem:$0x3FFB];
	_ =	sdelay $0x3  }
0x92: {  	_ =	strace s17  }
0x93: {  	s2 =	sld [smem:$0x3FFC];
	_ =	sdelay $0x3  }
0x94: {  	_ =	strace s2  }
0x95: {  	s2 =	sld [smem:$0x3FFD];
	_ =	sdelay $0x3  }
0x96: {  	_ =	strace s2  }
0x97: {  	_ =	strace $0x8FFFFFFF  }
0x98: {  	s18 =	sld [smem:$0x3FDB];
	_ =	sdelay $0x1  }
0x99: {  	s19 =	simm.s32 $_scs_section_size  }
0x9a: {  	s4 =	simm.s32 $_size__tile_overlayer_lowered;
	s5 =	simm.s32 $_tile_overlayer_lowered  }
0x9b: {  	s22 =	simm.s32 $0x1BFF;
	s21 =	sshll.u32 s5, $0x1;
	s2 =	sadd.s32 s19, s18  }
0x9c: {  	s6 =	simm.s32 $0x0;
	s20 =	sshll.u32 s4, $0x1;
	s4 =	sadd.s32 s21, s2  }
0x9d: {  	[timem:s6], [sflag:s22] =	dma.local [hbm:s4], s20  }
0x9e: {  	_ =	swait.ge [sflag:s22], s20  }
0x9f: {  	s3 =	ssub.s32 $0x0, s20;
	[sflag:s22] =	ssyncset.done $0x0  }
0xa0: {  	[sflag:s22] =	ssyncadd.s32 s3;
	_ =	sdelay $0x1  }
0xa1: {  	s23 =	simm.s32 $0x1B8B  }
0xa2: {  	_ =	swait.ge [sflag:s23], $0x1  }
0xa3: {  	[sflag:s23] =	ssyncset.done $0x0  }
0xa4: {  	s25 =	simm.s32 $0x1B8E;
	s24 =	sld [smem:$0x3FFE];
	[sflag:s23] =	ssyncadd.s32 $0xFFFFFFFF  }
0xa5: {  	s26 =	simm.s32 $execute0_lowered;
	[smem:$0x3FD2] =	sst s25  }
0xa6: {  	s4 =	sshll.u32 s26, $0x1;
	_ =	strace $0x80000049;
	[dreg:$0x1] =	wrdreg $0xFFFFFFFF  }
0xa7: {  	s28 =	simm.s32 $_size_execute0_lowered;
	s2 =	sadd.s32 s2, s4;
	[dreg:$0x0] =	wrdreg $0x0  }
0xa8: {  	s4 =	sshll.u32 s28, $0x1;
	[dreg:$0x2] =	wrdreg s2  }
0xa9: {  	[dreg:$0x3] =	wrdreg s4  }
0xaa: {  	[dreg:$0x4] =	wrdreg $0xC0  }
0xab: {  	_ =	task [dreg:s6], $0x5FFFF  }
0xac: {  	[dreg:$0x1] =	wrdreg $0xFFFFFFFF  }
0xad: {  	[dreg:$0x0] =	wrdreg $0x60  }
0xae: {  	[dreg:$0x2] =	wrdreg s24  }
0xaf: {  	[dreg:$0x3] =	wrdreg $0xBD000  }
0xb0: {  	[dreg:$0x4] =	wrdreg $0x9  }
0xb1: {  	_ =	task.clear_ibuf [dreg:s6], $0x5FFFF;
	_ =	strace $0x90000049  }
0xb2: {  	s29 =	simm.s32 $0x9;
	_ =	strace $0x8000004B  }
0xb3: {  	_ =	swait.ge [sflag:s29], $0x1  }
0xb4: {  	[sflag:s29] =	ssyncadd.s32 $0xFFFFFFFF  }
0xb5: {  	_ =	strace $0x9000004B  }
0xb6: {  	_ =	sfence  }
0xb7: {  	s30 =	sld [smem:$0x0];
	_ =	sdelay $0x2  }
0xb8: {  	s31 =	sshll.u32 s1, $0xD;
	s1 =	sshrl.u32 s1, $0x2  }
0xb9: {  	s3 =	sand.u32 $0x4000, s31;
	s1 =	sadd.s32 s1, s30  }
0xba: {  	s0 =	sor.u32 s3, s0;
	s1 =	sshll.u32 s1, $0x11  }
0xbb: {  	s0 =	sor.u32 s1, s0  }
0xbc: {  	s0 =	sadd.s32 $0x8F2B, s0  }
0xbd: {  	[sflag:s0] =	ssyncadd.remote.s32 $0x1  }
0xbe: {  	_ =	sfence.sel $0xFFFF  }
0xbf: {  	[dreg:$0x0] =	wrdreg $0xFFFFFFFF;
	(pc) =	sbr.abs _section_cstart, $3  }
0xc0: {  	[dreg:$0x1] =	wrdreg $0xFFFFFFFF  }
0xc1: {  	_ =	task.clear_ibuf [dreg:s6], $0x2FFFF;
	_ =	strace $0x9FFFFFFF  }
0xc2: {  	(tm) =	ssettm $0x7FFFFFFF  }
0xc3: {  	_ =	shalt  }
tec
execute0_lowered:
.L_overlay_start_1:
0x0: {  	(tag) =	ssettag $0x1  }
0x1: {  	s0 =	rddreg [dreg:$0x0]  }
0x2: {  	s1 =	rddreg [dreg:$0x1];
	s2 =	simm.s32 $0x0  }
0x3: {  	s18 =	stileid.u32;
	s3 =	srdreg.scid;
	s19 =	simm.s32 $0x7D  }
0x4: {  	s20 =	simm.s32 $0x4000;
	s28 =	simm.s32 $0x4;
	s29 =	simm.s32 $0x5  }
0x5: {  	s30 =	simm.s32 $0x6;
	s31 =	simm.s32 $0x7;
	[smem:$0x7FF] =	sst s2  }
0x6: {  	s4 =	sadd.s32 $0x54600, s0;
	s5 =	sadd.s32 $0x11B200, s0;
	s9 =	smul.u32 $0x1380, s18  }
0x7: {  	s6 =	sadd.s32 $0x12F200, s0;
	s7 =	sadd.s32 $0x7B800, s0;
	s8 =	smul.u32 $0x27000, s18  }
0x8: {  	s3 =	sand.u32 $0x1, s3;
	s0 =	sadd.s32 $0x7CC00, s0;
	s13 =	smul.u32 $0x5000, s18  }
0x9: {  	s22 =	sshll.u32 s18, $0x6;
	s17 =	sadd.s32 $0x9C000, s1;
	p0 =	sne.s32 s18, $0xF  }
0xa: {  	s18 =	simm.s32 $0x9;
	s10 =	ssub.s32 $0x2, s3;
	s11 =	smul.u32 $0x50000, s3  }
0xb: {  	_ =	strace $0x8000004A;
	s21 =	smul.u32 $0x13880, s3;
	s12 =	sshrl.u32 s10, $0x1  }
0xc: {  	s3 =	smul.u32 $0x9C400, s3;
	s8 =	sshrl.u32 s8, $0x2;
	s14 =	ssub.s32 s10, s12  }
0xd: {  	s15 =	sadd.s32 s8, s1;
	s16 =	sadd.s32 s13, s11;
	s8 =	sor.u32 $0x1C0A, s22  }
0xe: {  	s9 =	sadd.s32 s9, s21;
	s3 =	sshrl.u32 s3, $0x3;
	s21 =	simm.s32 $0x1  }
0xf: {  	s22 =	simm.s32 $0x5F40;
	s11 =	sshrl.u32 s16, $0x3;
	s9 =	sadd.s32 s0, s9  }
0x10: {  	s0 =	sadd.s32 s0, s3;
	s25 =	smax.u32 s14, $0x1;
	[dreg:$0x6] =	wrdreg s9  }
0x11: {  	s26 =	sadd.s32 $0x1000, s16;
	s14 =	sshrl.u32 s15, $0x3;
	[dreg:$0x8] =	wrdreg s25  }
0x12: {  	s15 =	simm.s32 $0xA;
	s23 =	sadd.s32 s5, s11;
	[dreg:$0x3] =	wrdreg s26  }
0x13: {  	s16 =	sshrl.u32 @!p0 s17, $0x3;
	s24 =	sadd.s32 s6, s11;
	[dreg:$0x4] =	wrdreg s23  }
0x14: {  	s3 =	simm.s32 $0x0;
	s0 =	sadd.s32 $0x13800, s0;
	[dreg:$0x5] =	wrdreg s24  }
0x15: {  	s25 =	simm.s32 $0x3;
	s26 =	simm.s32 $0x9DC0;
	[dreg:$0x7] =	wrdreg s0  }
0x16: {  	s23 =	simm.s32 $0x2;
	s24 =	simm.s32 $0x7E80;
	s0 =	simm.s32 $0x8  }
.LBB2_1:
0x17: {  	[spmem:s14], [sflag:s8] =	dma.local [hbm:s7], $0x1380  }
0x18: {  	_ =	swait.ge [sflag:s15], $0x1380  }
0x19: {  	[sflag:s15] =	ssyncset.done $0x0  }
0x1a: {  	s9 =	simm.s32 @!p0 $0xA;
	[sflag:s15] =	ssyncadd.s32 $0xFFFFEC80  }
0x1b: {  	[spmem:s16], [sflag:s8] =	dma.local @!p0 [hbm:s7], $0x80  }
0x1c: {  	_ =	swait.ge @!p0 [sflag:s9], $0x80  }
0x1d: {  	[sflag:s9] =	ssyncset.done @!p0 $0x0  }
0x1e: {  	[sflag:s9] =	ssyncadd.s32 @!p0 $0xFFFFFF80  }
0x1f: {  	[bflag:$0x0] =	sbarrier.arrive $0xFFFF  }
0x20: {  	s11 =	rddreg [dreg:$0x4]  }
0x21: {  	[tilespmem:s2], [sflag:$0x9] =	stream.linear.gather [hbm4b:s11+s2], $0x1000, $0x38;
	[tilespmem:$0x15940] =	vst v63  }
0x22: {  	s10 =	simm.s32 $0x2000;
	s12 =	rddreg [dreg:$0x5]  }
0x23: {  	[tilespmem:s10], [sflag:$0x9] =	stream.linear.gather [hbm4b:s12+s2], $0x1000, $0x38;
	[tilespmem:$0x15940] =	vst v63  }
0x24: {  	_ =	swait.ge [sflag:s18], $0x1000  }
0x25: {  	[sflag:s18] =	ssyncset.done $0x0  }
0x26: {  	[sflag:s18] =	ssyncadd.s32 $0xFFFFF000  }
0x27: {  	_ =	swait.ge [sflag:s18], $0x1000  }
0x28: {  	p1 =	por $0x0, $0x0;
	s9 =	rddreg [dreg:$0x3]  }
0x29: {  	s12 =	simm.s32 @!p1 $0x0;
	s17 =	sadd.s32 @!p1 $0x0, s9  }
0x2a: {  	[sflag:s18] =	ssyncset.done $0x0;
	s9 =	sand.u32 @!p1 $0x1000, s2;
	s17 =	sshrl.u32 @!p1 s17, $0x3  }
0x2b: {  	[sflag:s18] =	ssyncadd.s32 $0xFFFFF000;
	s10 =	sxor.u32 @!p1 $0x1000, s9;
	s11 =	sadd.s32 @!p1 s5, s17  }
0x2c: {  	[tilespmem:s10], [sflag:$0x9] =	stream.linear.gather @!p1 [hbm4b:s11+s12], $0x1000, $0x38;
	[tilespmem:$0x15940] =	vst v63  }
0x2d: {  	s10 =	sor.u32 @!p1 $0x2000, s10;
	s11 =	sadd.s32 @!p1 s6, s17  }
0x2e: {  	[tilespmem:s10], [sflag:$0x9] =	stream.linear.gather @!p1 [hbm4b:s11+s12], $0x1000, $0x38;
	[tilespmem:$0x15940] =	vst v63  }
0x2f: {  	s9 =	simm.s32 @p1 $0x0  }
0x30: {  	[tilespmem:s20], [sflag:$0x1] =	stream.indirect.gather [hbm4b:s4+s19], $0x40, s9, s19, $0xb8;
	[tilespmem:$0x15940] =	vst v63  }
0x31: {  	_ =	swait.ge [sflag:s21], $0x1F40  }
0x32: {  	[sflag:s21] =	ssyncset.done $0x0  }
0x33: {  	s13 =	sor.u32 $0x80, s9;
	[sflag:s21] =	ssyncadd.s32 $0xFFFFE0C0  }
0x34: {  	[tilespmem:s22], [sflag:$0x2] =	stream.indirect.gather [hbm4b:s4+s19], $0x40, s13, s19, $0xb8;
	[tilespmem:$0x15940] =	vst v63  }
0x35: {  	s17 =	sor.u32 $0x2000, s9  }
0x36: {  	[spmem:s1] =	stream.indirect.scatter.add.f32 [tilespmem:s20], [sflag:$0x5], $0x40, s17, s19, $0xb8;
	[tilespmem:$0x15940] =	vst v63  }
0x37: {  	_ =	swait.ge [sflag:s23], $0x1F40  }
0x38: {  	[sflag:s23] =	ssyncset.done $0x0  }
0x39: {  	s11 =	sor.u32 $0x100, s9;
	[sflag:s23] =	ssyncadd.s32 $0xFFFFE0C0  }
0x3a: {  	[tilespmem:s24], [sflag:$0x3] =	stream.indirect.gather [hbm4b:s4+s19], $0x40, s11, s19, $0xb8;
	[tilespmem:$0x15940] =	vst v63  }
0x3b: {  	s12 =	sor.u32 $0x2080, s9  }
0x3c: {  	[spmem:s1] =	stream.indirect.scatter.add.f32 [tilespmem:s22], [sflag:$0x6], $0x40, s12, s19, $0xb8;
	[tilespmem:$0x15940] =	vst v63  }
0x3d: {  	_ =	swait.ge [sflag:s25], $0x1F40  }
0x3e: {  	[sflag:s25] =	ssyncset.done $0x0  }
0x3f: {  	s13 =	sor.u32 $0x180, s9;
	[sflag:s25] =	ssyncadd.s32 $0xFFFFE0C0  }
0x40: {  	[tilespmem:s26], [sflag:$0x4] =	stream.indirect.gather [hbm4b:s4+s19], $0x40, s13, s19, $0xb8;
	[tilespmem:$0x15940] =	vst v63  }
0x41: {  	s17 =	sor.u32 $0x2100, s9  }
0x42: {  	[spmem:s1] =	stream.indirect.scatter.add.f32 [tilespmem:s24], [sflag:$0x7], $0x40, s17, s19, $0xb8;
	[tilespmem:$0x15940] =	vst v63  }
0x43: {  	_ =	swait.ge [sflag:s28], $0x1F40  }
0x44: {  	[sflag:s28] =	ssyncset.done $0x0  }
0x45: {  	[sflag:s28] =	ssyncadd.s32 $0xFFFFE0C0  }
0x46: {  	_ =	swait.ge [sflag:s29], $0x1F40  }
0x47: {  	[sflag:s29] =	ssyncset.done $0x0  }
0x48: {  	s11 =	sor.u32 $0x200, s9;
	[sflag:s29] =	ssyncadd.s32 $0xFFFFE0C0  }
0x49: {  	[tilespmem:s20], [sflag:$0x1] =	stream.indirect.gather [hbm4b:s4+s19], $0x40, s11, s19, $0xb8;
	[tilespmem:$0x15940] =	vst v63  }
0x4a: {  	s12 =	sor.u32 $0x2180, s9  }
0x4b: {  	[spmem:s1] =	stream.indirect.scatter.add.f32 [tilespmem:s26], [sflag:$0x8], $0x40, s12, s19, $0xb8;
	[tilespmem:$0x15940] =	vst v63  }
0x4c: {  	_ =	swait.ge [sflag:s21], $0x1F40  }
0x4d: {  	[sflag:s21] =	ssyncset.done $0x0  }
0x4e: {  	[sflag:s21] =	ssyncadd.s32 $0xFFFFE0C0  }
0x4f: {  	_ =	swait.ge [sflag:s30], $0x1F40  }
0x50: {  	[sflag:s30] =	ssyncset.done $0x0  }
0x51: {  	s13 =	sor.u32 $0x280, s9;
	[sflag:s30] =	ssyncadd.s32 $0xFFFFE0C0  }
0x52: {  	[tilespmem:s22], [sflag:$0x2] =	stream.indirect.gather [hbm4b:s4+s19], $0x40, s13, s19, $0xb8;
	[tilespmem:$0x15940] =	vst v63  }
0x53: {  	s17 =	sor.u32 $0x2200, s9  }
0x54: {  	[spmem:s1] =	stream.indirect.scatter.add.f32 [tilespmem:s20], [sflag:$0x5], $0x40, s17, s19, $0xb8;
	[tilespmem:$0x15940] =	vst v63  }
0x55: {  	_ =	swait.ge [sflag:s23], $0x1F40  }
0x56: {  	[sflag:s23] =	ssyncset.done $0x0  }
0x57: {  	[sflag:s23] =	ssyncadd.s32 $0xFFFFE0C0  }
0x58: {  	_ =	swait.ge [sflag:s31], $0x1F40  }
0x59: {  	[sflag:s31] =	ssyncset.done $0x0  }
0x5a: {  	s11 =	sor.u32 $0x300, s9;
	[sflag:s31] =	ssyncadd.s32 $0xFFFFE0C0  }
0x5b: {  	[tilespmem:s24], [sflag:$0x3] =	stream.indirect.gather [hbm4b:s4+s19], $0x40, s11, s19, $0xb8;
	[tilespmem:$0x15940] =	vst v63  }
0x5c: {  	s12 =	sor.u32 $0x2280, s9  }
0x5d: {  	[spmem:s1] =	stream.indirect.scatter.add.f32 [tilespmem:s22], [sflag:$0x6], $0x40, s12, s19, $0xb8;
	[tilespmem:$0x15940] =	vst v63  }
0x5e: {  	_ =	swait.ge [sflag:s25], $0x1F40  }
0x5f: {  	[sflag:s25] =	ssyncset.done $0x0  }
0x60: {  	[sflag:s25] =	ssyncadd.s32 $0xFFFFE0C0  }
0x61: {  	_ =	swait.ge [sflag:s0], $0x1F40  }
0x62: {  	[sflag:s0] =	ssyncset.done $0x0  }
0x63: {  	s13 =	sor.u32 $0x380, s9;
	[sflag:s0] =	ssyncadd.s32 $0xFFFFE0C0  }
0x64: {  	[tilespmem:s26], [sflag:$0x4] =	stream.indirect.gather [hbm4b:s4+s19], $0x40, s13, s19, $0xb8;
	[tilespmem:$0x15940] =	vst v63  }
0x65: {  	s17 =	sor.u32 $0x2300, s9  }
0x66: {  	[spmem:s1] =	stream.indirect.scatter.add.f32 [tilespmem:s24], [sflag:$0x7], $0x40, s17, s19, $0xb8;
	[tilespmem:$0x15940] =	vst v63  }
0x67: {  	_ =	swait.ge [sflag:s28], $0x1F40  }
0x68: {  	[sflag:s28] =	ssyncset.done $0x0  }
0x69: {  	[sflag:s28] =	ssyncadd.s32 $0xFFFFE0C0  }
0x6a: {  	_ =	swait.ge [sflag:s29], $0x1F40  }
0x6b: {  	[sflag:s29] =	ssyncset.done $0x0  }
0x6c: {  	s11 =	sor.u32 $0x400, s9;
	[sflag:s29] =	ssyncadd.s32 $0xFFFFE0C0  }
0x6d: {  	[tilespmem:s20], [sflag:$0x1] =	stream.indirect.gather [hbm4b:s4+s19], $0x40, s11, s19, $0xb8;
	[tilespmem:$0x15940] =	vst v63  }
0x6e: {  	s12 =	sor.u32 $0x2380, s9  }
0x6f: {  	[spmem:s1] =	stream.indirect.scatter.add.f32 [tilespmem:s26], [sflag:$0x8], $0x40, s12, s19, $0xb8;
	[tilespmem:$0x15940] =	vst v63  }
0x70: {  	_ =	swait.ge [sflag:s21], $0x1F40  }
0x71: {  	[sflag:s21] =	ssyncset.done $0x0  }
0x72: {  	[sflag:s21] =	ssyncadd.s32 $0xFFFFE0C0  }
0x73: {  	_ =	swait.ge [sflag:s30], $0x1F40  }
0x74: {  	[sflag:s30] =	ssyncset.done $0x0  }
0x75: {  	s13 =	sor.u32 $0x480, s9;
	[sflag:s30] =	ssyncadd.s32 $0xFFFFE0C0  }
0x76: {  	[tilespmem:s22], [sflag:$0x2] =	stream.indirect.gather [hbm4b:s4+s19], $0x40, s13, s19, $0xb8;
	[tilespmem:$0x15940] =	vst v63  }
0x77: {  	s17 =	sor.u32 $0x2400, s9  }
0x78: {  	[spmem:s1] =	stream.indirect.scatter.add.f32 [tilespmem:s20], [sflag:$0x5], $0x40, s17, s19, $0xb8;
	[tilespmem:$0x15940] =	vst v63  }
0x79: {  	_ =	swait.ge [sflag:s23], $0x1F40  }
0x7a: {  	[sflag:s23] =	ssyncset.done $0x0  }
0x7b: {  	[sflag:s23] =	ssyncadd.s32 $0xFFFFE0C0  }
0x7c: {  	_ =	swait.ge [sflag:s31], $0x1F40  }
0x7d: {  	[sflag:s31] =	ssyncset.done $0x0  }
0x7e: {  	s11 =	sor.u32 $0x500, s9;
	[sflag:s31] =	ssyncadd.s32 $0xFFFFE0C0  }
0x7f: {  	[tilespmem:s24], [sflag:$0x3] =	stream.indirect.gather [hbm4b:s4+s19], $0x40, s11, s19, $0xb8;
	[tilespmem:$0x15940] =	vst v63  }
0x80: {  	s12 =	sor.u32 $0x2480, s9  }
0x81: {  	[spmem:s1] =	stream.indirect.scatter.add.f32 [tilespmem:s22], [sflag:$0x6], $0x40, s12, s19, $0xb8;
	[tilespmem:$0x15940] =	vst v63  }
0x82: {  	_ =	swait.ge [sflag:s25], $0x1F40  }
0x83: {  	[sflag:s25] =	ssyncset.done $0x0  }
0x84: {  	[sflag:s25] =	ssyncadd.s32 $0xFFFFE0C0  }
0x85: {  	_ =	swait.ge [sflag:s0], $0x1F40  }
0x86: {  	[sflag:s0] =	ssyncset.done $0x0  }
0x87: {  	s13 =	sor.u32 $0x580, s9;
	[sflag:s0] =	ssyncadd.s32 $0xFFFFE0C0  }
0x88: {  	[tilespmem:s26], [sflag:$0x4] =	stream.indirect.gather [hbm4b:s4+s19], $0x40, s13, s19, $0xb8;
	[tilespmem:$0x15940] =	vst v63  }
0x89: {  	s17 =	sor.u32 $0x2500, s9  }
0x8a: {  	[spmem:s1] =	stream.indirect.scatter.add.f32 [tilespmem:s24], [sflag:$0x7], $0x40, s17, s19, $0xb8;
	[tilespmem:$0x15940] =	vst v63  }
0x8b: {  	_ =	swait.ge [sflag:s28], $0x1F40  }
0x8c: {  	[sflag:s28] =	ssyncset.done $0x0  }
0x8d: {  	[sflag:s28] =	ssyncadd.s32 $0xFFFFE0C0  }
0x8e: {  	_ =	swait.ge [sflag:s29], $0x1F40  }
0x8f: {  	[sflag:s29] =	ssyncset.done $0x0  }
0x90: {  	s11 =	sor.u32 $0x600, s9;
	[sflag:s29] =	ssyncadd.s32 $0xFFFFE0C0  }
0x91: {  	[tilespmem:s20], [sflag:$0x1] =	stream.indirect.gather [hbm4b:s4+s19], $0x40, s11, s19, $0xb8;
	[tilespmem:$0x15940] =	vst v63  }
0x92: {  	s12 =	sor.u32 $0x2580, s9  }
0x93: {  	[spmem:s1] =	stream.indirect.scatter.add.f32 [tilespmem:s26], [sflag:$0x8], $0x40, s12, s19, $0xb8;
	[tilespmem:$0x15940] =	vst v63  }
0x94: {  	_ =	swait.ge [sflag:s21], $0x1F40  }
0x95: {  	[sflag:s21] =	ssyncset.done $0x0  }
0x96: {  	[sflag:s21] =	ssyncadd.s32 $0xFFFFE0C0  }
0x97: {  	_ =	swait.ge [sflag:s30], $0x1F40  }
0x98: {  	[sflag:s30] =	ssyncset.done $0x0  }
0x99: {  	s13 =	sor.u32 $0x680, s9;
	[sflag:s30] =	ssyncadd.s32 $0xFFFFE0C0  }
0x9a: {  	[tilespmem:s22], [sflag:$0x2] =	stream.indirect.gather [hbm4b:s4+s19], $0x40, s13, s19, $0xb8;
	[tilespmem:$0x15940] =	vst v63  }
0x9b: {  	s17 =	sor.u32 $0x2600, s9  }
0x9c: {  	[spmem:s1] =	stream.indirect.scatter.add.f32 [tilespmem:s20], [sflag:$0x5], $0x40, s17, s19, $0xb8;
	[tilespmem:$0x15940] =	vst v63  }
0x9d: {  	_ =	swait.ge [sflag:s23], $0x1F40  }
0x9e: {  	[sflag:s23] =	ssyncset.done $0x0  }
0x9f: {  	[sflag:s23] =	ssyncadd.s32 $0xFFFFE0C0  }
0xa0: {  	_ =	swait.ge [sflag:s31], $0x1F40  }
0xa1: {  	[sflag:s31] =	ssyncset.done $0x0  }
0xa2: {  	s11 =	sor.u32 $0x700, s9;
	[sflag:s31] =	ssyncadd.s32 $0xFFFFE0C0  }
0xa3: {  	[tilespmem:s24], [sflag:$0x3] =	stream.indirect.gather [hbm4b:s4+s19], $0x40, s11, s19, $0xb8;
	[tilespmem:$0x15940] =	vst v63  }
0xa4: {  	s12 =	sor.u32 $0x2680, s9  }
0xa5: {  	[spmem:s1] =	stream.indirect.scatter.add.f32 [tilespmem:s22], [sflag:$0x6], $0x40, s12, s19, $0xb8;
	[tilespmem:$0x15940] =	vst v63  }
0xa6: {  	_ =	swait.ge [sflag:s25], $0x1F40  }
0xa7: {  	[sflag:s25] =	ssyncset.done $0x0  }
0xa8: {  	[sflag:s25] =	ssyncadd.s32 $0xFFFFE0C0  }
0xa9: {  	_ =	swait.ge [sflag:s0], $0x1F40  }
0xaa: {  	[sflag:s0] =	ssyncset.done $0x0  }
0xab: {  	s13 =	sor.u32 $0x780, s9;
	[sflag:s0] =	ssyncadd.s32 $0xFFFFE0C0  }
0xac: {  	[tilespmem:s26], [sflag:$0x4] =	stream.indirect.gather [hbm4b:s4+s19], $0x40, s13, s19, $0xb8;
	[tilespmem:$0x15940] =	vst v63  }
0xad: {  	s17 =	sor.u32 $0x2700, s9  }
0xae: {  	[spmem:s1] =	stream.indirect.scatter.add.f32 [tilespmem:s24], [sflag:$0x7], $0x40, s17, s19, $0xb8;
	[tilespmem:$0x15940] =	vst v63  }
0xaf: {  	_ =	swait.ge [sflag:s28], $0x1F40  }
0xb0: {  	[sflag:s28] =	ssyncset.done $0x0  }
0xb1: {  	[sflag:s28] =	ssyncadd.s32 $0xFFFFE0C0  }
0xb2: {  	_ =	swait.ge [sflag:s29], $0x1F40  }
0xb3: {  	[sflag:s29] =	ssyncset.done $0x0  }
0xb4: {  	s11 =	sor.u32 $0x800, s9;
	[sflag:s29] =	ssyncadd.s32 $0xFFFFE0C0  }
0xb5: {  	[tilespmem:s20], [sflag:$0x1] =	stream.indirect.gather [hbm4b:s4+s19], $0x40, s11, s19, $0xb8;
	[tilespmem:$0x15940] =	vst v63  }
0xb6: {  	s12 =	sor.u32 $0x2780, s9  }
0xb7: {  	[spmem:s1] =	stream.indirect.scatter.add.f32 [tilespmem:s26], [sflag:$0x8], $0x40, s12, s19, $0xb8;
	[tilespmem:$0x15940] =	vst v63  }
0xb8: {  	_ =	swait.ge [sflag:s21], $0x1F40  }
0xb9: {  	[sflag:s21] =	ssyncset.done $0x0  }
0xba: {  	[sflag:s21] =	ssyncadd.s32 $0xFFFFE0C0  }
0xbb: {  	_ =	swait.ge [sflag:s30], $0x1F40  }
0xbc: {  	[sflag:s30] =	ssyncset.done $0x0  }
0xbd: {  	s13 =	sor.u32 $0x880, s9;
	[sflag:s30] =	ssyncadd.s32 $0xFFFFE0C0  }
0xbe: {  	[tilespmem:s22], [sflag:$0x2] =	stream.indirect.gather [hbm4b:s4+s19], $0x40, s13, s19, $0xb8;
	[tilespmem:$0x15940] =	vst v63  }
0xbf: {  	s17 =	sor.u32 $0x2800, s9  }
0xc0: {  	[spmem:s1] =	stream.indirect.scatter.add.f32 [tilespmem:s20], [sflag:$0x5], $0x40, s17, s19, $0xb8;
	[tilespmem:$0x15940] =	vst v63  }
0xc1: {  	_ =	swait.ge [sflag:s23], $0x1F40  }
0xc2: {  	[sflag:s23] =	ssyncset.done $0x0  }
0xc3: {  	[sflag:s23] =	ssyncadd.s32 $0xFFFFE0C0  }
0xc4: {  	_ =	swait.ge [sflag:s31], $0x1F40  }
0xc5: {  	[sflag:s31] =	ssyncset.done $0x0  }
0xc6: {  	s11 =	sor.u32 $0x900, s9;
	[sflag:s31] =	ssyncadd.s32 $0xFFFFE0C0  }
0xc7: {  	[tilespmem:s24], [sflag:$0x3] =	stream.indirect.gather [hbm4b:s4+s19], $0x40, s11, s19, $0xb8;
	[tilespmem:$0x15940] =	vst v63  }
0xc8: {  	s12 =	sor.u32 $0x2880, s9  }
0xc9: {  	[spmem:s1] =	stream.indirect.scatter.add.f32 [tilespmem:s22], [sflag:$0x6], $0x40, s12, s19, $0xb8;
	[tilespmem:$0x15940] =	vst v63  }
0xca: {  	_ =	swait.ge [sflag:s25], $0x1F40  }
0xcb: {  	[sflag:s25] =	ssyncset.done $0x0  }
0xcc: {  	[sflag:s25] =	ssyncadd.s32 $0xFFFFE0C0  }
0xcd: {  	_ =	swait.ge [sflag:s0], $0x1F40  }
0xce: {  	[sflag:s0] =	ssyncset.done $0x0  }
0xcf: {  	s13 =	sor.u32 $0x980, s9;
	[sflag:s0] =	ssyncadd.s32 $0xFFFFE0C0  }
0xd0: {  	[tilespmem:s26], [sflag:$0x4] =	stream.indirect.gather [hbm4b:s4+s19], $0x40, s13, s19, $0xb8;
	[tilespmem:$0x15940] =	vst v63  }
0xd1: {  	s17 =	sor.u32 $0x2900, s9  }
0xd2: {  	[spmem:s1] =	stream.indirect.scatter.add.f32 [tilespmem:s24], [sflag:$0x7], $0x40, s17, s19, $0xb8;
	[tilespmem:$0x15940] =	vst v63  }
0xd3: {  	_ =	swait.ge [sflag:s28], $0x1F40  }
0xd4: {  	[sflag:s28] =	ssyncset.done $0x0  }
0xd5: {  	[sflag:s28] =	ssyncadd.s32 $0xFFFFE0C0  }
0xd6: {  	_ =	swait.ge [sflag:s29], $0x1F40  }
0xd7: {  	[sflag:s29] =	ssyncset.done $0x0  }
0xd8: {  	s11 =	sor.u32 $0xA00, s9;
	[sflag:s29] =	ssyncadd.s32 $0xFFFFE0C0  }
0xd9: {  	[tilespmem:s20], [sflag:$0x1] =	stream.indirect.gather [hbm4b:s4+s19], $0x40, s11, s19, $0xb8;
	[tilespmem:$0x15940] =	vst v63  }
0xda: {  	s12 =	sor.u32 $0x2980, s9  }
0xdb: {  	[spmem:s1] =	stream.indirect.scatter.add.f32 [tilespmem:s26], [sflag:$0x8], $0x40, s12, s19, $0xb8;
	[tilespmem:$0x15940] =	vst v63  }
0xdc: {  	_ =	swait.ge [sflag:s21], $0x1F40  }
0xdd: {  	[sflag:s21] =	ssyncset.done $0x0  }
0xde: {  	[sflag:s21] =	ssyncadd.s32 $0xFFFFE0C0  }
0xdf: {  	_ =	swait.ge [sflag:s30], $0x1F40  }
0xe0: {  	[sflag:s30] =	ssyncset.done $0x0  }
0xe1: {  	s13 =	sor.u32 $0xA80, s9;
	[sflag:s30] =	ssyncadd.s32 $0xFFFFE0C0  }
0xe2: {  	[tilespmem:s22], [sflag:$0x2] =	stream.indirect.gather [hbm4b:s4+s19], $0x40, s13, s19, $0xb8;
	[tilespmem:$0x15940] =	vst v63  }
0xe3: {  	s17 =	sor.u32 $0x2A00, s9  }
0xe4: {  	[spmem:s1] =	stream.indirect.scatter.add.f32 [tilespmem:s20], [sflag:$0x5], $0x40, s17, s19, $0xb8;
	[tilespmem:$0x15940] =	vst v63  }
0xe5: {  	_ =	swait.ge [sflag:s23], $0x1F40  }
0xe6: {  	[sflag:s23] =	ssyncset.done $0x0  }
0xe7: {  	[sflag:s23] =	ssyncadd.s32 $0xFFFFE0C0  }
0xe8: {  	_ =	swait.ge [sflag:s31], $0x1F40  }
0xe9: {  	[sflag:s31] =	ssyncset.done $0x0  }
0xea: {  	s11 =	sor.u32 $0xB00, s9;
	[sflag:s31] =	ssyncadd.s32 $0xFFFFE0C0  }
0xeb: {  	[tilespmem:s24], [sflag:$0x3] =	stream.indirect.gather [hbm4b:s4+s19], $0x40, s11, s19, $0xb8;
	[tilespmem:$0x15940] =	vst v63  }
0xec: {  	s12 =	sor.u32 $0x2A80, s9  }
0xed: {  	[spmem:s1] =	stream.indirect.scatter.add.f32 [tilespmem:s22], [sflag:$0x6], $0x40, s12, s19, $0xb8;
	[tilespmem:$0x15940] =	vst v63  }
0xee: {  	_ =	swait.ge [sflag:s25], $0x1F40  }
0xef: {  	[sflag:s25] =	ssyncset.done $0x0  }
0xf0: {  	[sflag:s25] =	ssyncadd.s32 $0xFFFFE0C0  }
0xf1: {  	_ =	swait.ge [sflag:s0], $0x1F40  }
0xf2: {  	[sflag:s0] =	ssyncset.done $0x0  }
0xf3: {  	s13 =	sor.u32 $0xB80, s9;
	[sflag:s0] =	ssyncadd.s32 $0xFFFFE0C0  }
0xf4: {  	[tilespmem:s26], [sflag:$0x4] =	stream.indirect.gather [hbm4b:s4+s19], $0x40, s13, s19, $0xb8;
	[tilespmem:$0x15940] =	vst v63  }
0xf5: {  	s17 =	sor.u32 $0x2B00, s9  }
0xf6: {  	[spmem:s1] =	stream.indirect.scatter.add.f32 [tilespmem:s24], [sflag:$0x7], $0x40, s17, s19, $0xb8;
	[tilespmem:$0x15940] =	vst v63  }
0xf7: {  	_ =	swait.ge [sflag:s28], $0x1F40  }
0xf8: {  	[sflag:s28] =	ssyncset.done $0x0  }
0xf9: {  	[sflag:s28] =	ssyncadd.s32 $0xFFFFE0C0  }
0xfa: {  	_ =	swait.ge [sflag:s29], $0x1F40  }
0xfb: {  	[sflag:s29] =	ssyncset.done $0x0  }
0xfc: {  	s11 =	sor.u32 $0xC00, s9;
	[sflag:s29] =	ssyncadd.s32 $0xFFFFE0C0  }
0xfd: {  	[tilespmem:s20], [sflag:$0x1] =	stream.indirect.gather [hbm4b:s4+s19], $0x40, s11, s19, $0xb8;
	[tilespmem:$0x15940] =	vst v63  }
0xfe: {  	s12 =	sor.u32 $0x2B80, s9  }
0xff: {  	[spmem:s1] =	stream.indirect.scatter.add.f32 [tilespmem:s26], [sflag:$0x8], $0x40, s12, s19, $0xb8;
	[tilespmem:$0x15940] =	vst v63  }
0x100: {  	_ =	swait.ge [sflag:s21], $0x1F40  }
0x101: {  	[sflag:s21] =	ssyncset.done $0x0  }
0x102: {  	[sflag:s21] =	ssyncadd.s32 $0xFFFFE0C0  }
0x103: {  	_ =	swait.ge [sflag:s30], $0x1F40  }
0x104: {  	[sflag:s30] =	ssyncset.done $0x0  }
0x105: {  	s13 =	sor.u32 $0xC80, s9;
	[sflag:s30] =	ssyncadd.s32 $0xFFFFE0C0  }
0x106: {  	[tilespmem:s22], [sflag:$0x2] =	stream.indirect.gather [hbm4b:s4+s19], $0x40, s13, s19, $0xb8;
	[tilespmem:$0x15940] =	vst v63  }
0x107: {  	s17 =	sor.u32 $0x2C00, s9  }
0x108: {  	[spmem:s1] =	stream.indirect.scatter.add.f32 [tilespmem:s20], [sflag:$0x5], $0x40, s17, s19, $0xb8;
	[tilespmem:$0x15940] =	vst v63  }
0x109: {  	_ =	swait.ge [sflag:s23], $0x1F40  }
0x10a: {  	[sflag:s23] =	ssyncset.done $0x0  }
0x10b: {  	[sflag:s23] =	ssyncadd.s32 $0xFFFFE0C0  }
0x10c: {  	_ =	swait.ge [sflag:s31], $0x1F40  }
0x10d: {  	[sflag:s31] =	ssyncset.done $0x0  }
0x10e: {  	s11 =	sor.u32 $0xD00, s9;
	[sflag:s31] =	ssyncadd.s32 $0xFFFFE0C0  }
0x10f: {  	[tilespmem:s24], [sflag:$0x3] =	stream.indirect.gather [hbm4b:s4+s19], $0x40, s11, s19, $0xb8;
	[tilespmem:$0x15940] =	vst v63  }
0x110: {  	s12 =	sor.u32 $0x2C80, s9  }
0x111: {  	[spmem:s1] =	stream.indirect.scatter.add.f32 [tilespmem:s22], [sflag:$0x6], $0x40, s12, s19, $0xb8;
	[tilespmem:$0x15940] =	vst v63  }
0x112: {  	_ =	swait.ge [sflag:s25], $0x1F40  }
0x113: {  	[sflag:s25] =	ssyncset.done $0x0  }
0x114: {  	[sflag:s25] =	ssyncadd.s32 $0xFFFFE0C0  }
0x115: {  	_ =	swait.ge [sflag:s0], $0x1F40  }
0x116: {  	[sflag:s0] =	ssyncset.done $0x0  }
0x117: {  	s13 =	sor.u32 $0xD80, s9;
	[sflag:s0] =	ssyncadd.s32 $0xFFFFE0C0  }
0x118: {  	[tilespmem:s26], [sflag:$0x4] =	stream.indirect.gather [hbm4b:s4+s19], $0x40, s13, s19, $0xb8;
	[tilespmem:$0x15940] =	vst v63  }
0x119: {  	s17 =	sor.u32 $0x2D00, s9  }
0x11a: {  	[spmem:s1] =	stream.indirect.scatter.add.f32 [tilespmem:s24], [sflag:$0x7], $0x40, s17, s19, $0xb8;
	[tilespmem:$0x15940] =	vst v63  }
0x11b: {  	_ =	swait.ge [sflag:s28], $0x1F40  }
0x11c: {  	[sflag:s28] =	ssyncset.done $0x0  }
0x11d: {  	[sflag:s28] =	ssyncadd.s32 $0xFFFFE0C0  }
0x11e: {  	_ =	swait.ge [sflag:s29], $0x1F40  }
0x11f: {  	[sflag:s29] =	ssyncset.done $0x0  }
0x120: {  	s11 =	sor.u32 $0xE00, s9;
	[sflag:s29] =	ssyncadd.s32 $0xFFFFE0C0  }
0x121: {  	[tilespmem:s20], [sflag:$0x1] =	stream.indirect.gather [hbm4b:s4+s19], $0x40, s11, s19, $0xb8;
	[tilespmem:$0x15940] =	vst v63  }
0x122: {  	s12 =	sor.u32 $0x2D80, s9  }
0x123: {  	[spmem:s1] =	stream.indirect.scatter.add.f32 [tilespmem:s26], [sflag:$0x8], $0x40, s12, s19, $0xb8;
	[tilespmem:$0x15940] =	vst v63  }
0x124: {  	_ =	swait.ge [sflag:s21], $0x1F40  }
0x125: {  	[sflag:s21] =	ssyncset.done $0x0  }
0x126: {  	[sflag:s21] =	ssyncadd.s32 $0xFFFFE0C0  }
0x127: {  	_ =	swait.ge [sflag:s30], $0x1F40  }
0x128: {  	[sflag:s30] =	ssyncset.done $0x0  }
0x129: {  	s13 =	sor.u32 $0xE80, s9;
	[sflag:s30] =	ssyncadd.s32 $0xFFFFE0C0  }
0x12a: {  	[tilespmem:s22], [sflag:$0x2] =	stream.indirect.gather [hbm4b:s4+s19], $0x40, s13, s19, $0xb8;
	[tilespmem:$0x15940] =	vst v63  }
0x12b: {  	s17 =	sor.u32 $0x2E00, s9  }
0x12c: {  	[spmem:s1] =	stream.indirect.scatter.add.f32 [tilespmem:s20], [sflag:$0x5], $0x40, s17, s19, $0xb8;
	[tilespmem:$0x15940] =	vst v63  }
0x12d: {  	_ =	swait.ge [sflag:s23], $0x1F40  }
0x12e: {  	[sflag:s23] =	ssyncset.done $0x0  }
0x12f: {  	[sflag:s23] =	ssyncadd.s32 $0xFFFFE0C0  }
0x130: {  	_ =	swait.ge [sflag:s31], $0x1F40  }
0x131: {  	[sflag:s31] =	ssyncset.done $0x0  }
0x132: {  	s11 =	sor.u32 $0xF00, s9;
	[sflag:s31] =	ssyncadd.s32 $0xFFFFE0C0  }
0x133: {  	[tilespmem:s24], [sflag:$0x3] =	stream.indirect.gather [hbm4b:s4+s19], $0x40, s11, s19, $0xb8;
	[tilespmem:$0x15940] =	vst v63  }
0x134: {  	s12 =	sor.u32 $0x2E80, s9  }
0x135: {  	[spmem:s1] =	stream.indirect.scatter.add.f32 [tilespmem:s22], [sflag:$0x6], $0x40, s12, s19, $0xb8;
	[tilespmem:$0x15940] =	vst v63  }
0x136: {  	_ =	swait.ge [sflag:s25], $0x1F40  }
0x137: {  	[sflag:s25] =	ssyncset.done $0x0  }
0x138: {  	[sflag:s25] =	ssyncadd.s32 $0xFFFFE0C0  }
0x139: {  	_ =	swait.ge [sflag:s0], $0x1F40  }
0x13a: {  	[sflag:s0] =	ssyncset.done $0x0  }
0x13b: {  	s13 =	sor.u32 $0xF80, s9;
	[sflag:s0] =	ssyncadd.s32 $0xFFFFE0C0  }
0x13c: {  	[tilespmem:s26], [sflag:$0x4] =	stream.indirect.gather [hbm4b:s4+s19], $0x40, s13, s19, $0xb8;
	[tilespmem:$0x15940] =	vst v63  }
0x13d: {  	s17 =	sor.u32 $0x2F00, s9  }
0x13e: {  	[spmem:s1] =	stream.indirect.scatter.add.f32 [tilespmem:s24], [sflag:$0x7], $0x40, s17, s19, $0xb8;
	[tilespmem:$0x15940] =	vst v63  }
0x13f: {  	_ =	swait.ge [sflag:s28], $0x1F40  }
0x140: {  	[sflag:s28] =	ssyncset.done $0x0  }
0x141: {  	s9 =	sor.u32 $0x2F80, s9;
	[sflag:s28] =	ssyncadd.s32 $0xFFFFE0C0  }
0x142: {  	[spmem:s1] =	stream.indirect.scatter.add.f32 [tilespmem:s26], [sflag:$0x8], $0x40, s9, s19, $0xb8;
	[tilespmem:$0x15940] =	vst v63  }
0x143: {  	_ =	swait.ge [sflag:s29], $0x1F40  }
0x144: {  	[sflag:s29] =	ssyncset.done $0x0  }
0x145: {  	[sflag:s29] =	ssyncadd.s32 $0xFFFFE0C0  }
0x146: {  	_ =	swait.ge [sflag:s30], $0x1F40  }
0x147: {  	[sflag:s30] =	ssyncset.done $0x0  }
0x148: {  	[sflag:s30] =	ssyncadd.s32 $0xFFFFE0C0  }
0x149: {  	_ =	swait.ge [sflag:s31], $0x1F40  }
0x14a: {  	[sflag:s31] =	ssyncset.done $0x0  }
0x14b: {  	[sflag:s31] =	ssyncadd.s32 $0xFFFFE0C0  }
0x14c: {  	_ =	swait.ge [sflag:s0], $0x1F40  }
0x14d: {  	s17 =	simm.s32 $0x1000;
	[sflag:s0] =	ssyncset.done $0x0  }
.LBB2_2:
0x14e: {  	[sflag:s0] =	ssyncadd.s32 $0xFFFFE0C0  }
0x14f: {  	_ =	swait.ge [sflag:s18], $0x1000  }
0x150: {  	[sflag:s18] =	ssyncset.done $0x0  }
0x151: {  	[sflag:s18] =	ssyncadd.s32 $0xFFFFF000  }
0x152: {  	s9 =	smov.u32 s17;
	_ =	swait.ge [sflag:s18], $0x1000  }
0x153: {  	p2 =	seq.s32 s9, $0x4000;
	s10 =	rddreg [dreg:$0x3]  }
0x154: {  	s13 =	simm.s32 @!p2 $0x0;
	s10 =	sadd.s32 @!p2 s9, s10  }
0x155: {  	[sflag:s18] =	ssyncset.done $0x0;
	s9 =	sand.u32 @!p2 $0x1000, s9;
	s10 =	sshrl.u32 @!p2 s10, $0x3  }
0x156: {  	[sflag:s18] =	ssyncadd.s32 $0xFFFFF000;
	s11 =	sxor.u32 @!p2 $0x1000, s9;
	s12 =	sadd.s32 @!p2 s5, s10  }
0x157: {  	[tilespmem:s11], [sflag:$0x9] =	stream.linear.gather @!p2 [hbm4b:s12+s13], $0x1000, $0x38;
	[tilespmem:$0x15940] =	vst v63  }
0x158: {  	s10 =	sadd.s32 @!p2 s6, s10;
	s11 =	sor.u32 @!p2 $0x2000, s11  }
0x159: {  	[tilespmem:s11], [sflag:$0x9] =	stream.linear.gather @!p2 [hbm4b:s10+s13], $0x1000, $0x38;
	[tilespmem:$0x15940] =	vst v63  }
0x15a: {  	s9 =	simm.s32 @p2 $0x0  }
0x15b: {  	[tilespmem:s20], [sflag:$0x1] =	stream.indirect.gather [hbm4b:s4+s19], $0x40, s9, s19, $0xb8;
	[tilespmem:$0x15940] =	vst v63  }
0x15c: {  	_ =	swait.ge [sflag:s21], $0x1F40  }
0x15d: {  	[sflag:s21] =	ssyncset.done $0x0  }
0x15e: {  	s12 =	sor.u32 $0x80, s9;
	[sflag:s21] =	ssyncadd.s32 $0xFFFFE0C0  }
0x15f: {  	[tilespmem:s22], [sflag:$0x2] =	stream.indirect.gather [hbm4b:s4+s19], $0x40, s12, s19, $0xb8;
	[tilespmem:$0x15940] =	vst v63  }
0x160: {  	s13 =	sor.u32 $0x2000, s9  }
0x161: {  	[spmem:s1] =	stream.indirect.scatter.add.f32 [tilespmem:s20], [sflag:$0x5], $0x40, s13, s19, $0xb8;
	[tilespmem:$0x15940] =	vst v63  }
0x162: {  	_ =	swait.ge [sflag:s23], $0x1F40  }
0x163: {  	[sflag:s23] =	ssyncset.done $0x0  }
0x164: {  	s11 =	sor.u32 $0x100, s9;
	[sflag:s23] =	ssyncadd.s32 $0xFFFFE0C0  }
0x165: {  	[tilespmem:s24], [sflag:$0x3] =	stream.indirect.gather [hbm4b:s4+s19], $0x40, s11, s19, $0xb8;
	[tilespmem:$0x15940] =	vst v63  }
0x166: {  	s12 =	sor.u32 $0x2080, s9  }
0x167: {  	[spmem:s1] =	stream.indirect.scatter.add.f32 [tilespmem:s22], [sflag:$0x6], $0x40, s12, s19, $0xb8;
	[tilespmem:$0x15940] =	vst v63  }
0x168: {  	_ =	swait.ge [sflag:s25], $0x1F40  }
0x169: {  	[sflag:s25] =	ssyncset.done $0x0  }
0x16a: {  	s13 =	sor.u32 $0x180, s9;
	[sflag:s25] =	ssyncadd.s32 $0xFFFFE0C0  }
0x16b: {  	[tilespmem:s26], [sflag:$0x4] =	stream.indirect.gather [hbm4b:s4+s19], $0x40, s13, s19, $0xb8;
	[tilespmem:$0x15940] =	vst v63  }
0x16c: {  	s11 =	sor.u32 $0x2100, s9  }
0x16d: {  	[spmem:s1] =	stream.indirect.scatter.add.f32 [tilespmem:s24], [sflag:$0x7], $0x40, s11, s19, $0xb8;
	[tilespmem:$0x15940] =	vst v63  }
0x16e: {  	_ =	swait.ge [sflag:s28], $0x1F40  }
0x16f: {  	[sflag:s28] =	ssyncset.done $0x0  }
0x170: {  	[sflag:s28] =	ssyncadd.s32 $0xFFFFE0C0  }
0x171: {  	_ =	swait.ge [sflag:s29], $0x1F40  }
0x172: {  	[sflag:s29] =	ssyncset.done $0x0  }
0x173: {  	s12 =	sor.u32 $0x200, s9;
	[sflag:s29] =	ssyncadd.s32 $0xFFFFE0C0  }
0x174: {  	[tilespmem:s20], [sflag:$0x1] =	stream.indirect.gather [hbm4b:s4+s19], $0x40, s12, s19, $0xb8;
	[tilespmem:$0x15940] =	vst v63  }
0x175: {  	s13 =	sor.u32 $0x2180, s9  }
0x176: {  	[spmem:s1] =	stream.indirect.scatter.add.f32 [tilespmem:s26], [sflag:$0x8], $0x40, s13, s19, $0xb8;
	[tilespmem:$0x15940] =	vst v63  }
0x177: {  	_ =	swait.ge [sflag:s21], $0x1F40  }
0x178: {  	[sflag:s21] =	ssyncset.done $0x0  }
0x179: {  	[sflag:s21] =	ssyncadd.s32 $0xFFFFE0C0  }
0x17a: {  	_ =	swait.ge [sflag:s30], $0x1F40  }
0x17b: {  	[sflag:s30] =	ssyncset.done $0x0  }
0x17c: {  	s11 =	sor.u32 $0x280, s9;
	[sflag:s30] =	ssyncadd.s32 $0xFFFFE0C0  }
0x17d: {  	[tilespmem:s22], [sflag:$0x2] =	stream.indirect.gather [hbm4b:s4+s19], $0x40, s11, s19, $0xb8;
	[tilespmem:$0x15940] =	vst v63  }
0x17e: {  	s12 =	sor.u32 $0x2200, s9  }
0x17f: {  	[spmem:s1] =	stream.indirect.scatter.add.f32 [tilespmem:s20], [sflag:$0x5], $0x40, s12, s19, $0xb8;
	[tilespmem:$0x15940] =	vst v63  }
0x180: {  	_ =	swait.ge [sflag:s23], $0x1F40  }
0x181: {  	[sflag:s23] =	ssyncset.done $0x0  }
0x182: {  	[sflag:s23] =	ssyncadd.s32 $0xFFFFE0C0  }
0x183: {  	_ =	swait.ge [sflag:s31], $0x1F40  }
0x184: {  	[sflag:s31] =	ssyncset.done $0x0  }
0x185: {  	s13 =	sor.u32 $0x300, s9;
	[sflag:s31] =	ssyncadd.s32 $0xFFFFE0C0  }
0x186: {  	[tilespmem:s24], [sflag:$0x3] =	stream.indirect.gather [hbm4b:s4+s19], $0x40, s13, s19, $0xb8;
	[tilespmem:$0x15940] =	vst v63  }
0x187: {  	s11 =	sor.u32 $0x2280, s9  }
0x188: {  	[spmem:s1] =	stream.indirect.scatter.add.f32 [tilespmem:s22], [sflag:$0x6], $0x40, s11, s19, $0xb8;
	[tilespmem:$0x15940] =	vst v63  }
0x189: {  	_ =	swait.ge [sflag:s25], $0x1F40  }
0x18a: {  	[sflag:s25] =	ssyncset.done $0x0  }
0x18b: {  	[sflag:s25] =	ssyncadd.s32 $0xFFFFE0C0  }
0x18c: {  	_ =	swait.ge [sflag:s0], $0x1F40  }
0x18d: {  	[sflag:s0] =	ssyncset.done $0x0  }
0x18e: {  	s12 =	sor.u32 $0x380, s9;
	[sflag:s0] =	ssyncadd.s32 $0xFFFFE0C0  }
0x18f: {  	[tilespmem:s26], [sflag:$0x4] =	stream.indirect.gather [hbm4b:s4+s19], $0x40, s12, s19, $0xb8;
	[tilespmem:$0x15940] =	vst v63  }
0x190: {  	s13 =	sor.u32 $0x2300, s9  }
0x191: {  	[spmem:s1] =	stream.indirect.scatter.add.f32 [tilespmem:s24], [sflag:$0x7], $0x40, s13, s19, $0xb8;
	[tilespmem:$0x15940] =	vst v63  }
0x192: {  	_ =	swait.ge [sflag:s28], $0x1F40  }
0x193: {  	[sflag:s28] =	ssyncset.done $0x0  }
0x194: {  	[sflag:s28] =	ssyncadd.s32 $0xFFFFE0C0  }
0x195: {  	_ =	swait.ge [sflag:s29], $0x1F40  }
0x196: {  	[sflag:s29] =	ssyncset.done $0x0  }
0x197: {  	s11 =	sor.u32 $0x400, s9;
	[sflag:s29] =	ssyncadd.s32 $0xFFFFE0C0  }
0x198: {  	[tilespmem:s20], [sflag:$0x1] =	stream.indirect.gather [hbm4b:s4+s19], $0x40, s11, s19, $0xb8;
	[tilespmem:$0x15940] =	vst v63  }
0x199: {  	s12 =	sor.u32 $0x2380, s9  }
0x19a: {  	[spmem:s1] =	stream.indirect.scatter.add.f32 [tilespmem:s26], [sflag:$0x8], $0x40, s12, s19, $0xb8;
	[tilespmem:$0x15940] =	vst v63  }
0x19b: {  	_ =	swait.ge [sflag:s21], $0x1F40  }
0x19c: {  	[sflag:s21] =	ssyncset.done $0x0  }
0x19d: {  	[sflag:s21] =	ssyncadd.s32 $0xFFFFE0C0  }
0x19e: {  	_ =	swait.ge [sflag:s30], $0x1F40  }
0x19f: {  	[sflag:s30] =	ssyncset.done $0x0  }
0x1a0: {  	s13 =	sor.u32 $0x480, s9;
	[sflag:s30] =	ssyncadd.s32 $0xFFFFE0C0  }
0x1a1: {  	[tilespmem:s22], [sflag:$0x2] =	stream.indirect.gather [hbm4b:s4+s19], $0x40, s13, s19, $0xb8;
	[tilespmem:$0x15940] =	vst v63  }
0x1a2: {  	s11 =	sor.u32 $0x2400, s9  }
0x1a3: {  	[spmem:s1] =	stream.indirect.scatter.add.f32 [tilespmem:s20], [sflag:$0x5], $0x40, s11, s19, $0xb8;
	[tilespmem:$0x15940] =	vst v63  }
0x1a4: {  	_ =	swait.ge [sflag:s23], $0x1F40  }
0x1a5: {  	[sflag:s23] =	ssyncset.done $0x0  }
0x1a6: {  	[sflag:s23] =	ssyncadd.s32 $0xFFFFE0C0  }
0x1a7: {  	_ =	swait.ge [sflag:s31], $0x1F40  }
0x1a8: {  	[sflag:s31] =	ssyncset.done $0x0  }
0x1a9: {  	s12 =	sor.u32 $0x500, s9;
	[sflag:s31] =	ssyncadd.s32 $0xFFFFE0C0  }
0x1aa: {  	[tilespmem:s24], [sflag:$0x3] =	stream.indirect.gather [hbm4b:s4+s19], $0x40, s12, s19, $0xb8;
	[tilespmem:$0x15940] =	vst v63  }
0x1ab: {  	s13 =	sor.u32 $0x2480, s9  }
0x1ac: {  	[spmem:s1] =	stream.indirect.scatter.add.f32 [tilespmem:s22], [sflag:$0x6], $0x40, s13, s19, $0xb8;
	[tilespmem:$0x15940] =	vst v63  }
0x1ad: {  	_ =	swait.ge [sflag:s25], $0x1F40  }
0x1ae: {  	[sflag:s25] =	ssyncset.done $0x0  }
0x1af: {  	[sflag:s25] =	ssyncadd.s32 $0xFFFFE0C0  }
0x1b0: {  	_ =	swait.ge [sflag:s0], $0x1F40  }
0x1b1: {  	[sflag:s0] =	ssyncset.done $0x0  }
0x1b2: {  	s11 =	sor.u32 $0x580, s9;
	[sflag:s0] =	ssyncadd.s32 $0xFFFFE0C0  }
0x1b3: {  	[tilespmem:s26], [sflag:$0x4] =	stream.indirect.gather [hbm4b:s4+s19], $0x40, s11, s19, $0xb8;
	[tilespmem:$0x15940] =	vst v63  }
0x1b4: {  	s12 =	sor.u32 $0x2500, s9  }
0x1b5: {  	[spmem:s1] =	stream.indirect.scatter.add.f32 [tilespmem:s24], [sflag:$0x7], $0x40, s12, s19, $0xb8;
	[tilespmem:$0x15940] =	vst v63  }
0x1b6: {  	_ =	swait.ge [sflag:s28], $0x1F40  }
0x1b7: {  	[sflag:s28] =	ssyncset.done $0x0  }
0x1b8: {  	[sflag:s28] =	ssyncadd.s32 $0xFFFFE0C0  }
0x1b9: {  	_ =	swait.ge [sflag:s29], $0x1F40  }
0x1ba: {  	[sflag:s29] =	ssyncset.done $0x0  }
0x1bb: {  	s13 =	sor.u32 $0x600, s9;
	[sflag:s29] =	ssyncadd.s32 $0xFFFFE0C0  }
0x1bc: {  	[tilespmem:s20], [sflag:$0x1] =	stream.indirect.gather [hbm4b:s4+s19], $0x40, s13, s19, $0xb8;
	[tilespmem:$0x15940] =	vst v63  }
0x1bd: {  	s11 =	sor.u32 $0x2580, s9  }
0x1be: {  	[spmem:s1] =	stream.indirect.scatter.add.f32 [tilespmem:s26], [sflag:$0x8], $0x40, s11, s19, $0xb8;
	[tilespmem:$0x15940] =	vst v63  }
0x1bf: {  	_ =	swait.ge [sflag:s21], $0x1F40  }
0x1c0: {  	[sflag:s21] =	ssyncset.done $0x0  }
0x1c1: {  	[sflag:s21] =	ssyncadd.s32 $0xFFFFE0C0  }
0x1c2: {  	_ =	swait.ge [sflag:s30], $0x1F40  }
0x1c3: {  	[sflag:s30] =	ssyncset.done $0x0  }
0x1c4: {  	s12 =	sor.u32 $0x680, s9;
	[sflag:s30] =	ssyncadd.s32 $0xFFFFE0C0  }
0x1c5: {  	[tilespmem:s22], [sflag:$0x2] =	stream.indirect.gather [hbm4b:s4+s19], $0x40, s12, s19, $0xb8;
	[tilespmem:$0x15940] =	vst v63  }
0x1c6: {  	s13 =	sor.u32 $0x2600, s9  }
0x1c7: {  	[spmem:s1] =	stream.indirect.scatter.add.f32 [tilespmem:s20], [sflag:$0x5], $0x40, s13, s19, $0xb8;
	[tilespmem:$0x15940] =	vst v63  }
0x1c8: {  	_ =	swait.ge [sflag:s23], $0x1F40  }
0x1c9: {  	[sflag:s23] =	ssyncset.done $0x0  }
0x1ca: {  	[sflag:s23] =	ssyncadd.s32 $0xFFFFE0C0  }
0x1cb: {  	_ =	swait.ge [sflag:s31], $0x1F40  }
0x1cc: {  	[sflag:s31] =	ssyncset.done $0x0  }
0x1cd: {  	s11 =	sor.u32 $0x700, s9;
	[sflag:s31] =	ssyncadd.s32 $0xFFFFE0C0  }
0x1ce: {  	[tilespmem:s24], [sflag:$0x3] =	stream.indirect.gather [hbm4b:s4+s19], $0x40, s11, s19, $0xb8;
	[tilespmem:$0x15940] =	vst v63  }
0x1cf: {  	s12 =	sor.u32 $0x2680, s9  }
0x1d0: {  	[spmem:s1] =	stream.indirect.scatter.add.f32 [tilespmem:s22], [sflag:$0x6], $0x40, s12, s19, $0xb8;
	[tilespmem:$0x15940] =	vst v63  }
0x1d1: {  	_ =	swait.ge [sflag:s25], $0x1F40  }
0x1d2: {  	[sflag:s25] =	ssyncset.done $0x0  }
0x1d3: {  	[sflag:s25] =	ssyncadd.s32 $0xFFFFE0C0  }
0x1d4: {  	_ =	swait.ge [sflag:s0], $0x1F40  }
0x1d5: {  	[sflag:s0] =	ssyncset.done $0x0  }
0x1d6: {  	s13 =	sor.u32 $0x780, s9;
	[sflag:s0] =	ssyncadd.s32 $0xFFFFE0C0  }
0x1d7: {  	[tilespmem:s26], [sflag:$0x4] =	stream.indirect.gather [hbm4b:s4+s19], $0x40, s13, s19, $0xb8;
	[tilespmem:$0x15940] =	vst v63  }
0x1d8: {  	s11 =	sor.u32 $0x2700, s9  }
0x1d9: {  	[spmem:s1] =	stream.indirect.scatter.add.f32 [tilespmem:s24], [sflag:$0x7], $0x40, s11, s19, $0xb8;
	[tilespmem:$0x15940] =	vst v63  }
0x1da: {  	_ =	swait.ge [sflag:s28], $0x1F40  }
0x1db: {  	[sflag:s28] =	ssyncset.done $0x0  }
0x1dc: {  	[sflag:s28] =	ssyncadd.s32 $0xFFFFE0C0  }
0x1dd: {  	_ =	swait.ge [sflag:s29], $0x1F40  }
0x1de: {  	[sflag:s29] =	ssyncset.done $0x0  }
0x1df: {  	s12 =	sor.u32 $0x800, s9;
	[sflag:s29] =	ssyncadd.s32 $0xFFFFE0C0  }
0x1e0: {  	[tilespmem:s20], [sflag:$0x1] =	stream.indirect.gather [hbm4b:s4+s19], $0x40, s12, s19, $0xb8;
	[tilespmem:$0x15940] =	vst v63  }
0x1e1: {  	s13 =	sor.u32 $0x2780, s9  }
0x1e2: {  	[spmem:s1] =	stream.indirect.scatter.add.f32 [tilespmem:s26], [sflag:$0x8], $0x40, s13, s19, $0xb8;
	[tilespmem:$0x15940] =	vst v63  }
0x1e3: {  	_ =	swait.ge [sflag:s21], $0x1F40  }
0x1e4: {  	[sflag:s21] =	ssyncset.done $0x0  }
0x1e5: {  	[sflag:s21] =	ssyncadd.s32 $0xFFFFE0C0  }
0x1e6: {  	_ =	swait.ge [sflag:s30], $0x1F40  }
0x1e7: {  	[sflag:s30] =	ssyncset.done $0x0  }
0x1e8: {  	s11 =	sor.u32 $0x880, s9;
	[sflag:s30] =	ssyncadd.s32 $0xFFFFE0C0  }
0x1e9: {  	[tilespmem:s22], [sflag:$0x2] =	stream.indirect.gather [hbm4b:s4+s19], $0x40, s11, s19, $0xb8;
	[tilespmem:$0x15940] =	vst v63  }
0x1ea: {  	s12 =	sor.u32 $0x2800, s9  }
0x1eb: {  	[spmem:s1] =	stream.indirect.scatter.add.f32 [tilespmem:s20], [sflag:$0x5], $0x40, s12, s19, $0xb8;
	[tilespmem:$0x15940] =	vst v63  }
0x1ec: {  	_ =	swait.ge [sflag:s23], $0x1F40  }
0x1ed: {  	[sflag:s23] =	ssyncset.done $0x0  }
0x1ee: {  	[sflag:s23] =	ssyncadd.s32 $0xFFFFE0C0  }
0x1ef: {  	_ =	swait.ge [sflag:s31], $0x1F40  }
0x1f0: {  	[sflag:s31] =	ssyncset.done $0x0  }
0x1f1: {  	s13 =	sor.u32 $0x900, s9;
	[sflag:s31] =	ssyncadd.s32 $0xFFFFE0C0  }
0x1f2: {  	[tilespmem:s24], [sflag:$0x3] =	stream.indirect.gather [hbm4b:s4+s19], $0x40, s13, s19, $0xb8;
	[tilespmem:$0x15940] =	vst v63  }
0x1f3: {  	s11 =	sor.u32 $0x2880, s9  }
0x1f4: {  	[spmem:s1] =	stream.indirect.scatter.add.f32 [tilespmem:s22], [sflag:$0x6], $0x40, s11, s19, $0xb8;
	[tilespmem:$0x15940] =	vst v63  }
0x1f5: {  	_ =	swait.ge [sflag:s25], $0x1F40  }
0x1f6: {  	[sflag:s25] =	ssyncset.done $0x0  }
0x1f7: {  	[sflag:s25] =	ssyncadd.s32 $0xFFFFE0C0  }
0x1f8: {  	_ =	swait.ge [sflag:s0], $0x1F40  }
0x1f9: {  	[sflag:s0] =	ssyncset.done $0x0  }
0x1fa: {  	s12 =	sor.u32 $0x980, s9;
	[sflag:s0] =	ssyncadd.s32 $0xFFFFE0C0  }
0x1fb: {  	[tilespmem:s26], [sflag:$0x4] =	stream.indirect.gather [hbm4b:s4+s19], $0x40, s12, s19, $0xb8;
	[tilespmem:$0x15940] =	vst v63  }
0x1fc: {  	s13 =	sor.u32 $0x2900, s9  }
0x1fd: {  	[spmem:s1] =	stream.indirect.scatter.add.f32 [tilespmem:s24], [sflag:$0x7], $0x40, s13, s19, $0xb8;
	[tilespmem:$0x15940] =	vst v63  }
0x1fe: {  	_ =	swait.ge [sflag:s28], $0x1F40  }
0x1ff: {  	[sflag:s28] =	ssyncset.done $0x0  }
0x200: {  	[sflag:s28] =	ssyncadd.s32 $0xFFFFE0C0  }
0x201: {  	_ =	swait.ge [sflag:s29], $0x1F40  }
0x202: {  	[sflag:s29] =	ssyncset.done $0x0  }
0x203: {  	s11 =	sor.u32 $0xA00, s9;
	[sflag:s29] =	ssyncadd.s32 $0xFFFFE0C0  }
0x204: {  	[tilespmem:s20], [sflag:$0x1] =	stream.indirect.gather [hbm4b:s4+s19], $0x40, s11, s19, $0xb8;
	[tilespmem:$0x15940] =	vst v63  }
0x205: {  	s12 =	sor.u32 $0x2980, s9  }
0x206: {  	[spmem:s1] =	stream.indirect.scatter.add.f32 [tilespmem:s26], [sflag:$0x8], $0x40, s12, s19, $0xb8;
	[tilespmem:$0x15940] =	vst v63  }
0x207: {  	_ =	swait.ge [sflag:s21], $0x1F40  }
0x208: {  	[sflag:s21] =	ssyncset.done $0x0  }
0x209: {  	[sflag:s21] =	ssyncadd.s32 $0xFFFFE0C0  }
0x20a: {  	_ =	swait.ge [sflag:s30], $0x1F40  }
0x20b: {  	[sflag:s30] =	ssyncset.done $0x0  }
0x20c: {  	s13 =	sor.u32 $0xA80, s9;
	[sflag:s30] =	ssyncadd.s32 $0xFFFFE0C0  }
0x20d: {  	[tilespmem:s22], [sflag:$0x2] =	stream.indirect.gather [hbm4b:s4+s19], $0x40, s13, s19, $0xb8;
	[tilespmem:$0x15940] =	vst v63  }
0x20e: {  	s11 =	sor.u32 $0x2A00, s9  }
0x20f: {  	[spmem:s1] =	stream.indirect.scatter.add.f32 [tilespmem:s20], [sflag:$0x5], $0x40, s11, s19, $0xb8;
	[tilespmem:$0x15940] =	vst v63  }
0x210: {  	_ =	swait.ge [sflag:s23], $0x1F40  }
0x211: {  	[sflag:s23] =	ssyncset.done $0x0  }
0x212: {  	[sflag:s23] =	ssyncadd.s32 $0xFFFFE0C0  }
0x213: {  	_ =	swait.ge [sflag:s31], $0x1F40  }
0x214: {  	[sflag:s31] =	ssyncset.done $0x0  }
0x215: {  	s12 =	sor.u32 $0xB00, s9;
	[sflag:s31] =	ssyncadd.s32 $0xFFFFE0C0  }
0x216: {  	[tilespmem:s24], [sflag:$0x3] =	stream.indirect.gather [hbm4b:s4+s19], $0x40, s12, s19, $0xb8;
	[tilespmem:$0x15940] =	vst v63  }
0x217: {  	s13 =	sor.u32 $0x2A80, s9  }
0x218: {  	[spmem:s1] =	stream.indirect.scatter.add.f32 [tilespmem:s22], [sflag:$0x6], $0x40, s13, s19, $0xb8;
	[tilespmem:$0x15940] =	vst v63  }
0x219: {  	_ =	swait.ge [sflag:s25], $0x1F40  }
0x21a: {  	[sflag:s25] =	ssyncset.done $0x0  }
0x21b: {  	[sflag:s25] =	ssyncadd.s32 $0xFFFFE0C0  }
0x21c: {  	_ =	swait.ge [sflag:s0], $0x1F40  }
0x21d: {  	[sflag:s0] =	ssyncset.done $0x0  }
0x21e: {  	s11 =	sor.u32 $0xB80, s9;
	[sflag:s0] =	ssyncadd.s32 $0xFFFFE0C0  }
0x21f: {  	[tilespmem:s26], [sflag:$0x4] =	stream.indirect.gather [hbm4b:s4+s19], $0x40, s11, s19, $0xb8;
	[tilespmem:$0x15940] =	vst v63  }
0x220: {  	s12 =	sor.u32 $0x2B00, s9  }
0x221: {  	[spmem:s1] =	stream.indirect.scatter.add.f32 [tilespmem:s24], [sflag:$0x7], $0x40, s12, s19, $0xb8;
	[tilespmem:$0x15940] =	vst v63  }
0x222: {  	_ =	swait.ge [sflag:s28], $0x1F40  }
0x223: {  	[sflag:s28] =	ssyncset.done $0x0  }
0x224: {  	[sflag:s28] =	ssyncadd.s32 $0xFFFFE0C0  }
0x225: {  	_ =	swait.ge [sflag:s29], $0x1F40  }
0x226: {  	[sflag:s29] =	ssyncset.done $0x0  }
0x227: {  	s13 =	sor.u32 $0xC00, s9;
	[sflag:s29] =	ssyncadd.s32 $0xFFFFE0C0  }
0x228: {  	[tilespmem:s20], [sflag:$0x1] =	stream.indirect.gather [hbm4b:s4+s19], $0x40, s13, s19, $0xb8;
	[tilespmem:$0x15940] =	vst v63  }
0x229: {  	s11 =	sor.u32 $0x2B80, s9  }
0x22a: {  	[spmem:s1] =	stream.indirect.scatter.add.f32 [tilespmem:s26], [sflag:$0x8], $0x40, s11, s19, $0xb8;
	[tilespmem:$0x15940] =	vst v63  }
0x22b: {  	_ =	swait.ge [sflag:s21], $0x1F40  }
0x22c: {  	[sflag:s21] =	ssyncset.done $0x0  }
0x22d: {  	[sflag:s21] =	ssyncadd.s32 $0xFFFFE0C0  }
0x22e: {  	_ =	swait.ge [sflag:s30], $0x1F40  }
0x22f: {  	[sflag:s30] =	ssyncset.done $0x0  }
0x230: {  	s12 =	sor.u32 $0xC80, s9;
	[sflag:s30] =	ssyncadd.s32 $0xFFFFE0C0  }
0x231: {  	[tilespmem:s22], [sflag:$0x2] =	stream.indirect.gather [hbm4b:s4+s19], $0x40, s12, s19, $0xb8;
	[tilespmem:$0x15940] =	vst v63  }
0x232: {  	s13 =	sor.u32 $0x2C00, s9  }
0x233: {  	[spmem:s1] =	stream.indirect.scatter.add.f32 [tilespmem:s20], [sflag:$0x5], $0x40, s13, s19, $0xb8;
	[tilespmem:$0x15940] =	vst v63  }
0x234: {  	_ =	swait.ge [sflag:s23], $0x1F40  }
0x235: {  	[sflag:s23] =	ssyncset.done $0x0  }
0x236: {  	[sflag:s23] =	ssyncadd.s32 $0xFFFFE0C0  }
0x237: {  	_ =	swait.ge [sflag:s31], $0x1F40  }
0x238: {  	[sflag:s31] =	ssyncset.done $0x0  }
0x239: {  	s11 =	sor.u32 $0xD00, s9;
	[sflag:s31] =	ssyncadd.s32 $0xFFFFE0C0  }
0x23a: {  	[tilespmem:s24], [sflag:$0x3] =	stream.indirect.gather [hbm4b:s4+s19], $0x40, s11, s19, $0xb8;
	[tilespmem:$0x15940] =	vst v63  }
0x23b: {  	s12 =	sor.u32 $0x2C80, s9  }
0x23c: {  	[spmem:s1] =	stream.indirect.scatter.add.f32 [tilespmem:s22], [sflag:$0x6], $0x40, s12, s19, $0xb8;
	[tilespmem:$0x15940] =	vst v63  }
0x23d: {  	_ =	swait.ge [sflag:s25], $0x1F40  }
0x23e: {  	[sflag:s25] =	ssyncset.done $0x0  }
0x23f: {  	[sflag:s25] =	ssyncadd.s32 $0xFFFFE0C0  }
0x240: {  	_ =	swait.ge [sflag:s0], $0x1F40  }
0x241: {  	[sflag:s0] =	ssyncset.done $0x0  }
0x242: {  	s13 =	sor.u32 $0xD80, s9;
	[sflag:s0] =	ssyncadd.s32 $0xFFFFE0C0  }
0x243: {  	[tilespmem:s26], [sflag:$0x4] =	stream.indirect.gather [hbm4b:s4+s19], $0x40, s13, s19, $0xb8;
	[tilespmem:$0x15940] =	vst v63  }
0x244: {  	s11 =	sor.u32 $0x2D00, s9  }
0x245: {  	[spmem:s1] =	stream.indirect.scatter.add.f32 [tilespmem:s24], [sflag:$0x7], $0x40, s11, s19, $0xb8;
	[tilespmem:$0x15940] =	vst v63  }
0x246: {  	_ =	swait.ge [sflag:s28], $0x1F40  }
0x247: {  	[sflag:s28] =	ssyncset.done $0x0  }
0x248: {  	[sflag:s28] =	ssyncadd.s32 $0xFFFFE0C0  }
0x249: {  	_ =	swait.ge [sflag:s29], $0x1F40  }
0x24a: {  	[sflag:s29] =	ssyncset.done $0x0  }
0x24b: {  	s12 =	sor.u32 $0xE00, s9;
	[sflag:s29] =	ssyncadd.s32 $0xFFFFE0C0  }
0x24c: {  	[tilespmem:s20], [sflag:$0x1] =	stream.indirect.gather [hbm4b:s4+s19], $0x40, s12, s19, $0xb8;
	[tilespmem:$0x15940] =	vst v63  }
0x24d: {  	s13 =	sor.u32 $0x2D80, s9  }
0x24e: {  	[spmem:s1] =	stream.indirect.scatter.add.f32 [tilespmem:s26], [sflag:$0x8], $0x40, s13, s19, $0xb8;
	[tilespmem:$0x15940] =	vst v63  }
0x24f: {  	_ =	swait.ge [sflag:s21], $0x1F40  }
0x250: {  	[sflag:s21] =	ssyncset.done $0x0  }
0x251: {  	[sflag:s21] =	ssyncadd.s32 $0xFFFFE0C0  }
0x252: {  	_ =	swait.ge [sflag:s30], $0x1F40  }
0x253: {  	[sflag:s30] =	ssyncset.done $0x0  }
0x254: {  	s11 =	sor.u32 $0xE80, s9;
	[sflag:s30] =	ssyncadd.s32 $0xFFFFE0C0  }
0x255: {  	[tilespmem:s22], [sflag:$0x2] =	stream.indirect.gather [hbm4b:s4+s19], $0x40, s11, s19, $0xb8;
	[tilespmem:$0x15940] =	vst v63  }
0x256: {  	s12 =	sor.u32 $0x2E00, s9  }
0x257: {  	[spmem:s1] =	stream.indirect.scatter.add.f32 [tilespmem:s20], [sflag:$0x5], $0x40, s12, s19, $0xb8;
	[tilespmem:$0x15940] =	vst v63  }
0x258: {  	_ =	swait.ge [sflag:s23], $0x1F40  }
0x259: {  	[sflag:s23] =	ssyncset.done $0x0  }
0x25a: {  	[sflag:s23] =	ssyncadd.s32 $0xFFFFE0C0  }
0x25b: {  	_ =	swait.ge [sflag:s31], $0x1F40  }
0x25c: {  	[sflag:s31] =	ssyncset.done $0x0  }
0x25d: {  	s13 =	sor.u32 $0xF00, s9;
	[sflag:s31] =	ssyncadd.s32 $0xFFFFE0C0  }
0x25e: {  	[tilespmem:s24], [sflag:$0x3] =	stream.indirect.gather [hbm4b:s4+s19], $0x40, s13, s19, $0xb8;
	[tilespmem:$0x15940] =	vst v63  }
0x25f: {  	s11 =	sor.u32 $0x2E80, s9  }
0x260: {  	[spmem:s1] =	stream.indirect.scatter.add.f32 [tilespmem:s22], [sflag:$0x6], $0x40, s11, s19, $0xb8;
	[tilespmem:$0x15940] =	vst v63  }
0x261: {  	_ =	swait.ge [sflag:s25], $0x1F40  }
0x262: {  	[sflag:s25] =	ssyncset.done $0x0  }
0x263: {  	[sflag:s25] =	ssyncadd.s32 $0xFFFFE0C0  }
0x264: {  	_ =	swait.ge [sflag:s0], $0x1F40  }
0x265: {  	[sflag:s0] =	ssyncset.done $0x0  }
0x266: {  	s12 =	sor.u32 $0xF80, s9;
	[sflag:s0] =	ssyncadd.s32 $0xFFFFE0C0  }
0x267: {  	[tilespmem:s26], [sflag:$0x4] =	stream.indirect.gather [hbm4b:s4+s19], $0x40, s12, s19, $0xb8;
	[tilespmem:$0x15940] =	vst v63  }
0x268: {  	s13 =	sor.u32 $0x2F00, s9  }
0x269: {  	[spmem:s1] =	stream.indirect.scatter.add.f32 [tilespmem:s24], [sflag:$0x7], $0x40, s13, s19, $0xb8;
	[tilespmem:$0x15940] =	vst v63  }
0x26a: {  	_ =	swait.ge [sflag:s28], $0x1F40  }
0x26b: {  	[sflag:s28] =	ssyncset.done $0x0  }
0x26c: {  	s9 =	sor.u32 $0x2F80, s9;
	[sflag:s28] =	ssyncadd.s32 $0xFFFFE0C0  }
0x26d: {  	[spmem:s1] =	stream.indirect.scatter.add.f32 [tilespmem:s26], [sflag:$0x8], $0x40, s9, s19, $0xb8;
	[tilespmem:$0x15940] =	vst v63  }
0x26e: {  	_ =	swait.ge [sflag:s29], $0x1F40  }
0x26f: {  	[sflag:s29] =	ssyncset.done $0x0  }
0x270: {  	[sflag:s29] =	ssyncadd.s32 $0xFFFFE0C0  }
0x271: {  	_ =	swait.ge [sflag:s30], $0x1F40  }
0x272: {  	s17 =	sadd.s32 $0x1000, s17;
	[sflag:s30] =	ssyncset.done $0x0  }
0x273: {  	p1 =	sne.s32 s17, $0x5000;
	[sflag:s30] =	ssyncadd.s32 $0xFFFFE0C0  }
.Ltmp0:
0x274: {  	_ =	swait.ge [sflag:s31], $0x1F40;
	(pc) =	sbr.rel @p1 .LBB2_2-.Ltmp0, $4  }
0x275: {  	[sflag:s31] =	ssyncset.done $0x0  }
0x276: {  	[sflag:s31] =	ssyncadd.s32 $0xFFFFE0C0  }
0x277: {  	_ =	swait.ge [sflag:s0], $0x1F40  }
0x278: {  	[sflag:s0] =	ssyncset.done $0x0  }
0x279: {  	[sflag:s0] =	ssyncadd.s32 $0xFFFFE0C0  }
0x27a: {  	[bflag:$0x0] =	sbarrier.arrive $0xFFFF  }
0x27b: {  	s9 =	rddreg [dreg:$0x6]  }
0x27c: {  	[hbm:s9], [sflag:s8] =	dma.local [spmem:s14], $0x1380  }
0x27d: {  	_ =	swait.ge [sflag:s15], $0x1380  }
0x27e: {  	[sflag:s15] =	ssyncset.done $0x0  }
0x27f: {  	s9 =	rddreg [dreg:$0x7];
	[sflag:s15] =	ssyncadd.s32 $0xFFFFEC80  }
0x280: {  	[hbm:s9], [sflag:s8] =	dma.local @!p0 [spmem:s16], $0x80  }
0x281: {  	s9 =	simm.s32 @!p0 $0xA  }
0x282: {  	_ =	swait.ge @!p0 [sflag:s9], $0x80  }
0x283: {  	s3 =	sadd.s32 $0x1, s3;
	s10 =	rddreg [dreg:$0x8]  }
0x284: {  	p1 =	sne.s32 s3, s10  }
.Ltmp1:
0x285: {  	_ = 	snop;
	(pc) =	sbr.rel @p1 .LBB2_1-.Ltmp1, $3  }
0x286: {  	_ =	sdelay $0x1  }
0x287: {  	[sflag:s9] =	ssyncset.done @!p0 $0x0  }
0x288: {  	[sflag:s9] =	ssyncadd.s32 @!p0 $0xFFFFFF80  }
0x289: {  	_ =	sfence.sel $0x180000  }
0x28a: {  	[bflag:$0x0] =	sbarrier.arrive $0xFFFF  }
0x28b: {  	_ =	strace $0x9000004A  }
0x28c: {  	s0 =	stileid.u32;
	[bflag:$0x2] =	sbarrier.arrive $0xFFFF  }
0x28d: {  	p0 =	sne.s32 s0, $0x0;
	s0 =	rddreg [dreg:$0x2]  }
0x28e: {  	s0 =	sadd.s32 @!p0 $0x100000, s0  }
0x28f: {  	[sflag:s0] =	ssyncadd.tile.s32 @!p0 $0x1;
	_ =	shalt  }
.Lfunc_end2:
_tile_overlayer_lowered:
.L_overlay_start_2:
0x290: {  	(tag) =	ssettag $0x2  }
0x291: {  	s0 =	rddreg [dreg:$0x0];
	s2 =	stileid.u32  }
0x292: {  	s1 =	rddreg [dreg:$0x1];
	p0 =	sne.s32 s2, $0x0  }
0x293: {  	s3 =	rddreg [dreg:$0x2];
	[bflag:$0x3] =	sbarrier.arrive $0xFFFF;
	s2 =	simm.s32 @!p0 $0x1C0A  }
0x294: {  	[timem:s3], [sflag:s2] =	dma.local @!p0 [hbm:s0], s1  }
0x295: {  	s0 =	simm.s32 @!p0 $0xA  }
0x296: {  	_ =	swait.ge @!p0 [sflag:s0], s1  }
0x297: {  	s1 =	ssub.s32 @!p0 $0x0, s1;
	[sflag:s0] =	ssyncset.done @!p0 $0x0  }
0x298: {  	[sflag:s0] =	ssyncadd.s32 @!p0 s1  }
0x299: {  	[bflag:$0x3] =	sbarrier.arrive $0xFFFF  }
0x29a: {  	_ =	shalt  }

// kernel: kernel.9.cloned.1.call-start
scs
__scs_entry_jumppad:
0x0: {  	(pc) =	sbr.rel $0x88, $3  }
0x1: {  	(tag) =	ssettag $0x0;
	lr =	simm.s32 $0x1  }
0x2: {  	[smem:$0x3F87] =	sst lr;
	_ =	strace $0xD0000000  }
0x3: {  	_ = 	snop  }
0x4: {  	_ = 	snop  }
0x5: {  	_ = 	snop  }
0x6: {  	_ = 	snop  }
0x7: {  	_ = 	snop  }
__scs_overlays_trampoline_lowered:
0x8: {  	[smem:$0x3F96] =	sst s0  }
0x9: {  	[smem:$0x3F97] =	sst s1  }
0xa: {  	[smem:$0x3F98] =	sst s2  }
0xb: {  	[smem:$0x3F99] =	sst s3  }
0xc: {  	[smem:$0x3F9A] =	sst s4  }
0xd: {  	[smem:$0x3F9B] =	sst s5  }
0xe: {  	[smem:$0x3F9C] =	sst s6  }
0xf: {  	[smem:$0x3F9D] =	sst s7  }
0x10: {  	[smem:$0x3F9E] =	sst s8  }
0x11: {  	[smem:$0x3F9F] =	sst s9;
	s0 =	simm.s32 @!p0 $0x0  }
0x12: {  	s1 =	sld [smem:$0x3F85];
	s0 =	simm.s32 @p0 $0x1  }
0x13: {  	[smem:$0x3FA0] =	sst s0;
	s0 =	simm.s32 @!p1 $0x0  }
0x14: {  	s2 =	sld [smem:$0x3F84];
	s0 =	simm.s32 @p1 $0x1  }
0x15: {  	[smem:$0x3FA1] =	sst s0;
	s0 =	simm.s32 @!p2 $0x0  }
0x16: {  	s3 =	sld [smem:$0x3FDB];
	s0 =	simm.s32 @p2 $0x1  }
0x17: {  	s4 =	simm.s32 $0x1BF5;
	[smem:$0x3FA3] =	sst s0  }
0x18: {  	s0 =	sld [smem:$0x3F86];
	_ =	swait.ge [sflag:s4], $0x0  }
0x19: {  	s7 =	sld [smem:$0x3F87]  }
0x1a: {  	s8 =	sadd.s32 $0xFFFFE003, lr  }
0x1b: {  	s9 =	sadd.s32 $0xFFFFFEF7, lr;
	s5 =	simm.s32 $0xFFFFFFFF;
	p2 =	slt.u32 s8, $0xFFFFF086  }
0x1c: {  	p1 =	slt.u32 s9, $0xF7A;
	s5 =	simm.s32 @!p2 $0x0  }
0x1d: {  	s5 =	simm.s32 @p1 $0x1;
	p0 =	seq.s32 s7, s2  }
0x1e: {  	s7 =	smul.u32 @!p0 $0xF7A, s2;
	p2 =	seq.s32 @!p0 s5, $0x0  }
0x1f: {  	s9 =	smul.u32 $0xF7A, s1;
	s8 =	simm.s32 @!p0 $0x1BF5;
	p2 =	por !p2, p0  }
0x20: {  	[sflag:s8] =	ssyncset.s32 @!p0 $0xFFFFF086;
	s6 =	sadd.s32 @!p0 s3, s7;
	s7 =	simm.s32 @!p0 $0x108  }
0x21: {  	s3 =	sadd.s32 s3, s9;
	s6 =	sadd.s32 @!p0 $0x88, s6;
	s7 =	simm.s32 @p2 $0x1082  }
0x22: {  	[simem:s7], [sflag:s8] =	dma.local @!p0 [hbm:s6], $0xF7A  }
0x23: {  	s9 =	sor.u32 $0xD0000000, s2;
	s6 =	simm.s32 $0x108;
	_ =	swait.ge @!p0 [sflag:s8], $0x0  }
0x24: {  	s3 =	sadd.s32 $0x88, s3;
	s6 =	simm.s32 @!p1 $0x1082;
	[sflag:s4] =	ssyncset.s32 $0xFFFFF086  }
0x25: {  	[simem:s6], [sflag:s4] =	dma.local [hbm:s3], $0xF7A  }
0x26: {  	[smem:$0x3F87] =	sst s1;
	(tag) =	ssettag s2;
	_ =	strace s9  }
0x27: {  	s1 =	sld [smem:$0x3F97]  }
0x28: {  	s2 =	sld [smem:$0x3F98]  }
0x29: {  	s4 =	sld [smem:$0x3F9A]  }
0x2a: {  	p0 =	seq.s32 s5, $0x0;
	s5 =	sld [smem:$0x3F9B]  }
0x2b: {  	s6 =	sld [smem:$0x3F9C]  }
0x2c: {  	s7 =	sld [smem:$0x3F9D]  }
0x2d: {  	s3 =	simm.s32 $0x108;
	s8 =	sld [smem:$0x3F9E]  }
0x2e: {  	s3 =	simm.s32 @!p0 $0x1082;
	s9 =	sld [smem:$0x3F9F]  }
0x2f: {  	lr =	sadd.s32 s0, s3;
	s0 =	sld [smem:$0x3F96]  }
0x30: {  	s3 =	sld [smem:$0x3F99]  }
0x31: {  	[smem:$0x3FA2] =	sst s10  }
0x32: {  	s10 =	sld [smem:$0x3FA0];
	_ =	sdelay $0x3  }
0x33: {  	p0 =	seq.s32 s10, $0x1;
	s10 =	sld [smem:$0x3FA2];
	_ =	sdelay $0x3  }
0x34: {  	[smem:$0x3FA2] =	sst s10  }
0x35: {  	s10 =	sld [smem:$0x3FA1];
	_ =	sdelay $0x3  }
0x36: {  	p1 =	seq.s32 s10, $0x1;
	s10 =	sld [smem:$0x3FA2];
	_ =	sdelay $0x3  }
0x37: {  	[smem:$0x3FA2] =	sst s10  }
0x38: {  	s10 =	sld [smem:$0x3FA3]  }
0x39: {  	_ = 	snop;
	(pc) =	sbr.ind lr, $3  }
0x3a: {  	_ = 	snop  }
0x3b: {  	_ = 	snop  }
0x3c: {  	p2 =	seq.s32 s10, $0x1;
	s10 =	sld [smem:$0x3FA2]  }
0x3d: {  	_ =	shalt  }
0x3e: {  	_ =	shalt  }
0x3f: {  	_ =	shalt  }
0x40: {  	_ =	shalt  }
0x41: {  	_ =	shalt  }
0x42: {  	_ =	shalt  }
0x43: {  	_ =	shalt  }
0x44: {  	_ =	shalt  }
0x45: {  	_ =	shalt  }
0x46: {  	_ =	shalt  }
0x47: {  	_ =	shalt  }
0x48: {  	_ =	shalt  }
0x49: {  	_ =	shalt  }
0x4a: {  	_ =	shalt  }
0x4b: {  	_ =	shalt  }
0x4c: {  	_ =	shalt  }
0x4d: {  	_ =	shalt  }
0x4e: {  	_ =	shalt  }
0x4f: {  	_ =	shalt  }
0x50: {  	_ =	shalt  }
0x51: {  	_ =	shalt  }
0x52: {  	_ =	shalt  }
0x53: {  	_ =	shalt  }
0x54: {  	_ =	shalt  }
0x55: {  	_ =	shalt  }
0x56: {  	_ =	shalt  }
0x57: {  	_ =	shalt  }
0x58: {  	_ =	shalt  }
0x59: {  	_ =	shalt  }
0x5a: {  	_ =	shalt  }
0x5b: {  	_ =	shalt  }
0x5c: {  	_ =	shalt  }
0x5d: {  	_ =	shalt  }
0x5e: {  	_ =	shalt  }
0x5f: {  	_ =	shalt  }
0x60: {  	_ =	shalt  }
0x61: {  	_ =	shalt  }
0x62: {  	_ =	shalt  }
0x63: {  	_ =	shalt  }
0x64: {  	_ =	shalt  }
0x65: {  	_ =	shalt  }
0x66: {  	_ =	shalt  }
0x67: {  	_ =	shalt  }
0x68: {  	_ =	shalt  }
0x69: {  	_ =	shalt  }
0x6a: {  	_ =	shalt  }
0x6b: {  	_ =	shalt  }
0x6c: {  	_ =	shalt  }
0x6d: {  	_ =	shalt  }
0x6e: {  	_ =	shalt  }
0x6f: {  	_ =	shalt  }
0x70: {  	_ =	shalt  }
0x71: {  	_ =	shalt  }
0x72: {  	_ =	shalt  }
0x73: {  	_ =	shalt  }
0x74: {  	_ =	shalt  }
0x75: {  	_ =	shalt  }
0x76: {  	_ =	shalt  }
0x77: {  	_ =	shalt  }
0x78: {  	_ =	shalt  }
0x79: {  	_ =	shalt  }
0x7a: {  	_ =	shalt  }
0x7b: {  	_ =	shalt  }
0x7c: {  	_ =	shalt  }
0x7d: {  	_ =	shalt  }
0x7e: {  	_ =	shalt  }
0x7f: {  	_ =	shalt  }
0x80: {  	_ =	shalt  }
0x81: {  	_ =	shalt  }
0x82: {  	_ =	shalt  }
0x83: {  	_ =	shalt  }
0x84: {  	_ =	shalt  }
0x85: {  	_ =	shalt  }
0x86: {  	_ =	shalt  }
0x87: {  	_ =	shalt  }
.Lfunc_end0:
.L_simem_size_0:
called_computation_lowered:
.L_overlay_start_0:
0x88: {  	s2 =	sld [smem:$0x3FD9]  }
0x89: {  	s3 =	sld [smem:$0x3FFE];
	_ =	sdelay $0x1  }
0x8a: {  	s1 =	srdreg.scid  }
0x8b: {  	s0 =	sand.u32 $0x1, s1  }
0x8c: {  	s16 =	sshll.u32 s0, $0xA;
	s2 =	sadd.s32 s3, s2  }
0x8d: {  	s2 =	sadd.s32 s2, s16  }
0x8e: {  	[smem:$0x3FAE] =	sst s2  }
0x8f: {  	_ = 	snop  }
0x90: {  	(tm) =	ssettm $0x1  }
0x91: {  	s17 =	sld [smem:$0x3FFB];
	_ =	sdelay $0x3  }
0x92: {  	_ =	strace s17  }
0x93: {  	s2 =	sld [smem:$0x3FFC];
	_ =	sdelay $0x3  }
0x94: {  	_ =	strace s2  }
0x95: {  	s2 =	sld [smem:$0x3FFD];
	_ =	sdelay $0x3  }
0x96: {  	_ =	strace s2  }
0x97: {  	_ =	strace $0x8FFFFFFF  }
0x98: {  	s18 =	sld [smem:$0x3FDB];
	_ =	sdelay $0x1  }
0x99: {  	s19 =	simm.s32 $_scs_section_size  }
0x9a: {  	s4 =	simm.s32 $_size__tile_overlayer_lowered;
	s5 =	simm.s32 $_tile_overlayer_lowered  }
0x9b: {  	s22 =	simm.s32 $0x1BFF;
	s21 =	sshll.u32 s5, $0x1;
	s2 =	sadd.s32 s19, s18  }
0x9c: {  	s6 =	simm.s32 $0x0;
	s20 =	sshll.u32 s4, $0x1;
	s4 =	sadd.s32 s21, s2  }
0x9d: {  	[timem:s6], [sflag:s22] =	dma.local [hbm:s4], s20  }
0x9e: {  	_ =	swait.ge [sflag:s22], s20  }
0x9f: {  	s3 =	ssub.s32 $0x0, s20;
	[sflag:s22] =	ssyncset.done $0x0  }
0xa0: {  	[sflag:s22] =	ssyncadd.s32 s3;
	_ =	sdelay $0x1  }
0xa1: {  	s23 =	simm.s32 $0x1B8B  }
0xa2: {  	_ =	swait.ge [sflag:s23], $0x1  }
0xa3: {  	[sflag:s23] =	ssyncset.done $0x0  }
0xa4: {  	s25 =	simm.s32 $0x1B8E;
	s24 =	sld [smem:$0x3FFE];
	[sflag:s23] =	ssyncadd.s32 $0xFFFFFFFF  }
0xa5: {  	s26 =	simm.s32 $execute0_lowered;
	[smem:$0x3FD2] =	sst s25  }
0xa6: {  	s4 =	sshll.u32 s26, $0x1;
	_ =	strace $0x80000046;
	[dreg:$0x1] =	wrdreg $0xFFFFFFFF  }
0xa7: {  	s28 =	simm.s32 $_size_execute0_lowered;
	s2 =	sadd.s32 s2, s4;
	[dreg:$0x0] =	wrdreg $0x0  }
0xa8: {  	s4 =	sshll.u32 s28, $0x1;
	[dreg:$0x2] =	wrdreg s2  }
0xa9: {  	[dreg:$0x3] =	wrdreg s4  }
0xaa: {  	[dreg:$0x4] =	wrdreg $0xC0  }
0xab: {  	_ =	task [dreg:s6], $0x5FFFF  }
0xac: {  	[dreg:$0x1] =	wrdreg $0xFFFFFFFF  }
0xad: {  	[dreg:$0x0] =	wrdreg $0x60  }
0xae: {  	[dreg:$0x2] =	wrdreg s24  }
0xaf: {  	[dreg:$0x3] =	wrdreg $0xA0000  }
0xb0: {  	[dreg:$0x4] =	wrdreg $0x9  }
0xb1: {  	_ =	task.clear_ibuf [dreg:s6], $0x5FFFF;
	_ =	strace $0x90000046  }
0xb2: {  	s29 =	simm.s32 $0x9;
	_ =	strace $0x80000048  }
0xb3: {  	_ =	swait.ge [sflag:s29], $0x1  }
0xb4: {  	[sflag:s29] =	ssyncadd.s32 $0xFFFFFFFF  }
0xb5: {  	_ =	strace $0x90000048  }
0xb6: {  	_ =	sfence  }
0xb7: {  	s30 =	sld [smem:$0x0];
	_ =	sdelay $0x2  }
0xb8: {  	s31 =	sshll.u32 s1, $0xD;
	s1 =	sshrl.u32 s1, $0x2  }
0xb9: {  	s3 =	sand.u32 $0x4000, s31;
	s1 =	sadd.s32 s1, s30  }
0xba: {  	s0 =	sor.u32 s3, s0;
	s1 =	sshll.u32 s1, $0x11  }
0xbb: {  	s0 =	sor.u32 s1, s0  }
0xbc: {  	s0 =	sadd.s32 $0x8F2B, s0  }
0xbd: {  	[sflag:s0] =	ssyncadd.remote.s32 $0x1  }
0xbe: {  	_ =	sfence.sel $0xFFFF  }
0xbf: {  	[dreg:$0x0] =	wrdreg $0xFFFFFFFF;
	(pc) =	sbr.abs _section_cstart, $3  }
0xc0: {  	[dreg:$0x1] =	wrdreg $0xFFFFFFFF  }
0xc1: {  	_ =	task.clear_ibuf [dreg:s6], $0x2FFFF;
	_ =	strace $0x9FFFFFFF  }
0xc2: {  	(tm) =	ssettm $0x7FFFFFFF  }
0xc3: {  	_ =	shalt  }
tec
execute0_lowered:
.L_overlay_start_1:
0x0: {  	(tag) =	ssettag $0x1  }
0x1: {  	s6 =	rddreg [dreg:$0x0]  }
0x2: {  	s1 =	rddreg [dreg:$0x1];
	s2 =	simm.s32 $0x0;
	s7 =	srdreg.scid  }
0x3: {  	s0 =	stileid.u32;
	s19 =	simm.s32 $0x7D;
	s20 =	simm.s32 $0x2000  }
0x4: {  	s21 =	simm.s32 $0x1;
	s22 =	simm.s32 $0x6000;
	s23 =	simm.s32 $0x2  }
0x5: {  	[smem:$0x7FF] =	sst s2;
	s4 =	sadd.s32 $0x2E400, s6;
	s13 =	sadd.s32 $0x1A400, s6  }
0x6: {  	s12 =	sadd.s32 $0x6400, s6;
	s5 =	sadd.s32 $0x7C600, s6;
	s8 =	smul.u32 $0x4E000, s0  }
0x7: {  	s7 =	sand.u32 $0x1, s7;
	s10 =	sadd.s32 $0x7EE00, s6;
	s14 =	smul.u32 $0x5000, s0  }
0x8: {  	s15 =	smul.u32 $0x2700, s0;
	s25 =	sshll.u32 s0, $0x6;
	s18 =	sadd.s32 $0x138000, s1  }
0x9: {  	p0 =	sne.s32 s0, $0xF;
	_ =	strace $0x80000047;
	s9 =	smul.u32 $0x50000, s7  }
0xa: {  	s24 =	ssub.s32 $0x2, s7;
	s26 =	smul.u32 $0x27100, s7;
	s6 =	sor.u32 $0x1C06, s25  }
0xb: {  	s17 =	smul.u32 $0x138800, s7;
	s11 =	sshrl.u32 s24, $0x1;
	s8 =	sshrl.u32 s8, $0x2  }
0xc: {  	s25 =	simm.s32 $0x4;
	s11 =	ssub.s32 s24, s11;
	s16 =	sadd.s32 s8, s1  }
0xd: {  	s9 =	sadd.s32 s14, s9;
	s14 =	sadd.s32 s15, s26;
	s29 =	sshrl.u32 s17, $0x3  }
0xe: {  	s15 =	simm.s32 $0x6;
	s17 =	simm.s32 $0x1000;
	s24 =	simm.s32 $0x3  }
0xf: {  	s26 =	simm.s32 $0x0;
	s28 =	sshrl.u32 s9, $0x3;
	s30 =	sor.u32 $0x800, s9  }
0x10: {  	s9 =	sadd.s32 s10, s14;
	s10 =	sadd.s32 s10, s29;
	s11 =	smax.u32 s11, $0x1  }
0x11: {  	s14 =	sshrl.u32 s16, $0x3;
	s16 =	sshrl.u32 @!p0 s18, $0x3;
	s18 =	simm.s32 $0x5  }
0x12: {  	s7 =	sadd.s32 s13, s28;
	s8 =	sadd.s32 s12, s28;
	s31 =	sshrl.u32 s30, $0x3  }
0x13: {  	s10 =	sadd.s32 $0x27000, s10;
	s12 =	sadd.s32 s31, s12;
	s13 =	sadd.s32 s31, s13  }
.LBB2_1:
0x14: {  	[spmem:s14], [sflag:s6] =	dma.local [hbm:s5], $0x2700  }
0x15: {  	_ =	swait.ge [sflag:s15], $0x2700  }
0x16: {  	[sflag:s15] =	ssyncset.done $0x0  }
0x17: {  	s28 =	simm.s32 @!p0 $0x6;
	[sflag:s15] =	ssyncadd.s32 $0xFFFFD900  }
0x18: {  	[spmem:s16], [sflag:s6] =	dma.local @!p0 [hbm:s5], $0x100  }
0x19: {  	_ =	swait.ge @!p0 [sflag:s28], $0x100  }
0x1a: {  	[sflag:s28] =	ssyncset.done @!p0 $0x0  }
0x1b: {  	[sflag:s28] =	ssyncadd.s32 @!p0 $0xFFFFFF00  }
0x1c: {  	[bflag:$0x0] =	sbarrier.arrive $0xFFFF  }
0x1d: {  	[tilespmem:s2], [sflag:$0x5] =	stream.linear.gather [hbm4b:s7+s2], $0x800, $0x38;
	[tilespmem:$0x1D880] =	vst v63  }
0x1e: {  	_ = 	snop  }
0x1f: {  	[tilespmem:s17], [sflag:$0x5] =	stream.linear.gather [hbm4b:s8+s2], $0x800, $0x38;
	[tilespmem:$0x1D880] =	vst v63  }
0x20: {  	_ =	swait.ge [sflag:s18], $0x800  }
0x21: {  	[sflag:s18] =	ssyncset.done $0x0  }
0x22: {  	[sflag:s18] =	ssyncadd.s32 $0xFFFFF800  }
0x23: {  	p1 =	por $0x0, $0x0;
	_ =	swait.ge [sflag:s18], $0x800  }
0x24: {  	s28 =	sand.u32 @!p1 $0x800, s2;
	[sflag:s18] =	ssyncset.done $0x0  }
0x25: {  	s30 =	simm.s32 @!p1 $0x0;
	s29 =	sxor.u32 @!p1 $0x800, s28;
	[sflag:s18] =	ssyncadd.s32 $0xFFFFF800  }
0x26: {  	[tilespmem:s29], [sflag:$0x5] =	stream.linear.gather @!p1 [hbm4b:s13+s30], $0x800, $0x38;
	[tilespmem:$0x1D880] =	vst v63  }
0x27: {  	s29 =	sor.u32 @!p1 $0x1000, s29  }
0x28: {  	[tilespmem:s29], [sflag:$0x5] =	stream.linear.gather @!p1 [hbm4b:s12+s30], $0x800, $0x38;
	[tilespmem:$0x1D880] =	vst v63  }
0x29: {  	s28 =	simm.s32 @p1 $0x800  }
0x2a: {  	[tilespmem:s20], [sflag:$0x1] =	stream.indirect.gather [hbm4b:s4+s19], $0x80, s28, s19, $0xb8;
	[tilespmem:$0x1D880] =	vst v63  }
0x2b: {  	_ =	swait.ge [sflag:s21], $0x3E80  }
0x2c: {  	[sflag:s21] =	ssyncset.done $0x0  }
0x2d: {  	s29 =	sor.u32 $0x80, s28;
	[sflag:s21] =	ssyncadd.s32 $0xFFFFC180  }
0x2e: {  	[tilespmem:s22], [sflag:$0x2] =	stream.indirect.gather [hbm4b:s4+s19], $0x80, s29, s19, $0xb8;
	[tilespmem:$0x1D880] =	vst v63  }
0x2f: {  	s29 =	sor.u32 $0x1000, s28  }
0x30: {  	[spmem:s1] =	stream.indirect.scatter.add.f32 [tilespmem:s20], [sflag:$0x3], $0x80, s29, s19, $0xb8;
	[tilespmem:$0x1D880] =	vst v63  }
0x31: {  	_ =	swait.ge [sflag:s23], $0x3E80  }
0x32: {  	[sflag:s23] =	ssyncset.done $0x0  }
0x33: {  	[sflag:s23] =	ssyncadd.s32 $0xFFFFC180  }
0x34: {  	_ =	swait.ge [sflag:s24], $0x3E80  }
0x35: {  	[sflag:s24] =	ssyncset.done $0x0  }
0x36: {  	s29 =	sor.u32 $0x100, s28;
	[sflag:s24] =	ssyncadd.s32 $0xFFFFC180  }
0x37: {  	[tilespmem:s20], [sflag:$0x1] =	stream.indirect.gather [hbm4b:s4+s19], $0x80, s29, s19, $0xb8;
	[tilespmem:$0x1D880] =	vst v63  }
0x38: {  	s29 =	sor.u32 $0x1080, s28  }
0x39: {  	[spmem:s1] =	stream.indirect.scatter.add.f32 [tilespmem:s22], [sflag:$0x4], $0x80, s29, s19, $0xb8;
	[tilespmem:$0x1D880] =	vst v63  }
0x3a: {  	_ =	swait.ge [sflag:s21], $0x3E80  }
0x3b: {  	[sflag:s21] =	ssyncset.done $0x0  }
0x3c: {  	[sflag:s21] =	ssyncadd.s32 $0xFFFFC180  }
0x3d: {  	_ =	swait.ge [sflag:s25], $0x3E80  }
0x3e: {  	[sflag:s25] =	ssyncset.done $0x0  }
0x3f: {  	s29 =	sor.u32 $0x180, s28;
	[sflag:s25] =	ssyncadd.s32 $0xFFFFC180  }
0x40: {  	[tilespmem:s22], [sflag:$0x2] =	stream.indirect.gather [hbm4b:s4+s19], $0x80, s29, s19, $0xb8;
	[tilespmem:$0x1D880] =	vst v63  }
0x41: {  	s29 =	sor.u32 $0x1100, s28  }
0x42: {  	[spmem:s1] =	stream.indirect.scatter.add.f32 [tilespmem:s20], [sflag:$0x3], $0x80, s29, s19, $0xb8;
	[tilespmem:$0x1D880] =	vst v63  }
0x43: {  	_ =	swait.ge [sflag:s23], $0x3E80  }
0x44: {  	[sflag:s23] =	ssyncset.done $0x0  }
0x45: {  	[sflag:s23] =	ssyncadd.s32 $0xFFFFC180  }
0x46: {  	_ =	swait.ge [sflag:s24], $0x3E80  }
0x47: {  	[sflag:s24] =	ssyncset.done $0x0  }
0x48: {  	s29 =	sor.u32 $0x200, s28;
	[sflag:s24] =	ssyncadd.s32 $0xFFFFC180  }
0x49: {  	[tilespmem:s20], [sflag:$0x1] =	stream.indirect.gather [hbm4b:s4+s19], $0x80, s29, s19, $0xb8;
	[tilespmem:$0x1D880] =	vst v63  }
0x4a: {  	s29 =	sor.u32 $0x1180, s28  }
0x4b: {  	[spmem:s1] =	stream.indirect.scatter.add.f32 [tilespmem:s22], [sflag:$0x4], $0x80, s29, s19, $0xb8;
	[tilespmem:$0x1D880] =	vst v63  }
0x4c: {  	_ =	swait.ge [sflag:s21], $0x3E80  }
0x4d: {  	[sflag:s21] =	ssyncset.done $0x0  }
0x4e: {  	[sflag:s21] =	ssyncadd.s32 $0xFFFFC180  }
0x4f: {  	_ =	swait.ge [sflag:s25], $0x3E80  }
0x50: {  	[sflag:s25] =	ssyncset.done $0x0  }
0x51: {  	s29 =	sor.u32 $0x280, s28;
	[sflag:s25] =	ssyncadd.s32 $0xFFFFC180  }
0x52: {  	[tilespmem:s22], [sflag:$0x2] =	stream.indirect.gather [hbm4b:s4+s19], $0x80, s29, s19, $0xb8;
	[tilespmem:$0x1D880] =	vst v63  }
0x53: {  	s29 =	sor.u32 $0x1200, s28  }
0x54: {  	[spmem:s1] =	stream.indirect.scatter.add.f32 [tilespmem:s20], [sflag:$0x3], $0x80, s29, s19, $0xb8;
	[tilespmem:$0x1D880] =	vst v63  }
0x55: {  	_ =	swait.ge [sflag:s23], $0x3E80  }
0x56: {  	[sflag:s23] =	ssyncset.done $0x0  }
0x57: {  	[sflag:s23] =	ssyncadd.s32 $0xFFFFC180  }
0x58: {  	_ =	swait.ge [sflag:s24], $0x3E80  }
0x59: {  	[sflag:s24] =	ssyncset.done $0x0  }
0x5a: {  	s29 =	sor.u32 $0x300, s28;
	[sflag:s24] =	ssyncadd.s32 $0xFFFFC180  }
0x5b: {  	[tilespmem:s20], [sflag:$0x1] =	stream.indirect.gather [hbm4b:s4+s19], $0x80, s29, s19, $0xb8;
	[tilespmem:$0x1D880] =	vst v63  }
0x5c: {  	s29 =	sor.u32 $0x1280, s28  }
0x5d: {  	[spmem:s1] =	stream.indirect.scatter.add.f32 [tilespmem:s22], [sflag:$0x4], $0x80, s29, s19, $0xb8;
	[tilespmem:$0x1D880] =	vst v63  }
0x5e: {  	_ =	swait.ge [sflag:s21], $0x3E80  }
0x5f: {  	[sflag:s21] =	ssyncset.done $0x0  }
0x60: {  	[sflag:s21] =	ssyncadd.s32 $0xFFFFC180  }
0x61: {  	_ =	swait.ge [sflag:s25], $0x3E80  }
0x62: {  	[sflag:s25] =	ssyncset.done $0x0  }
0x63: {  	s29 =	sor.u32 $0x380, s28;
	[sflag:s25] =	ssyncadd.s32 $0xFFFFC180  }
0x64: {  	[tilespmem:s22], [sflag:$0x2] =	stream.indirect.gather [hbm4b:s4+s19], $0x80, s29, s19, $0xb8;
	[tilespmem:$0x1D880] =	vst v63  }
0x65: {  	s29 =	sor.u32 $0x1300, s28  }
0x66: {  	[spmem:s1] =	stream.indirect.scatter.add.f32 [tilespmem:s20], [sflag:$0x3], $0x80, s29, s19, $0xb8;
	[tilespmem:$0x1D880] =	vst v63  }
0x67: {  	_ =	swait.ge [sflag:s23], $0x3E80  }
0x68: {  	[sflag:s23] =	ssyncset.done $0x0  }
0x69: {  	[sflag:s23] =	ssyncadd.s32 $0xFFFFC180  }
0x6a: {  	_ =	swait.ge [sflag:s24], $0x3E80  }
0x6b: {  	[sflag:s24] =	ssyncset.done $0x0  }
0x6c: {  	s29 =	sor.u32 $0x400, s28;
	[sflag:s24] =	ssyncadd.s32 $0xFFFFC180  }
0x6d: {  	[tilespmem:s20], [sflag:$0x1] =	stream.indirect.gather [hbm4b:s4+s19], $0x80, s29, s19, $0xb8;
	[tilespmem:$0x1D880] =	vst v63  }
0x6e: {  	s29 =	sor.u32 $0x1380, s28  }
0x6f: {  	[spmem:s1] =	stream.indirect.scatter.add.f32 [tilespmem:s22], [sflag:$0x4], $0x80, s29, s19, $0xb8;
	[tilespmem:$0x1D880] =	vst v63  }
0x70: {  	_ =	swait.ge [sflag:s21], $0x3E80  }
0x71: {  	[sflag:s21] =	ssyncset.done $0x0  }
0x72: {  	[sflag:s21] =	ssyncadd.s32 $0xFFFFC180  }
0x73: {  	_ =	swait.ge [sflag:s25], $0x3E80  }
0x74: {  	[sflag:s25] =	ssyncset.done $0x0  }
0x75: {  	s29 =	sor.u32 $0x480, s28;
	[sflag:s25] =	ssyncadd.s32 $0xFFFFC180  }
0x76: {  	[tilespmem:s22], [sflag:$0x2] =	stream.indirect.gather [hbm4b:s4+s19], $0x80, s29, s19, $0xb8;
	[tilespmem:$0x1D880] =	vst v63  }
0x77: {  	s29 =	sor.u32 $0x1400, s28  }
0x78: {  	[spmem:s1] =	stream.indirect.scatter.add.f32 [tilespmem:s20], [sflag:$0x3], $0x80, s29, s19, $0xb8;
	[tilespmem:$0x1D880] =	vst v63  }
0x79: {  	_ =	swait.ge [sflag:s23], $0x3E80  }
0x7a: {  	[sflag:s23] =	ssyncset.done $0x0  }
0x7b: {  	[sflag:s23] =	ssyncadd.s32 $0xFFFFC180  }
0x7c: {  	_ =	swait.ge [sflag:s24], $0x3E80  }
0x7d: {  	[sflag:s24] =	ssyncset.done $0x0  }
0x7e: {  	s29 =	sor.u32 $0x500, s28;
	[sflag:s24] =	ssyncadd.s32 $0xFFFFC180  }
0x7f: {  	[tilespmem:s20], [sflag:$0x1] =	stream.indirect.gather [hbm4b:s4+s19], $0x80, s29, s19, $0xb8;
	[tilespmem:$0x1D880] =	vst v63  }
0x80: {  	s29 =	sor.u32 $0x1480, s28  }
0x81: {  	[spmem:s1] =	stream.indirect.scatter.add.f32 [tilespmem:s22], [sflag:$0x4], $0x80, s29, s19, $0xb8;
	[tilespmem:$0x1D880] =	vst v63  }
0x82: {  	_ =	swait.ge [sflag:s21], $0x3E80  }
0x83: {  	[sflag:s21] =	ssyncset.done $0x0  }
0x84: {  	[sflag:s21] =	ssyncadd.s32 $0xFFFFC180  }
0x85: {  	_ =	swait.ge [sflag:s25], $0x3E80  }
0x86: {  	[sflag:s25] =	ssyncset.done $0x0  }
0x87: {  	s29 =	sor.u32 $0x580, s28;
	[sflag:s25] =	ssyncadd.s32 $0xFFFFC180  }
0x88: {  	[tilespmem:s22], [sflag:$0x2] =	stream.indirect.gather [hbm4b:s4+s19], $0x80, s29, s19, $0xb8;
	[tilespmem:$0x1D880] =	vst v63  }
0x89: {  	s29 =	sor.u32 $0x1500, s28  }
0x8a: {  	[spmem:s1] =	stream.indirect.scatter.add.f32 [tilespmem:s20], [sflag:$0x3], $0x80, s29, s19, $0xb8;
	[tilespmem:$0x1D880] =	vst v63  }
0x8b: {  	_ =	swait.ge [sflag:s23], $0x3E80  }
0x8c: {  	[sflag:s23] =	ssyncset.done $0x0  }
0x8d: {  	[sflag:s23] =	ssyncadd.s32 $0xFFFFC180  }
0x8e: {  	_ =	swait.ge [sflag:s24], $0x3E80  }
0x8f: {  	[sflag:s24] =	ssyncset.done $0x0  }
0x90: {  	s29 =	sor.u32 $0x600, s28;
	[sflag:s24] =	ssyncadd.s32 $0xFFFFC180  }
0x91: {  	[tilespmem:s20], [sflag:$0x1] =	stream.indirect.gather [hbm4b:s4+s19], $0x80, s29, s19, $0xb8;
	[tilespmem:$0x1D880] =	vst v63  }
0x92: {  	s29 =	sor.u32 $0x1580, s28  }
0x93: {  	[spmem:s1] =	stream.indirect.scatter.add.f32 [tilespmem:s22], [sflag:$0x4], $0x80, s29, s19, $0xb8;
	[tilespmem:$0x1D880] =	vst v63  }
0x94: {  	_ =	swait.ge [sflag:s21], $0x3E80  }
0x95: {  	[sflag:s21] =	ssyncset.done $0x0  }
0x96: {  	[sflag:s21] =	ssyncadd.s32 $0xFFFFC180  }
0x97: {  	_ =	swait.ge [sflag:s25], $0x3E80  }
0x98: {  	[sflag:s25] =	ssyncset.done $0x0  }
0x99: {  	s29 =	sor.u32 $0x680, s28;
	[sflag:s25] =	ssyncadd.s32 $0xFFFFC180  }
0x9a: {  	[tilespmem:s22], [sflag:$0x2] =	stream.indirect.gather [hbm4b:s4+s19], $0x80, s29, s19, $0xb8;
	[tilespmem:$0x1D880] =	vst v63  }
0x9b: {  	s29 =	sor.u32 $0x1600, s28  }
0x9c: {  	[spmem:s1] =	stream.indirect.scatter.add.f32 [tilespmem:s20], [sflag:$0x3], $0x80, s29, s19, $0xb8;
	[tilespmem:$0x1D880] =	vst v63  }
0x9d: {  	_ =	swait.ge [sflag:s23], $0x3E80  }
0x9e: {  	[sflag:s23] =	ssyncset.done $0x0  }
0x9f: {  	[sflag:s23] =	ssyncadd.s32 $0xFFFFC180  }
0xa0: {  	_ =	swait.ge [sflag:s24], $0x3E80  }
0xa1: {  	[sflag:s24] =	ssyncset.done $0x0  }
0xa2: {  	s29 =	sor.u32 $0x700, s28;
	[sflag:s24] =	ssyncadd.s32 $0xFFFFC180  }
0xa3: {  	[tilespmem:s20], [sflag:$0x1] =	stream.indirect.gather [hbm4b:s4+s19], $0x80, s29, s19, $0xb8;
	[tilespmem:$0x1D880] =	vst v63  }
0xa4: {  	s29 =	sor.u32 $0x1680, s28  }
0xa5: {  	[spmem:s1] =	stream.indirect.scatter.add.f32 [tilespmem:s22], [sflag:$0x4], $0x80, s29, s19, $0xb8;
	[tilespmem:$0x1D880] =	vst v63  }
0xa6: {  	_ =	swait.ge [sflag:s21], $0x3E80  }
0xa7: {  	[sflag:s21] =	ssyncset.done $0x0  }
0xa8: {  	[sflag:s21] =	ssyncadd.s32 $0xFFFFC180  }
0xa9: {  	_ =	swait.ge [sflag:s25], $0x3E80  }
0xaa: {  	[sflag:s25] =	ssyncset.done $0x0  }
0xab: {  	s29 =	sor.u32 $0x780, s28;
	[sflag:s25] =	ssyncadd.s32 $0xFFFFC180  }
0xac: {  	[tilespmem:s22], [sflag:$0x2] =	stream.indirect.gather [hbm4b:s4+s19], $0x80, s29, s19, $0xb8;
	[tilespmem:$0x1D880] =	vst v63  }
0xad: {  	s29 =	sor.u32 $0x1700, s28  }
0xae: {  	[spmem:s1] =	stream.indirect.scatter.add.f32 [tilespmem:s20], [sflag:$0x3], $0x80, s29, s19, $0xb8;
	[tilespmem:$0x1D880] =	vst v63  }
0xaf: {  	_ =	swait.ge [sflag:s23], $0x3E80  }
0xb0: {  	[sflag:s23] =	ssyncset.done $0x0  }
0xb1: {  	s28 =	sor.u32 $0x1780, s28;
	[sflag:s23] =	ssyncadd.s32 $0xFFFFC180  }
0xb2: {  	[spmem:s1] =	stream.indirect.scatter.add.f32 [tilespmem:s22], [sflag:$0x4], $0x80, s28, s19, $0xb8;
	[tilespmem:$0x1D880] =	vst v63  }
0xb3: {  	_ =	swait.ge [sflag:s24], $0x3E80  }
0xb4: {  	[sflag:s24] =	ssyncset.done $0x0  }
0xb5: {  	[sflag:s24] =	ssyncadd.s32 $0xFFFFC180  }
0xb6: {  	s30 =	smov.u32 s12;
	_ =	swait.ge [sflag:s25], $0x3E80  }
0xb7: {  	s29 =	sadd.s32 $0x100, s13;
	s28 =	simm.s32 $0x800;
	[sflag:s25] =	ssyncset.done $0x0  }
.LBB2_2:
0xb8: {  	[sflag:s25] =	ssyncadd.s32 $0xFFFFC180  }
0xb9: {  	s30 =	sadd.s32 $0x100, s30;
	s31 =	smov.u32 s28;
	s28 =	sadd.s32 $0x800, s28  }
0xba: {  	_ =	swait.ge [sflag:s18], $0x800;
	p1 =	sne.s32 s28, $0x5000  }
0xbb: {  	[sflag:s18] =	ssyncset.done $0x0  }
0xbc: {  	[sflag:s18] =	ssyncadd.s32 $0xFFFFF800  }
0xbd: {  	p2 =	seq.s32 s31, $0x4800;
	_ =	swait.ge [sflag:s18], $0x800  }
0xbe: {  	s31 =	sand.u32 @!p2 $0x800, s31;
	[sflag:s18] =	ssyncset.done $0x0  }
0xbf: {  	s3 =	simm.s32 @!p2 $0x0;
	s0 =	sxor.u32 @!p2 $0x800, s31;
	[sflag:s18] =	ssyncadd.s32 $0xFFFFF800  }
0xc0: {  	[tilespmem:s0], [sflag:$0x5] =	stream.linear.gather @!p2 [hbm4b:s29+s3], $0x800, $0x38;
	[tilespmem:$0x1D880] =	vst v63  }
0xc1: {  	s31 =	simm.s32 @p2 $0x800;
	s0 =	sor.u32 @!p2 $0x1000, s0  }
0xc2: {  	[tilespmem:s0], [sflag:$0x5] =	stream.linear.gather @!p2 [hbm4b:s30+s3], $0x800, $0x38;
	[tilespmem:$0x1D880] =	vst v63  }
0xc3: {  	_ = 	snop  }
0xc4: {  	[tilespmem:s20], [sflag:$0x1] =	stream.indirect.gather [hbm4b:s4+s19], $0x80, s31, s19, $0xb8;
	[tilespmem:$0x1D880] =	vst v63  }
0xc5: {  	_ =	swait.ge [sflag:s21], $0x3E80  }
0xc6: {  	[sflag:s21] =	ssyncset.done $0x0  }
0xc7: {  	s0 =	sor.u32 $0x80, s31;
	[sflag:s21] =	ssyncadd.s32 $0xFFFFC180  }
0xc8: {  	[tilespmem:s22], [sflag:$0x2] =	stream.indirect.gather [hbm4b:s4+s19], $0x80, s0, s19, $0xb8;
	[tilespmem:$0x1D880] =	vst v63  }
0xc9: {  	s0 =	sor.u32 $0x1000, s31  }
0xca: {  	[spmem:s1] =	stream.indirect.scatter.add.f32 [tilespmem:s20], [sflag:$0x3], $0x80, s0, s19, $0xb8;
	[tilespmem:$0x1D880] =	vst v63  }
0xcb: {  	_ =	swait.ge [sflag:s23], $0x3E80  }
0xcc: {  	[sflag:s23] =	ssyncset.done $0x0  }
0xcd: {  	[sflag:s23] =	ssyncadd.s32 $0xFFFFC180  }
0xce: {  	_ =	swait.ge [sflag:s24], $0x3E80  }
0xcf: {  	[sflag:s24] =	ssyncset.done $0x0  }
0xd0: {  	s0 =	sor.u32 $0x100, s31;
	[sflag:s24] =	ssyncadd.s32 $0xFFFFC180  }
0xd1: {  	[tilespmem:s20], [sflag:$0x1] =	stream.indirect.gather [hbm4b:s4+s19], $0x80, s0, s19, $0xb8;
	[tilespmem:$0x1D880] =	vst v63  }
0xd2: {  	s0 =	sor.u32 $0x1080, s31  }
0xd3: {  	[spmem:s1] =	stream.indirect.scatter.add.f32 [tilespmem:s22], [sflag:$0x4], $0x80, s0, s19, $0xb8;
	[tilespmem:$0x1D880] =	vst v63  }
0xd4: {  	_ =	swait.ge [sflag:s21], $0x3E80  }
0xd5: {  	[sflag:s21] =	ssyncset.done $0x0  }
0xd6: {  	[sflag:s21] =	ssyncadd.s32 $0xFFFFC180  }
0xd7: {  	_ =	swait.ge [sflag:s25], $0x3E80  }
0xd8: {  	[sflag:s25] =	ssyncset.done $0x0  }
0xd9: {  	s0 =	sor.u32 $0x180, s31;
	[sflag:s25] =	ssyncadd.s32 $0xFFFFC180  }
0xda: {  	[tilespmem:s22], [sflag:$0x2] =	stream.indirect.gather [hbm4b:s4+s19], $0x80, s0, s19, $0xb8;
	[tilespmem:$0x1D880] =	vst v63  }
0xdb: {  	s0 =	sor.u32 $0x1100, s31  }
0xdc: {  	[spmem:s1] =	stream.indirect.scatter.add.f32 [tilespmem:s20], [sflag:$0x3], $0x80, s0, s19, $0xb8;
	[tilespmem:$0x1D880] =	vst v63  }
0xdd: {  	_ =	swait.ge [sflag:s23], $0x3E80  }
0xde: {  	[sflag:s23] =	ssyncset.done $0x0  }
0xdf: {  	[sflag:s23] =	ssyncadd.s32 $0xFFFFC180  }
0xe0: {  	_ =	swait.ge [sflag:s24], $0x3E80  }
0xe1: {  	[sflag:s24] =	ssyncset.done $0x0  }
0xe2: {  	s0 =	sor.u32 $0x200, s31;
	[sflag:s24] =	ssyncadd.s32 $0xFFFFC180  }
0xe3: {  	[tilespmem:s20], [sflag:$0x1] =	stream.indirect.gather [hbm4b:s4+s19], $0x80, s0, s19, $0xb8;
	[tilespmem:$0x1D880] =	vst v63  }
0xe4: {  	s0 =	sor.u32 $0x1180, s31  }
0xe5: {  	[spmem:s1] =	stream.indirect.scatter.add.f32 [tilespmem:s22], [sflag:$0x4], $0x80, s0, s19, $0xb8;
	[tilespmem:$0x1D880] =	vst v63  }
0xe6: {  	_ =	swait.ge [sflag:s21], $0x3E80  }
0xe7: {  	[sflag:s21] =	ssyncset.done $0x0  }
0xe8: {  	[sflag:s21] =	ssyncadd.s32 $0xFFFFC180  }
0xe9: {  	_ =	swait.ge [sflag:s25], $0x3E80  }
0xea: {  	[sflag:s25] =	ssyncset.done $0x0  }
0xeb: {  	s0 =	sor.u32 $0x280, s31;
	[sflag:s25] =	ssyncadd.s32 $0xFFFFC180  }
0xec: {  	[tilespmem:s22], [sflag:$0x2] =	stream.indirect.gather [hbm4b:s4+s19], $0x80, s0, s19, $0xb8;
	[tilespmem:$0x1D880] =	vst v63  }
0xed: {  	s0 =	sor.u32 $0x1200, s31  }
0xee: {  	[spmem:s1] =	stream.indirect.scatter.add.f32 [tilespmem:s20], [sflag:$0x3], $0x80, s0, s19, $0xb8;
	[tilespmem:$0x1D880] =	vst v63  }
0xef: {  	_ =	swait.ge [sflag:s23], $0x3E80  }
0xf0: {  	[sflag:s23] =	ssyncset.done $0x0  }
0xf1: {  	[sflag:s23] =	ssyncadd.s32 $0xFFFFC180  }
0xf2: {  	_ =	swait.ge [sflag:s24], $0x3E80  }
0xf3: {  	[sflag:s24] =	ssyncset.done $0x0  }
0xf4: {  	s0 =	sor.u32 $0x300, s31;
	[sflag:s24] =	ssyncadd.s32 $0xFFFFC180  }
0xf5: {  	[tilespmem:s20], [sflag:$0x1] =	stream.indirect.gather [hbm4b:s4+s19], $0x80, s0, s19, $0xb8;
	[tilespmem:$0x1D880] =	vst v63  }
0xf6: {  	s0 =	sor.u32 $0x1280, s31  }
0xf7: {  	[spmem:s1] =	stream.indirect.scatter.add.f32 [tilespmem:s22], [sflag:$0x4], $0x80, s0, s19, $0xb8;
	[tilespmem:$0x1D880] =	vst v63  }
0xf8: {  	_ =	swait.ge [sflag:s21], $0x3E80  }
0xf9: {  	[sflag:s21] =	ssyncset.done $0x0  }
0xfa: {  	[sflag:s21] =	ssyncadd.s32 $0xFFFFC180  }
0xfb: {  	_ =	swait.ge [sflag:s25], $0x3E80  }
0xfc: {  	[sflag:s25] =	ssyncset.done $0x0  }
0xfd: {  	s0 =	sor.u32 $0x380, s31;
	[sflag:s25] =	ssyncadd.s32 $0xFFFFC180  }
0xfe: {  	[tilespmem:s22], [sflag:$0x2] =	stream.indirect.gather [hbm4b:s4+s19], $0x80, s0, s19, $0xb8;
	[tilespmem:$0x1D880] =	vst v63  }
0xff: {  	s0 =	sor.u32 $0x1300, s31  }
0x100: {  	[spmem:s1] =	stream.indirect.scatter.add.f32 [tilespmem:s20], [sflag:$0x3], $0x80, s0, s19, $0xb8;
	[tilespmem:$0x1D880] =	vst v63  }
0x101: {  	_ =	swait.ge [sflag:s23], $0x3E80  }
0x102: {  	[sflag:s23] =	ssyncset.done $0x0  }
0x103: {  	[sflag:s23] =	ssyncadd.s32 $0xFFFFC180  }
0x104: {  	_ =	swait.ge [sflag:s24], $0x3E80  }
0x105: {  	[sflag:s24] =	ssyncset.done $0x0  }
0x106: {  	s0 =	sor.u32 $0x400, s31;
	[sflag:s24] =	ssyncadd.s32 $0xFFFFC180  }
0x107: {  	[tilespmem:s20], [sflag:$0x1] =	stream.indirect.gather [hbm4b:s4+s19], $0x80, s0, s19, $0xb8;
	[tilespmem:$0x1D880] =	vst v63  }
0x108: {  	s0 =	sor.u32 $0x1380, s31  }
0x109: {  	[spmem:s1] =	stream.indirect.scatter.add.f32 [tilespmem:s22], [sflag:$0x4], $0x80, s0, s19, $0xb8;
	[tilespmem:$0x1D880] =	vst v63  }
0x10a: {  	_ =	swait.ge [sflag:s21], $0x3E80  }
0x10b: {  	[sflag:s21] =	ssyncset.done $0x0  }
0x10c: {  	[sflag:s21] =	ssyncadd.s32 $0xFFFFC180  }
0x10d: {  	_ =	swait.ge [sflag:s25], $0x3E80  }
0x10e: {  	[sflag:s25] =	ssyncset.done $0x0  }
0x10f: {  	s0 =	sor.u32 $0x480, s31;
	[sflag:s25] =	ssyncadd.s32 $0xFFFFC180  }
0x110: {  	[tilespmem:s22], [sflag:$0x2] =	stream.indirect.gather [hbm4b:s4+s19], $0x80, s0, s19, $0xb8;
	[tilespmem:$0x1D880] =	vst v63  }
0x111: {  	s0 =	sor.u32 $0x1400, s31  }
0x112: {  	[spmem:s1] =	stream.indirect.scatter.add.f32 [tilespmem:s20], [sflag:$0x3], $0x80, s0, s19, $0xb8;
	[tilespmem:$0x1D880] =	vst v63  }
0x113: {  	_ =	swait.ge [sflag:s23], $0x3E80  }
0x114: {  	[sflag:s23] =	ssyncset.done $0x0  }
0x115: {  	[sflag:s23] =	ssyncadd.s32 $0xFFFFC180  }
0x116: {  	_ =	swait.ge [sflag:s24], $0x3E80  }
0x117: {  	[sflag:s24] =	ssyncset.done $0x0  }
0x118: {  	s0 =	sor.u32 $0x500, s31;
	[sflag:s24] =	ssyncadd.s32 $0xFFFFC180  }
0x119: {  	[tilespmem:s20], [sflag:$0x1] =	stream.indirect.gather [hbm4b:s4+s19], $0x80, s0, s19, $0xb8;
	[tilespmem:$0x1D880] =	vst v63  }
0x11a: {  	s0 =	sor.u32 $0x1480, s31  }
0x11b: {  	[spmem:s1] =	stream.indirect.scatter.add.f32 [tilespmem:s22], [sflag:$0x4], $0x80, s0, s19, $0xb8;
	[tilespmem:$0x1D880] =	vst v63  }
0x11c: {  	_ =	swait.ge [sflag:s21], $0x3E80  }
0x11d: {  	[sflag:s21] =	ssyncset.done $0x0  }
0x11e: {  	[sflag:s21] =	ssyncadd.s32 $0xFFFFC180  }
0x11f: {  	_ =	swait.ge [sflag:s25], $0x3E80  }
0x120: {  	[sflag:s25] =	ssyncset.done $0x0  }
0x121: {  	s0 =	sor.u32 $0x580, s31;
	[sflag:s25] =	ssyncadd.s32 $0xFFFFC180  }
0x122: {  	[tilespmem:s22], [sflag:$0x2] =	stream.indirect.gather [hbm4b:s4+s19], $0x80, s0, s19, $0xb8;
	[tilespmem:$0x1D880] =	vst v63  }
0x123: {  	s0 =	sor.u32 $0x1500, s31  }
0x124: {  	[spmem:s1] =	stream.indirect.scatter.add.f32 [tilespmem:s20], [sflag:$0x3], $0x80, s0, s19, $0xb8;
	[tilespmem:$0x1D880] =	vst v63  }
0x125: {  	_ =	swait.ge [sflag:s23], $0x3E80  }
0x126: {  	[sflag:s23] =	ssyncset.done $0x0  }
0x127: {  	[sflag:s23] =	ssyncadd.s32 $0xFFFFC180  }
0x128: {  	_ =	swait.ge [sflag:s24], $0x3E80  }
0x129: {  	[sflag:s24] =	ssyncset.done $0x0  }
0x12a: {  	s0 =	sor.u32 $0x600, s31;
	[sflag:s24] =	ssyncadd.s32 $0xFFFFC180  }
0x12b: {  	[tilespmem:s20], [sflag:$0x1] =	stream.indirect.gather [hbm4b:s4+s19], $0x80, s0, s19, $0xb8;
	[tilespmem:$0x1D880] =	vst v63  }
0x12c: {  	s0 =	sor.u32 $0x1580, s31  }
0x12d: {  	[spmem:s1] =	stream.indirect.scatter.add.f32 [tilespmem:s22], [sflag:$0x4], $0x80, s0, s19, $0xb8;
	[tilespmem:$0x1D880] =	vst v63  }
0x12e: {  	_ =	swait.ge [sflag:s21], $0x3E80  }
0x12f: {  	[sflag:s21] =	ssyncset.done $0x0  }
0x130: {  	[sflag:s21] =	ssyncadd.s32 $0xFFFFC180  }
0x131: {  	_ =	swait.ge [sflag:s25], $0x3E80  }
0x132: {  	[sflag:s25] =	ssyncset.done $0x0  }
0x133: {  	s0 =	sor.u32 $0x680, s31;
	[sflag:s25] =	ssyncadd.s32 $0xFFFFC180  }
0x134: {  	[tilespmem:s22], [sflag:$0x2] =	stream.indirect.gather [hbm4b:s4+s19], $0x80, s0, s19, $0xb8;
	[tilespmem:$0x1D880] =	vst v63  }
0x135: {  	s0 =	sor.u32 $0x1600, s31  }
0x136: {  	[spmem:s1] =	stream.indirect.scatter.add.f32 [tilespmem:s20], [sflag:$0x3], $0x80, s0, s19, $0xb8;
	[tilespmem:$0x1D880] =	vst v63  }
0x137: {  	_ =	swait.ge [sflag:s23], $0x3E80  }
0x138: {  	[sflag:s23] =	ssyncset.done $0x0  }
0x139: {  	[sflag:s23] =	ssyncadd.s32 $0xFFFFC180  }
0x13a: {  	_ =	swait.ge [sflag:s24], $0x3E80  }
0x13b: {  	[sflag:s24] =	ssyncset.done $0x0  }
0x13c: {  	s0 =	sor.u32 $0x700, s31;
	[sflag:s24] =	ssyncadd.s32 $0xFFFFC180  }
0x13d: {  	[tilespmem:s20], [sflag:$0x1] =	stream.indirect.gather [hbm4b:s4+s19], $0x80, s0, s19, $0xb8;
	[tilespmem:$0x1D880] =	vst v63  }
0x13e: {  	s0 =	sor.u32 $0x1680, s31  }
0x13f: {  	[spmem:s1] =	stream.indirect.scatter.add.f32 [tilespmem:s22], [sflag:$0x4], $0x80, s0, s19, $0xb8;
	[tilespmem:$0x1D880] =	vst v63  }
0x140: {  	_ =	swait.ge [sflag:s21], $0x3E80  }
0x141: {  	[sflag:s21] =	ssyncset.done $0x0  }
0x142: {  	[sflag:s21] =	ssyncadd.s32 $0xFFFFC180  }
0x143: {  	_ =	swait.ge [sflag:s25], $0x3E80  }
0x144: {  	[sflag:s25] =	ssyncset.done $0x0  }
0x145: {  	s0 =	sor.u32 $0x780, s31;
	[sflag:s25] =	ssyncadd.s32 $0xFFFFC180  }
0x146: {  	[tilespmem:s22], [sflag:$0x2] =	stream.indirect.gather [hbm4b:s4+s19], $0x80, s0, s19, $0xb8;
	[tilespmem:$0x1D880] =	vst v63  }
0x147: {  	s0 =	sor.u32 $0x1700, s31  }
0x148: {  	[spmem:s1] =	stream.indirect.scatter.add.f32 [tilespmem:s20], [sflag:$0x3], $0x80, s0, s19, $0xb8;
	[tilespmem:$0x1D880] =	vst v63  }
0x149: {  	_ =	swait.ge [sflag:s23], $0x3E80  }
0x14a: {  	[sflag:s23] =	ssyncset.done $0x0  }
0x14b: {  	s0 =	sor.u32 $0x1780, s31;
	[sflag:s23] =	ssyncadd.s32 $0xFFFFC180  }
0x14c: {  	[spmem:s1] =	stream.indirect.scatter.add.f32 [tilespmem:s22], [sflag:$0x4], $0x80, s0, s19, $0xb8;
	[tilespmem:$0x1D880] =	vst v63  }
.Ltmp0:
0x14d: {  	_ =	swait.ge [sflag:s24], $0x3E80;
	(pc) =	sbr.rel @p1 .LBB2_2-.Ltmp0, $4  }
0x14e: {  	[sflag:s24] =	ssyncset.done $0x0  }
0x14f: {  	[sflag:s24] =	ssyncadd.s32 $0xFFFFC180  }
0x150: {  	_ =	swait.ge [sflag:s25], $0x3E80  }
0x151: {  	s29 =	sadd.s32 $0x100, s29;
	[sflag:s25] =	ssyncset.done $0x0  }
0x152: {  	[sflag:s25] =	ssyncadd.s32 $0xFFFFC180  }
0x153: {  	[bflag:$0x0] =	sbarrier.arrive $0xFFFF  }
0x154: {  	[hbm:s9], [sflag:s6] =	dma.local [spmem:s14], $0x2700  }
0x155: {  	s26 =	sadd.s32 $0x1, s26;
	_ =	swait.ge [sflag:s15], $0x2700  }
0x156: {  	p1 =	sne.s32 s26, s11;
	[sflag:s15] =	ssyncset.done $0x0  }
.Ltmp1:
0x157: {  	s0 =	simm.s32 @!p0 $0x6;
	[sflag:s15] =	ssyncadd.s32 $0xFFFFD900;
	(pc) =	sbr.rel @p1 .LBB2_1-.Ltmp1, $4  }
0x158: {  	[hbm:s10], [sflag:s6] =	dma.local @!p0 [spmem:s16], $0x100  }
0x159: {  	_ =	swait.ge @!p0 [sflag:s0], $0x100  }
0x15a: {  	[sflag:s0] =	ssyncset.done @!p0 $0x0  }
0x15b: {  	[sflag:s0] =	ssyncadd.s32 @!p0 $0xFFFFFF00  }
0x15c: {  	_ =	sfence.sel $0x180000  }
0x15d: {  	[bflag:$0x0] =	sbarrier.arrive $0xFFFF  }
0x15e: {  	_ =	strace $0x90000047  }
0x15f: {  	s0 =	stileid.u32;
	[bflag:$0x2] =	sbarrier.arrive $0xFFFF  }
0x160: {  	p0 =	sne.s32 s0, $0x0;
	s0 =	rddreg [dreg:$0x2]  }
0x161: {  	s0 =	sadd.s32 @!p0 $0x100000, s0  }
0x162: {  	[sflag:s0] =	ssyncadd.tile.s32 @!p0 $0x1;
	_ =	shalt  }
.Lfunc_end2:
_tile_overlayer_lowered:
.L_overlay_start_2:
0x163: {  	(tag) =	ssettag $0x2  }
0x164: {  	s0 =	rddreg [dreg:$0x0];
	s2 =	stileid.u32  }
0x165: {  	s1 =	rddreg [dreg:$0x1];
	p0 =	sne.s32 s2, $0x0  }
0x166: {  	s3 =	rddreg [dreg:$0x2];
	[bflag:$0x3] =	sbarrier.arrive $0xFFFF;
	s2 =	simm.s32 @!p0 $0x1C06  }
0x167: {  	[timem:s3], [sflag:s2] =	dma.local @!p0 [hbm:s0], s1  }
0x168: {  	s0 =	simm.s32 @!p0 $0x6  }
0x169: {  	_ =	swait.ge @!p0 [sflag:s0], s1  }
0x16a: {  	s1 =	ssub.s32 @!p0 $0x0, s1;
	[sflag:s0] =	ssyncset.done @!p0 $0x0  }
0x16b: {  	[sflag:s0] =	ssyncadd.s32 @!p0 s1  }
0x16c: {  	[bflag:$0x3] =	sbarrier.arrive $0xFFFF  }
0x16d: {  	_ =	shalt  }

</sc_bundles>
